<compile_context>
chip_gen: v7x
topology: tpu7x:2x2x1
jax: 0.10.2.dev20260603
libtpu: 0.0.44.dev20260713+nightly
codegen_flags: <defaults>
</compile_context>

<pallas_src>
import functools

import jax
import jax.numpy as jnp
from jax import lax
from jax.experimental import pallas as pl
from jax.experimental.pallas import tpu as pltpu
from jax.experimental.pallas import tpu_sc as plsc

B = 16384
D = 64
L = 16

_info = plsc.get_sparse_core_info()
NC = _info.num_cores
NS = _info.num_subcores
NW = NC * NS
BPW = B // NW
NCHUNK = BPW // L

BIAS_COLS = 128
BIAS_ROWS = (1000000 + BIAS_COLS * 8) // BIAS_COLS
BIAS_PAD = BIAS_ROWS * BIAS_COLS - 1000000


def _mf_body(u_id_hbm, i_id_hbm, user_emb_hbm, user_bias_hbm, item_emb_hbm,
             item_bias_hbm, mean_hbm, out_hbm,
             uid_v, iid_v, u_rows, i_rows, bu_rows, bi_rows, bu_c, bi_c,
             mean_v, out_v, ids_sh, uid_s, iid_s, sem, bsem):
    sid = lax.axis_index("s")
    wid = sid * NC + lax.axis_index("c")
    base = wid * BPW

    pltpu.sync_copy(u_id_hbm.at[pl.ds(base, BPW)], uid_v)
    pltpu.sync_copy(i_id_hbm.at[pl.ds(base, BPW)], iid_v)
    pltpu.sync_copy(uid_v, ids_sh.at[sid, 0])
    pltpu.sync_copy(iid_v, ids_sh.at[sid, 1])
    pltpu.sync_copy(ids_sh.at[sid, 0], uid_s)
    pltpu.sync_copy(ids_sh.at[sid, 1], iid_s)
    pltpu.sync_copy(mean_hbm, mean_v)
    m = mean_v[...]

    lane = lax.iota(jnp.int32, L)
    BPH = BPW // 2
    CHK = 128

    for h in range(2):
        hb = h * BPH

        def fire_body(k, _, hb=hb):
            pltpu.make_async_copy(
                user_emb_hbm.at[pl.ds(uid_s[hb + k], 1)],
                u_rows.at[pl.ds(k, 1)], sem).start()
            pltpu.make_async_copy(
                item_emb_hbm.at[pl.ds(iid_s[hb + k], 1)],
                i_rows.at[pl.ds(k, 1)], sem).start()
            return 0

        lax.fori_loop(0, BPH, fire_body, 0)

        for r in range(BPH // CHK):
            def bias_fire(k, _, hb=hb, r=r):
                pltpu.make_async_copy(
                    user_bias_hbm.at[pl.ds(uid_s[hb + r * CHK + k] >> 7, 1)],
                    bu_rows.at[pl.ds(k, 1)], bsem).start()
                pltpu.make_async_copy(
                    item_bias_hbm.at[pl.ds(iid_s[hb + r * CHK + k] >> 7, 1)],
                    bi_rows.at[pl.ds(k, 1)], bsem).start()
                return 0

            lax.fori_loop(0, CHK, bias_fire, 0)

            def bias_drain(k, _):
                pltpu.make_async_copy(
                    user_bias_hbm.at[pl.ds(0, 1)], bu_rows.at[pl.ds(k, 1)],
                    bsem).wait()
                pltpu.make_async_copy(
                    item_bias_hbm.at[pl.ds(0, 1)], bi_rows.at[pl.ds(k, 1)],
                    bsem).wait()
                return 0

            lax.fori_loop(0, CHK, bias_drain, 0)

            def bias_extract(c, _, hb=hb, r=r):
                loc = c * L + lane
                off = pl.multiple_of(hb + r * CHK + c * L, L)
                bu_c[pl.ds(off, L)] = plsc.load_gather(
                    bu_rows, [loc, uid_v[pl.ds(off, L)] & (BIAS_COLS - 1)])
                bi_c[pl.ds(off, L)] = plsc.load_gather(
                    bi_rows, [loc, iid_v[pl.ds(off, L)] & (BIAS_COLS - 1)])
                return 0

            lax.fori_loop(0, CHK // L, bias_extract, 0)

        def drain_body(k, _):
            pltpu.make_async_copy(
                user_emb_hbm.at[pl.ds(0, 1)], u_rows.at[pl.ds(k, 1)], sem
            ).wait()
            pltpu.make_async_copy(
                item_emb_hbm.at[pl.ds(0, 1)], i_rows.at[pl.ds(k, 1)], sem
            ).wait()
            return 0

        lax.fori_loop(0, BPH, drain_body, 0)

        def chunk_body(c, _, hb=hb):
            rows = c * L + lane
            off = pl.multiple_of(hb + c * L, L)
            acc = plsc.load_gather(u_rows, [rows, lane]) * \
                plsc.load_gather(i_rows, [rows, lane])
            for d in range(1, D):
                col = (lane + d) & (D - 1)
                acc = acc + plsc.load_gather(u_rows, [rows, col]) * \
                    plsc.load_gather(i_rows, [rows, col])
            out_v[pl.ds(off, L)] = acc + bu_c[pl.ds(off, L)] + \
                bi_c[pl.ds(off, L)] + m
            return 0

        lax.fori_loop(0, BPH // L, chunk_body, 0)

    pltpu.sync_copy(out_v, out_hbm.at[pl.ds(base, BPW)])


@jax.jit
def _mf(u_id, i_id, user_emb, user_bias, item_emb, item_bias, mean):
    u_id = u_id.astype(jnp.int32)
    i_id = i_id.astype(jnp.int32)
    user_bias = jnp.pad(user_bias, ((0, BIAS_PAD), (0, 0))).reshape(
        BIAS_ROWS, BIAS_COLS)
    item_bias = jnp.pad(item_bias, ((0, BIAS_PAD), (0, 0))).reshape(
        BIAS_ROWS, BIAS_COLS)
    mean = jnp.broadcast_to(mean.reshape(()), (L,))
    mesh = plsc.VectorSubcoreMesh(core_axis_name="c", subcore_axis_name="s")
    kern = functools.partial(
        pl.kernel,
        mesh=mesh,
        compiler_params=pltpu.CompilerParams(
            needs_layout_passes=False, use_tc_tiling_on_sc=True),
        out_type=jax.ShapeDtypeStruct((B,), jnp.float32),
        scratch_types=[
            pltpu.VMEM((BPW,), jnp.int32),
            pltpu.VMEM((BPW,), jnp.int32),
            pltpu.VMEM((BPW // 2, D), jnp.float32),
            pltpu.VMEM((BPW // 2, D), jnp.float32),
            pltpu.VMEM((128, BIAS_COLS), jnp.float32),
            pltpu.VMEM((128, BIAS_COLS), jnp.float32),
            pltpu.VMEM((BPW,), jnp.float32),
            pltpu.VMEM((BPW,), jnp.float32),
            pltpu.VMEM((L,), jnp.float32),
            pltpu.VMEM((BPW,), jnp.float32),
            pltpu.VMEM_SHARED((NS, 2, BPW), jnp.int32),
            pltpu.SMEM((BPW,), jnp.int32),
            pltpu.SMEM((BPW,), jnp.int32),
            pltpu.SemaphoreType.DMA,
            pltpu.SemaphoreType.DMA,
        ],
    )(_mf_body)
    return kern(u_id, i_id, user_emb, user_bias, item_emb, item_bias, mean)


def kernel(u_id, i_id, user_emb, user_bias, item_emb, item_bias, mean):
    return _mf(u_id, i_id, user_emb, user_bias, item_emb, item_bias, mean)

# --- scband reference (transcript-rebuilt; emitter-appended) ---
"""Pipeline reference for scband-mf-5789615915497 (READ-ONLY COPY).

The authoritative reference and input builder live on the scoring server;
editing this copy changes nothing except your own understanding.
"""

import jax, jax.numpy as jnp
import numpy as np

NUM_USERS = 1000000
NUM_ITEMS = 1000000
EMBED_DIM = 64
BATCH = 16384
MEAN = 3.5

def setup_inputs(seed: int = 0) -> dict:
    key = jax.random.key(seed)
    k1, k2, k3, k4, k5, k6 = jax.random.split(key, 6)
    u_id = jax.random.randint(k1, (BATCH,), 0, NUM_USERS, dtype=jnp.int64) if jax.config.jax_enable_x64 else jax.random.randint(k1, (BATCH,), 0, NUM_USERS).astype(jnp.int32)
    i_id = jax.random.randint(k2, (BATCH,), 0, NUM_ITEMS).astype(u_id.dtype)
    user_emb = jax.random.uniform(k3, (NUM_USERS, EMBED_DIM), dtype=jnp.float32, minval=0.0, maxval=0.005)
    user_bias = jax.random.uniform(k4, (NUM_USERS, 1), dtype=jnp.float32, minval=-0.01, maxval=0.01)
    item_emb = jax.random.uniform(k5, (NUM_ITEMS, EMBED_DIM), dtype=jnp.float32, minval=0.0, maxval=0.005)
    item_bias = jax.random.uniform(k6, (NUM_ITEMS, 1), dtype=jnp.float32, minval=-0.01, maxval=0.01)
    mean = jnp.array([MEAN], dtype=jnp.float32)
    return {"u_id": u_id, "i_id": i_id, "user_emb": user_emb, "user_bias": user_bias, "item_emb": item_emb, "item_bias": item_bias, "mean": mean}

def reference(u_id, i_id, user_emb, user_bias, item_emb, item_bias, mean):
    U = jnp.take(user_emb, u_id, axis=0)
    b_u = jnp.take(user_bias, u_id, axis=0).squeeze(-1)
    I = jnp.take(item_emb, i_id, axis=0)
    b_i = jnp.take(item_bias, i_id, axis=0).squeeze(-1)
    return (U * I).sum(1) + b_i + b_u + mean[0]

if __name__ == "__main__":
    import jax
    _d = setup_inputs()
    print(jax.jit(kernel)(*tuple(_d.values())))

</pallas_src>

<mosaic_0001>
#map = affine_map<(d0, d1) -> (0)>
#map1 = affine_map<(d0, d1) -> (0, 0)>
module attributes {stable_mosaic.version = 14 : i64} {
  func.func @_mf_body(%arg0: i32, %arg1: i32, %arg2: memref<16384xi32, #tpu.memory_space<hbm>>, %arg3: memref<16384xi32, #tpu.memory_space<hbm>>, %arg4: memref<1000000x64xf32, #tpu.memory_space<hbm>>, %arg5: memref<7820x128xf32, #tpu.memory_space<hbm>>, %arg6: memref<1000000x64xf32, #tpu.memory_space<hbm>>, %arg7: memref<7820x128xf32, #tpu.memory_space<hbm>>, %arg8: memref<16xf32, #tpu.memory_space<hbm>>, %arg9: memref<16384xf32, #tpu.memory_space<hbm>>, %arg10: memref<512xi32, #tpu.memory_space<vmem>>, %arg11: memref<512xi32, #tpu.memory_space<vmem>>, %arg12: memref<256x64xf32, #tpu.memory_space<vmem>>, %arg13: memref<256x64xf32, #tpu.memory_space<vmem>>, %arg14: memref<128x128xf32, #tpu.memory_space<vmem>>, %arg15: memref<128x128xf32, #tpu.memory_space<vmem>>, %arg16: memref<512xf32, #tpu.memory_space<vmem>>, %arg17: memref<512xf32, #tpu.memory_space<vmem>>, %arg18: memref<16xf32, #tpu.memory_space<vmem>>, %arg19: memref<512xf32, #tpu.memory_space<vmem>>, %arg20: memref<16x2x512xi32, #tpu.memory_space<vmem_shared>>, %arg21: memref<512xi32, #tpu.memory_space<smem>>, %arg22: memref<512xi32, #tpu.memory_space<smem>>, %arg23: memref<!tpu.dma_semaphore, #tpu.memory_space<semaphore_mem>>, %arg24: memref<!tpu.dma_semaphore, #tpu.memory_space<semaphore_mem>>) attributes {dimension_semantics = [#tpu.dimension_semantics<core_parallel>, #tpu.dimension_semantics<subcore_parallel>], iteration_bounds = array<i64: 2, 16>, scalar_prefetch = 0 : i64, scratch_operands = 15 : i64, tpu.core_type = #tpu.core_type<sc_vector_subcore>, window_params = [{transform_indices = #map}, {transform_indices = #map}, {transform_indices = #map1}, {transform_indices = #map1}, {transform_indices = #map1}, {transform_indices = #map1}, {transform_indices = #map}, {transform_indices = #map}]} {
    %mul3A = arith.constant 2 : i32
    %mul3A_0 = arith.muli %arg1, %mul3A : i32
    %add3A = arith.addi %mul3A_0, %arg0 : i32
    %mul3A_1 = arith.constant 512 : i32
    %mul3A_2 = arith.muli %add3A, %mul3A_1 : i32
    "tpu.region"() ({
      %run_scoped3A_132 = tpu.sem_alloc : memref<!tpu.dma_semaphore, #tpu.memory_space<semaphore_mem>>
      %dma_start3A = tpu.memref_slice %arg2[%mul3A_2] : memref<16384xi32, #tpu.memory_space<hbm>> -> memref<512xi32, #tpu.memory_space<hbm>>
      %dma_start3A_133 = tpu.memref_slice %arg2[%mul3A_2] : memref<16384xi32, #tpu.memory_space<hbm>> -> memref<512xi32, #tpu.memory_space<hbm>>
      tpu.enqueue_dma source(%dma_start3A_133 : memref<512xi32, #tpu.memory_space<hbm>>) target(%arg10 : memref<512xi32, #tpu.memory_space<vmem>>) target_semaphore(%run_scoped3A_132 : memref<!tpu.dma_semaphore, #tpu.memory_space<semaphore_mem>>)
      %dma_wait3A = tpu.memref_slice %arg2[%mul3A_2] : memref<16384xi32, #tpu.memory_space<hbm>> -> memref<512xi32, #tpu.memory_space<hbm>>
      %dma_wait3A_134 = tpu.memref_slice %arg2[%mul3A_2] : memref<16384xi32, #tpu.memory_space<hbm>> -> memref<512xi32, #tpu.memory_space<hbm>>
      tpu.wait_dma2 semaphore(%run_scoped3A_132 : memref<!tpu.dma_semaphore, #tpu.memory_space<semaphore_mem>>) src(%dma_wait3A_134 : memref<512xi32, #tpu.memory_space<hbm>>) dst(%arg10 : memref<512xi32, #tpu.memory_space<vmem>>)
      tpu.yield
    }) : () -> ()
    "tpu.region"() ({
      %run_scoped3A_132 = tpu.sem_alloc : memref<!tpu.dma_semaphore, #tpu.memory_space<semaphore_mem>>
      %dma_start3A = tpu.memref_slice %arg3[%mul3A_2] : memref<16384xi32, #tpu.memory_space<hbm>> -> memref<512xi32, #tpu.memory_space<hbm>>
      %dma_start3A_133 = tpu.memref_slice %arg3[%mul3A_2] : memref<16384xi32, #tpu.memory_space<hbm>> -> memref<512xi32, #tpu.memory_space<hbm>>
      tpu.enqueue_dma source(%dma_start3A_133 : memref<512xi32, #tpu.memory_space<hbm>>) target(%arg11 : memref<512xi32, #tpu.memory_space<vmem>>) target_semaphore(%run_scoped3A_132 : memref<!tpu.dma_semaphore, #tpu.memory_space<semaphore_mem>>)
      %dma_wait3A = tpu.memref_slice %arg3[%mul3A_2] : memref<16384xi32, #tpu.memory_space<hbm>> -> memref<512xi32, #tpu.memory_space<hbm>>
      %dma_wait3A_134 = tpu.memref_slice %arg3[%mul3A_2] : memref<16384xi32, #tpu.memory_space<hbm>> -> memref<512xi32, #tpu.memory_space<hbm>>
      tpu.wait_dma2 semaphore(%run_scoped3A_132 : memref<!tpu.dma_semaphore, #tpu.memory_space<semaphore_mem>>) src(%dma_wait3A_134 : memref<512xi32, #tpu.memory_space<hbm>>) dst(%arg11 : memref<512xi32, #tpu.memory_space<vmem>>)
      tpu.yield
    }) : () -> ()
    %run_scoped3A = arith.constant 0 : i32
    "tpu.region"() ({
      %run_scoped3A_132 = tpu.sem_alloc : memref<!tpu.dma_semaphore, #tpu.memory_space<semaphore_mem>>
      %dma_start3A = arith.constant 0 : i32
      %dma_start3A_133 = tpu.memref_slice %arg20[%arg1, %run_scoped3A, %dma_start3A] : memref<16x2x512xi32, #tpu.memory_space<vmem_shared>> -> memref<1x1x512xi32, #tpu.memory_space<vmem_shared>>
      %dma_start3A_134 = tpu.memref_squeeze %dma_start3A_133 : memref<1x1x512xi32, #tpu.memory_space<vmem_shared>> -> memref<512xi32, #tpu.memory_space<vmem_shared>>
      %dma_start3A_135 = arith.constant 0 : i32
      %dma_start3A_136 = tpu.memref_slice %arg20[%arg1, %run_scoped3A, %dma_start3A_135] : memref<16x2x512xi32, #tpu.memory_space<vmem_shared>> -> memref<1x1x512xi32, #tpu.memory_space<vmem_shared>>
      %dma_start3A_137 = tpu.memref_squeeze %dma_start3A_136 : memref<1x1x512xi32, #tpu.memory_space<vmem_shared>> -> memref<512xi32, #tpu.memory_space<vmem_shared>>
      tpu.enqueue_dma source(%arg10 : memref<512xi32, #tpu.memory_space<vmem>>) target(%dma_start3A_137 : memref<512xi32, #tpu.memory_space<vmem_shared>>) target_semaphore(%run_scoped3A_132 : memref<!tpu.dma_semaphore, #tpu.memory_space<semaphore_mem>>)
      %dma_wait3A = arith.constant 0 : i32
      %dma_wait3A_138 = tpu.memref_slice %arg20[%arg1, %run_scoped3A, %dma_wait3A] : memref<16x2x512xi32, #tpu.memory_space<vmem_shared>> -> memref<1x1x512xi32, #tpu.memory_space<vmem_shared>>
      %dma_wait3A_139 = tpu.memref_squeeze %dma_wait3A_138 : memref<1x1x512xi32, #tpu.memory_space<vmem_shared>> -> memref<512xi32, #tpu.memory_space<vmem_shared>>
      %dma_wait3A_140 = arith.constant 0 : i32
      %dma_wait3A_141 = tpu.memref_slice %arg20[%arg1, %run_scoped3A, %dma_wait3A_140] : memref<16x2x512xi32, #tpu.memory_space<vmem_shared>> -> memref<1x1x512xi32, #tpu.memory_space<vmem_shared>>
      %dma_wait3A_142 = tpu.memref_squeeze %dma_wait3A_141 : memref<1x1x512xi32, #tpu.memory_space<vmem_shared>> -> memref<512xi32, #tpu.memory_space<vmem_shared>>
      tpu.wait_dma2 semaphore(%run_scoped3A_132 : memref<!tpu.dma_semaphore, #tpu.memory_space<semaphore_mem>>) src(%arg10 : memref<512xi32, #tpu.memory_space<vmem>>) dst(%dma_wait3A_142 : memref<512xi32, #tpu.memory_space<vmem_shared>>)
      tpu.yield
    }) : () -> ()
    %run_scoped3A_3 = arith.constant 1 : i32
    "tpu.region"() ({
      %run_scoped3A_132 = tpu.sem_alloc : memref<!tpu.dma_semaphore, #tpu.memory_space<semaphore_mem>>
      %dma_start3A = arith.constant 0 : i32
      %dma_start3A_133 = tpu.memref_slice %arg20[%arg1, %run_scoped3A_3, %dma_start3A] : memref<16x2x512xi32, #tpu.memory_space<vmem_shared>> -> memref<1x1x512xi32, #tpu.memory_space<vmem_shared>>
      %dma_start3A_134 = tpu.memref_squeeze %dma_start3A_133 : memref<1x1x512xi32, #tpu.memory_space<vmem_shared>> -> memref<512xi32, #tpu.memory_space<vmem_shared>>
      %dma_start3A_135 = arith.constant 0 : i32
      %dma_start3A_136 = tpu.memref_slice %arg20[%arg1, %run_scoped3A_3, %dma_start3A_135] : memref<16x2x512xi32, #tpu.memory_space<vmem_shared>> -> memref<1x1x512xi32, #tpu.memory_space<vmem_shared>>
      %dma_start3A_137 = tpu.memref_squeeze %dma_start3A_136 : memref<1x1x512xi32, #tpu.memory_space<vmem_shared>> -> memref<512xi32, #tpu.memory_space<vmem_shared>>
      tpu.enqueue_dma source(%arg11 : memref<512xi32, #tpu.memory_space<vmem>>) target(%dma_start3A_137 : memref<512xi32, #tpu.memory_space<vmem_shared>>) target_semaphore(%run_scoped3A_132 : memref<!tpu.dma_semaphore, #tpu.memory_space<semaphore_mem>>)
      %dma_wait3A = arith.constant 0 : i32
      %dma_wait3A_138 = tpu.memref_slice %arg20[%arg1, %run_scoped3A_3, %dma_wait3A] : memref<16x2x512xi32, #tpu.memory_space<vmem_shared>> -> memref<1x1x512xi32, #tpu.memory_space<vmem_shared>>
      %dma_wait3A_139 = tpu.memref_squeeze %dma_wait3A_138 : memref<1x1x512xi32, #tpu.memory_space<vmem_shared>> -> memref<512xi32, #tpu.memory_space<vmem_shared>>
      %dma_wait3A_140 = arith.constant 0 : i32
      %dma_wait3A_141 = tpu.memref_slice %arg20[%arg1, %run_scoped3A_3, %dma_wait3A_140] : memref<16x2x512xi32, #tpu.memory_space<vmem_shared>> -> memref<1x1x512xi32, #tpu.memory_space<vmem_shared>>
      %dma_wait3A_142 = tpu.memref_squeeze %dma_wait3A_141 : memref<1x1x512xi32, #tpu.memory_space<vmem_shared>> -> memref<512xi32, #tpu.memory_space<vmem_shared>>
      tpu.wait_dma2 semaphore(%run_scoped3A_132 : memref<!tpu.dma_semaphore, #tpu.memory_space<semaphore_mem>>) src(%arg11 : memref<512xi32, #tpu.memory_space<vmem>>) dst(%dma_wait3A_142 : memref<512xi32, #tpu.memory_space<vmem_shared>>)
      tpu.yield
    }) : () -> ()
    %run_scoped3A_4 = arith.constant 0 : i32
    "tpu.region"() ({
      %run_scoped3A_132 = tpu.sem_alloc : memref<!tpu.dma_semaphore, #tpu.memory_space<semaphore_mem>>
      %dma_start3A = arith.constant 0 : i32
      %dma_start3A_133 = tpu.memref_slice %arg20[%arg1, %run_scoped3A_4, %dma_start3A] : memref<16x2x512xi32, #tpu.memory_space<vmem_shared>> -> memref<1x1x512xi32, #tpu.memory_space<vmem_shared>>
      %dma_start3A_134 = tpu.memref_squeeze %dma_start3A_133 : memref<1x1x512xi32, #tpu.memory_space<vmem_shared>> -> memref<512xi32, #tpu.memory_space<vmem_shared>>
      tpu.enqueue_dma source(%dma_start3A_134 : memref<512xi32, #tpu.memory_space<vmem_shared>>) target(%arg21 : memref<512xi32, #tpu.memory_space<smem>>) target_semaphore(%run_scoped3A_132 : memref<!tpu.dma_semaphore, #tpu.memory_space<semaphore_mem>>)
      %dma_wait3A = arith.constant 0 : i32
      %dma_wait3A_135 = tpu.memref_slice %arg20[%arg1, %run_scoped3A_4, %dma_wait3A] : memref<16x2x512xi32, #tpu.memory_space<vmem_shared>> -> memref<1x1x512xi32, #tpu.memory_space<vmem_shared>>
      %dma_wait3A_136 = tpu.memref_squeeze %dma_wait3A_135 : memref<1x1x512xi32, #tpu.memory_space<vmem_shared>> -> memref<512xi32, #tpu.memory_space<vmem_shared>>
      tpu.wait_dma2 semaphore(%run_scoped3A_132 : memref<!tpu.dma_semaphore, #tpu.memory_space<semaphore_mem>>) src(%dma_wait3A_136 : memref<512xi32, #tpu.memory_space<vmem_shared>>) dst(%arg21 : memref<512xi32, #tpu.memory_space<smem>>)
      tpu.yield
    }) : () -> ()
    %run_scoped3A_5 = arith.constant 1 : i32
    "tpu.region"() ({
      %run_scoped3A_132 = tpu.sem_alloc : memref<!tpu.dma_semaphore, #tpu.memory_space<semaphore_mem>>
      %dma_start3A = arith.constant 0 : i32
      %dma_start3A_133 = tpu.memref_slice %arg20[%arg1, %run_scoped3A_5, %dma_start3A] : memref<16x2x512xi32, #tpu.memory_space<vmem_shared>> -> memref<1x1x512xi32, #tpu.memory_space<vmem_shared>>
      %dma_start3A_134 = tpu.memref_squeeze %dma_start3A_133 : memref<1x1x512xi32, #tpu.memory_space<vmem_shared>> -> memref<512xi32, #tpu.memory_space<vmem_shared>>
      tpu.enqueue_dma source(%dma_start3A_134 : memref<512xi32, #tpu.memory_space<vmem_shared>>) target(%arg22 : memref<512xi32, #tpu.memory_space<smem>>) target_semaphore(%run_scoped3A_132 : memref<!tpu.dma_semaphore, #tpu.memory_space<semaphore_mem>>)
      %dma_wait3A = arith.constant 0 : i32
      %dma_wait3A_135 = tpu.memref_slice %arg20[%arg1, %run_scoped3A_5, %dma_wait3A] : memref<16x2x512xi32, #tpu.memory_space<vmem_shared>> -> memref<1x1x512xi32, #tpu.memory_space<vmem_shared>>
      %dma_wait3A_136 = tpu.memref_squeeze %dma_wait3A_135 : memref<1x1x512xi32, #tpu.memory_space<vmem_shared>> -> memref<512xi32, #tpu.memory_space<vmem_shared>>
      tpu.wait_dma2 semaphore(%run_scoped3A_132 : memref<!tpu.dma_semaphore, #tpu.memory_space<semaphore_mem>>) src(%dma_wait3A_136 : memref<512xi32, #tpu.memory_space<vmem_shared>>) dst(%arg22 : memref<512xi32, #tpu.memory_space<smem>>)
      tpu.yield
    }) : () -> ()
    "tpu.region"() ({
      %run_scoped3A_132 = tpu.sem_alloc : memref<!tpu.dma_semaphore, #tpu.memory_space<semaphore_mem>>
      tpu.enqueue_dma source(%arg8 : memref<16xf32, #tpu.memory_space<hbm>>) target(%arg18 : memref<16xf32, #tpu.memory_space<vmem>>) target_semaphore(%run_scoped3A_132 : memref<!tpu.dma_semaphore, #tpu.memory_space<semaphore_mem>>)
      tpu.wait_dma2 semaphore(%run_scoped3A_132 : memref<!tpu.dma_semaphore, #tpu.memory_space<semaphore_mem>>) src(%arg8 : memref<16xf32, #tpu.memory_space<hbm>>) dst(%arg18 : memref<16xf32, #tpu.memory_space<vmem>>)
      tpu.yield
    }) : () -> ()
    %get3A = arith.constant 0 : index
    %get3A_6 = tpu.vector_load %arg18[%get3A] {strides = array<i32>} : memref<16xf32, #tpu.memory_space<vmem>>, vector<16xf32>,
    %iota3A = tpu.iota {dimensions = array<i32: 0>} : vector<16xi32>
    %scan3A = arith.constant 0 : i32
    %scan3A_7 = arith.constant 0 : i32
    %scan3A_8 = arith.constant 256 : i32
    %scan3A_9 = arith.addi %scan3A_7, %scan3A_8 : i32
    %scan3A_10 = arith.constant 1 : i32
    %scan3A_11 = scf.for %scan3A_132 = %scan3A_7 to %scan3A_9 step %scan3A_10 iter_args(%scan3A_133 = %scan3A) -> (i32)  : i32 {
      %add3A_134 = arith.constant 0 : i32
      %add3A_135 = arith.addi %add3A_134, %scan3A_132 : i32
      %get3A_136 = arith.index_cast %add3A_135 : i32 to index
      %get3A_137 = memref.load %arg21[%get3A_136] : memref<512xi32, #tpu.memory_space<smem>>
      %dma_start3A = arith.constant 0 : i32
      %dma_start3A_138 = tpu.memref_slice %arg12[%scan3A_132, %dma_start3A] : memref<256x64xf32, #tpu.memory_space<vmem>> -> memref<1x64xf32, #tpu.memory_space<vmem>>
      %dma_start3A_139 = arith.constant 0 : i32
      %dma_start3A_140 = tpu.memref_slice %arg4[%get3A_137, %dma_start3A_139] : memref<1000000x64xf32, #tpu.memory_space<hbm>> -> memref<1x64xf32, #tpu.memory_space<hbm>>
      %dma_start3A_141 = arith.constant 0 : i32
      %dma_start3A_142 = tpu.memref_slice %arg12[%scan3A_132, %dma_start3A_141] : memref<256x64xf32, #tpu.memory_space<vmem>> -> memref<1x64xf32, #tpu.memory_space<vmem>>
      %dma_start3A_143 = arith.constant 0 : i32
      %dma_start3A_144 = tpu.memref_slice %arg4[%get3A_137, %dma_start3A_143] : memref<1000000x64xf32, #tpu.memory_space<hbm>> -> memref<1x64xf32, #tpu.memory_space<hbm>>
      tpu.enqueue_dma source(%dma_start3A_144 : memref<1x64xf32, #tpu.memory_space<hbm>>) target(%dma_start3A_142 : memref<1x64xf32, #tpu.memory_space<vmem>>) target_semaphore(%arg23 : memref<!tpu.dma_semaphore, #tpu.memory_space<semaphore_mem>>)
      %add3A_145 = arith.constant 0 : i32
      %add3A_146 = arith.addi %add3A_145, %scan3A_132 : i32
      %get3A_147 = arith.index_cast %add3A_146 : i32 to index
      %get3A_148 = memref.load %arg22[%get3A_147] : memref<512xi32, #tpu.memory_space<smem>>
      %dma_start3A_149 = arith.constant 0 : i32
      %dma_start3A_150 = tpu.memref_slice %arg13[%scan3A_132, %dma_start3A_149] : memref<256x64xf32, #tpu.memory_space<vmem>> -> memref<1x64xf32, #tpu.memory_space<vmem>>
      %dma_start3A_151 = arith.constant 0 : i32
      %dma_start3A_152 = tpu.memref_slice %arg6[%get3A_148, %dma_start3A_151] : memref<1000000x64xf32, #tpu.memory_space<hbm>> -> memref<1x64xf32, #tpu.memory_space<hbm>>
      %dma_start3A_153 = arith.constant 0 : i32
      %dma_start3A_154 = tpu.memref_slice %arg13[%scan3A_132, %dma_start3A_153] : memref<256x64xf32, #tpu.memory_space<vmem>> -> memref<1x64xf32, #tpu.memory_space<vmem>>
      %dma_start3A_155 = arith.constant 0 : i32
      %dma_start3A_156 = tpu.memref_slice %arg6[%get3A_148, %dma_start3A_155] : memref<1000000x64xf32, #tpu.memory_space<hbm>> -> memref<1x64xf32, #tpu.memory_space<hbm>>
      tpu.enqueue_dma source(%dma_start3A_156 : memref<1x64xf32, #tpu.memory_space<hbm>>) target(%dma_start3A_154 : memref<1x64xf32, #tpu.memory_space<vmem>>) target_semaphore(%arg23 : memref<!tpu.dma_semaphore, #tpu.memory_space<semaphore_mem>>)
      %scan3A_157 = arith.constant 0 : i32
      scf.yield %scan3A_157 : i32
    }
    %scan3A_12 = arith.constant 256 : i32
    %scan3A_13 = arith.constant 0 : i32
    %scan3A_14 = arith.constant 0 : i32
    %scan3A_15 = arith.constant 128 : i32
    %scan3A_16 = arith.addi %scan3A_14, %scan3A_15 : i32
    %scan3A_17 = arith.constant 1 : i32
    %scan3A_18 = scf.for %scan3A_132 = %scan3A_14 to %scan3A_16 step %scan3A_17 iter_args(%scan3A_133 = %scan3A_13) -> (i32)  : i32 {
      %add3A_134 = arith.constant 0 : i32
      %add3A_135 = arith.addi %add3A_134, %scan3A_132 : i32
      %get3A_136 = arith.index_cast %add3A_135 : i32 to index
      %get3A_137 = memref.load %arg21[%get3A_136] : memref<512xi32, #tpu.memory_space<smem>>
      %shift_right_arithmetic3A = arith.constant 7 : i32
      %shift_right_arithmetic3A_138 = arith.shrsi %get3A_137, %shift_right_arithmetic3A : i32
      %dma_start3A = arith.constant 0 : i32
      %dma_start3A_139 = tpu.memref_slice %arg14[%scan3A_132, %dma_start3A] : memref<128x128xf32, #tpu.memory_space<vmem>> -> memref<1x128xf32, #tpu.memory_space<vmem>>
      %dma_start3A_140 = arith.constant 0 : i32
      %dma_start3A_141 = tpu.memref_slice %arg5[%shift_right_arithmetic3A_138, %dma_start3A_140] : memref<7820x128xf32, #tpu.memory_space<hbm>> -> memref<1x128xf32, #tpu.memory_space<hbm>>
      %dma_start3A_142 = arith.constant 0 : i32
      %dma_start3A_143 = tpu.memref_slice %arg14[%scan3A_132, %dma_start3A_142] : memref<128x128xf32, #tpu.memory_space<vmem>> -> memref<1x128xf32, #tpu.memory_space<vmem>>
      %dma_start3A_144 = arith.constant 0 : i32
      %dma_start3A_145 = tpu.memref_slice %arg5[%shift_right_arithmetic3A_138, %dma_start3A_144] : memref<7820x128xf32, #tpu.memory_space<hbm>> -> memref<1x128xf32, #tpu.memory_space<hbm>>
      tpu.enqueue_dma source(%dma_start3A_145 : memref<1x128xf32, #tpu.memory_space<hbm>>) target(%dma_start3A_143 : memref<1x128xf32, #tpu.memory_space<vmem>>) target_semaphore(%arg24 : memref<!tpu.dma_semaphore, #tpu.memory_space<semaphore_mem>>)
      %add3A_146 = arith.constant 0 : i32
      %add3A_147 = arith.addi %add3A_146, %scan3A_132 : i32
      %get3A_148 = arith.index_cast %add3A_147 : i32 to index
      %get3A_149 = memref.load %arg22[%get3A_148] : memref<512xi32, #tpu.memory_space<smem>>
      %shift_right_arithmetic3A_150 = arith.constant 7 : i32
      %shift_right_arithmetic3A_151 = arith.shrsi %get3A_149, %shift_right_arithmetic3A_150 : i32
      %dma_start3A_152 = arith.constant 0 : i32
      %dma_start3A_153 = tpu.memref_slice %arg15[%scan3A_132, %dma_start3A_152] : memref<128x128xf32, #tpu.memory_space<vmem>> -> memref<1x128xf32, #tpu.memory_space<vmem>>
      %dma_start3A_154 = arith.constant 0 : i32
      %dma_start3A_155 = tpu.memref_slice %arg7[%shift_right_arithmetic3A_151, %dma_start3A_154] : memref<7820x128xf32, #tpu.memory_space<hbm>> -> memref<1x128xf32, #tpu.memory_space<hbm>>
      %dma_start3A_156 = arith.constant 0 : i32
      %dma_start3A_157 = tpu.memref_slice %arg15[%scan3A_132, %dma_start3A_156] : memref<128x128xf32, #tpu.memory_space<vmem>> -> memref<1x128xf32, #tpu.memory_space<vmem>>
      %dma_start3A_158 = arith.constant 0 : i32
      %dma_start3A_159 = tpu.memref_slice %arg7[%shift_right_arithmetic3A_151, %dma_start3A_158] : memref<7820x128xf32, #tpu.memory_space<hbm>> -> memref<1x128xf32, #tpu.memory_space<hbm>>
      tpu.enqueue_dma source(%dma_start3A_159 : memref<1x128xf32, #tpu.memory_space<hbm>>) target(%dma_start3A_157 : memref<1x128xf32, #tpu.memory_space<vmem>>) target_semaphore(%arg24 : memref<!tpu.dma_semaphore, #tpu.memory_space<semaphore_mem>>)
      %scan3A_160 = arith.constant 0 : i32
      scf.yield %scan3A_160 : i32
    }
    %scan3A_19 = arith.constant 128 : i32
    %scan3A_20 = arith.constant 0 : i32
    %scan3A_21 = arith.constant 0 : i32
    %scan3A_22 = arith.constant 128 : i32
    %scan3A_23 = arith.addi %scan3A_21, %scan3A_22 : i32
    %scan3A_24 = arith.constant 1 : i32
    %scan3A_25 = scf.for %scan3A_132 = %scan3A_21 to %scan3A_23 step %scan3A_24 iter_args(%scan3A_133 = %scan3A_20) -> (i32)  : i32 {
      %dma_wait3A = arith.constant 0 : i32
      %dma_wait3A_134 = tpu.memref_slice %arg14[%scan3A_132, %dma_wait3A] : memref<128x128xf32, #tpu.memory_space<vmem>> -> memref<1x128xf32, #tpu.memory_space<vmem>>
      %dma_wait3A_135 = arith.constant 0 : i32
      %dma_wait3A_136 = arith.constant 0 : i32
      %dma_wait3A_137 = tpu.memref_slice %arg5[%dma_wait3A_135, %dma_wait3A_136] : memref<7820x128xf32, #tpu.memory_space<hbm>> -> memref<1x128xf32, #tpu.memory_space<hbm>>
      %dma_wait3A_138 = arith.constant 0 : i32
      %dma_wait3A_139 = tpu.memref_slice %arg14[%scan3A_132, %dma_wait3A_138] : memref<128x128xf32, #tpu.memory_space<vmem>> -> memref<1x128xf32, #tpu.memory_space<vmem>>
      %dma_wait3A_140 = arith.constant 0 : i32
      %dma_wait3A_141 = arith.constant 0 : i32
      %dma_wait3A_142 = tpu.memref_slice %arg5[%dma_wait3A_140, %dma_wait3A_141] : memref<7820x128xf32, #tpu.memory_space<hbm>> -> memref<1x128xf32, #tpu.memory_space<hbm>>
      tpu.wait_dma2 semaphore(%arg24 : memref<!tpu.dma_semaphore, #tpu.memory_space<semaphore_mem>>) src(%dma_wait3A_142 : memref<1x128xf32, #tpu.memory_space<hbm>>) dst(%dma_wait3A_139 : memref<1x128xf32, #tpu.memory_space<vmem>>)
      %dma_wait3A_143 = arith.constant 0 : i32
      %dma_wait3A_144 = tpu.memref_slice %arg15[%scan3A_132, %dma_wait3A_143] : memref<128x128xf32, #tpu.memory_space<vmem>> -> memref<1x128xf32, #tpu.memory_space<vmem>>
      %dma_wait3A_145 = arith.constant 0 : i32
      %dma_wait3A_146 = arith.constant 0 : i32
      %dma_wait3A_147 = tpu.memref_slice %arg7[%dma_wait3A_145, %dma_wait3A_146] : memref<7820x128xf32, #tpu.memory_space<hbm>> -> memref<1x128xf32, #tpu.memory_space<hbm>>
      %dma_wait3A_148 = arith.constant 0 : i32
      %dma_wait3A_149 = tpu.memref_slice %arg15[%scan3A_132, %dma_wait3A_148] : memref<128x128xf32, #tpu.memory_space<vmem>> -> memref<1x128xf32, #tpu.memory_space<vmem>>
      %dma_wait3A_150 = arith.constant 0 : i32
      %dma_wait3A_151 = arith.constant 0 : i32
      %dma_wait3A_152 = tpu.memref_slice %arg7[%dma_wait3A_150, %dma_wait3A_151] : memref<7820x128xf32, #tpu.memory_space<hbm>> -> memref<1x128xf32, #tpu.memory_space<hbm>>
      tpu.wait_dma2 semaphore(%arg24 : memref<!tpu.dma_semaphore, #tpu.memory_space<semaphore_mem>>) src(%dma_wait3A_152 : memref<1x128xf32, #tpu.memory_space<hbm>>) dst(%dma_wait3A_149 : memref<1x128xf32, #tpu.memory_space<vmem>>)
      %scan3A_153 = arith.constant 0 : i32
      scf.yield %scan3A_153 : i32
    }
    %scan3A_26 = arith.constant 128 : i32
    %scan3A_27 = arith.constant 0 : i32
    %scan3A_28 = arith.constant 0 : i32
    %scan3A_29 = arith.constant 8 : i32
    %scan3A_30 = arith.addi %scan3A_28, %scan3A_29 : i32
    %scan3A_31 = arith.constant 1 : i32
    %scan3A_32 = scf.for %scan3A_132 = %scan3A_28 to %scan3A_30 step %scan3A_31 iter_args(%scan3A_133 = %scan3A_27) -> (i32)  : i32 {
      %mul3A_134 = arith.constant 16 : i32
      %mul3A_135 = arith.muli %scan3A_132, %mul3A_134 : i32
      %add3A_136 = vector.broadcast %mul3A_135 : i32 to vector<16xi32>
      %add3A_137 = arith.addi %add3A_136, %iota3A : vector<16xi32>
      %mul3A_138 = arith.constant 16 : i32
      %mul3A_139 = arith.muli %scan3A_132, %mul3A_138 : i32
      %add3A_140 = arith.constant 0 : i32
      %add3A_141 = arith.addi %add3A_140, %mul3A_139 : i32
      %multiple_of3A = tpu.assume_multiple %add3A_141, 16 : i32
      %get3A_142 = arith.index_cast %multiple_of3A : i32 to index
      %get3A_143 = tpu.vector_load %arg10[%get3A_142] {strides = array<i32>} : memref<512xi32, #tpu.memory_space<vmem>>, vector<16xi32>,
      %and3A = arith.constant 127 : i32
      %and3A_144 = vector.broadcast %and3A : i32 to vector<16xi32>
      %and3A_145 = arith.andi %get3A_143, %and3A_144 : vector<16xi32>
      %gather3A = tpu.vector_load_idx %arg14[%add3A_137, %and3A_145] : memref<128x128xf32, #tpu.memory_space<vmem>>[vector<16xi32>, vector<16xi32>], vector<16xf32>,
      %swap3A = arith.index_cast %multiple_of3A : i32 to index
      %swap3A_146 = tpu.vector_load %arg16[%swap3A] {strides = array<i32>} : memref<512xf32, #tpu.memory_space<vmem>>, vector<16xf32>,
      tpu.vector_store %arg16[%swap3A], %gather3A {strides = array<i32>} : memref<512xf32, #tpu.memory_space<vmem>>, vector<16xf32>,
      %get3A_147 = arith.index_cast %multiple_of3A : i32 to index
      %get3A_148 = tpu.vector_load %arg11[%get3A_147] {strides = array<i32>} : memref<512xi32, #tpu.memory_space<vmem>>, vector<16xi32>,
      %and3A_149 = arith.constant 127 : i32
      %and3A_150 = vector.broadcast %and3A_149 : i32 to vector<16xi32>
      %and3A_151 = arith.andi %get3A_148, %and3A_150 : vector<16xi32>
      %gather3A_152 = tpu.vector_load_idx %arg15[%add3A_137, %and3A_151] : memref<128x128xf32, #tpu.memory_space<vmem>>[vector<16xi32>, vector<16xi32>], vector<16xf32>,
      %swap3A_153 = arith.index_cast %multiple_of3A : i32 to index
      %swap3A_154 = tpu.vector_load %arg17[%swap3A_153] {strides = array<i32>} : memref<512xf32, #tpu.memory_space<vmem>>, vector<16xf32>,
      tpu.vector_store %arg17[%swap3A_153], %gather3A_152 {strides = array<i32>} : memref<512xf32, #tpu.memory_space<vmem>>, vector<16xf32>,
      %scan3A_155 = arith.constant 0 : i32
      scf.yield %scan3A_155 : i32
    }
    %scan3A_33 = arith.constant 8 : i32
    %scan3A_34 = arith.constant 0 : i32
    %scan3A_35 = arith.constant 0 : i32
    %scan3A_36 = arith.constant 128 : i32
    %scan3A_37 = arith.addi %scan3A_35, %scan3A_36 : i32
    %scan3A_38 = arith.constant 1 : i32
    %scan3A_39 = scf.for %scan3A_132 = %scan3A_35 to %scan3A_37 step %scan3A_38 iter_args(%scan3A_133 = %scan3A_34) -> (i32)  : i32 {
      %add3A_134 = arith.constant 128 : i32
      %add3A_135 = arith.addi %add3A_134, %scan3A_132 : i32
      %get3A_136 = arith.index_cast %add3A_135 : i32 to index
      %get3A_137 = memref.load %arg21[%get3A_136] : memref<512xi32, #tpu.memory_space<smem>>
      %shift_right_arithmetic3A = arith.constant 7 : i32
      %shift_right_arithmetic3A_138 = arith.shrsi %get3A_137, %shift_right_arithmetic3A : i32
      %dma_start3A = arith.constant 0 : i32
      %dma_start3A_139 = tpu.memref_slice %arg14[%scan3A_132, %dma_start3A] : memref<128x128xf32, #tpu.memory_space<vmem>> -> memref<1x128xf32, #tpu.memory_space<vmem>>
      %dma_start3A_140 = arith.constant 0 : i32
      %dma_start3A_141 = tpu.memref_slice %arg5[%shift_right_arithmetic3A_138, %dma_start3A_140] : memref<7820x128xf32, #tpu.memory_space<hbm>> -> memref<1x128xf32, #tpu.memory_space<hbm>>
      %dma_start3A_142 = arith.constant 0 : i32
      %dma_start3A_143 = tpu.memref_slice %arg14[%scan3A_132, %dma_start3A_142] : memref<128x128xf32, #tpu.memory_space<vmem>> -> memref<1x128xf32, #tpu.memory_space<vmem>>
      %dma_start3A_144 = arith.constant 0 : i32
      %dma_start3A_145 = tpu.memref_slice %arg5[%shift_right_arithmetic3A_138, %dma_start3A_144] : memref<7820x128xf32, #tpu.memory_space<hbm>> -> memref<1x128xf32, #tpu.memory_space<hbm>>
      tpu.enqueue_dma source(%dma_start3A_145 : memref<1x128xf32, #tpu.memory_space<hbm>>) target(%dma_start3A_143 : memref<1x128xf32, #tpu.memory_space<vmem>>) target_semaphore(%arg24 : memref<!tpu.dma_semaphore, #tpu.memory_space<semaphore_mem>>)
      %add3A_146 = arith.constant 128 : i32
      %add3A_147 = arith.addi %add3A_146, %scan3A_132 : i32
      %get3A_148 = arith.index_cast %add3A_147 : i32 to index
      %get3A_149 = memref.load %arg22[%get3A_148] : memref<512xi32, #tpu.memory_space<smem>>
      %shift_right_arithmetic3A_150 = arith.constant 7 : i32
      %shift_right_arithmetic3A_151 = arith.shrsi %get3A_149, %shift_right_arithmetic3A_150 : i32
      %dma_start3A_152 = arith.constant 0 : i32
      %dma_start3A_153 = tpu.memref_slice %arg15[%scan3A_132, %dma_start3A_152] : memref<128x128xf32, #tpu.memory_space<vmem>> -> memref<1x128xf32, #tpu.memory_space<vmem>>
      %dma_start3A_154 = arith.constant 0 : i32
      %dma_start3A_155 = tpu.memref_slice %arg7[%shift_right_arithmetic3A_151, %dma_start3A_154] : memref<7820x128xf32, #tpu.memory_space<hbm>> -> memref<1x128xf32, #tpu.memory_space<hbm>>
      %dma_start3A_156 = arith.constant 0 : i32
      %dma_start3A_157 = tpu.memref_slice %arg15[%scan3A_132, %dma_start3A_156] : memref<128x128xf32, #tpu.memory_space<vmem>> -> memref<1x128xf32, #tpu.memory_space<vmem>>
      %dma_start3A_158 = arith.constant 0 : i32
      %dma_start3A_159 = tpu.memref_slice %arg7[%shift_right_arithmetic3A_151, %dma_start3A_158] : memref<7820x128xf32, #tpu.memory_space<hbm>> -> memref<1x128xf32, #tpu.memory_space<hbm>>
      tpu.enqueue_dma source(%dma_start3A_159 : memref<1x128xf32, #tpu.memory_space<hbm>>) target(%dma_start3A_157 : memref<1x128xf32, #tpu.memory_space<vmem>>) target_semaphore(%arg24 : memref<!tpu.dma_semaphore, #tpu.memory_space<semaphore_mem>>)
      %scan3A_160 = arith.constant 0 : i32
      scf.yield %scan3A_160 : i32
    }
    %scan3A_40 = arith.constant 128 : i32
    %scan3A_41 = arith.constant 0 : i32
    %scan3A_42 = arith.constant 0 : i32
    %scan3A_43 = arith.constant 128 : i32
    %scan3A_44 = arith.addi %scan3A_42, %scan3A_43 : i32
    %scan3A_45 = arith.constant 1 : i32
    %scan3A_46 = scf.for %scan3A_132 = %scan3A_42 to %scan3A_44 step %scan3A_45 iter_args(%scan3A_133 = %scan3A_41) -> (i32)  : i32 {
      %dma_wait3A = arith.constant 0 : i32
      %dma_wait3A_134 = tpu.memref_slice %arg14[%scan3A_132, %dma_wait3A] : memref<128x128xf32, #tpu.memory_space<vmem>> -> memref<1x128xf32, #tpu.memory_space<vmem>>
      %dma_wait3A_135 = arith.constant 0 : i32
      %dma_wait3A_136 = arith.constant 0 : i32
      %dma_wait3A_137 = tpu.memref_slice %arg5[%dma_wait3A_135, %dma_wait3A_136] : memref<7820x128xf32, #tpu.memory_space<hbm>> -> memref<1x128xf32, #tpu.memory_space<hbm>>
      %dma_wait3A_138 = arith.constant 0 : i32
      %dma_wait3A_139 = tpu.memref_slice %arg14[%scan3A_132, %dma_wait3A_138] : memref<128x128xf32, #tpu.memory_space<vmem>> -> memref<1x128xf32, #tpu.memory_space<vmem>>
      %dma_wait3A_140 = arith.constant 0 : i32
      %dma_wait3A_141 = arith.constant 0 : i32
      %dma_wait3A_142 = tpu.memref_slice %arg5[%dma_wait3A_140, %dma_wait3A_141] : memref<7820x128xf32, #tpu.memory_space<hbm>> -> memref<1x128xf32, #tpu.memory_space<hbm>>
      tpu.wait_dma2 semaphore(%arg24 : memref<!tpu.dma_semaphore, #tpu.memory_space<semaphore_mem>>) src(%dma_wait3A_142 : memref<1x128xf32, #tpu.memory_space<hbm>>) dst(%dma_wait3A_139 : memref<1x128xf32, #tpu.memory_space<vmem>>)
      %dma_wait3A_143 = arith.constant 0 : i32
      %dma_wait3A_144 = tpu.memref_slice %arg15[%scan3A_132, %dma_wait3A_143] : memref<128x128xf32, #tpu.memory_space<vmem>> -> memref<1x128xf32, #tpu.memory_space<vmem>>
      %dma_wait3A_145 = arith.constant 0 : i32
      %dma_wait3A_146 = arith.constant 0 : i32
      %dma_wait3A_147 = tpu.memref_slice %arg7[%dma_wait3A_145, %dma_wait3A_146] : memref<7820x128xf32, #tpu.memory_space<hbm>> -> memref<1x128xf32, #tpu.memory_space<hbm>>
      %dma_wait3A_148 = arith.constant 0 : i32
      %dma_wait3A_149 = tpu.memref_slice %arg15[%scan3A_132, %dma_wait3A_148] : memref<128x128xf32, #tpu.memory_space<vmem>> -> memref<1x128xf32, #tpu.memory_space<vmem>>
      %dma_wait3A_150 = arith.constant 0 : i32
      %dma_wait3A_151 = arith.constant 0 : i32
      %dma_wait3A_152 = tpu.memref_slice %arg7[%dma_wait3A_150, %dma_wait3A_151] : memref<7820x128xf32, #tpu.memory_space<hbm>> -> memref<1x128xf32, #tpu.memory_space<hbm>>
      tpu.wait_dma2 semaphore(%arg24 : memref<!tpu.dma_semaphore, #tpu.memory_space<semaphore_mem>>) src(%dma_wait3A_152 : memref<1x128xf32, #tpu.memory_space<hbm>>) dst(%dma_wait3A_149 : memref<1x128xf32, #tpu.memory_space<vmem>>)
      %scan3A_153 = arith.constant 0 : i32
      scf.yield %scan3A_153 : i32
    }
    %scan3A_47 = arith.constant 128 : i32
    %scan3A_48 = arith.constant 0 : i32
    %scan3A_49 = arith.constant 0 : i32
    %scan3A_50 = arith.constant 8 : i32
    %scan3A_51 = arith.addi %scan3A_49, %scan3A_50 : i32
    %scan3A_52 = arith.constant 1 : i32
    %scan3A_53 = scf.for %scan3A_132 = %scan3A_49 to %scan3A_51 step %scan3A_52 iter_args(%scan3A_133 = %scan3A_48) -> (i32)  : i32 {
      %mul3A_134 = arith.constant 16 : i32
      %mul3A_135 = arith.muli %scan3A_132, %mul3A_134 : i32
      %add3A_136 = vector.broadcast %mul3A_135 : i32 to vector<16xi32>
      %add3A_137 = arith.addi %add3A_136, %iota3A : vector<16xi32>
      %mul3A_138 = arith.constant 16 : i32
      %mul3A_139 = arith.muli %scan3A_132, %mul3A_138 : i32
      %add3A_140 = arith.constant 128 : i32
      %add3A_141 = arith.addi %add3A_140, %mul3A_139 : i32
      %multiple_of3A = tpu.assume_multiple %add3A_141, 16 : i32
      %get3A_142 = arith.index_cast %multiple_of3A : i32 to index
      %get3A_143 = tpu.vector_load %arg10[%get3A_142] {strides = array<i32>} : memref<512xi32, #tpu.memory_space<vmem>>, vector<16xi32>,
      %and3A = arith.constant 127 : i32
      %and3A_144 = vector.broadcast %and3A : i32 to vector<16xi32>
      %and3A_145 = arith.andi %get3A_143, %and3A_144 : vector<16xi32>
      %gather3A = tpu.vector_load_idx %arg14[%add3A_137, %and3A_145] : memref<128x128xf32, #tpu.memory_space<vmem>>[vector<16xi32>, vector<16xi32>], vector<16xf32>,
      %swap3A = arith.index_cast %multiple_of3A : i32 to index
      %swap3A_146 = tpu.vector_load %arg16[%swap3A] {strides = array<i32>} : memref<512xf32, #tpu.memory_space<vmem>>, vector<16xf32>,
      tpu.vector_store %arg16[%swap3A], %gather3A {strides = array<i32>} : memref<512xf32, #tpu.memory_space<vmem>>, vector<16xf32>,
      %get3A_147 = arith.index_cast %multiple_of3A : i32 to index
      %get3A_148 = tpu.vector_load %arg11[%get3A_147] {strides = array<i32>} : memref<512xi32, #tpu.memory_space<vmem>>, vector<16xi32>,
      %and3A_149 = arith.constant 127 : i32
      %and3A_150 = vector.broadcast %and3A_149 : i32 to vector<16xi32>
      %and3A_151 = arith.andi %get3A_148, %and3A_150 : vector<16xi32>
      %gather3A_152 = tpu.vector_load_idx %arg15[%add3A_137, %and3A_151] : memref<128x128xf32, #tpu.memory_space<vmem>>[vector<16xi32>, vector<16xi32>], vector<16xf32>,
      %swap3A_153 = arith.index_cast %multiple_of3A : i32 to index
      %swap3A_154 = tpu.vector_load %arg17[%swap3A_153] {strides = array<i32>} : memref<512xf32, #tpu.memory_space<vmem>>, vector<16xf32>,
      tpu.vector_store %arg17[%swap3A_153], %gather3A_152 {strides = array<i32>} : memref<512xf32, #tpu.memory_space<vmem>>, vector<16xf32>,
      %scan3A_155 = arith.constant 0 : i32
      scf.yield %scan3A_155 : i32
    }
    %scan3A_54 = arith.constant 8 : i32
    %scan3A_55 = arith.constant 0 : i32
    %scan3A_56 = arith.constant 0 : i32
    %scan3A_57 = arith.constant 256 : i32
    %scan3A_58 = arith.addi %scan3A_56, %scan3A_57 : i32
    %scan3A_59 = arith.constant 1 : i32
    %scan3A_60 = scf.for %scan3A_132 = %scan3A_56 to %scan3A_58 step %scan3A_59 iter_args(%scan3A_133 = %scan3A_55) -> (i32)  : i32 {
      %dma_wait3A = arith.constant 0 : i32
      %dma_wait3A_134 = tpu.memref_slice %arg12[%scan3A_132, %dma_wait3A] : memref<256x64xf32, #tpu.memory_space<vmem>> -> memref<1x64xf32, #tpu.memory_space<vmem>>
      %dma_wait3A_135 = arith.constant 0 : i32
      %dma_wait3A_136 = arith.constant 0 : i32
      %dma_wait3A_137 = tpu.memref_slice %arg4[%dma_wait3A_135, %dma_wait3A_136] : memref<1000000x64xf32, #tpu.memory_space<hbm>> -> memref<1x64xf32, #tpu.memory_space<hbm>>
      %dma_wait3A_138 = arith.constant 0 : i32
      %dma_wait3A_139 = tpu.memref_slice %arg12[%scan3A_132, %dma_wait3A_138] : memref<256x64xf32, #tpu.memory_space<vmem>> -> memref<1x64xf32, #tpu.memory_space<vmem>>
      %dma_wait3A_140 = arith.constant 0 : i32
      %dma_wait3A_141 = arith.constant 0 : i32
      %dma_wait3A_142 = tpu.memref_slice %arg4[%dma_wait3A_140, %dma_wait3A_141] : memref<1000000x64xf32, #tpu.memory_space<hbm>> -> memref<1x64xf32, #tpu.memory_space<hbm>>
      tpu.wait_dma2 semaphore(%arg23 : memref<!tpu.dma_semaphore, #tpu.memory_space<semaphore_mem>>) src(%dma_wait3A_142 : memref<1x64xf32, #tpu.memory_space<hbm>>) dst(%dma_wait3A_139 : memref<1x64xf32, #tpu.memory_space<vmem>>)
      %dma_wait3A_143 = arith.constant 0 : i32
      %dma_wait3A_144 = tpu.memref_slice %arg13[%scan3A_132, %dma_wait3A_143] : memref<256x64xf32, #tpu.memory_space<vmem>> -> memref<1x64xf32, #tpu.memory_space<vmem>>
      %dma_wait3A_145 = arith.constant 0 : i32
      %dma_wait3A_146 = arith.constant 0 : i32
      %dma_wait3A_147 = tpu.memref_slice %arg6[%dma_wait3A_145, %dma_wait3A_146] : memref<1000000x64xf32, #tpu.memory_space<hbm>> -> memref<1x64xf32, #tpu.memory_space<hbm>>
      %dma_wait3A_148 = arith.constant 0 : i32
      %dma_wait3A_149 = tpu.memref_slice %arg13[%scan3A_132, %dma_wait3A_148] : memref<256x64xf32, #tpu.memory_space<vmem>> -> memref<1x64xf32, #tpu.memory_space<vmem>>
      %dma_wait3A_150 = arith.constant 0 : i32
      %dma_wait3A_151 = arith.constant 0 : i32
      %dma_wait3A_152 = tpu.memref_slice %arg6[%dma_wait3A_150, %dma_wait3A_151] : memref<1000000x64xf32, #tpu.memory_space<hbm>> -> memref<1x64xf32, #tpu.memory_space<hbm>>
      tpu.wait_dma2 semaphore(%arg23 : memref<!tpu.dma_semaphore, #tpu.memory_space<semaphore_mem>>) src(%dma_wait3A_152 : memref<1x64xf32, #tpu.memory_space<hbm>>) dst(%dma_wait3A_149 : memref<1x64xf32, #tpu.memory_space<vmem>>)
      %scan3A_153 = arith.constant 0 : i32
      scf.yield %scan3A_153 : i32
    }
    %scan3A_61 = arith.constant 256 : i32
    %scan3A_62 = arith.constant 0 : i32
    %scan3A_63 = arith.constant 0 : i32
    %scan3A_64 = arith.constant 16 : i32
    %scan3A_65 = arith.addi %scan3A_63, %scan3A_64 : i32
    %scan3A_66 = arith.constant 1 : i32
    %scan3A_67 = scf.for %scan3A_132 = %scan3A_63 to %scan3A_65 step %scan3A_66 iter_args(%scan3A_133 = %scan3A_62) -> (i32)  : i32 {
      %mul3A_134 = arith.constant 16 : i32
      %mul3A_135 = arith.muli %scan3A_132, %mul3A_134 : i32
      %add3A_136 = vector.broadcast %mul3A_135 : i32 to vector<16xi32>
      %add3A_137 = arith.addi %add3A_136, %iota3A : vector<16xi32>
      %mul3A_138 = arith.constant 16 : i32
      %mul3A_139 = arith.muli %scan3A_132, %mul3A_138 : i32
      %add3A_140 = arith.constant 0 : i32
      %add3A_141 = arith.addi %add3A_140, %mul3A_139 : i32
      %multiple_of3A = tpu.assume_multiple %add3A_141, 16 : i32
      %gather3A = tpu.vector_load_idx %arg12[%add3A_137, %iota3A] : memref<256x64xf32, #tpu.memory_space<vmem>>[vector<16xi32>, vector<16xi32>], vector<16xf32>,
      %gather3A_142 = tpu.vector_load_idx %arg13[%add3A_137, %iota3A] : memref<256x64xf32, #tpu.memory_space<vmem>>[vector<16xi32>, vector<16xi32>], vector<16xf32>,
      %mul3A_143 = arith.mulf %gather3A, %gather3A_142 : vector<16xf32>
      %add3A_144 = arith.constant 1 : i32
      %add3A_145 = vector.broadcast %add3A_144 : i32 to vector<16xi32>
      %add3A_146 = arith.addi %iota3A, %add3A_145 : vector<16xi32>
      %and3A = arith.constant 63 : i32
      %and3A_147 = vector.broadcast %and3A : i32 to vector<16xi32>
      %and3A_148 = arith.andi %add3A_146, %and3A_147 : vector<16xi32>
      %gather3A_149 = tpu.vector_load_idx %arg12[%add3A_137, %and3A_148] : memref<256x64xf32, #tpu.memory_space<vmem>>[vector<16xi32>, vector<16xi32>], vector<16xf32>,
      %gather3A_150 = tpu.vector_load_idx %arg13[%add3A_137, %and3A_148] : memref<256x64xf32, #tpu.memory_space<vmem>>[vector<16xi32>, vector<16xi32>], vector<16xf32>,
      %mul3A_151 = arith.mulf %gather3A_149, %gather3A_150 : vector<16xf32>
      %add3A_152 = arith.addf %mul3A_143, %mul3A_151 : vector<16xf32>
      %add3A_153 = arith.constant 2 : i32
      %add3A_154 = vector.broadcast %add3A_153 : i32 to vector<16xi32>
      %add3A_155 = arith.addi %iota3A, %add3A_154 : vector<16xi32>
      %and3A_156 = arith.constant 63 : i32
      %and3A_157 = vector.broadcast %and3A_156 : i32 to vector<16xi32>
      %and3A_158 = arith.andi %add3A_155, %and3A_157 : vector<16xi32>
      %gather3A_159 = tpu.vector_load_idx %arg12[%add3A_137, %and3A_158] : memref<256x64xf32, #tpu.memory_space<vmem>>[vector<16xi32>, vector<16xi32>], vector<16xf32>,
      %gather3A_160 = tpu.vector_load_idx %arg13[%add3A_137, %and3A_158] : memref<256x64xf32, #tpu.memory_space<vmem>>[vector<16xi32>, vector<16xi32>], vector<16xf32>,
      %mul3A_161 = arith.mulf %gather3A_159, %gather3A_160 : vector<16xf32>
      %add3A_162 = arith.addf %add3A_152, %mul3A_161 : vector<16xf32>
      %add3A_163 = arith.constant 3 : i32
      %add3A_164 = vector.broadcast %add3A_163 : i32 to vector<16xi32>
      %add3A_165 = arith.addi %iota3A, %add3A_164 : vector<16xi32>
      %and3A_166 = arith.constant 63 : i32
      %and3A_167 = vector.broadcast %and3A_166 : i32 to vector<16xi32>
      %and3A_168 = arith.andi %add3A_165, %and3A_167 : vector<16xi32>
      %gather3A_169 = tpu.vector_load_idx %arg12[%add3A_137, %and3A_168] : memref<256x64xf32, #tpu.memory_space<vmem>>[vector<16xi32>, vector<16xi32>], vector<16xf32>,
      %gather3A_170 = tpu.vector_load_idx %arg13[%add3A_137, %and3A_168] : memref<256x64xf32, #tpu.memory_space<vmem>>[vector<16xi32>, vector<16xi32>], vector<16xf32>,
      %mul3A_171 = arith.mulf %gather3A_169, %gather3A_170 : vector<16xf32>
      %add3A_172 = arith.addf %add3A_162, %mul3A_171 : vector<16xf32>
      %add3A_173 = arith.constant 4 : i32
      %add3A_174 = vector.broadcast %add3A_173 : i32 to vector<16xi32>
      %add3A_175 = arith.addi %iota3A, %add3A_174 : vector<16xi32>
      %and3A_176 = arith.constant 63 : i32
      %and3A_177 = vector.broadcast %and3A_176 : i32 to vector<16xi32>
      %and3A_178 = arith.andi %add3A_175, %and3A_177 : vector<16xi32>
      %gather3A_179 = tpu.vector_load_idx %arg12[%add3A_137, %and3A_178] : memref<256x64xf32, #tpu.memory_space<vmem>>[vector<16xi32>, vector<16xi32>], vector<16xf32>,
      %gather3A_180 = tpu.vector_load_idx %arg13[%add3A_137, %and3A_178] : memref<256x64xf32, #tpu.memory_space<vmem>>[vector<16xi32>, vector<16xi32>], vector<16xf32>,
      %mul3A_181 = arith.mulf %gather3A_179, %gather3A_180 : vector<16xf32>
      %add3A_182 = arith.addf %add3A_172, %mul3A_181 : vector<16xf32>
      %add3A_183 = arith.constant 5 : i32
      %add3A_184 = vector.broadcast %add3A_183 : i32 to vector<16xi32>
      %add3A_185 = arith.addi %iota3A, %add3A_184 : vector<16xi32>
      %and3A_186 = arith.constant 63 : i32
      %and3A_187 = vector.broadcast %and3A_186 : i32 to vector<16xi32>
      %and3A_188 = arith.andi %add3A_185, %and3A_187 : vector<16xi32>
      %gather3A_189 = tpu.vector_load_idx %arg12[%add3A_137, %and3A_188] : memref<256x64xf32, #tpu.memory_space<vmem>>[vector<16xi32>, vector<16xi32>], vector<16xf32>,
      %gather3A_190 = tpu.vector_load_idx %arg13[%add3A_137, %and3A_188] : memref<256x64xf32, #tpu.memory_space<vmem>>[vector<16xi32>, vector<16xi32>], vector<16xf32>,
      %mul3A_191 = arith.mulf %gather3A_189, %gather3A_190 : vector<16xf32>
      %add3A_192 = arith.addf %add3A_182, %mul3A_191 : vector<16xf32>
      %add3A_193 = arith.constant 6 : i32
      %add3A_194 = vector.broadcast %add3A_193 : i32 to vector<16xi32>
      %add3A_195 = arith.addi %iota3A, %add3A_194 : vector<16xi32>
      %and3A_196 = arith.constant 63 : i32
      %and3A_197 = vector.broadcast %and3A_196 : i32 to vector<16xi32>
      %and3A_198 = arith.andi %add3A_195, %and3A_197 : vector<16xi32>
      %gather3A_199 = tpu.vector_load_idx %arg12[%add3A_137, %and3A_198] : memref<256x64xf32, #tpu.memory_space<vmem>>[vector<16xi32>, vector<16xi32>], vector<16xf32>,
      %gather3A_200 = tpu.vector_load_idx %arg13[%add3A_137, %and3A_198] : memref<256x64xf32, #tpu.memory_space<vmem>>[vector<16xi32>, vector<16xi32>], vector<16xf32>,
      %mul3A_201 = arith.mulf %gather3A_199, %gather3A_200 : vector<16xf32>
      %add3A_202 = arith.addf %add3A_192, %mul3A_201 : vector<16xf32>
      %add3A_203 = arith.constant 7 : i32
      %add3A_204 = vector.broadcast %add3A_203 : i32 to vector<16xi32>
      %add3A_205 = arith.addi %iota3A, %add3A_204 : vector<16xi32>
      %and3A_206 = arith.constant 63 : i32
      %and3A_207 = vector.broadcast %and3A_206 : i32 to vector<16xi32>
      %and3A_208 = arith.andi %add3A_205, %and3A_207 : vector<16xi32>
      %gather3A_209 = tpu.vector_load_idx %arg12[%add3A_137, %and3A_208] : memref<256x64xf32, #tpu.memory_space<vmem>>[vector<16xi32>, vector<16xi32>], vector<16xf32>,
      %gather3A_210 = tpu.vector_load_idx %arg13[%add3A_137, %and3A_208] : memref<256x64xf32, #tpu.memory_space<vmem>>[vector<16xi32>, vector<16xi32>], vector<16xf32>,
      %mul3A_211 = arith.mulf %gather3A_209, %gather3A_210 : vector<16xf32>
      %add3A_212 = arith.addf %add3A_202, %mul3A_211 : vector<16xf32>
      %add3A_213 = arith.constant 8 : i32
      %add3A_214 = vector.broadcast %add3A_213 : i32 to vector<16xi32>
      %add3A_215 = arith.addi %iota3A, %add3A_214 : vector<16xi32>
      %and3A_216 = arith.constant 63 : i32
      %and3A_217 = vector.broadcast %and3A_216 : i32 to vector<16xi32>
      %and3A_218 = arith.andi %add3A_215, %and3A_217 : vector<16xi32>
      %gather3A_219 = tpu.vector_load_idx %arg12[%add3A_137, %and3A_218] : memref<256x64xf32, #tpu.memory_space<vmem>>[vector<16xi32>, vector<16xi32>], vector<16xf32>,
      %gather3A_220 = tpu.vector_load_idx %arg13[%add3A_137, %and3A_218] : memref<256x64xf32, #tpu.memory_space<vmem>>[vector<16xi32>, vector<16xi32>], vector<16xf32>,
      %mul3A_221 = arith.mulf %gather3A_219, %gather3A_220 : vector<16xf32>
      %add3A_222 = arith.addf %add3A_212, %mul3A_221 : vector<16xf32>
      %add3A_223 = arith.constant 9 : i32
      %add3A_224 = vector.broadcast %add3A_223 : i32 to vector<16xi32>
      %add3A_225 = arith.addi %iota3A, %add3A_224 : vector<16xi32>
      %and3A_226 = arith.constant 63 : i32
      %and3A_227 = vector.broadcast %and3A_226 : i32 to vector<16xi32>
      %and3A_228 = arith.andi %add3A_225, %and3A_227 : vector<16xi32>
      %gather3A_229 = tpu.vector_load_idx %arg12[%add3A_137, %and3A_228] : memref<256x64xf32, #tpu.memory_space<vmem>>[vector<16xi32>, vector<16xi32>], vector<16xf32>,
      %gather3A_230 = tpu.vector_load_idx %arg13[%add3A_137, %and3A_228] : memref<256x64xf32, #tpu.memory_space<vmem>>[vector<16xi32>, vector<16xi32>], vector<16xf32>,
      %mul3A_231 = arith.mulf %gather3A_229, %gather3A_230 : vector<16xf32>
      %add3A_232 = arith.addf %add3A_222, %mul3A_231 : vector<16xf32>
      %add3A_233 = arith.constant 10 : i32
      %add3A_234 = vector.broadcast %add3A_233 : i32 to vector<16xi32>
      %add3A_235 = arith.addi %iota3A, %add3A_234 : vector<16xi32>
      %and3A_236 = arith.constant 63 : i32
      %and3A_237 = vector.broadcast %and3A_236 : i32 to vector<16xi32>
      %and3A_238 = arith.andi %add3A_235, %and3A_237 : vector<16xi32>
      %gather3A_239 = tpu.vector_load_idx %arg12[%add3A_137, %and3A_238] : memref<256x64xf32, #tpu.memory_space<vmem>>[vector<16xi32>, vector<16xi32>], vector<16xf32>,
      %gather3A_240 = tpu.vector_load_idx %arg13[%add3A_137, %and3A_238] : memref<256x64xf32, #tpu.memory_space<vmem>>[vector<16xi32>, vector<16xi32>], vector<16xf32>,
      %mul3A_241 = arith.mulf %gather3A_239, %gather3A_240 : vector<16xf32>
      %add3A_242 = arith.addf %add3A_232, %mul3A_241 : vector<16xf32>
      %add3A_243 = arith.constant 11 : i32
      %add3A_244 = vector.broadcast %add3A_243 : i32 to vector<16xi32>
      %add3A_245 = arith.addi %iota3A, %add3A_244 : vector<16xi32>
      %and3A_246 = arith.constant 63 : i32
      %and3A_247 = vector.broadcast %and3A_246 : i32 to vector<16xi32>
      %and3A_248 = arith.andi %add3A_245, %and3A_247 : vector<16xi32>
      %gather3A_249 = tpu.vector_load_idx %arg12[%add3A_137, %and3A_248] : memref<256x64xf32, #tpu.memory_space<vmem>>[vector<16xi32>, vector<16xi32>], vector<16xf32>,
      %gather3A_250 = tpu.vector_load_idx %arg13[%add3A_137, %and3A_248] : memref<256x64xf32, #tpu.memory_space<vmem>>[vector<16xi32>, vector<16xi32>], vector<16xf32>,
      %mul3A_251 = arith.mulf %gather3A_249, %gather3A_250 : vector<16xf32>
      %add3A_252 = arith.addf %add3A_242, %mul3A_251 : vector<16xf32>
      %add3A_253 = arith.constant 12 : i32
      %add3A_254 = vector.broadcast %add3A_253 : i32 to vector<16xi32>
      %add3A_255 = arith.addi %iota3A, %add3A_254 : vector<16xi32>
      %and3A_256 = arith.constant 63 : i32
      %and3A_257 = vector.broadcast %and3A_256 : i32 to vector<16xi32>
      %and3A_258 = arith.andi %add3A_255, %and3A_257 : vector<16xi32>
      %gather3A_259 = tpu.vector_load_idx %arg12[%add3A_137, %and3A_258] : memref<256x64xf32, #tpu.memory_space<vmem>>[vector<16xi32>, vector<16xi32>], vector<16xf32>,
      %gather3A_260 = tpu.vector_load_idx %arg13[%add3A_137, %and3A_258] : memref<256x64xf32, #tpu.memory_space<vmem>>[vector<16xi32>, vector<16xi32>], vector<16xf32>,
      %mul3A_261 = arith.mulf %gather3A_259, %gather3A_260 : vector<16xf32>
      %add3A_262 = arith.addf %add3A_252, %mul3A_261 : vector<16xf32>
      %add3A_263 = arith.constant 13 : i32
      %add3A_264 = vector.broadcast %add3A_263 : i32 to vector<16xi32>
      %add3A_265 = arith.addi %iota3A, %add3A_264 : vector<16xi32>
      %and3A_266 = arith.constant 63 : i32
      %and3A_267 = vector.broadcast %and3A_266 : i32 to vector<16xi32>
      %and3A_268 = arith.andi %add3A_265, %and3A_267 : vector<16xi32>
      %gather3A_269 = tpu.vector_load_idx %arg12[%add3A_137, %and3A_268] : memref<256x64xf32, #tpu.memory_space<vmem>>[vector<16xi32>, vector<16xi32>], vector<16xf32>,
      %gather3A_270 = tpu.vector_load_idx %arg13[%add3A_137, %and3A_268] : memref<256x64xf32, #tpu.memory_space<vmem>>[vector<16xi32>, vector<16xi32>], vector<16xf32>,
      %mul3A_271 = arith.mulf %gather3A_269, %gather3A_270 : vector<16xf32>
      %add3A_272 = arith.addf %add3A_262, %mul3A_271 : vector<16xf32>
      %add3A_273 = arith.constant 14 : i32
      %add3A_274 = vector.broadcast %add3A_273 : i32 to vector<16xi32>
      %add3A_275 = arith.addi %iota3A, %add3A_274 : vector<16xi32>
      %and3A_276 = arith.constant 63 : i32
      %and3A_277 = vector.broadcast %and3A_276 : i32 to vector<16xi32>
      %and3A_278 = arith.andi %add3A_275, %and3A_277 : vector<16xi32>
      %gather3A_279 = tpu.vector_load_idx %arg12[%add3A_137, %and3A_278] : memref<256x64xf32, #tpu.memory_space<vmem>>[vector<16xi32>, vector<16xi32>], vector<16xf32>,
      %gather3A_280 = tpu.vector_load_idx %arg13[%add3A_137, %and3A_278] : memref<256x64xf32, #tpu.memory_space<vmem>>[vector<16xi32>, vector<16xi32>], vector<16xf32>,
      %mul3A_281 = arith.mulf %gather3A_279, %gather3A_280 : vector<16xf32>
      %add3A_282 = arith.addf %add3A_272, %mul3A_281 : vector<16xf32>
      %add3A_283 = arith.constant 15 : i32
      %add3A_284 = vector.broadcast %add3A_283 : i32 to vector<16xi32>
      %add3A_285 = arith.addi %iota3A, %add3A_284 : vector<16xi32>
      %and3A_286 = arith.constant 63 : i32
      %and3A_287 = vector.broadcast %and3A_286 : i32 to vector<16xi32>
      %and3A_288 = arith.andi %add3A_285, %and3A_287 : vector<16xi32>
      %gather3A_289 = tpu.vector_load_idx %arg12[%add3A_137, %and3A_288] : memref<256x64xf32, #tpu.memory_space<vmem>>[vector<16xi32>, vector<16xi32>], vector<16xf32>,
      %gather3A_290 = tpu.vector_load_idx %arg13[%add3A_137, %and3A_288] : memref<256x64xf32, #tpu.memory_space<vmem>>[vector<16xi32>, vector<16xi32>], vector<16xf32>,
      %mul3A_291 = arith.mulf %gather3A_289, %gather3A_290 : vector<16xf32>
      %add3A_292 = arith.addf %add3A_282, %mul3A_291 : vector<16xf32>
      %add3A_293 = arith.constant 16 : i32
      %add3A_294 = vector.broadcast %add3A_293 : i32 to vector<16xi32>
      %add3A_295 = arith.addi %iota3A, %add3A_294 : vector<16xi32>
      %and3A_296 = arith.constant 63 : i32
      %and3A_297 = vector.broadcast %and3A_296 : i32 to vector<16xi32>
      %and3A_298 = arith.andi %add3A_295, %and3A_297 : vector<16xi32>
      %gather3A_299 = tpu.vector_load_idx %arg12[%add3A_137, %and3A_298] : memref<256x64xf32, #tpu.memory_space<vmem>>[vector<16xi32>, vector<16xi32>], vector<16xf32>,
      %gather3A_300 = tpu.vector_load_idx %arg13[%add3A_137, %and3A_298] : memref<256x64xf32, #tpu.memory_space<vmem>>[vector<16xi32>, vector<16xi32>], vector<16xf32>,
      %mul3A_301 = arith.mulf %gather3A_299, %gather3A_300 : vector<16xf32>
      %add3A_302 = arith.addf %add3A_292, %mul3A_301 : vector<16xf32>
      %add3A_303 = arith.constant 17 : i32
      %add3A_304 = vector.broadcast %add3A_303 : i32 to vector<16xi32>
      %add3A_305 = arith.addi %iota3A, %add3A_304 : vector<16xi32>
      %and3A_306 = arith.constant 63 : i32
      %and3A_307 = vector.broadcast %and3A_306 : i32 to vector<16xi32>
      %and3A_308 = arith.andi %add3A_305, %and3A_307 : vector<16xi32>
      %gather3A_309 = tpu.vector_load_idx %arg12[%add3A_137, %and3A_308] : memref<256x64xf32, #tpu.memory_space<vmem>>[vector<16xi32>, vector<16xi32>], vector<16xf32>,
      %gather3A_310 = tpu.vector_load_idx %arg13[%add3A_137, %and3A_308] : memref<256x64xf32, #tpu.memory_space<vmem>>[vector<16xi32>, vector<16xi32>], vector<16xf32>,
      %mul3A_311 = arith.mulf %gather3A_309, %gather3A_310 : vector<16xf32>
      %add3A_312 = arith.addf %add3A_302, %mul3A_311 : vector<16xf32>
      %add3A_313 = arith.constant 18 : i32
      %add3A_314 = vector.broadcast %add3A_313 : i32 to vector<16xi32>
      %add3A_315 = arith.addi %iota3A, %add3A_314 : vector<16xi32>
      %and3A_316 = arith.constant 63 : i32
      %and3A_317 = vector.broadcast %and3A_316 : i32 to vector<16xi32>
      %and3A_318 = arith.andi %add3A_315, %and3A_317 : vector<16xi32>
      %gather3A_319 = tpu.vector_load_idx %arg12[%add3A_137, %and3A_318] : memref<256x64xf32, #tpu.memory_space<vmem>>[vector<16xi32>, vector<16xi32>], vector<16xf32>,
      %gather3A_320 = tpu.vector_load_idx %arg13[%add3A_137, %and3A_318] : memref<256x64xf32, #tpu.memory_space<vmem>>[vector<16xi32>, vector<16xi32>], vector<16xf32>,
      %mul3A_321 = arith.mulf %gather3A_319, %gather3A_320 : vector<16xf32>
      %add3A_322 = arith.addf %add3A_312, %mul3A_321 : vector<16xf32>
      %add3A_323 = arith.constant 19 : i32
      %add3A_324 = vector.broadcast %add3A_323 : i32 to vector<16xi32>
      %add3A_325 = arith.addi %iota3A, %add3A_324 : vector<16xi32>
      %and3A_326 = arith.constant 63 : i32
      %and3A_327 = vector.broadcast %and3A_326 : i32 to vector<16xi32>
      %and3A_328 = arith.andi %add3A_325, %and3A_327 : vector<16xi32>
      %gather3A_329 = tpu.vector_load_idx %arg12[%add3A_137, %and3A_328] : memref<256x64xf32, #tpu.memory_space<vmem>>[vector<16xi32>, vector<16xi32>], vector<16xf32>,
      %gather3A_330 = tpu.vector_load_idx %arg13[%add3A_137, %and3A_328] : memref<256x64xf32, #tpu.memory_space<vmem>>[vector<16xi32>, vector<16xi32>], vector<16xf32>,
      %mul3A_331 = arith.mulf %gather3A_329, %gather3A_330 : vector<16xf32>
      %add3A_332 = arith.addf %add3A_322, %mul3A_331 : vector<16xf32>
      %add3A_333 = arith.constant 20 : i32
      %add3A_334 = vector.broadcast %add3A_333 : i32 to vector<16xi32>
      %add3A_335 = arith.addi %iota3A, %add3A_334 : vector<16xi32>
      %and3A_336 = arith.constant 63 : i32
      %and3A_337 = vector.broadcast %and3A_336 : i32 to vector<16xi32>
      %and3A_338 = arith.andi %add3A_335, %and3A_337 : vector<16xi32>
      %gather3A_339 = tpu.vector_load_idx %arg12[%add3A_137, %and3A_338] : memref<256x64xf32, #tpu.memory_space<vmem>>[vector<16xi32>, vector<16xi32>], vector<16xf32>,
      %gather3A_340 = tpu.vector_load_idx %arg13[%add3A_137, %and3A_338] : memref<256x64xf32, #tpu.memory_space<vmem>>[vector<16xi32>, vector<16xi32>], vector<16xf32>,
      %mul3A_341 = arith.mulf %gather3A_339, %gather3A_340 : vector<16xf32>
      %add3A_342 = arith.addf %add3A_332, %mul3A_341 : vector<16xf32>
      %add3A_343 = arith.constant 21 : i32
      %add3A_344 = vector.broadcast %add3A_343 : i32 to vector<16xi32>
      %add3A_345 = arith.addi %iota3A, %add3A_344 : vector<16xi32>
      %and3A_346 = arith.constant 63 : i32
      %and3A_347 = vector.broadcast %and3A_346 : i32 to vector<16xi32>
      %and3A_348 = arith.andi %add3A_345, %and3A_347 : vector<16xi32>
      %gather3A_349 = tpu.vector_load_idx %arg12[%add3A_137, %and3A_348] : memref<256x64xf32, #tpu.memory_space<vmem>>[vector<16xi32>, vector<16xi32>], vector<16xf32>,
      %gather3A_350 = tpu.vector_load_idx %arg13[%add3A_137, %and3A_348] : memref<256x64xf32, #tpu.memory_space<vmem>>[vector<16xi32>, vector<16xi32>], vector<16xf32>,
      %mul3A_351 = arith.mulf %gather3A_349, %gather3A_350 : vector<16xf32>
      %add3A_352 = arith.addf %add3A_342, %mul3A_351 : vector<16xf32>
      %add3A_353 = arith.constant 22 : i32
      %add3A_354 = vector.broadcast %add3A_353 : i32 to vector<16xi32>
      %add3A_355 = arith.addi %iota3A, %add3A_354 : vector<16xi32>
      %and3A_356 = arith.constant 63 : i32
      %and3A_357 = vector.broadcast %and3A_356 : i32 to vector<16xi32>
      %and3A_358 = arith.andi %add3A_355, %and3A_357 : vector<16xi32>
      %gather3A_359 = tpu.vector_load_idx %arg12[%add3A_137, %and3A_358] : memref<256x64xf32, #tpu.memory_space<vmem>>[vector<16xi32>, vector<16xi32>], vector<16xf32>,
      %gather3A_360 = tpu.vector_load_idx %arg13[%add3A_137, %and3A_358] : memref<256x64xf32, #tpu.memory_space<vmem>>[vector<16xi32>, vector<16xi32>], vector<16xf32>,
      %mul3A_361 = arith.mulf %gather3A_359, %gather3A_360 : vector<16xf32>
      %add3A_362 = arith.addf %add3A_352, %mul3A_361 : vector<16xf32>
      %add3A_363 = arith.constant 23 : i32
      %add3A_364 = vector.broadcast %add3A_363 : i32 to vector<16xi32>
      %add3A_365 = arith.addi %iota3A, %add3A_364 : vector<16xi32>
      %and3A_366 = arith.constant 63 : i32
      %and3A_367 = vector.broadcast %and3A_366 : i32 to vector<16xi32>
      %and3A_368 = arith.andi %add3A_365, %and3A_367 : vector<16xi32>
      %gather3A_369 = tpu.vector_load_idx %arg12[%add3A_137, %and3A_368] : memref<256x64xf32, #tpu.memory_space<vmem>>[vector<16xi32>, vector<16xi32>], vector<16xf32>,
      %gather3A_370 = tpu.vector_load_idx %arg13[%add3A_137, %and3A_368] : memref<256x64xf32, #tpu.memory_space<vmem>>[vector<16xi32>, vector<16xi32>], vector<16xf32>,
      %mul3A_371 = arith.mulf %gather3A_369, %gather3A_370 : vector<16xf32>
      %add3A_372 = arith.addf %add3A_362, %mul3A_371 : vector<16xf32>
      %add3A_373 = arith.constant 24 : i32
      %add3A_374 = vector.broadcast %add3A_373 : i32 to vector<16xi32>
      %add3A_375 = arith.addi %iota3A, %add3A_374 : vector<16xi32>
      %and3A_376 = arith.constant 63 : i32
      %and3A_377 = vector.broadcast %and3A_376 : i32 to vector<16xi32>
      %and3A_378 = arith.andi %add3A_375, %and3A_377 : vector<16xi32>
      %gather3A_379 = tpu.vector_load_idx %arg12[%add3A_137, %and3A_378] : memref<256x64xf32, #tpu.memory_space<vmem>>[vector<16xi32>, vector<16xi32>], vector<16xf32>,
      %gather3A_380 = tpu.vector_load_idx %arg13[%add3A_137, %and3A_378] : memref<256x64xf32, #tpu.memory_space<vmem>>[vector<16xi32>, vector<16xi32>], vector<16xf32>,
      %mul3A_381 = arith.mulf %gather3A_379, %gather3A_380 : vector<16xf32>
      %add3A_382 = arith.addf %add3A_372, %mul3A_381 : vector<16xf32>
      %add3A_383 = arith.constant 25 : i32
      %add3A_384 = vector.broadcast %add3A_383 : i32 to vector<16xi32>
      %add3A_385 = arith.addi %iota3A, %add3A_384 : vector<16xi32>
      %and3A_386 = arith.constant 63 : i32
      %and3A_387 = vector.broadcast %and3A_386 : i32 to vector<16xi32>
      %and3A_388 = arith.andi %add3A_385, %and3A_387 : vector<16xi32>
      %gather3A_389 = tpu.vector_load_idx %arg12[%add3A_137, %and3A_388] : memref<256x64xf32, #tpu.memory_space<vmem>>[vector<16xi32>, vector<16xi32>], vector<16xf32>,
      %gather3A_390 = tpu.vector_load_idx %arg13[%add3A_137, %and3A_388] : memref<256x64xf32, #tpu.memory_space<vmem>>[vector<16xi32>, vector<16xi32>], vector<16xf32>,
      %mul3A_391 = arith.mulf %gather3A_389, %gather3A_390 : vector<16xf32>
      %add3A_392 = arith.addf %add3A_382, %mul3A_391 : vector<16xf32>
      %add3A_393 = arith.constant 26 : i32
      %add3A_394 = vector.broadcast %add3A_393 : i32 to vector<16xi32>
      %add3A_395 = arith.addi %iota3A, %add3A_394 : vector<16xi32>
      %and3A_396 = arith.constant 63 : i32
      %and3A_397 = vector.broadcast %and3A_396 : i32 to vector<16xi32>
      %and3A_398 = arith.andi %add3A_395, %and3A_397 : vector<16xi32>
      %gather3A_399 = tpu.vector_load_idx %arg12[%add3A_137, %and3A_398] : memref<256x64xf32, #tpu.memory_space<vmem>>[vector<16xi32>, vector<16xi32>], vector<16xf32>,
      %gather3A_400 = tpu.vector_load_idx %arg13[%add3A_137, %and3A_398] : memref<256x64xf32, #tpu.memory_space<vmem>>[vector<16xi32>, vector<16xi32>], vector<16xf32>,
      %mul3A_401 = arith.mulf %gather3A_399, %gather3A_400 : vector<16xf32>
      %add3A_402 = arith.addf %add3A_392, %mul3A_401 : vector<16xf32>
      %add3A_403 = arith.constant 27 : i32
      %add3A_404 = vector.broadcast %add3A_403 : i32 to vector<16xi32>
      %add3A_405 = arith.addi %iota3A, %add3A_404 : vector<16xi32>
      %and3A_406 = arith.constant 63 : i32
      %and3A_407 = vector.broadcast %and3A_406 : i32 to vector<16xi32>
      %and3A_408 = arith.andi %add3A_405, %and3A_407 : vector<16xi32>
      %gather3A_409 = tpu.vector_load_idx %arg12[%add3A_137, %and3A_408] : memref<256x64xf32, #tpu.memory_space<vmem>>[vector<16xi32>, vector<16xi32>], vector<16xf32>,
      %gather3A_410 = tpu.vector_load_idx %arg13[%add3A_137, %and3A_408] : memref<256x64xf32, #tpu.memory_space<vmem>>[vector<16xi32>, vector<16xi32>], vector<16xf32>,
      %mul3A_411 = arith.mulf %gather3A_409, %gather3A_410 : vector<16xf32>
      %add3A_412 = arith.addf %add3A_402, %mul3A_411 : vector<16xf32>
      %add3A_413 = arith.constant 28 : i32
      %add3A_414 = vector.broadcast %add3A_413 : i32 to vector<16xi32>
      %add3A_415 = arith.addi %iota3A, %add3A_414 : vector<16xi32>
      %and3A_416 = arith.constant 63 : i32
      %and3A_417 = vector.broadcast %and3A_416 : i32 to vector<16xi32>
      %and3A_418 = arith.andi %add3A_415, %and3A_417 : vector<16xi32>
      %gather3A_419 = tpu.vector_load_idx %arg12[%add3A_137, %and3A_418] : memref<256x64xf32, #tpu.memory_space<vmem>>[vector<16xi32>, vector<16xi32>], vector<16xf32>,
      %gather3A_420 = tpu.vector_load_idx %arg13[%add3A_137, %and3A_418] : memref<256x64xf32, #tpu.memory_space<vmem>>[vector<16xi32>, vector<16xi32>], vector<16xf32>,
      %mul3A_421 = arith.mulf %gather3A_419, %gather3A_420 : vector<16xf32>
      %add3A_422 = arith.addf %add3A_412, %mul3A_421 : vector<16xf32>
      %add3A_423 = arith.constant 29 : i32
      %add3A_424 = vector.broadcast %add3A_423 : i32 to vector<16xi32>
      %add3A_425 = arith.addi %iota3A, %add3A_424 : vector<16xi32>
      %and3A_426 = arith.constant 63 : i32
      %and3A_427 = vector.broadcast %and3A_426 : i32 to vector<16xi32>
      %and3A_428 = arith.andi %add3A_425, %and3A_427 : vector<16xi32>
      %gather3A_429 = tpu.vector_load_idx %arg12[%add3A_137, %and3A_428] : memref<256x64xf32, #tpu.memory_space<vmem>>[vector<16xi32>, vector<16xi32>], vector<16xf32>,
      %gather3A_430 = tpu.vector_load_idx %arg13[%add3A_137, %and3A_428] : memref<256x64xf32, #tpu.memory_space<vmem>>[vector<16xi32>, vector<16xi32>], vector<16xf32>,
      %mul3A_431 = arith.mulf %gather3A_429, %gather3A_430 : vector<16xf32>
      %add3A_432 = arith.addf %add3A_422, %mul3A_431 : vector<16xf32>
      %add3A_433 = arith.constant 30 : i32
      %add3A_434 = vector.broadcast %add3A_433 : i32 to vector<16xi32>
      %add3A_435 = arith.addi %iota3A, %add3A_434 : vector<16xi32>
      %and3A_436 = arith.constant 63 : i32
      %and3A_437 = vector.broadcast %and3A_436 : i32 to vector<16xi32>
      %and3A_438 = arith.andi %add3A_435, %and3A_437 : vector<16xi32>
      %gather3A_439 = tpu.vector_load_idx %arg12[%add3A_137, %and3A_438] : memref<256x64xf32, #tpu.memory_space<vmem>>[vector<16xi32>, vector<16xi32>], vector<16xf32>,
      %gather3A_440 = tpu.vector_load_idx %arg13[%add3A_137, %and3A_438] : memref<256x64xf32, #tpu.memory_space<vmem>>[vector<16xi32>, vector<16xi32>], vector<16xf32>,
      %mul3A_441 = arith.mulf %gather3A_439, %gather3A_440 : vector<16xf32>
      %add3A_442 = arith.addf %add3A_432, %mul3A_441 : vector<16xf32>
      %add3A_443 = arith.constant 31 : i32
      %add3A_444 = vector.broadcast %add3A_443 : i32 to vector<16xi32>
      %add3A_445 = arith.addi %iota3A, %add3A_444 : vector<16xi32>
      %and3A_446 = arith.constant 63 : i32
      %and3A_447 = vector.broadcast %and3A_446 : i32 to vector<16xi32>
      %and3A_448 = arith.andi %add3A_445, %and3A_447 : vector<16xi32>
      %gather3A_449 = tpu.vector_load_idx %arg12[%add3A_137, %and3A_448] : memref<256x64xf32, #tpu.memory_space<vmem>>[vector<16xi32>, vector<16xi32>], vector<16xf32>,
      %gather3A_450 = tpu.vector_load_idx %arg13[%add3A_137, %and3A_448] : memref<256x64xf32, #tpu.memory_space<vmem>>[vector<16xi32>, vector<16xi32>], vector<16xf32>,
      %mul3A_451 = arith.mulf %gather3A_449, %gather3A_450 : vector<16xf32>
      %add3A_452 = arith.addf %add3A_442, %mul3A_451 : vector<16xf32>
      %add3A_453 = arith.constant 32 : i32
      %add3A_454 = vector.broadcast %add3A_453 : i32 to vector<16xi32>
      %add3A_455 = arith.addi %iota3A, %add3A_454 : vector<16xi32>
      %and3A_456 = arith.constant 63 : i32
      %and3A_457 = vector.broadcast %and3A_456 : i32 to vector<16xi32>
      %and3A_458 = arith.andi %add3A_455, %and3A_457 : vector<16xi32>
      %gather3A_459 = tpu.vector_load_idx %arg12[%add3A_137, %and3A_458] : memref<256x64xf32, #tpu.memory_space<vmem>>[vector<16xi32>, vector<16xi32>], vector<16xf32>,
      %gather3A_460 = tpu.vector_load_idx %arg13[%add3A_137, %and3A_458] : memref<256x64xf32, #tpu.memory_space<vmem>>[vector<16xi32>, vector<16xi32>], vector<16xf32>,
      %mul3A_461 = arith.mulf %gather3A_459, %gather3A_460 : vector<16xf32>
      %add3A_462 = arith.addf %add3A_452, %mul3A_461 : vector<16xf32>
      %add3A_463 = arith.constant 33 : i32
      %add3A_464 = vector.broadcast %add3A_463 : i32 to vector<16xi32>
      %add3A_465 = arith.addi %iota3A, %add3A_464 : vector<16xi32>
      %and3A_466 = arith.constant 63 : i32
      %and3A_467 = vector.broadcast %and3A_466 : i32 to vector<16xi32>
      %and3A_468 = arith.andi %add3A_465, %and3A_467 : vector<16xi32>
      %gather3A_469 = tpu.vector_load_idx %arg12[%add3A_137, %and3A_468] : memref<256x64xf32, #tpu.memory_space<vmem>>[vector<16xi32>, vector<16xi32>], vector<16xf32>,
      %gather3A_470 = tpu.vector_load_idx %arg13[%add3A_137, %and3A_468] : memref<256x64xf32, #tpu.memory_space<vmem>>[vector<16xi32>, vector<16xi32>], vector<16xf32>,
      %mul3A_471 = arith.mulf %gather3A_469, %gather3A_470 : vector<16xf32>
      %add3A_472 = arith.addf %add3A_462, %mul3A_471 : vector<16xf32>
      %add3A_473 = arith.constant 34 : i32
      %add3A_474 = vector.broadcast %add3A_473 : i32 to vector<16xi32>
      %add3A_475 = arith.addi %iota3A, %add3A_474 : vector<16xi32>
      %and3A_476 = arith.constant 63 : i32
      %and3A_477 = vector.broadcast %and3A_476 : i32 to vector<16xi32>
      %and3A_478 = arith.andi %add3A_475, %and3A_477 : vector<16xi32>
      %gather3A_479 = tpu.vector_load_idx %arg12[%add3A_137, %and3A_478] : memref<256x64xf32, #tpu.memory_space<vmem>>[vector<16xi32>, vector<16xi32>], vector<16xf32>,
      %gather3A_480 = tpu.vector_load_idx %arg13[%add3A_137, %and3A_478] : memref<256x64xf32, #tpu.memory_space<vmem>>[vector<16xi32>, vector<16xi32>], vector<16xf32>,
      %mul3A_481 = arith.mulf %gather3A_479, %gather3A_480 : vector<16xf32>
      %add3A_482 = arith.addf %add3A_472, %mul3A_481 : vector<16xf32>
      %add3A_483 = arith.constant 35 : i32
      %add3A_484 = vector.broadcast %add3A_483 : i32 to vector<16xi32>
      %add3A_485 = arith.addi %iota3A, %add3A_484 : vector<16xi32>
      %and3A_486 = arith.constant 63 : i32
      %and3A_487 = vector.broadcast %and3A_486 : i32 to vector<16xi32>
      %and3A_488 = arith.andi %add3A_485, %and3A_487 : vector<16xi32>
      %gather3A_489 = tpu.vector_load_idx %arg12[%add3A_137, %and3A_488] : memref<256x64xf32, #tpu.memory_space<vmem>>[vector<16xi32>, vector<16xi32>], vector<16xf32>,
      %gather3A_490 = tpu.vector_load_idx %arg13[%add3A_137, %and3A_488] : memref<256x64xf32, #tpu.memory_space<vmem>>[vector<16xi32>, vector<16xi32>], vector<16xf32>,
      %mul3A_491 = arith.mulf %gather3A_489, %gather3A_490 : vector<16xf32>
      %add3A_492 = arith.addf %add3A_482, %mul3A_491 : vector<16xf32>
      %add3A_493 = arith.constant 36 : i32
      %add3A_494 = vector.broadcast %add3A_493 : i32 to vector<16xi32>
      %add3A_495 = arith.addi %iota3A, %add3A_494 : vector<16xi32>
      %and3A_496 = arith.constant 63 : i32
      %and3A_497 = vector.broadcast %and3A_496 : i32 to vector<16xi32>
      %and3A_498 = arith.andi %add3A_495, %and3A_497 : vector<16xi32>
      %gather3A_499 = tpu.vector_load_idx %arg12[%add3A_137, %and3A_498] : memref<256x64xf32, #tpu.memory_space<vmem>>[vector<16xi32>, vector<16xi32>], vector<16xf32>,
      %gather3A_500 = tpu.vector_load_idx %arg13[%add3A_137, %and3A_498] : memref<256x64xf32, #tpu.memory_space<vmem>>[vector<16xi32>, vector<16xi32>], vector<16xf32>,
      %mul3A_501 = arith.mulf %gather3A_499, %gather3A_500 : vector<16xf32>
      %add3A_502 = arith.addf %add3A_492, %mul3A_501 : vector<16xf32>
      %add3A_503 = arith.constant 37 : i32
      %add3A_504 = vector.broadcast %add3A_503 : i32 to vector<16xi32>
      %add3A_505 = arith.addi %iota3A, %add3A_504 : vector<16xi32>
      %and3A_506 = arith.constant 63 : i32
      %and3A_507 = vector.broadcast %and3A_506 : i32 to vector<16xi32>
      %and3A_508 = arith.andi %add3A_505, %and3A_507 : vector<16xi32>
      %gather3A_509 = tpu.vector_load_idx %arg12[%add3A_137, %and3A_508] : memref<256x64xf32, #tpu.memory_space<vmem>>[vector<16xi32>, vector<16xi32>], vector<16xf32>,
      %gather3A_510 = tpu.vector_load_idx %arg13[%add3A_137, %and3A_508] : memref<256x64xf32, #tpu.memory_space<vmem>>[vector<16xi32>, vector<16xi32>], vector<16xf32>,
      %mul3A_511 = arith.mulf %gather3A_509, %gather3A_510 : vector<16xf32>
      %add3A_512 = arith.addf %add3A_502, %mul3A_511 : vector<16xf32>
      %add3A_513 = arith.constant 38 : i32
      %add3A_514 = vector.broadcast %add3A_513 : i32 to vector<16xi32>
      %add3A_515 = arith.addi %iota3A, %add3A_514 : vector<16xi32>
      %and3A_516 = arith.constant 63 : i32
      %and3A_517 = vector.broadcast %and3A_516 : i32 to vector<16xi32>
      %and3A_518 = arith.andi %add3A_515, %and3A_517 : vector<16xi32>
      %gather3A_519 = tpu.vector_load_idx %arg12[%add3A_137, %and3A_518] : memref<256x64xf32, #tpu.memory_space<vmem>>[vector<16xi32>, vector<16xi32>], vector<16xf32>,
      %gather3A_520 = tpu.vector_load_idx %arg13[%add3A_137, %and3A_518] : memref<256x64xf32, #tpu.memory_space<vmem>>[vector<16xi32>, vector<16xi32>], vector<16xf32>,
      %mul3A_521 = arith.mulf %gather3A_519, %gather3A_520 : vector<16xf32>
      %add3A_522 = arith.addf %add3A_512, %mul3A_521 : vector<16xf32>
      %add3A_523 = arith.constant 39 : i32
      %add3A_524 = vector.broadcast %add3A_523 : i32 to vector<16xi32>
      %add3A_525 = arith.addi %iota3A, %add3A_524 : vector<16xi32>
      %and3A_526 = arith.constant 63 : i32
      %and3A_527 = vector.broadcast %and3A_526 : i32 to vector<16xi32>
      %and3A_528 = arith.andi %add3A_525, %and3A_527 : vector<16xi32>
      %gather3A_529 = tpu.vector_load_idx %arg12[%add3A_137, %and3A_528] : memref<256x64xf32, #tpu.memory_space<vmem>>[vector<16xi32>, vector<16xi32>], vector<16xf32>,
      %gather3A_530 = tpu.vector_load_idx %arg13[%add3A_137, %and3A_528] : memref<256x64xf32, #tpu.memory_space<vmem>>[vector<16xi32>, vector<16xi32>], vector<16xf32>,
      %mul3A_531 = arith.mulf %gather3A_529, %gather3A_530 : vector<16xf32>
      %add3A_532 = arith.addf %add3A_522, %mul3A_531 : vector<16xf32>
      %add3A_533 = arith.constant 40 : i32
      %add3A_534 = vector.broadcast %add3A_533 : i32 to vector<16xi32>
      %add3A_535 = arith.addi %iota3A, %add3A_534 : vector<16xi32>
      %and3A_536 = arith.constant 63 : i32
      %and3A_537 = vector.broadcast %and3A_536 : i32 to vector<16xi32>
      %and3A_538 = arith.andi %add3A_535, %and3A_537 : vector<16xi32>
      %gather3A_539 = tpu.vector_load_idx %arg12[%add3A_137, %and3A_538] : memref<256x64xf32, #tpu.memory_space<vmem>>[vector<16xi32>, vector<16xi32>], vector<16xf32>,
      %gather3A_540 = tpu.vector_load_idx %arg13[%add3A_137, %and3A_538] : memref<256x64xf32, #tpu.memory_space<vmem>>[vector<16xi32>, vector<16xi32>], vector<16xf32>,
      %mul3A_541 = arith.mulf %gather3A_539, %gather3A_540 : vector<16xf32>
      %add3A_542 = arith.addf %add3A_532, %mul3A_541 : vector<16xf32>
      %add3A_543 = arith.constant 41 : i32
      %add3A_544 = vector.broadcast %add3A_543 : i32 to vector<16xi32>
      %add3A_545 = arith.addi %iota3A, %add3A_544 : vector<16xi32>
      %and3A_546 = arith.constant 63 : i32
      %and3A_547 = vector.broadcast %and3A_546 : i32 to vector<16xi32>
      %and3A_548 = arith.andi %add3A_545, %and3A_547 : vector<16xi32>
      %gather3A_549 = tpu.vector_load_idx %arg12[%add3A_137, %and3A_548] : memref<256x64xf32, #tpu.memory_space<vmem>>[vector<16xi32>, vector<16xi32>], vector<16xf32>,
      %gather3A_550 = tpu.vector_load_idx %arg13[%add3A_137, %and3A_548] : memref<256x64xf32, #tpu.memory_space<vmem>>[vector<16xi32>, vector<16xi32>], vector<16xf32>,
      %mul3A_551 = arith.mulf %gather3A_549, %gather3A_550 : vector<16xf32>
      %add3A_552 = arith.addf %add3A_542, %mul3A_551 : vector<16xf32>
      %add3A_553 = arith.constant 42 : i32
      %add3A_554 = vector.broadcast %add3A_553 : i32 to vector<16xi32>
      %add3A_555 = arith.addi %iota3A, %add3A_554 : vector<16xi32>
      %and3A_556 = arith.constant 63 : i32
      %and3A_557 = vector.broadcast %and3A_556 : i32 to vector<16xi32>
      %and3A_558 = arith.andi %add3A_555, %and3A_557 : vector<16xi32>
      %gather3A_559 = tpu.vector_load_idx %arg12[%add3A_137, %and3A_558] : memref<256x64xf32, #tpu.memory_space<vmem>>[vector<16xi32>, vector<16xi32>], vector<16xf32>,
      %gather3A_560 = tpu.vector_load_idx %arg13[%add3A_137, %and3A_558] : memref<256x64xf32, #tpu.memory_space<vmem>>[vector<16xi32>, vector<16xi32>], vector<16xf32>,
      %mul3A_561 = arith.mulf %gather3A_559, %gather3A_560 : vector<16xf32>
      %add3A_562 = arith.addf %add3A_552, %mul3A_561 : vector<16xf32>
      %add3A_563 = arith.constant 43 : i32
      %add3A_564 = vector.broadcast %add3A_563 : i32 to vector<16xi32>
      %add3A_565 = arith.addi %iota3A, %add3A_564 : vector<16xi32>
      %and3A_566 = arith.constant 63 : i32
      %and3A_567 = vector.broadcast %and3A_566 : i32 to vector<16xi32>
      %and3A_568 = arith.andi %add3A_565, %and3A_567 : vector<16xi32>
      %gather3A_569 = tpu.vector_load_idx %arg12[%add3A_137, %and3A_568] : memref<256x64xf32, #tpu.memory_space<vmem>>[vector<16xi32>, vector<16xi32>], vector<16xf32>,
      %gather3A_570 = tpu.vector_load_idx %arg13[%add3A_137, %and3A_568] : memref<256x64xf32, #tpu.memory_space<vmem>>[vector<16xi32>, vector<16xi32>], vector<16xf32>,
      %mul3A_571 = arith.mulf %gather3A_569, %gather3A_570 : vector<16xf32>
      %add3A_572 = arith.addf %add3A_562, %mul3A_571 : vector<16xf32>
      %add3A_573 = arith.constant 44 : i32
      %add3A_574 = vector.broadcast %add3A_573 : i32 to vector<16xi32>
      %add3A_575 = arith.addi %iota3A, %add3A_574 : vector<16xi32>
      %and3A_576 = arith.constant 63 : i32
      %and3A_577 = vector.broadcast %and3A_576 : i32 to vector<16xi32>
      %and3A_578 = arith.andi %add3A_575, %and3A_577 : vector<16xi32>
      %gather3A_579 = tpu.vector_load_idx %arg12[%add3A_137, %and3A_578] : memref<256x64xf32, #tpu.memory_space<vmem>>[vector<16xi32>, vector<16xi32>], vector<16xf32>,
      %gather3A_580 = tpu.vector_load_idx %arg13[%add3A_137, %and3A_578] : memref<256x64xf32, #tpu.memory_space<vmem>>[vector<16xi32>, vector<16xi32>], vector<16xf32>,
      %mul3A_581 = arith.mulf %gather3A_579, %gather3A_580 : vector<16xf32>
      %add3A_582 = arith.addf %add3A_572, %mul3A_581 : vector<16xf32>
      %add3A_583 = arith.constant 45 : i32
      %add3A_584 = vector.broadcast %add3A_583 : i32 to vector<16xi32>
      %add3A_585 = arith.addi %iota3A, %add3A_584 : vector<16xi32>
      %and3A_586 = arith.constant 63 : i32
      %and3A_587 = vector.broadcast %and3A_586 : i32 to vector<16xi32>
      %and3A_588 = arith.andi %add3A_585, %and3A_587 : vector<16xi32>
      %gather3A_589 = tpu.vector_load_idx %arg12[%add3A_137, %and3A_588] : memref<256x64xf32, #tpu.memory_space<vmem>>[vector<16xi32>, vector<16xi32>], vector<16xf32>,
      %gather3A_590 = tpu.vector_load_idx %arg13[%add3A_137, %and3A_588] : memref<256x64xf32, #tpu.memory_space<vmem>>[vector<16xi32>, vector<16xi32>], vector<16xf32>,
      %mul3A_591 = arith.mulf %gather3A_589, %gather3A_590 : vector<16xf32>
      %add3A_592 = arith.addf %add3A_582, %mul3A_591 : vector<16xf32>
      %add3A_593 = arith.constant 46 : i32
      %add3A_594 = vector.broadcast %add3A_593 : i32 to vector<16xi32>
      %add3A_595 = arith.addi %iota3A, %add3A_594 : vector<16xi32>
      %and3A_596 = arith.constant 63 : i32
      %and3A_597 = vector.broadcast %and3A_596 : i32 to vector<16xi32>
      %and3A_598 = arith.andi %add3A_595, %and3A_597 : vector<16xi32>
      %gather3A_599 = tpu.vector_load_idx %arg12[%add3A_137, %and3A_598] : memref<256x64xf32, #tpu.memory_space<vmem>>[vector<16xi32>, vector<16xi32>], vector<16xf32>,
      %gather3A_600 = tpu.vector_load_idx %arg13[%add3A_137, %and3A_598] : memref<256x64xf32, #tpu.memory_space<vmem>>[vector<16xi32>, vector<16xi32>], vector<16xf32>,
      %mul3A_601 = arith.mulf %gather3A_599, %gather3A_600 : vector<16xf32>
      %add3A_602 = arith.addf %add3A_592, %mul3A_601 : vector<16xf32>
      %add3A_603 = arith.constant 47 : i32
      %add3A_604 = vector.broadcast %add3A_603 : i32 to vector<16xi32>
      %add3A_605 = arith.addi %iota3A, %add3A_604 : vector<16xi32>
      %and3A_606 = arith.constant 63 : i32
      %and3A_607 = vector.broadcast %and3A_606 : i32 to vector<16xi32>
      %and3A_608 = arith.andi %add3A_605, %and3A_607 : vector<16xi32>
      %gather3A_609 = tpu.vector_load_idx %arg12[%add3A_137, %and3A_608] : memref<256x64xf32, #tpu.memory_space<vmem>>[vector<16xi32>, vector<16xi32>], vector<16xf32>,
      %gather3A_610 = tpu.vector_load_idx %arg13[%add3A_137, %and3A_608] : memref<256x64xf32, #tpu.memory_space<vmem>>[vector<16xi32>, vector<16xi32>], vector<16xf32>,
      %mul3A_611 = arith.mulf %gather3A_609, %gather3A_610 : vector<16xf32>
      %add3A_612 = arith.addf %add3A_602, %mul3A_611 : vector<16xf32>
      %add3A_613 = arith.constant 48 : i32
      %add3A_614 = vector.broadcast %add3A_613 : i32 to vector<16xi32>
      %add3A_615 = arith.addi %iota3A, %add3A_614 : vector<16xi32>
      %and3A_616 = arith.constant 63 : i32
      %and3A_617 = vector.broadcast %and3A_616 : i32 to vector<16xi32>
      %and3A_618 = arith.andi %add3A_615, %and3A_617 : vector<16xi32>
      %gather3A_619 = tpu.vector_load_idx %arg12[%add3A_137, %and3A_618] : memref<256x64xf32, #tpu.memory_space<vmem>>[vector<16xi32>, vector<16xi32>], vector<16xf32>,
      %gather3A_620 = tpu.vector_load_idx %arg13[%add3A_137, %and3A_618] : memref<256x64xf32, #tpu.memory_space<vmem>>[vector<16xi32>, vector<16xi32>], vector<16xf32>,
      %mul3A_621 = arith.mulf %gather3A_619, %gather3A_620 : vector<16xf32>
      %add3A_622 = arith.addf %add3A_612, %mul3A_621 : vector<16xf32>
      %add3A_623 = arith.constant 49 : i32
      %add3A_624 = vector.broadcast %add3A_623 : i32 to vector<16xi32>
      %add3A_625 = arith.addi %iota3A, %add3A_624 : vector<16xi32>
      %and3A_626 = arith.constant 63 : i32
      %and3A_627 = vector.broadcast %and3A_626 : i32 to vector<16xi32>
      %and3A_628 = arith.andi %add3A_625, %and3A_627 : vector<16xi32>
      %gather3A_629 = tpu.vector_load_idx %arg12[%add3A_137, %and3A_628] : memref<256x64xf32, #tpu.memory_space<vmem>>[vector<16xi32>, vector<16xi32>], vector<16xf32>,
      %gather3A_630 = tpu.vector_load_idx %arg13[%add3A_137, %and3A_628] : memref<256x64xf32, #tpu.memory_space<vmem>>[vector<16xi32>, vector<16xi32>], vector<16xf32>,
      %mul3A_631 = arith.mulf %gather3A_629, %gather3A_630 : vector<16xf32>
      %add3A_632 = arith.addf %add3A_622, %mul3A_631 : vector<16xf32>
      %add3A_633 = arith.constant 50 : i32
      %add3A_634 = vector.broadcast %add3A_633 : i32 to vector<16xi32>
      %add3A_635 = arith.addi %iota3A, %add3A_634 : vector<16xi32>
      %and3A_636 = arith.constant 63 : i32
      %and3A_637 = vector.broadcast %and3A_636 : i32 to vector<16xi32>
      %and3A_638 = arith.andi %add3A_635, %and3A_637 : vector<16xi32>
      %gather3A_639 = tpu.vector_load_idx %arg12[%add3A_137, %and3A_638] : memref<256x64xf32, #tpu.memory_space<vmem>>[vector<16xi32>, vector<16xi32>], vector<16xf32>,
      %gather3A_640 = tpu.vector_load_idx %arg13[%add3A_137, %and3A_638] : memref<256x64xf32, #tpu.memory_space<vmem>>[vector<16xi32>, vector<16xi32>], vector<16xf32>,
      %mul3A_641 = arith.mulf %gather3A_639, %gather3A_640 : vector<16xf32>
      %add3A_642 = arith.addf %add3A_632, %mul3A_641 : vector<16xf32>
      %add3A_643 = arith.constant 51 : i32
      %add3A_644 = vector.broadcast %add3A_643 : i32 to vector<16xi32>
      %add3A_645 = arith.addi %iota3A, %add3A_644 : vector<16xi32>
      %and3A_646 = arith.constant 63 : i32
      %and3A_647 = vector.broadcast %and3A_646 : i32 to vector<16xi32>
      %and3A_648 = arith.andi %add3A_645, %and3A_647 : vector<16xi32>
      %gather3A_649 = tpu.vector_load_idx %arg12[%add3A_137, %and3A_648] : memref<256x64xf32, #tpu.memory_space<vmem>>[vector<16xi32>, vector<16xi32>], vector<16xf32>,
      %gather3A_650 = tpu.vector_load_idx %arg13[%add3A_137, %and3A_648] : memref<256x64xf32, #tpu.memory_space<vmem>>[vector<16xi32>, vector<16xi32>], vector<16xf32>,
      %mul3A_651 = arith.mulf %gather3A_649, %gather3A_650 : vector<16xf32>
      %add3A_652 = arith.addf %add3A_642, %mul3A_651 : vector<16xf32>
      %add3A_653 = arith.constant 52 : i32
      %add3A_654 = vector.broadcast %add3A_653 : i32 to vector<16xi32>
      %add3A_655 = arith.addi %iota3A, %add3A_654 : vector<16xi32>
      %and3A_656 = arith.constant 63 : i32
      %and3A_657 = vector.broadcast %and3A_656 : i32 to vector<16xi32>
      %and3A_658 = arith.andi %add3A_655, %and3A_657 : vector<16xi32>
      %gather3A_659 = tpu.vector_load_idx %arg12[%add3A_137, %and3A_658] : memref<256x64xf32, #tpu.memory_space<vmem>>[vector<16xi32>, vector<16xi32>], vector<16xf32>,
      %gather3A_660 = tpu.vector_load_idx %arg13[%add3A_137, %and3A_658] : memref<256x64xf32, #tpu.memory_space<vmem>>[vector<16xi32>, vector<16xi32>], vector<16xf32>,
      %mul3A_661 = arith.mulf %gather3A_659, %gather3A_660 : vector<16xf32>
      %add3A_662 = arith.addf %add3A_652, %mul3A_661 : vector<16xf32>
      %add3A_663 = arith.constant 53 : i32
      %add3A_664 = vector.broadcast %add3A_663 : i32 to vector<16xi32>
      %add3A_665 = arith.addi %iota3A, %add3A_664 : vector<16xi32>
      %and3A_666 = arith.constant 63 : i32
      %and3A_667 = vector.broadcast %and3A_666 : i32 to vector<16xi32>
      %and3A_668 = arith.andi %add3A_665, %and3A_667 : vector<16xi32>
      %gather3A_669 = tpu.vector_load_idx %arg12[%add3A_137, %and3A_668] : memref<256x64xf32, #tpu.memory_space<vmem>>[vector<16xi32>, vector<16xi32>], vector<16xf32>,
      %gather3A_670 = tpu.vector_load_idx %arg13[%add3A_137, %and3A_668] : memref<256x64xf32, #tpu.memory_space<vmem>>[vector<16xi32>, vector<16xi32>], vector<16xf32>,
      %mul3A_671 = arith.mulf %gather3A_669, %gather3A_670 : vector<16xf32>
      %add3A_672 = arith.addf %add3A_662, %mul3A_671 : vector<16xf32>
      %add3A_673 = arith.constant 54 : i32
      %add3A_674 = vector.broadcast %add3A_673 : i32 to vector<16xi32>
      %add3A_675 = arith.addi %iota3A, %add3A_674 : vector<16xi32>
      %and3A_676 = arith.constant 63 : i32
      %and3A_677 = vector.broadcast %and3A_676 : i32 to vector<16xi32>
      %and3A_678 = arith.andi %add3A_675, %and3A_677 : vector<16xi32>
      %gather3A_679 = tpu.vector_load_idx %arg12[%add3A_137, %and3A_678] : memref<256x64xf32, #tpu.memory_space<vmem>>[vector<16xi32>, vector<16xi32>], vector<16xf32>,
      %gather3A_680 = tpu.vector_load_idx %arg13[%add3A_137, %and3A_678] : memref<256x64xf32, #tpu.memory_space<vmem>>[vector<16xi32>, vector<16xi32>], vector<16xf32>,
      %mul3A_681 = arith.mulf %gather3A_679, %gather3A_680 : vector<16xf32>
      %add3A_682 = arith.addf %add3A_672, %mul3A_681 : vector<16xf32>
      %add3A_683 = arith.constant 55 : i32
      %add3A_684 = vector.broadcast %add3A_683 : i32 to vector<16xi32>
      %add3A_685 = arith.addi %iota3A, %add3A_684 : vector<16xi32>
      %and3A_686 = arith.constant 63 : i32
      %and3A_687 = vector.broadcast %and3A_686 : i32 to vector<16xi32>
      %and3A_688 = arith.andi %add3A_685, %and3A_687 : vector<16xi32>
      %gather3A_689 = tpu.vector_load_idx %arg12[%add3A_137, %and3A_688] : memref<256x64xf32, #tpu.memory_space<vmem>>[vector<16xi32>, vector<16xi32>], vector<16xf32>,
      %gather3A_690 = tpu.vector_load_idx %arg13[%add3A_137, %and3A_688] : memref<256x64xf32, #tpu.memory_space<vmem>>[vector<16xi32>, vector<16xi32>], vector<16xf32>,
      %mul3A_691 = arith.mulf %gather3A_689, %gather3A_690 : vector<16xf32>
      %add3A_692 = arith.addf %add3A_682, %mul3A_691 : vector<16xf32>
      %add3A_693 = arith.constant 56 : i32
      %add3A_694 = vector.broadcast %add3A_693 : i32 to vector<16xi32>
      %add3A_695 = arith.addi %iota3A, %add3A_694 : vector<16xi32>
      %and3A_696 = arith.constant 63 : i32
      %and3A_697 = vector.broadcast %and3A_696 : i32 to vector<16xi32>
      %and3A_698 = arith.andi %add3A_695, %and3A_697 : vector<16xi32>
      %gather3A_699 = tpu.vector_load_idx %arg12[%add3A_137, %and3A_698] : memref<256x64xf32, #tpu.memory_space<vmem>>[vector<16xi32>, vector<16xi32>], vector<16xf32>,
      %gather3A_700 = tpu.vector_load_idx %arg13[%add3A_137, %and3A_698] : memref<256x64xf32, #tpu.memory_space<vmem>>[vector<16xi32>, vector<16xi32>], vector<16xf32>,
      %mul3A_701 = arith.mulf %gather3A_699, %gather3A_700 : vector<16xf32>
      %add3A_702 = arith.addf %add3A_692, %mul3A_701 : vector<16xf32>
      %add3A_703 = arith.constant 57 : i32
      %add3A_704 = vector.broadcast %add3A_703 : i32 to vector<16xi32>
      %add3A_705 = arith.addi %iota3A, %add3A_704 : vector<16xi32>
      %and3A_706 = arith.constant 63 : i32
      %and3A_707 = vector.broadcast %and3A_706 : i32 to vector<16xi32>
      %and3A_708 = arith.andi %add3A_705, %and3A_707 : vector<16xi32>
      %gather3A_709 = tpu.vector_load_idx %arg12[%add3A_137, %and3A_708] : memref<256x64xf32, #tpu.memory_space<vmem>>[vector<16xi32>, vector<16xi32>], vector<16xf32>,
      %gather3A_710 = tpu.vector_load_idx %arg13[%add3A_137, %and3A_708] : memref<256x64xf32, #tpu.memory_space<vmem>>[vector<16xi32>, vector<16xi32>], vector<16xf32>,
      %mul3A_711 = arith.mulf %gather3A_709, %gather3A_710 : vector<16xf32>
      %add3A_712 = arith.addf %add3A_702, %mul3A_711 : vector<16xf32>
      %add3A_713 = arith.constant 58 : i32
      %add3A_714 = vector.broadcast %add3A_713 : i32 to vector<16xi32>
      %add3A_715 = arith.addi %iota3A, %add3A_714 : vector<16xi32>
      %and3A_716 = arith.constant 63 : i32
      %and3A_717 = vector.broadcast %and3A_716 : i32 to vector<16xi32>
      %and3A_718 = arith.andi %add3A_715, %and3A_717 : vector<16xi32>
      %gather3A_719 = tpu.vector_load_idx %arg12[%add3A_137, %and3A_718] : memref<256x64xf32, #tpu.memory_space<vmem>>[vector<16xi32>, vector<16xi32>], vector<16xf32>,
      %gather3A_720 = tpu.vector_load_idx %arg13[%add3A_137, %and3A_718] : memref<256x64xf32, #tpu.memory_space<vmem>>[vector<16xi32>, vector<16xi32>], vector<16xf32>,
      %mul3A_721 = arith.mulf %gather3A_719, %gather3A_720 : vector<16xf32>
      %add3A_722 = arith.addf %add3A_712, %mul3A_721 : vector<16xf32>
      %add3A_723 = arith.constant 59 : i32
      %add3A_724 = vector.broadcast %add3A_723 : i32 to vector<16xi32>
      %add3A_725 = arith.addi %iota3A, %add3A_724 : vector<16xi32>
      %and3A_726 = arith.constant 63 : i32
      %and3A_727 = vector.broadcast %and3A_726 : i32 to vector<16xi32>
      %and3A_728 = arith.andi %add3A_725, %and3A_727 : vector<16xi32>
      %gather3A_729 = tpu.vector_load_idx %arg12[%add3A_137, %and3A_728] : memref<256x64xf32, #tpu.memory_space<vmem>>[vector<16xi32>, vector<16xi32>], vector<16xf32>,
      %gather3A_730 = tpu.vector_load_idx %arg13[%add3A_137, %and3A_728] : memref<256x64xf32, #tpu.memory_space<vmem>>[vector<16xi32>, vector<16xi32>], vector<16xf32>,
      %mul3A_731 = arith.mulf %gather3A_729, %gather3A_730 : vector<16xf32>
      %add3A_732 = arith.addf %add3A_722, %mul3A_731 : vector<16xf32>
      %add3A_733 = arith.constant 60 : i32
      %add3A_734 = vector.broadcast %add3A_733 : i32 to vector<16xi32>
      %add3A_735 = arith.addi %iota3A, %add3A_734 : vector<16xi32>
      %and3A_736 = arith.constant 63 : i32
      %and3A_737 = vector.broadcast %and3A_736 : i32 to vector<16xi32>
      %and3A_738 = arith.andi %add3A_735, %and3A_737 : vector<16xi32>
      %gather3A_739 = tpu.vector_load_idx %arg12[%add3A_137, %and3A_738] : memref<256x64xf32, #tpu.memory_space<vmem>>[vector<16xi32>, vector<16xi32>], vector<16xf32>,
      %gather3A_740 = tpu.vector_load_idx %arg13[%add3A_137, %and3A_738] : memref<256x64xf32, #tpu.memory_space<vmem>>[vector<16xi32>, vector<16xi32>], vector<16xf32>,
      %mul3A_741 = arith.mulf %gather3A_739, %gather3A_740 : vector<16xf32>
      %add3A_742 = arith.addf %add3A_732, %mul3A_741 : vector<16xf32>
      %add3A_743 = arith.constant 61 : i32
      %add3A_744 = vector.broadcast %add3A_743 : i32 to vector<16xi32>
      %add3A_745 = arith.addi %iota3A, %add3A_744 : vector<16xi32>
      %and3A_746 = arith.constant 63 : i32
      %and3A_747 = vector.broadcast %and3A_746 : i32 to vector<16xi32>
      %and3A_748 = arith.andi %add3A_745, %and3A_747 : vector<16xi32>
      %gather3A_749 = tpu.vector_load_idx %arg12[%add3A_137, %and3A_748] : memref<256x64xf32, #tpu.memory_space<vmem>>[vector<16xi32>, vector<16xi32>], vector<16xf32>,
      %gather3A_750 = tpu.vector_load_idx %arg13[%add3A_137, %and3A_748] : memref<256x64xf32, #tpu.memory_space<vmem>>[vector<16xi32>, vector<16xi32>], vector<16xf32>,
      %mul3A_751 = arith.mulf %gather3A_749, %gather3A_750 : vector<16xf32>
      %add3A_752 = arith.addf %add3A_742, %mul3A_751 : vector<16xf32>
      %add3A_753 = arith.constant 62 : i32
      %add3A_754 = vector.broadcast %add3A_753 : i32 to vector<16xi32>
      %add3A_755 = arith.addi %iota3A, %add3A_754 : vector<16xi32>
      %and3A_756 = arith.constant 63 : i32
      %and3A_757 = vector.broadcast %and3A_756 : i32 to vector<16xi32>
      %and3A_758 = arith.andi %add3A_755, %and3A_757 : vector<16xi32>
      %gather3A_759 = tpu.vector_load_idx %arg12[%add3A_137, %and3A_758] : memref<256x64xf32, #tpu.memory_space<vmem>>[vector<16xi32>, vector<16xi32>], vector<16xf32>,
      %gather3A_760 = tpu.vector_load_idx %arg13[%add3A_137, %and3A_758] : memref<256x64xf32, #tpu.memory_space<vmem>>[vector<16xi32>, vector<16xi32>], vector<16xf32>,
      %mul3A_761 = arith.mulf %gather3A_759, %gather3A_760 : vector<16xf32>
      %add3A_762 = arith.addf %add3A_752, %mul3A_761 : vector<16xf32>
      %add3A_763 = arith.constant 63 : i32
      %add3A_764 = vector.broadcast %add3A_763 : i32 to vector<16xi32>
      %add3A_765 = arith.addi %iota3A, %add3A_764 : vector<16xi32>
      %and3A_766 = arith.constant 63 : i32
      %and3A_767 = vector.broadcast %and3A_766 : i32 to vector<16xi32>
      %and3A_768 = arith.andi %add3A_765, %and3A_767 : vector<16xi32>
      %gather3A_769 = tpu.vector_load_idx %arg12[%add3A_137, %and3A_768] : memref<256x64xf32, #tpu.memory_space<vmem>>[vector<16xi32>, vector<16xi32>], vector<16xf32>,
      %gather3A_770 = tpu.vector_load_idx %arg13[%add3A_137, %and3A_768] : memref<256x64xf32, #tpu.memory_space<vmem>>[vector<16xi32>, vector<16xi32>], vector<16xf32>,
      %mul3A_771 = arith.mulf %gather3A_769, %gather3A_770 : vector<16xf32>
      %add3A_772 = arith.addf %add3A_762, %mul3A_771 : vector<16xf32>
      %get3A_773 = arith.index_cast %multiple_of3A : i32 to index
      %get3A_774 = tpu.vector_load %arg16[%get3A_773] {strides = array<i32>} : memref<512xf32, #tpu.memory_space<vmem>>, vector<16xf32>,
      %add3A_775 = arith.addf %add3A_772, %get3A_774 : vector<16xf32>
      %get3A_776 = arith.index_cast %multiple_of3A : i32 to index
      %get3A_777 = tpu.vector_load %arg17[%get3A_776] {strides = array<i32>} : memref<512xf32, #tpu.memory_space<vmem>>, vector<16xf32>,
      %add3A_778 = arith.addf %add3A_775, %get3A_777 : vector<16xf32>
      %add3A_779 = arith.addf %add3A_778, %get3A_6 : vector<16xf32>
      %swap3A = arith.index_cast %multiple_of3A : i32 to index
      %swap3A_780 = tpu.vector_load %arg19[%swap3A] {strides = array<i32>} : memref<512xf32, #tpu.memory_space<vmem>>, vector<16xf32>,
      tpu.vector_store %arg19[%swap3A], %add3A_779 {strides = array<i32>} : memref<512xf32, #tpu.memory_space<vmem>>, vector<16xf32>,
      %scan3A_781 = arith.constant 0 : i32
      scf.yield %scan3A_781 : i32
    }
    %scan3A_68 = arith.constant 16 : i32
    %scan3A_69 = arith.constant 0 : i32
    %scan3A_70 = arith.constant 0 : i32
    %scan3A_71 = arith.constant 256 : i32
    %scan3A_72 = arith.addi %scan3A_70, %scan3A_71 : i32
    %scan3A_73 = arith.constant 1 : i32
    %scan3A_74 = scf.for %scan3A_132 = %scan3A_70 to %scan3A_72 step %scan3A_73 iter_args(%scan3A_133 = %scan3A_69) -> (i32)  : i32 {
      %add3A_134 = arith.constant 256 : i32
      %add3A_135 = arith.addi %add3A_134, %scan3A_132 : i32
      %get3A_136 = arith.index_cast %add3A_135 : i32 to index
      %get3A_137 = memref.load %arg21[%get3A_136] : memref<512xi32, #tpu.memory_space<smem>>
      %dma_start3A = arith.constant 0 : i32
      %dma_start3A_138 = tpu.memref_slice %arg12[%scan3A_132, %dma_start3A] : memref<256x64xf32, #tpu.memory_space<vmem>> -> memref<1x64xf32, #tpu.memory_space<vmem>>
      %dma_start3A_139 = arith.constant 0 : i32
      %dma_start3A_140 = tpu.memref_slice %arg4[%get3A_137, %dma_start3A_139] : memref<1000000x64xf32, #tpu.memory_space<hbm>> -> memref<1x64xf32, #tpu.memory_space<hbm>>
      %dma_start3A_141 = arith.constant 0 : i32
      %dma_start3A_142 = tpu.memref_slice %arg12[%scan3A_132, %dma_start3A_141] : memref<256x64xf32, #tpu.memory_space<vmem>> -> memref<1x64xf32, #tpu.memory_space<vmem>>
      %dma_start3A_143 = arith.constant 0 : i32
      %dma_start3A_144 = tpu.memref_slice %arg4[%get3A_137, %dma_start3A_143] : memref<1000000x64xf32, #tpu.memory_space<hbm>> -> memref<1x64xf32, #tpu.memory_space<hbm>>
      tpu.enqueue_dma source(%dma_start3A_144 : memref<1x64xf32, #tpu.memory_space<hbm>>) target(%dma_start3A_142 : memref<1x64xf32, #tpu.memory_space<vmem>>) target_semaphore(%arg23 : memref<!tpu.dma_semaphore, #tpu.memory_space<semaphore_mem>>)
      %add3A_145 = arith.constant 256 : i32
      %add3A_146 = arith.addi %add3A_145, %scan3A_132 : i32
      %get3A_147 = arith.index_cast %add3A_146 : i32 to index
      %get3A_148 = memref.load %arg22[%get3A_147] : memref<512xi32, #tpu.memory_space<smem>>
      %dma_start3A_149 = arith.constant 0 : i32
      %dma_start3A_150 = tpu.memref_slice %arg13[%scan3A_132, %dma_start3A_149] : memref<256x64xf32, #tpu.memory_space<vmem>> -> memref<1x64xf32, #tpu.memory_space<vmem>>
      %dma_start3A_151 = arith.constant 0 : i32
      %dma_start3A_152 = tpu.memref_slice %arg6[%get3A_148, %dma_start3A_151] : memref<1000000x64xf32, #tpu.memory_space<hbm>> -> memref<1x64xf32, #tpu.memory_space<hbm>>
      %dma_start3A_153 = arith.constant 0 : i32
      %dma_start3A_154 = tpu.memref_slice %arg13[%scan3A_132, %dma_start3A_153] : memref<256x64xf32, #tpu.memory_space<vmem>> -> memref<1x64xf32, #tpu.memory_space<vmem>>
      %dma_start3A_155 = arith.constant 0 : i32
      %dma_start3A_156 = tpu.memref_slice %arg6[%get3A_148, %dma_start3A_155] : memref<1000000x64xf32, #tpu.memory_space<hbm>> -> memref<1x64xf32, #tpu.memory_space<hbm>>
      tpu.enqueue_dma source(%dma_start3A_156 : memref<1x64xf32, #tpu.memory_space<hbm>>) target(%dma_start3A_154 : memref<1x64xf32, #tpu.memory_space<vmem>>) target_semaphore(%arg23 : memref<!tpu.dma_semaphore, #tpu.memory_space<semaphore_mem>>)
      %scan3A_157 = arith.constant 0 : i32
      scf.yield %scan3A_157 : i32
    }
    %scan3A_75 = arith.constant 256 : i32
    %scan3A_76 = arith.constant 0 : i32
    %scan3A_77 = arith.constant 0 : i32
    %scan3A_78 = arith.constant 128 : i32
    %scan3A_79 = arith.addi %scan3A_77, %scan3A_78 : i32
    %scan3A_80 = arith.constant 1 : i32
    %scan3A_81 = scf.for %scan3A_132 = %scan3A_77 to %scan3A_79 step %scan3A_80 iter_args(%scan3A_133 = %scan3A_76) -> (i32)  : i32 {
      %add3A_134 = arith.constant 256 : i32
      %add3A_135 = arith.addi %add3A_134, %scan3A_132 : i32
      %get3A_136 = arith.index_cast %add3A_135 : i32 to index
      %get3A_137 = memref.load %arg21[%get3A_136] : memref<512xi32, #tpu.memory_space<smem>>
      %shift_right_arithmetic3A = arith.constant 7 : i32
      %shift_right_arithmetic3A_138 = arith.shrsi %get3A_137, %shift_right_arithmetic3A : i32
      %dma_start3A = arith.constant 0 : i32
      %dma_start3A_139 = tpu.memref_slice %arg14[%scan3A_132, %dma_start3A] : memref<128x128xf32, #tpu.memory_space<vmem>> -> memref<1x128xf32, #tpu.memory_space<vmem>>
      %dma_start3A_140 = arith.constant 0 : i32
      %dma_start3A_141 = tpu.memref_slice %arg5[%shift_right_arithmetic3A_138, %dma_start3A_140] : memref<7820x128xf32, #tpu.memory_space<hbm>> -> memref<1x128xf32, #tpu.memory_space<hbm>>
      %dma_start3A_142 = arith.constant 0 : i32
      %dma_start3A_143 = tpu.memref_slice %arg14[%scan3A_132, %dma_start3A_142] : memref<128x128xf32, #tpu.memory_space<vmem>> -> memref<1x128xf32, #tpu.memory_space<vmem>>
      %dma_start3A_144 = arith.constant 0 : i32
      %dma_start3A_145 = tpu.memref_slice %arg5[%shift_right_arithmetic3A_138, %dma_start3A_144] : memref<7820x128xf32, #tpu.memory_space<hbm>> -> memref<1x128xf32, #tpu.memory_space<hbm>>
      tpu.enqueue_dma source(%dma_start3A_145 : memref<1x128xf32, #tpu.memory_space<hbm>>) target(%dma_start3A_143 : memref<1x128xf32, #tpu.memory_space<vmem>>) target_semaphore(%arg24 : memref<!tpu.dma_semaphore, #tpu.memory_space<semaphore_mem>>)
      %add3A_146 = arith.constant 256 : i32
      %add3A_147 = arith.addi %add3A_146, %scan3A_132 : i32
      %get3A_148 = arith.index_cast %add3A_147 : i32 to index
      %get3A_149 = memref.load %arg22[%get3A_148] : memref<512xi32, #tpu.memory_space<smem>>
      %shift_right_arithmetic3A_150 = arith.constant 7 : i32
      %shift_right_arithmetic3A_151 = arith.shrsi %get3A_149, %shift_right_arithmetic3A_150 : i32
      %dma_start3A_152 = arith.constant 0 : i32
      %dma_start3A_153 = tpu.memref_slice %arg15[%scan3A_132, %dma_start3A_152] : memref<128x128xf32, #tpu.memory_space<vmem>> -> memref<1x128xf32, #tpu.memory_space<vmem>>
      %dma_start3A_154 = arith.constant 0 : i32
      %dma_start3A_155 = tpu.memref_slice %arg7[%shift_right_arithmetic3A_151, %dma_start3A_154] : memref<7820x128xf32, #tpu.memory_space<hbm>> -> memref<1x128xf32, #tpu.memory_space<hbm>>
      %dma_start3A_156 = arith.constant 0 : i32
      %dma_start3A_157 = tpu.memref_slice %arg15[%scan3A_132, %dma_start3A_156] : memref<128x128xf32, #tpu.memory_space<vmem>> -> memref<1x128xf32, #tpu.memory_space<vmem>>
      %dma_start3A_158 = arith.constant 0 : i32
      %dma_start3A_159 = tpu.memref_slice %arg7[%shift_right_arithmetic3A_151, %dma_start3A_158] : memref<7820x128xf32, #tpu.memory_space<hbm>> -> memref<1x128xf32, #tpu.memory_space<hbm>>
      tpu.enqueue_dma source(%dma_start3A_159 : memref<1x128xf32, #tpu.memory_space<hbm>>) target(%dma_start3A_157 : memref<1x128xf32, #tpu.memory_space<vmem>>) target_semaphore(%arg24 : memref<!tpu.dma_semaphore, #tpu.memory_space<semaphore_mem>>)
      %scan3A_160 = arith.constant 0 : i32
      scf.yield %scan3A_160 : i32
    }
    %scan3A_82 = arith.constant 128 : i32
    %scan3A_83 = arith.constant 0 : i32
    %scan3A_84 = arith.constant 0 : i32
    %scan3A_85 = arith.constant 128 : i32
    %scan3A_86 = arith.addi %scan3A_84, %scan3A_85 : i32
    %scan3A_87 = arith.constant 1 : i32
    %scan3A_88 = scf.for %scan3A_132 = %scan3A_84 to %scan3A_86 step %scan3A_87 iter_args(%scan3A_133 = %scan3A_83) -> (i32)  : i32 {
      %dma_wait3A = arith.constant 0 : i32
      %dma_wait3A_134 = tpu.memref_slice %arg14[%scan3A_132, %dma_wait3A] : memref<128x128xf32, #tpu.memory_space<vmem>> -> memref<1x128xf32, #tpu.memory_space<vmem>>
      %dma_wait3A_135 = arith.constant 0 : i32
      %dma_wait3A_136 = arith.constant 0 : i32
      %dma_wait3A_137 = tpu.memref_slice %arg5[%dma_wait3A_135, %dma_wait3A_136] : memref<7820x128xf32, #tpu.memory_space<hbm>> -> memref<1x128xf32, #tpu.memory_space<hbm>>
      %dma_wait3A_138 = arith.constant 0 : i32
      %dma_wait3A_139 = tpu.memref_slice %arg14[%scan3A_132, %dma_wait3A_138] : memref<128x128xf32, #tpu.memory_space<vmem>> -> memref<1x128xf32, #tpu.memory_space<vmem>>
      %dma_wait3A_140 = arith.constant 0 : i32
      %dma_wait3A_141 = arith.constant 0 : i32
      %dma_wait3A_142 = tpu.memref_slice %arg5[%dma_wait3A_140, %dma_wait3A_141] : memref<7820x128xf32, #tpu.memory_space<hbm>> -> memref<1x128xf32, #tpu.memory_space<hbm>>
      tpu.wait_dma2 semaphore(%arg24 : memref<!tpu.dma_semaphore, #tpu.memory_space<semaphore_mem>>) src(%dma_wait3A_142 : memref<1x128xf32, #tpu.memory_space<hbm>>) dst(%dma_wait3A_139 : memref<1x128xf32, #tpu.memory_space<vmem>>)
      %dma_wait3A_143 = arith.constant 0 : i32
      %dma_wait3A_144 = tpu.memref_slice %arg15[%scan3A_132, %dma_wait3A_143] : memref<128x128xf32, #tpu.memory_space<vmem>> -> memref<1x128xf32, #tpu.memory_space<vmem>>
      %dma_wait3A_145 = arith.constant 0 : i32
      %dma_wait3A_146 = arith.constant 0 : i32
      %dma_wait3A_147 = tpu.memref_slice %arg7[%dma_wait3A_145, %dma_wait3A_146] : memref<7820x128xf32, #tpu.memory_space<hbm>> -> memref<1x128xf32, #tpu.memory_space<hbm>>
      %dma_wait3A_148 = arith.constant 0 : i32
      %dma_wait3A_149 = tpu.memref_slice %arg15[%scan3A_132, %dma_wait3A_148] : memref<128x128xf32, #tpu.memory_space<vmem>> -> memref<1x128xf32, #tpu.memory_space<vmem>>
      %dma_wait3A_150 = arith.constant 0 : i32
      %dma_wait3A_151 = arith.constant 0 : i32
      %dma_wait3A_152 = tpu.memref_slice %arg7[%dma_wait3A_150, %dma_wait3A_151] : memref<7820x128xf32, #tpu.memory_space<hbm>> -> memref<1x128xf32, #tpu.memory_space<hbm>>
      tpu.wait_dma2 semaphore(%arg24 : memref<!tpu.dma_semaphore, #tpu.memory_space<semaphore_mem>>) src(%dma_wait3A_152 : memref<1x128xf32, #tpu.memory_space<hbm>>) dst(%dma_wait3A_149 : memref<1x128xf32, #tpu.memory_space<vmem>>)
      %scan3A_153 = arith.constant 0 : i32
      scf.yield %scan3A_153 : i32
    }
    %scan3A_89 = arith.constant 128 : i32
    %scan3A_90 = arith.constant 0 : i32
    %scan3A_91 = arith.constant 0 : i32
    %scan3A_92 = arith.constant 8 : i32
    %scan3A_93 = arith.addi %scan3A_91, %scan3A_92 : i32
    %scan3A_94 = arith.constant 1 : i32
    %scan3A_95 = scf.for %scan3A_132 = %scan3A_91 to %scan3A_93 step %scan3A_94 iter_args(%scan3A_133 = %scan3A_90) -> (i32)  : i32 {
      %mul3A_134 = arith.constant 16 : i32
      %mul3A_135 = arith.muli %scan3A_132, %mul3A_134 : i32
      %add3A_136 = vector.broadcast %mul3A_135 : i32 to vector<16xi32>
      %add3A_137 = arith.addi %add3A_136, %iota3A : vector<16xi32>
      %mul3A_138 = arith.constant 16 : i32
      %mul3A_139 = arith.muli %scan3A_132, %mul3A_138 : i32
      %add3A_140 = arith.constant 256 : i32
      %add3A_141 = arith.addi %add3A_140, %mul3A_139 : i32
      %multiple_of3A = tpu.assume_multiple %add3A_141, 16 : i32
      %get3A_142 = arith.index_cast %multiple_of3A : i32 to index
      %get3A_143 = tpu.vector_load %arg10[%get3A_142] {strides = array<i32>} : memref<512xi32, #tpu.memory_space<vmem>>, vector<16xi32>,
      %and3A = arith.constant 127 : i32
      %and3A_144 = vector.broadcast %and3A : i32 to vector<16xi32>
      %and3A_145 = arith.andi %get3A_143, %and3A_144 : vector<16xi32>
      %gather3A = tpu.vector_load_idx %arg14[%add3A_137, %and3A_145] : memref<128x128xf32, #tpu.memory_space<vmem>>[vector<16xi32>, vector<16xi32>], vector<16xf32>,
      %swap3A = arith.index_cast %multiple_of3A : i32 to index
      %swap3A_146 = tpu.vector_load %arg16[%swap3A] {strides = array<i32>} : memref<512xf32, #tpu.memory_space<vmem>>, vector<16xf32>,
      tpu.vector_store %arg16[%swap3A], %gather3A {strides = array<i32>} : memref<512xf32, #tpu.memory_space<vmem>>, vector<16xf32>,
      %get3A_147 = arith.index_cast %multiple_of3A : i32 to index
      %get3A_148 = tpu.vector_load %arg11[%get3A_147] {strides = array<i32>} : memref<512xi32, #tpu.memory_space<vmem>>, vector<16xi32>,
      %and3A_149 = arith.constant 127 : i32
      %and3A_150 = vector.broadcast %and3A_149 : i32 to vector<16xi32>
      %and3A_151 = arith.andi %get3A_148, %and3A_150 : vector<16xi32>
      %gather3A_152 = tpu.vector_load_idx %arg15[%add3A_137, %and3A_151] : memref<128x128xf32, #tpu.memory_space<vmem>>[vector<16xi32>, vector<16xi32>], vector<16xf32>,
      %swap3A_153 = arith.index_cast %multiple_of3A : i32 to index
      %swap3A_154 = tpu.vector_load %arg17[%swap3A_153] {strides = array<i32>} : memref<512xf32, #tpu.memory_space<vmem>>, vector<16xf32>,
      tpu.vector_store %arg17[%swap3A_153], %gather3A_152 {strides = array<i32>} : memref<512xf32, #tpu.memory_space<vmem>>, vector<16xf32>,
      %scan3A_155 = arith.constant 0 : i32
      scf.yield %scan3A_155 : i32
    }
    %scan3A_96 = arith.constant 8 : i32
    %scan3A_97 = arith.constant 0 : i32
    %scan3A_98 = arith.constant 0 : i32
    %scan3A_99 = arith.constant 128 : i32
    %scan3A_100 = arith.addi %scan3A_98, %scan3A_99 : i32
    %scan3A_101 = arith.constant 1 : i32
    %scan3A_102 = scf.for %scan3A_132 = %scan3A_98 to %scan3A_100 step %scan3A_101 iter_args(%scan3A_133 = %scan3A_97) -> (i32)  : i32 {
      %add3A_134 = arith.constant 384 : i32
      %add3A_135 = arith.addi %add3A_134, %scan3A_132 : i32
      %get3A_136 = arith.index_cast %add3A_135 : i32 to index
      %get3A_137 = memref.load %arg21[%get3A_136] : memref<512xi32, #tpu.memory_space<smem>>
      %shift_right_arithmetic3A = arith.constant 7 : i32
      %shift_right_arithmetic3A_138 = arith.shrsi %get3A_137, %shift_right_arithmetic3A : i32
      %dma_start3A = arith.constant 0 : i32
      %dma_start3A_139 = tpu.memref_slice %arg14[%scan3A_132, %dma_start3A] : memref<128x128xf32, #tpu.memory_space<vmem>> -> memref<1x128xf32, #tpu.memory_space<vmem>>
      %dma_start3A_140 = arith.constant 0 : i32
      %dma_start3A_141 = tpu.memref_slice %arg5[%shift_right_arithmetic3A_138, %dma_start3A_140] : memref<7820x128xf32, #tpu.memory_space<hbm>> -> memref<1x128xf32, #tpu.memory_space<hbm>>
      %dma_start3A_142 = arith.constant 0 : i32
      %dma_start3A_143 = tpu.memref_slice %arg14[%scan3A_132, %dma_start3A_142] : memref<128x128xf32, #tpu.memory_space<vmem>> -> memref<1x128xf32, #tpu.memory_space<vmem>>
      %dma_start3A_144 = arith.constant 0 : i32
      %dma_start3A_145 = tpu.memref_slice %arg5[%shift_right_arithmetic3A_138, %dma_start3A_144] : memref<7820x128xf32, #tpu.memory_space<hbm>> -> memref<1x128xf32, #tpu.memory_space<hbm>>
      tpu.enqueue_dma source(%dma_start3A_145 : memref<1x128xf32, #tpu.memory_space<hbm>>) target(%dma_start3A_143 : memref<1x128xf32, #tpu.memory_space<vmem>>) target_semaphore(%arg24 : memref<!tpu.dma_semaphore, #tpu.memory_space<semaphore_mem>>)
      %add3A_146 = arith.constant 384 : i32
      %add3A_147 = arith.addi %add3A_146, %scan3A_132 : i32
      %get3A_148 = arith.index_cast %add3A_147 : i32 to index
      %get3A_149 = memref.load %arg22[%get3A_148] : memref<512xi32, #tpu.memory_space<smem>>
      %shift_right_arithmetic3A_150 = arith.constant 7 : i32
      %shift_right_arithmetic3A_151 = arith.shrsi %get3A_149, %shift_right_arithmetic3A_150 : i32
      %dma_start3A_152 = arith.constant 0 : i32
      %dma_start3A_153 = tpu.memref_slice %arg15[%scan3A_132, %dma_start3A_152] : memref<128x128xf32, #tpu.memory_space<vmem>> -> memref<1x128xf32, #tpu.memory_space<vmem>>
      %dma_start3A_154 = arith.constant 0 : i32
      %dma_start3A_155 = tpu.memref_slice %arg7[%shift_right_arithmetic3A_151, %dma_start3A_154] : memref<7820x128xf32, #tpu.memory_space<hbm>> -> memref<1x128xf32, #tpu.memory_space<hbm>>
      %dma_start3A_156 = arith.constant 0 : i32
      %dma_start3A_157 = tpu.memref_slice %arg15[%scan3A_132, %dma_start3A_156] : memref<128x128xf32, #tpu.memory_space<vmem>> -> memref<1x128xf32, #tpu.memory_space<vmem>>
      %dma_start3A_158 = arith.constant 0 : i32
      %dma_start3A_159 = tpu.memref_slice %arg7[%shift_right_arithmetic3A_151, %dma_start3A_158] : memref<7820x128xf32, #tpu.memory_space<hbm>> -> memref<1x128xf32, #tpu.memory_space<hbm>>
      tpu.enqueue_dma source(%dma_start3A_159 : memref<1x128xf32, #tpu.memory_space<hbm>>) target(%dma_start3A_157 : memref<1x128xf32, #tpu.memory_space<vmem>>) target_semaphore(%arg24 : memref<!tpu.dma_semaphore, #tpu.memory_space<semaphore_mem>>)
      %scan3A_160 = arith.constant 0 : i32
      scf.yield %scan3A_160 : i32
    }
    %scan3A_103 = arith.constant 128 : i32
    %scan3A_104 = arith.constant 0 : i32
    %scan3A_105 = arith.constant 0 : i32
    %scan3A_106 = arith.constant 128 : i32
    %scan3A_107 = arith.addi %scan3A_105, %scan3A_106 : i32
    %scan3A_108 = arith.constant 1 : i32
    %scan3A_109 = scf.for %scan3A_132 = %scan3A_105 to %scan3A_107 step %scan3A_108 iter_args(%scan3A_133 = %scan3A_104) -> (i32)  : i32 {
      %dma_wait3A = arith.constant 0 : i32
      %dma_wait3A_134 = tpu.memref_slice %arg14[%scan3A_132, %dma_wait3A] : memref<128x128xf32, #tpu.memory_space<vmem>> -> memref<1x128xf32, #tpu.memory_space<vmem>>
      %dma_wait3A_135 = arith.constant 0 : i32
      %dma_wait3A_136 = arith.constant 0 : i32
      %dma_wait3A_137 = tpu.memref_slice %arg5[%dma_wait3A_135, %dma_wait3A_136] : memref<7820x128xf32, #tpu.memory_space<hbm>> -> memref<1x128xf32, #tpu.memory_space<hbm>>
      %dma_wait3A_138 = arith.constant 0 : i32
      %dma_wait3A_139 = tpu.memref_slice %arg14[%scan3A_132, %dma_wait3A_138] : memref<128x128xf32, #tpu.memory_space<vmem>> -> memref<1x128xf32, #tpu.memory_space<vmem>>
      %dma_wait3A_140 = arith.constant 0 : i32
      %dma_wait3A_141 = arith.constant 0 : i32
      %dma_wait3A_142 = tpu.memref_slice %arg5[%dma_wait3A_140, %dma_wait3A_141] : memref<7820x128xf32, #tpu.memory_space<hbm>> -> memref<1x128xf32, #tpu.memory_space<hbm>>
      tpu.wait_dma2 semaphore(%arg24 : memref<!tpu.dma_semaphore, #tpu.memory_space<semaphore_mem>>) src(%dma_wait3A_142 : memref<1x128xf32, #tpu.memory_space<hbm>>) dst(%dma_wait3A_139 : memref<1x128xf32, #tpu.memory_space<vmem>>)
      %dma_wait3A_143 = arith.constant 0 : i32
      %dma_wait3A_144 = tpu.memref_slice %arg15[%scan3A_132, %dma_wait3A_143] : memref<128x128xf32, #tpu.memory_space<vmem>> -> memref<1x128xf32, #tpu.memory_space<vmem>>
      %dma_wait3A_145 = arith.constant 0 : i32
      %dma_wait3A_146 = arith.constant 0 : i32
      %dma_wait3A_147 = tpu.memref_slice %arg7[%dma_wait3A_145, %dma_wait3A_146] : memref<7820x128xf32, #tpu.memory_space<hbm>> -> memref<1x128xf32, #tpu.memory_space<hbm>>
      %dma_wait3A_148 = arith.constant 0 : i32
      %dma_wait3A_149 = tpu.memref_slice %arg15[%scan3A_132, %dma_wait3A_148] : memref<128x128xf32, #tpu.memory_space<vmem>> -> memref<1x128xf32, #tpu.memory_space<vmem>>
      %dma_wait3A_150 = arith.constant 0 : i32
      %dma_wait3A_151 = arith.constant 0 : i32
      %dma_wait3A_152 = tpu.memref_slice %arg7[%dma_wait3A_150, %dma_wait3A_151] : memref<7820x128xf32, #tpu.memory_space<hbm>> -> memref<1x128xf32, #tpu.memory_space<hbm>>
      tpu.wait_dma2 semaphore(%arg24 : memref<!tpu.dma_semaphore, #tpu.memory_space<semaphore_mem>>) src(%dma_wait3A_152 : memref<1x128xf32, #tpu.memory_space<hbm>>) dst(%dma_wait3A_149 : memref<1x128xf32, #tpu.memory_space<vmem>>)
      %scan3A_153 = arith.constant 0 : i32
      scf.yield %scan3A_153 : i32
    }
    %scan3A_110 = arith.constant 128 : i32
    %scan3A_111 = arith.constant 0 : i32
    %scan3A_112 = arith.constant 0 : i32
    %scan3A_113 = arith.constant 8 : i32
    %scan3A_114 = arith.addi %scan3A_112, %scan3A_113 : i32
    %scan3A_115 = arith.constant 1 : i32
    %scan3A_116 = scf.for %scan3A_132 = %scan3A_112 to %scan3A_114 step %scan3A_115 iter_args(%scan3A_133 = %scan3A_111) -> (i32)  : i32 {
      %mul3A_134 = arith.constant 16 : i32
      %mul3A_135 = arith.muli %scan3A_132, %mul3A_134 : i32
      %add3A_136 = vector.broadcast %mul3A_135 : i32 to vector<16xi32>
      %add3A_137 = arith.addi %add3A_136, %iota3A : vector<16xi32>
      %mul3A_138 = arith.constant 16 : i32
      %mul3A_139 = arith.muli %scan3A_132, %mul3A_138 : i32
      %add3A_140 = arith.constant 384 : i32
      %add3A_141 = arith.addi %add3A_140, %mul3A_139 : i32
      %multiple_of3A = tpu.assume_multiple %add3A_141, 16 : i32
      %get3A_142 = arith.index_cast %multiple_of3A : i32 to index
      %get3A_143 = tpu.vector_load %arg10[%get3A_142] {strides = array<i32>} : memref<512xi32, #tpu.memory_space<vmem>>, vector<16xi32>,
      %and3A = arith.constant 127 : i32
      %and3A_144 = vector.broadcast %and3A : i32 to vector<16xi32>
      %and3A_145 = arith.andi %get3A_143, %and3A_144 : vector<16xi32>
      %gather3A = tpu.vector_load_idx %arg14[%add3A_137, %and3A_145] : memref<128x128xf32, #tpu.memory_space<vmem>>[vector<16xi32>, vector<16xi32>], vector<16xf32>,
      %swap3A = arith.index_cast %multiple_of3A : i32 to index
      %swap3A_146 = tpu.vector_load %arg16[%swap3A] {strides = array<i32>} : memref<512xf32, #tpu.memory_space<vmem>>, vector<16xf32>,
      tpu.vector_store %arg16[%swap3A], %gather3A {strides = array<i32>} : memref<512xf32, #tpu.memory_space<vmem>>, vector<16xf32>,
      %get3A_147 = arith.index_cast %multiple_of3A : i32 to index
      %get3A_148 = tpu.vector_load %arg11[%get3A_147] {strides = array<i32>} : memref<512xi32, #tpu.memory_space<vmem>>, vector<16xi32>,
      %and3A_149 = arith.constant 127 : i32
      %and3A_150 = vector.broadcast %and3A_149 : i32 to vector<16xi32>
      %and3A_151 = arith.andi %get3A_148, %and3A_150 : vector<16xi32>
      %gather3A_152 = tpu.vector_load_idx %arg15[%add3A_137, %and3A_151] : memref<128x128xf32, #tpu.memory_space<vmem>>[vector<16xi32>, vector<16xi32>], vector<16xf32>,
      %swap3A_153 = arith.index_cast %multiple_of3A : i32 to index
      %swap3A_154 = tpu.vector_load %arg17[%swap3A_153] {strides = array<i32>} : memref<512xf32, #tpu.memory_space<vmem>>, vector<16xf32>,
      tpu.vector_store %arg17[%swap3A_153], %gather3A_152 {strides = array<i32>} : memref<512xf32, #tpu.memory_space<vmem>>, vector<16xf32>,
      %scan3A_155 = arith.constant 0 : i32
      scf.yield %scan3A_155 : i32
    }
    %scan3A_117 = arith.constant 8 : i32
    %scan3A_118 = arith.constant 0 : i32
    %scan3A_119 = arith.constant 0 : i32
    %scan3A_120 = arith.constant 256 : i32
    %scan3A_121 = arith.addi %scan3A_119, %scan3A_120 : i32
    %scan3A_122 = arith.constant 1 : i32
    %scan3A_123 = scf.for %scan3A_132 = %scan3A_119 to %scan3A_121 step %scan3A_122 iter_args(%scan3A_133 = %scan3A_118) -> (i32)  : i32 {
      %dma_wait3A = arith.constant 0 : i32
      %dma_wait3A_134 = tpu.memref_slice %arg12[%scan3A_132, %dma_wait3A] : memref<256x64xf32, #tpu.memory_space<vmem>> -> memref<1x64xf32, #tpu.memory_space<vmem>>
      %dma_wait3A_135 = arith.constant 0 : i32
      %dma_wait3A_136 = arith.constant 0 : i32
      %dma_wait3A_137 = tpu.memref_slice %arg4[%dma_wait3A_135, %dma_wait3A_136] : memref<1000000x64xf32, #tpu.memory_space<hbm>> -> memref<1x64xf32, #tpu.memory_space<hbm>>
      %dma_wait3A_138 = arith.constant 0 : i32
      %dma_wait3A_139 = tpu.memref_slice %arg12[%scan3A_132, %dma_wait3A_138] : memref<256x64xf32, #tpu.memory_space<vmem>> -> memref<1x64xf32, #tpu.memory_space<vmem>>
      %dma_wait3A_140 = arith.constant 0 : i32
      %dma_wait3A_141 = arith.constant 0 : i32
      %dma_wait3A_142 = tpu.memref_slice %arg4[%dma_wait3A_140, %dma_wait3A_141] : memref<1000000x64xf32, #tpu.memory_space<hbm>> -> memref<1x64xf32, #tpu.memory_space<hbm>>
      tpu.wait_dma2 semaphore(%arg23 : memref<!tpu.dma_semaphore, #tpu.memory_space<semaphore_mem>>) src(%dma_wait3A_142 : memref<1x64xf32, #tpu.memory_space<hbm>>) dst(%dma_wait3A_139 : memref<1x64xf32, #tpu.memory_space<vmem>>)
      %dma_wait3A_143 = arith.constant 0 : i32
      %dma_wait3A_144 = tpu.memref_slice %arg13[%scan3A_132, %dma_wait3A_143] : memref<256x64xf32, #tpu.memory_space<vmem>> -> memref<1x64xf32, #tpu.memory_space<vmem>>
      %dma_wait3A_145 = arith.constant 0 : i32
      %dma_wait3A_146 = arith.constant 0 : i32
      %dma_wait3A_147 = tpu.memref_slice %arg6[%dma_wait3A_145, %dma_wait3A_146] : memref<1000000x64xf32, #tpu.memory_space<hbm>> -> memref<1x64xf32, #tpu.memory_space<hbm>>
      %dma_wait3A_148 = arith.constant 0 : i32
      %dma_wait3A_149 = tpu.memref_slice %arg13[%scan3A_132, %dma_wait3A_148] : memref<256x64xf32, #tpu.memory_space<vmem>> -> memref<1x64xf32, #tpu.memory_space<vmem>>
      %dma_wait3A_150 = arith.constant 0 : i32
      %dma_wait3A_151 = arith.constant 0 : i32
      %dma_wait3A_152 = tpu.memref_slice %arg6[%dma_wait3A_150, %dma_wait3A_151] : memref<1000000x64xf32, #tpu.memory_space<hbm>> -> memref<1x64xf32, #tpu.memory_space<hbm>>
      tpu.wait_dma2 semaphore(%arg23 : memref<!tpu.dma_semaphore, #tpu.memory_space<semaphore_mem>>) src(%dma_wait3A_152 : memref<1x64xf32, #tpu.memory_space<hbm>>) dst(%dma_wait3A_149 : memref<1x64xf32, #tpu.memory_space<vmem>>)
      %scan3A_153 = arith.constant 0 : i32
      scf.yield %scan3A_153 : i32
    }
    %scan3A_124 = arith.constant 256 : i32
    %scan3A_125 = arith.constant 0 : i32
    %scan3A_126 = arith.constant 0 : i32
    %scan3A_127 = arith.constant 16 : i32
    %scan3A_128 = arith.addi %scan3A_126, %scan3A_127 : i32
    %scan3A_129 = arith.constant 1 : i32
    %scan3A_130 = scf.for %scan3A_132 = %scan3A_126 to %scan3A_128 step %scan3A_129 iter_args(%scan3A_133 = %scan3A_125) -> (i32)  : i32 {
      %mul3A_134 = arith.constant 16 : i32
      %mul3A_135 = arith.muli %scan3A_132, %mul3A_134 : i32
      %add3A_136 = vector.broadcast %mul3A_135 : i32 to vector<16xi32>
      %add3A_137 = arith.addi %add3A_136, %iota3A : vector<16xi32>
      %mul3A_138 = arith.constant 16 : i32
      %mul3A_139 = arith.muli %scan3A_132, %mul3A_138 : i32
      %add3A_140 = arith.constant 256 : i32
      %add3A_141 = arith.addi %add3A_140, %mul3A_139 : i32
      %multiple_of3A = tpu.assume_multiple %add3A_141, 16 : i32
      %gather3A = tpu.vector_load_idx %arg12[%add3A_137, %iota3A] : memref<256x64xf32, #tpu.memory_space<vmem>>[vector<16xi32>, vector<16xi32>], vector<16xf32>,
      %gather3A_142 = tpu.vector_load_idx %arg13[%add3A_137, %iota3A] : memref<256x64xf32, #tpu.memory_space<vmem>>[vector<16xi32>, vector<16xi32>], vector<16xf32>,
      %mul3A_143 = arith.mulf %gather3A, %gather3A_142 : vector<16xf32>
      %add3A_144 = arith.constant 1 : i32
      %add3A_145 = vector.broadcast %add3A_144 : i32 to vector<16xi32>
      %add3A_146 = arith.addi %iota3A, %add3A_145 : vector<16xi32>
      %and3A = arith.constant 63 : i32
      %and3A_147 = vector.broadcast %and3A : i32 to vector<16xi32>
      %and3A_148 = arith.andi %add3A_146, %and3A_147 : vector<16xi32>
      %gather3A_149 = tpu.vector_load_idx %arg12[%add3A_137, %and3A_148] : memref<256x64xf32, #tpu.memory_space<vmem>>[vector<16xi32>, vector<16xi32>], vector<16xf32>,
      %gather3A_150 = tpu.vector_load_idx %arg13[%add3A_137, %and3A_148] : memref<256x64xf32, #tpu.memory_space<vmem>>[vector<16xi32>, vector<16xi32>], vector<16xf32>,
      %mul3A_151 = arith.mulf %gather3A_149, %gather3A_150 : vector<16xf32>
      %add3A_152 = arith.addf %mul3A_143, %mul3A_151 : vector<16xf32>
      %add3A_153 = arith.constant 2 : i32
      %add3A_154 = vector.broadcast %add3A_153 : i32 to vector<16xi32>
      %add3A_155 = arith.addi %iota3A, %add3A_154 : vector<16xi32>
      %and3A_156 = arith.constant 63 : i32
      %and3A_157 = vector.broadcast %and3A_156 : i32 to vector<16xi32>
      %and3A_158 = arith.andi %add3A_155, %and3A_157 : vector<16xi32>
      %gather3A_159 = tpu.vector_load_idx %arg12[%add3A_137, %and3A_158] : memref<256x64xf32, #tpu.memory_space<vmem>>[vector<16xi32>, vector<16xi32>], vector<16xf32>,
      %gather3A_160 = tpu.vector_load_idx %arg13[%add3A_137, %and3A_158] : memref<256x64xf32, #tpu.memory_space<vmem>>[vector<16xi32>, vector<16xi32>], vector<16xf32>,
      %mul3A_161 = arith.mulf %gather3A_159, %gather3A_160 : vector<16xf32>
      %add3A_162 = arith.addf %add3A_152, %mul3A_161 : vector<16xf32>
      %add3A_163 = arith.constant 3 : i32
      %add3A_164 = vector.broadcast %add3A_163 : i32 to vector<16xi32>
      %add3A_165 = arith.addi %iota3A, %add3A_164 : vector<16xi32>
      %and3A_166 = arith.constant 63 : i32
      %and3A_167 = vector.broadcast %and3A_166 : i32 to vector<16xi32>
      %and3A_168 = arith.andi %add3A_165, %and3A_167 : vector<16xi32>
      %gather3A_169 = tpu.vector_load_idx %arg12[%add3A_137, %and3A_168] : memref<256x64xf32, #tpu.memory_space<vmem>>[vector<16xi32>, vector<16xi32>], vector<16xf32>,
      %gather3A_170 = tpu.vector_load_idx %arg13[%add3A_137, %and3A_168] : memref<256x64xf32, #tpu.memory_space<vmem>>[vector<16xi32>, vector<16xi32>], vector<16xf32>,
      %mul3A_171 = arith.mulf %gather3A_169, %gather3A_170 : vector<16xf32>
      %add3A_172 = arith.addf %add3A_162, %mul3A_171 : vector<16xf32>
      %add3A_173 = arith.constant 4 : i32
      %add3A_174 = vector.broadcast %add3A_173 : i32 to vector<16xi32>
      %add3A_175 = arith.addi %iota3A, %add3A_174 : vector<16xi32>
      %and3A_176 = arith.constant 63 : i32
      %and3A_177 = vector.broadcast %and3A_176 : i32 to vector<16xi32>
      %and3A_178 = arith.andi %add3A_175, %and3A_177 : vector<16xi32>
      %gather3A_179 = tpu.vector_load_idx %arg12[%add3A_137, %and3A_178] : memref<256x64xf32, #tpu.memory_space<vmem>>[vector<16xi32>, vector<16xi32>], vector<16xf32>,
      %gather3A_180 = tpu.vector_load_idx %arg13[%add3A_137, %and3A_178] : memref<256x64xf32, #tpu.memory_space<vmem>>[vector<16xi32>, vector<16xi32>], vector<16xf32>,
      %mul3A_181 = arith.mulf %gather3A_179, %gather3A_180 : vector<16xf32>
      %add3A_182 = arith.addf %add3A_172, %mul3A_181 : vector<16xf32>
      %add3A_183 = arith.constant 5 : i32
      %add3A_184 = vector.broadcast %add3A_183 : i32 to vector<16xi32>
      %add3A_185 = arith.addi %iota3A, %add3A_184 : vector<16xi32>
      %and3A_186 = arith.constant 63 : i32
      %and3A_187 = vector.broadcast %and3A_186 : i32 to vector<16xi32>
      %and3A_188 = arith.andi %add3A_185, %and3A_187 : vector<16xi32>
      %gather3A_189 = tpu.vector_load_idx %arg12[%add3A_137, %and3A_188] : memref<256x64xf32, #tpu.memory_space<vmem>>[vector<16xi32>, vector<16xi32>], vector<16xf32>,
      %gather3A_190 = tpu.vector_load_idx %arg13[%add3A_137, %and3A_188] : memref<256x64xf32, #tpu.memory_space<vmem>>[vector<16xi32>, vector<16xi32>], vector<16xf32>,
      %mul3A_191 = arith.mulf %gather3A_189, %gather3A_190 : vector<16xf32>
      %add3A_192 = arith.addf %add3A_182, %mul3A_191 : vector<16xf32>
      %add3A_193 = arith.constant 6 : i32
      %add3A_194 = vector.broadcast %add3A_193 : i32 to vector<16xi32>
      %add3A_195 = arith.addi %iota3A, %add3A_194 : vector<16xi32>
      %and3A_196 = arith.constant 63 : i32
      %and3A_197 = vector.broadcast %and3A_196 : i32 to vector<16xi32>
      %and3A_198 = arith.andi %add3A_195, %and3A_197 : vector<16xi32>
      %gather3A_199 = tpu.vector_load_idx %arg12[%add3A_137, %and3A_198] : memref<256x64xf32, #tpu.memory_space<vmem>>[vector<16xi32>, vector<16xi32>], vector<16xf32>,
      %gather3A_200 = tpu.vector_load_idx %arg13[%add3A_137, %and3A_198] : memref<256x64xf32, #tpu.memory_space<vmem>>[vector<16xi32>, vector<16xi32>], vector<16xf32>,
      %mul3A_201 = arith.mulf %gather3A_199, %gather3A_200 : vector<16xf32>
      %add3A_202 = arith.addf %add3A_192, %mul3A_201 : vector<16xf32>
      %add3A_203 = arith.constant 7 : i32
      %add3A_204 = vector.broadcast %add3A_203 : i32 to vector<16xi32>
      %add3A_205 = arith.addi %iota3A, %add3A_204 : vector<16xi32>
      %and3A_206 = arith.constant 63 : i32
      %and3A_207 = vector.broadcast %and3A_206 : i32 to vector<16xi32>
      %and3A_208 = arith.andi %add3A_205, %and3A_207 : vector<16xi32>
      %gather3A_209 = tpu.vector_load_idx %arg12[%add3A_137, %and3A_208] : memref<256x64xf32, #tpu.memory_space<vmem>>[vector<16xi32>, vector<16xi32>], vector<16xf32>,
      %gather3A_210 = tpu.vector_load_idx %arg13[%add3A_137, %and3A_208] : memref<256x64xf32, #tpu.memory_space<vmem>>[vector<16xi32>, vector<16xi32>], vector<16xf32>,
      %mul3A_211 = arith.mulf %gather3A_209, %gather3A_210 : vector<16xf32>
      %add3A_212 = arith.addf %add3A_202, %mul3A_211 : vector<16xf32>
      %add3A_213 = arith.constant 8 : i32
      %add3A_214 = vector.broadcast %add3A_213 : i32 to vector<16xi32>
      %add3A_215 = arith.addi %iota3A, %add3A_214 : vector<16xi32>
      %and3A_216 = arith.constant 63 : i32
      %and3A_217 = vector.broadcast %and3A_216 : i32 to vector<16xi32>
      %and3A_218 = arith.andi %add3A_215, %and3A_217 : vector<16xi32>
      %gather3A_219 = tpu.vector_load_idx %arg12[%add3A_137, %and3A_218] : memref<256x64xf32, #tpu.memory_space<vmem>>[vector<16xi32>, vector<16xi32>], vector<16xf32>,
      %gather3A_220 = tpu.vector_load_idx %arg13[%add3A_137, %and3A_218] : memref<256x64xf32, #tpu.memory_space<vmem>>[vector<16xi32>, vector<16xi32>], vector<16xf32>,
      %mul3A_221 = arith.mulf %gather3A_219, %gather3A_220 : vector<16xf32>
      %add3A_222 = arith.addf %add3A_212, %mul3A_221 : vector<16xf32>
      %add3A_223 = arith.constant 9 : i32
      %add3A_224 = vector.broadcast %add3A_223 : i32 to vector<16xi32>
      %add3A_225 = arith.addi %iota3A, %add3A_224 : vector<16xi32>
      %and3A_226 = arith.constant 63 : i32
      %and3A_227 = vector.broadcast %and3A_226 : i32 to vector<16xi32>
      %and3A_228 = arith.andi %add3A_225, %and3A_227 : vector<16xi32>
      %gather3A_229 = tpu.vector_load_idx %arg12[%add3A_137, %and3A_228] : memref<256x64xf32, #tpu.memory_space<vmem>>[vector<16xi32>, vector<16xi32>], vector<16xf32>,
      %gather3A_230 = tpu.vector_load_idx %arg13[%add3A_137, %and3A_228] : memref<256x64xf32, #tpu.memory_space<vmem>>[vector<16xi32>, vector<16xi32>], vector<16xf32>,
      %mul3A_231 = arith.mulf %gather3A_229, %gather3A_230 : vector<16xf32>
      %add3A_232 = arith.addf %add3A_222, %mul3A_231 : vector<16xf32>
      %add3A_233 = arith.constant 10 : i32
      %add3A_234 = vector.broadcast %add3A_233 : i32 to vector<16xi32>
      %add3A_235 = arith.addi %iota3A, %add3A_234 : vector<16xi32>
      %and3A_236 = arith.constant 63 : i32
      %and3A_237 = vector.broadcast %and3A_236 : i32 to vector<16xi32>
      %and3A_238 = arith.andi %add3A_235, %and3A_237 : vector<16xi32>
      %gather3A_239 = tpu.vector_load_idx %arg12[%add3A_137, %and3A_238] : memref<256x64xf32, #tpu.memory_space<vmem>>[vector<16xi32>, vector<16xi32>], vector<16xf32>,
      %gather3A_240 = tpu.vector_load_idx %arg13[%add3A_137, %and3A_238] : memref<256x64xf32, #tpu.memory_space<vmem>>[vector<16xi32>, vector<16xi32>], vector<16xf32>,
      %mul3A_241 = arith.mulf %gather3A_239, %gather3A_240 : vector<16xf32>
      %add3A_242 = arith.addf %add3A_232, %mul3A_241 : vector<16xf32>
      %add3A_243 = arith.constant 11 : i32
      %add3A_244 = vector.broadcast %add3A_243 : i32 to vector<16xi32>
      %add3A_245 = arith.addi %iota3A, %add3A_244 : vector<16xi32>
      %and3A_246 = arith.constant 63 : i32
      %and3A_247 = vector.broadcast %and3A_246 : i32 to vector<16xi32>
      %and3A_248 = arith.andi %add3A_245, %and3A_247 : vector<16xi32>
      %gather3A_249 = tpu.vector_load_idx %arg12[%add3A_137, %and3A_248] : memref<256x64xf32, #tpu.memory_space<vmem>>[vector<16xi32>, vector<16xi32>], vector<16xf32>,
      %gather3A_250 = tpu.vector_load_idx %arg13[%add3A_137, %and3A_248] : memref<256x64xf32, #tpu.memory_space<vmem>>[vector<16xi32>, vector<16xi32>], vector<16xf32>,
      %mul3A_251 = arith.mulf %gather3A_249, %gather3A_250 : vector<16xf32>
      %add3A_252 = arith.addf %add3A_242, %mul3A_251 : vector<16xf32>
      %add3A_253 = arith.constant 12 : i32
      %add3A_254 = vector.broadcast %add3A_253 : i32 to vector<16xi32>
      %add3A_255 = arith.addi %iota3A, %add3A_254 : vector<16xi32>
      %and3A_256 = arith.constant 63 : i32
      %and3A_257 = vector.broadcast %and3A_256 : i32 to vector<16xi32>
      %and3A_258 = arith.andi %add3A_255, %and3A_257 : vector<16xi32>
      %gather3A_259 = tpu.vector_load_idx %arg12[%add3A_137, %and3A_258] : memref<256x64xf32, #tpu.memory_space<vmem>>[vector<16xi32>, vector<16xi32>], vector<16xf32>,
      %gather3A_260 = tpu.vector_load_idx %arg13[%add3A_137, %and3A_258] : memref<256x64xf32, #tpu.memory_space<vmem>>[vector<16xi32>, vector<16xi32>], vector<16xf32>,
      %mul3A_261 = arith.mulf %gather3A_259, %gather3A_260 : vector<16xf32>
      %add3A_262 = arith.addf %add3A_252, %mul3A_261 : vector<16xf32>
      %add3A_263 = arith.constant 13 : i32
      %add3A_264 = vector.broadcast %add3A_263 : i32 to vector<16xi32>
      %add3A_265 = arith.addi %iota3A, %add3A_264 : vector<16xi32>
      %and3A_266 = arith.constant 63 : i32
      %and3A_267 = vector.broadcast %and3A_266 : i32 to vector<16xi32>
      %and3A_268 = arith.andi %add3A_265, %and3A_267 : vector<16xi32>
      %gather3A_269 = tpu.vector_load_idx %arg12[%add3A_137, %and3A_268] : memref<256x64xf32, #tpu.memory_space<vmem>>[vector<16xi32>, vector<16xi32>], vector<16xf32>,
      %gather3A_270 = tpu.vector_load_idx %arg13[%add3A_137, %and3A_268] : memref<256x64xf32, #tpu.memory_space<vmem>>[vector<16xi32>, vector<16xi32>], vector<16xf32>,
      %mul3A_271 = arith.mulf %gather3A_269, %gather3A_270 : vector<16xf32>
      %add3A_272 = arith.addf %add3A_262, %mul3A_271 : vector<16xf32>
      %add3A_273 = arith.constant 14 : i32
      %add3A_274 = vector.broadcast %add3A_273 : i32 to vector<16xi32>
      %add3A_275 = arith.addi %iota3A, %add3A_274 : vector<16xi32>
      %and3A_276 = arith.constant 63 : i32
      %and3A_277 = vector.broadcast %and3A_276 : i32 to vector<16xi32>
      %and3A_278 = arith.andi %add3A_275, %and3A_277 : vector<16xi32>
      %gather3A_279 = tpu.vector_load_idx %arg12[%add3A_137, %and3A_278] : memref<256x64xf32, #tpu.memory_space<vmem>>[vector<16xi32>, vector<16xi32>], vector<16xf32>,
      %gather3A_280 = tpu.vector_load_idx %arg13[%add3A_137, %and3A_278] : memref<256x64xf32, #tpu.memory_space<vmem>>[vector<16xi32>, vector<16xi32>], vector<16xf32>,
      %mul3A_281 = arith.mulf %gather3A_279, %gather3A_280 : vector<16xf32>
      %add3A_282 = arith.addf %add3A_272, %mul3A_281 : vector<16xf32>
      %add3A_283 = arith.constant 15 : i32
      %add3A_284 = vector.broadcast %add3A_283 : i32 to vector<16xi32>
      %add3A_285 = arith.addi %iota3A, %add3A_284 : vector<16xi32>
      %and3A_286 = arith.constant 63 : i32
      %and3A_287 = vector.broadcast %and3A_286 : i32 to vector<16xi32>
      %and3A_288 = arith.andi %add3A_285, %and3A_287 : vector<16xi32>
      %gather3A_289 = tpu.vector_load_idx %arg12[%add3A_137, %and3A_288] : memref<256x64xf32, #tpu.memory_space<vmem>>[vector<16xi32>, vector<16xi32>], vector<16xf32>,
      %gather3A_290 = tpu.vector_load_idx %arg13[%add3A_137, %and3A_288] : memref<256x64xf32, #tpu.memory_space<vmem>>[vector<16xi32>, vector<16xi32>], vector<16xf32>,
      %mul3A_291 = arith.mulf %gather3A_289, %gather3A_290 : vector<16xf32>
      %add3A_292 = arith.addf %add3A_282, %mul3A_291 : vector<16xf32>
      %add3A_293 = arith.constant 16 : i32
      %add3A_294 = vector.broadcast %add3A_293 : i32 to vector<16xi32>
      %add3A_295 = arith.addi %iota3A, %add3A_294 : vector<16xi32>
      %and3A_296 = arith.constant 63 : i32
      %and3A_297 = vector.broadcast %and3A_296 : i32 to vector<16xi32>
      %and3A_298 = arith.andi %add3A_295, %and3A_297 : vector<16xi32>
      %gather3A_299 = tpu.vector_load_idx %arg12[%add3A_137, %and3A_298] : memref<256x64xf32, #tpu.memory_space<vmem>>[vector<16xi32>, vector<16xi32>], vector<16xf32>,
      %gather3A_300 = tpu.vector_load_idx %arg13[%add3A_137, %and3A_298] : memref<256x64xf32, #tpu.memory_space<vmem>>[vector<16xi32>, vector<16xi32>], vector<16xf32>,
      %mul3A_301 = arith.mulf %gather3A_299, %gather3A_300 : vector<16xf32>
      %add3A_302 = arith.addf %add3A_292, %mul3A_301 : vector<16xf32>
      %add3A_303 = arith.constant 17 : i32
      %add3A_304 = vector.broadcast %add3A_303 : i32 to vector<16xi32>
      %add3A_305 = arith.addi %iota3A, %add3A_304 : vector<16xi32>
      %and3A_306 = arith.constant 63 : i32
      %and3A_307 = vector.broadcast %and3A_306 : i32 to vector<16xi32>
      %and3A_308 = arith.andi %add3A_305, %and3A_307 : vector<16xi32>
      %gather3A_309 = tpu.vector_load_idx %arg12[%add3A_137, %and3A_308] : memref<256x64xf32, #tpu.memory_space<vmem>>[vector<16xi32>, vector<16xi32>], vector<16xf32>,
      %gather3A_310 = tpu.vector_load_idx %arg13[%add3A_137, %and3A_308] : memref<256x64xf32, #tpu.memory_space<vmem>>[vector<16xi32>, vector<16xi32>], vector<16xf32>,
      %mul3A_311 = arith.mulf %gather3A_309, %gather3A_310 : vector<16xf32>
      %add3A_312 = arith.addf %add3A_302, %mul3A_311 : vector<16xf32>
      %add3A_313 = arith.constant 18 : i32
      %add3A_314 = vector.broadcast %add3A_313 : i32 to vector<16xi32>
      %add3A_315 = arith.addi %iota3A, %add3A_314 : vector<16xi32>
      %and3A_316 = arith.constant 63 : i32
      %and3A_317 = vector.broadcast %and3A_316 : i32 to vector<16xi32>
      %and3A_318 = arith.andi %add3A_315, %and3A_317 : vector<16xi32>
      %gather3A_319 = tpu.vector_load_idx %arg12[%add3A_137, %and3A_318] : memref<256x64xf32, #tpu.memory_space<vmem>>[vector<16xi32>, vector<16xi32>], vector<16xf32>,
      %gather3A_320 = tpu.vector_load_idx %arg13[%add3A_137, %and3A_318] : memref<256x64xf32, #tpu.memory_space<vmem>>[vector<16xi32>, vector<16xi32>], vector<16xf32>,
      %mul3A_321 = arith.mulf %gather3A_319, %gather3A_320 : vector<16xf32>
      %add3A_322 = arith.addf %add3A_312, %mul3A_321 : vector<16xf32>
      %add3A_323 = arith.constant 19 : i32
      %add3A_324 = vector.broadcast %add3A_323 : i32 to vector<16xi32>
      %add3A_325 = arith.addi %iota3A, %add3A_324 : vector<16xi32>
      %and3A_326 = arith.constant 63 : i32
      %and3A_327 = vector.broadcast %and3A_326 : i32 to vector<16xi32>
      %and3A_328 = arith.andi %add3A_325, %and3A_327 : vector<16xi32>
      %gather3A_329 = tpu.vector_load_idx %arg12[%add3A_137, %and3A_328] : memref<256x64xf32, #tpu.memory_space<vmem>>[vector<16xi32>, vector<16xi32>], vector<16xf32>,
      %gather3A_330 = tpu.vector_load_idx %arg13[%add3A_137, %and3A_328] : memref<256x64xf32, #tpu.memory_space<vmem>>[vector<16xi32>, vector<16xi32>], vector<16xf32>,
      %mul3A_331 = arith.mulf %gather3A_329, %gather3A_330 : vector<16xf32>
      %add3A_332 = arith.addf %add3A_322, %mul3A_331 : vector<16xf32>
      %add3A_333 = arith.constant 20 : i32
      %add3A_334 = vector.broadcast %add3A_333 : i32 to vector<16xi32>
      %add3A_335 = arith.addi %iota3A, %add3A_334 : vector<16xi32>
      %and3A_336 = arith.constant 63 : i32
      %and3A_337 = vector.broadcast %and3A_336 : i32 to vector<16xi32>
      %and3A_338 = arith.andi %add3A_335, %and3A_337 : vector<16xi32>
      %gather3A_339 = tpu.vector_load_idx %arg12[%add3A_137, %and3A_338] : memref<256x64xf32, #tpu.memory_space<vmem>>[vector<16xi32>, vector<16xi32>], vector<16xf32>,
      %gather3A_340 = tpu.vector_load_idx %arg13[%add3A_137, %and3A_338] : memref<256x64xf32, #tpu.memory_space<vmem>>[vector<16xi32>, vector<16xi32>], vector<16xf32>,
      %mul3A_341 = arith.mulf %gather3A_339, %gather3A_340 : vector<16xf32>
      %add3A_342 = arith.addf %add3A_332, %mul3A_341 : vector<16xf32>
      %add3A_343 = arith.constant 21 : i32
      %add3A_344 = vector.broadcast %add3A_343 : i32 to vector<16xi32>
      %add3A_345 = arith.addi %iota3A, %add3A_344 : vector<16xi32>
      %and3A_346 = arith.constant 63 : i32
      %and3A_347 = vector.broadcast %and3A_346 : i32 to vector<16xi32>
      %and3A_348 = arith.andi %add3A_345, %and3A_347 : vector<16xi32>
      %gather3A_349 = tpu.vector_load_idx %arg12[%add3A_137, %and3A_348] : memref<256x64xf32, #tpu.memory_space<vmem>>[vector<16xi32>, vector<16xi32>], vector<16xf32>,
      %gather3A_350 = tpu.vector_load_idx %arg13[%add3A_137, %and3A_348] : memref<256x64xf32, #tpu.memory_space<vmem>>[vector<16xi32>, vector<16xi32>], vector<16xf32>,
      %mul3A_351 = arith.mulf %gather3A_349, %gather3A_350 : vector<16xf32>
      %add3A_352 = arith.addf %add3A_342, %mul3A_351 : vector<16xf32>
      %add3A_353 = arith.constant 22 : i32
      %add3A_354 = vector.broadcast %add3A_353 : i32 to vector<16xi32>
      %add3A_355 = arith.addi %iota3A, %add3A_354 : vector<16xi32>
      %and3A_356 = arith.constant 63 : i32
      %and3A_357 = vector.broadcast %and3A_356 : i32 to vector<16xi32>
      %and3A_358 = arith.andi %add3A_355, %and3A_357 : vector<16xi32>
      %gather3A_359 = tpu.vector_load_idx %arg12[%add3A_137, %and3A_358] : memref<256x64xf32, #tpu.memory_space<vmem>>[vector<16xi32>, vector<16xi32>], vector<16xf32>,
      %gather3A_360 = tpu.vector_load_idx %arg13[%add3A_137, %and3A_358] : memref<256x64xf32, #tpu.memory_space<vmem>>[vector<16xi32>, vector<16xi32>], vector<16xf32>,
      %mul3A_361 = arith.mulf %gather3A_359, %gather3A_360 : vector<16xf32>
      %add3A_362 = arith.addf %add3A_352, %mul3A_361 : vector<16xf32>
      %add3A_363 = arith.constant 23 : i32
      %add3A_364 = vector.broadcast %add3A_363 : i32 to vector<16xi32>
      %add3A_365 = arith.addi %iota3A, %add3A_364 : vector<16xi32>
      %and3A_366 = arith.constant 63 : i32
      %and3A_367 = vector.broadcast %and3A_366 : i32 to vector<16xi32>
      %and3A_368 = arith.andi %add3A_365, %and3A_367 : vector<16xi32>
      %gather3A_369 = tpu.vector_load_idx %arg12[%add3A_137, %and3A_368] : memref<256x64xf32, #tpu.memory_space<vmem>>[vector<16xi32>, vector<16xi32>], vector<16xf32>,
      %gather3A_370 = tpu.vector_load_idx %arg13[%add3A_137, %and3A_368] : memref<256x64xf32, #tpu.memory_space<vmem>>[vector<16xi32>, vector<16xi32>], vector<16xf32>,
      %mul3A_371 = arith.mulf %gather3A_369, %gather3A_370 : vector<16xf32>
      %add3A_372 = arith.addf %add3A_362, %mul3A_371 : vector<16xf32>
      %add3A_373 = arith.constant 24 : i32
      %add3A_374 = vector.broadcast %add3A_373 : i32 to vector<16xi32>
      %add3A_375 = arith.addi %iota3A, %add3A_374 : vector<16xi32>
      %and3A_376 = arith.constant 63 : i32
      %and3A_377 = vector.broadcast %and3A_376 : i32 to vector<16xi32>
      %and3A_378 = arith.andi %add3A_375, %and3A_377 : vector<16xi32>
      %gather3A_379 = tpu.vector_load_idx %arg12[%add3A_137, %and3A_378] : memref<256x64xf32, #tpu.memory_space<vmem>>[vector<16xi32>, vector<16xi32>], vector<16xf32>,
      %gather3A_380 = tpu.vector_load_idx %arg13[%add3A_137, %and3A_378] : memref<256x64xf32, #tpu.memory_space<vmem>>[vector<16xi32>, vector<16xi32>], vector<16xf32>,
      %mul3A_381 = arith.mulf %gather3A_379, %gather3A_380 : vector<16xf32>
      %add3A_382 = arith.addf %add3A_372, %mul3A_381 : vector<16xf32>
      %add3A_383 = arith.constant 25 : i32
      %add3A_384 = vector.broadcast %add3A_383 : i32 to vector<16xi32>
      %add3A_385 = arith.addi %iota3A, %add3A_384 : vector<16xi32>
      %and3A_386 = arith.constant 63 : i32
      %and3A_387 = vector.broadcast %and3A_386 : i32 to vector<16xi32>
      %and3A_388 = arith.andi %add3A_385, %and3A_387 : vector<16xi32>
      %gather3A_389 = tpu.vector_load_idx %arg12[%add3A_137, %and3A_388] : memref<256x64xf32, #tpu.memory_space<vmem>>[vector<16xi32>, vector<16xi32>], vector<16xf32>,
      %gather3A_390 = tpu.vector_load_idx %arg13[%add3A_137, %and3A_388] : memref<256x64xf32, #tpu.memory_space<vmem>>[vector<16xi32>, vector<16xi32>], vector<16xf32>,
      %mul3A_391 = arith.mulf %gather3A_389, %gather3A_390 : vector<16xf32>
      %add3A_392 = arith.addf %add3A_382, %mul3A_391 : vector<16xf32>
      %add3A_393 = arith.constant 26 : i32
      %add3A_394 = vector.broadcast %add3A_393 : i32 to vector<16xi32>
      %add3A_395 = arith.addi %iota3A, %add3A_394 : vector<16xi32>
      %and3A_396 = arith.constant 63 : i32
      %and3A_397 = vector.broadcast %and3A_396 : i32 to vector<16xi32>
      %and3A_398 = arith.andi %add3A_395, %and3A_397 : vector<16xi32>
      %gather3A_399 = tpu.vector_load_idx %arg12[%add3A_137, %and3A_398] : memref<256x64xf32, #tpu.memory_space<vmem>>[vector<16xi32>, vector<16xi32>], vector<16xf32>,
      %gather3A_400 = tpu.vector_load_idx %arg13[%add3A_137, %and3A_398] : memref<256x64xf32, #tpu.memory_space<vmem>>[vector<16xi32>, vector<16xi32>], vector<16xf32>,
      %mul3A_401 = arith.mulf %gather3A_399, %gather3A_400 : vector<16xf32>
      %add3A_402 = arith.addf %add3A_392, %mul3A_401 : vector<16xf32>
      %add3A_403 = arith.constant 27 : i32
      %add3A_404 = vector.broadcast %add3A_403 : i32 to vector<16xi32>
      %add3A_405 = arith.addi %iota3A, %add3A_404 : vector<16xi32>
      %and3A_406 = arith.constant 63 : i32
      %and3A_407 = vector.broadcast %and3A_406 : i32 to vector<16xi32>
      %and3A_408 = arith.andi %add3A_405, %and3A_407 : vector<16xi32>
      %gather3A_409 = tpu.vector_load_idx %arg12[%add3A_137, %and3A_408] : memref<256x64xf32, #tpu.memory_space<vmem>>[vector<16xi32>, vector<16xi32>], vector<16xf32>,
      %gather3A_410 = tpu.vector_load_idx %arg13[%add3A_137, %and3A_408] : memref<256x64xf32, #tpu.memory_space<vmem>>[vector<16xi32>, vector<16xi32>], vector<16xf32>,
      %mul3A_411 = arith.mulf %gather3A_409, %gather3A_410 : vector<16xf32>
      %add3A_412 = arith.addf %add3A_402, %mul3A_411 : vector<16xf32>
      %add3A_413 = arith.constant 28 : i32
      %add3A_414 = vector.broadcast %add3A_413 : i32 to vector<16xi32>
      %add3A_415 = arith.addi %iota3A, %add3A_414 : vector<16xi32>
      %and3A_416 = arith.constant 63 : i32
      %and3A_417 = vector.broadcast %and3A_416 : i32 to vector<16xi32>
      %and3A_418 = arith.andi %add3A_415, %and3A_417 : vector<16xi32>
      %gather3A_419 = tpu.vector_load_idx %arg12[%add3A_137, %and3A_418] : memref<256x64xf32, #tpu.memory_space<vmem>>[vector<16xi32>, vector<16xi32>], vector<16xf32>,
      %gather3A_420 = tpu.vector_load_idx %arg13[%add3A_137, %and3A_418] : memref<256x64xf32, #tpu.memory_space<vmem>>[vector<16xi32>, vector<16xi32>], vector<16xf32>,
      %mul3A_421 = arith.mulf %gather3A_419, %gather3A_420 : vector<16xf32>
      %add3A_422 = arith.addf %add3A_412, %mul3A_421 : vector<16xf32>
      %add3A_423 = arith.constant 29 : i32
      %add3A_424 = vector.broadcast %add3A_423 : i32 to vector<16xi32>
      %add3A_425 = arith.addi %iota3A, %add3A_424 : vector<16xi32>
      %and3A_426 = arith.constant 63 : i32
      %and3A_427 = vector.broadcast %and3A_426 : i32 to vector<16xi32>
      %and3A_428 = arith.andi %add3A_425, %and3A_427 : vector<16xi32>
      %gather3A_429 = tpu.vector_load_idx %arg12[%add3A_137, %and3A_428] : memref<256x64xf32, #tpu.memory_space<vmem>>[vector<16xi32>, vector<16xi32>], vector<16xf32>,
      %gather3A_430 = tpu.vector_load_idx %arg13[%add3A_137, %and3A_428] : memref<256x64xf32, #tpu.memory_space<vmem>>[vector<16xi32>, vector<16xi32>], vector<16xf32>,
      %mul3A_431 = arith.mulf %gather3A_429, %gather3A_430 : vector<16xf32>
      %add3A_432 = arith.addf %add3A_422, %mul3A_431 : vector<16xf32>
      %add3A_433 = arith.constant 30 : i32
      %add3A_434 = vector.broadcast %add3A_433 : i32 to vector<16xi32>
      %add3A_435 = arith.addi %iota3A, %add3A_434 : vector<16xi32>
      %and3A_436 = arith.constant 63 : i32
      %and3A_437 = vector.broadcast %and3A_436 : i32 to vector<16xi32>
      %and3A_438 = arith.andi %add3A_435, %and3A_437 : vector<16xi32>
      %gather3A_439 = tpu.vector_load_idx %arg12[%add3A_137, %and3A_438] : memref<256x64xf32, #tpu.memory_space<vmem>>[vector<16xi32>, vector<16xi32>], vector<16xf32>,
      %gather3A_440 = tpu.vector_load_idx %arg13[%add3A_137, %and3A_438] : memref<256x64xf32, #tpu.memory_space<vmem>>[vector<16xi32>, vector<16xi32>], vector<16xf32>,
      %mul3A_441 = arith.mulf %gather3A_439, %gather3A_440 : vector<16xf32>
      %add3A_442 = arith.addf %add3A_432, %mul3A_441 : vector<16xf32>
      %add3A_443 = arith.constant 31 : i32
      %add3A_444 = vector.broadcast %add3A_443 : i32 to vector<16xi32>
      %add3A_445 = arith.addi %iota3A, %add3A_444 : vector<16xi32>
      %and3A_446 = arith.constant 63 : i32
      %and3A_447 = vector.broadcast %and3A_446 : i32 to vector<16xi32>
      %and3A_448 = arith.andi %add3A_445, %and3A_447 : vector<16xi32>
      %gather3A_449 = tpu.vector_load_idx %arg12[%add3A_137, %and3A_448] : memref<256x64xf32, #tpu.memory_space<vmem>>[vector<16xi32>, vector<16xi32>], vector<16xf32>,
      %gather3A_450 = tpu.vector_load_idx %arg13[%add3A_137, %and3A_448] : memref<256x64xf32, #tpu.memory_space<vmem>>[vector<16xi32>, vector<16xi32>], vector<16xf32>,
      %mul3A_451 = arith.mulf %gather3A_449, %gather3A_450 : vector<16xf32>
      %add3A_452 = arith.addf %add3A_442, %mul3A_451 : vector<16xf32>
      %add3A_453 = arith.constant 32 : i32
      %add3A_454 = vector.broadcast %add3A_453 : i32 to vector<16xi32>
      %add3A_455 = arith.addi %iota3A, %add3A_454 : vector<16xi32>
      %and3A_456 = arith.constant 63 : i32
      %and3A_457 = vector.broadcast %and3A_456 : i32 to vector<16xi32>
      %and3A_458 = arith.andi %add3A_455, %and3A_457 : vector<16xi32>
      %gather3A_459 = tpu.vector_load_idx %arg12[%add3A_137, %and3A_458] : memref<256x64xf32, #tpu.memory_space<vmem>>[vector<16xi32>, vector<16xi32>], vector<16xf32>,
      %gather3A_460 = tpu.vector_load_idx %arg13[%add3A_137, %and3A_458] : memref<256x64xf32, #tpu.memory_space<vmem>>[vector<16xi32>, vector<16xi32>], vector<16xf32>,
      %mul3A_461 = arith.mulf %gather3A_459, %gather3A_460 : vector<16xf32>
      %add3A_462 = arith.addf %add3A_452, %mul3A_461 : vector<16xf32>
      %add3A_463 = arith.constant 33 : i32
      %add3A_464 = vector.broadcast %add3A_463 : i32 to vector<16xi32>
      %add3A_465 = arith.addi %iota3A, %add3A_464 : vector<16xi32>
      %and3A_466 = arith.constant 63 : i32
      %and3A_467 = vector.broadcast %and3A_466 : i32 to vector<16xi32>
      %and3A_468 = arith.andi %add3A_465, %and3A_467 : vector<16xi32>
      %gather3A_469 = tpu.vector_load_idx %arg12[%add3A_137, %and3A_468] : memref<256x64xf32, #tpu.memory_space<vmem>>[vector<16xi32>, vector<16xi32>], vector<16xf32>,
      %gather3A_470 = tpu.vector_load_idx %arg13[%add3A_137, %and3A_468] : memref<256x64xf32, #tpu.memory_space<vmem>>[vector<16xi32>, vector<16xi32>], vector<16xf32>,
      %mul3A_471 = arith.mulf %gather3A_469, %gather3A_470 : vector<16xf32>
      %add3A_472 = arith.addf %add3A_462, %mul3A_471 : vector<16xf32>
      %add3A_473 = arith.constant 34 : i32
      %add3A_474 = vector.broadcast %add3A_473 : i32 to vector<16xi32>
      %add3A_475 = arith.addi %iota3A, %add3A_474 : vector<16xi32>
      %and3A_476 = arith.constant 63 : i32
      %and3A_477 = vector.broadcast %and3A_476 : i32 to vector<16xi32>
      %and3A_478 = arith.andi %add3A_475, %and3A_477 : vector<16xi32>
      %gather3A_479 = tpu.vector_load_idx %arg12[%add3A_137, %and3A_478] : memref<256x64xf32, #tpu.memory_space<vmem>>[vector<16xi32>, vector<16xi32>], vector<16xf32>,
      %gather3A_480 = tpu.vector_load_idx %arg13[%add3A_137, %and3A_478] : memref<256x64xf32, #tpu.memory_space<vmem>>[vector<16xi32>, vector<16xi32>], vector<16xf32>,
      %mul3A_481 = arith.mulf %gather3A_479, %gather3A_480 : vector<16xf32>
      %add3A_482 = arith.addf %add3A_472, %mul3A_481 : vector<16xf32>
      %add3A_483 = arith.constant 35 : i32
      %add3A_484 = vector.broadcast %add3A_483 : i32 to vector<16xi32>
      %add3A_485 = arith.addi %iota3A, %add3A_484 : vector<16xi32>
      %and3A_486 = arith.constant 63 : i32
      %and3A_487 = vector.broadcast %and3A_486 : i32 to vector<16xi32>
      %and3A_488 = arith.andi %add3A_485, %and3A_487 : vector<16xi32>
      %gather3A_489 = tpu.vector_load_idx %arg12[%add3A_137, %and3A_488] : memref<256x64xf32, #tpu.memory_space<vmem>>[vector<16xi32>, vector<16xi32>], vector<16xf32>,
      %gather3A_490 = tpu.vector_load_idx %arg13[%add3A_137, %and3A_488] : memref<256x64xf32, #tpu.memory_space<vmem>>[vector<16xi32>, vector<16xi32>], vector<16xf32>,
      %mul3A_491 = arith.mulf %gather3A_489, %gather3A_490 : vector<16xf32>
      %add3A_492 = arith.addf %add3A_482, %mul3A_491 : vector<16xf32>
      %add3A_493 = arith.constant 36 : i32
      %add3A_494 = vector.broadcast %add3A_493 : i32 to vector<16xi32>
      %add3A_495 = arith.addi %iota3A, %add3A_494 : vector<16xi32>
      %and3A_496 = arith.constant 63 : i32
      %and3A_497 = vector.broadcast %and3A_496 : i32 to vector<16xi32>
      %and3A_498 = arith.andi %add3A_495, %and3A_497 : vector<16xi32>
      %gather3A_499 = tpu.vector_load_idx %arg12[%add3A_137, %and3A_498] : memref<256x64xf32, #tpu.memory_space<vmem>>[vector<16xi32>, vector<16xi32>], vector<16xf32>,
      %gather3A_500 = tpu.vector_load_idx %arg13[%add3A_137, %and3A_498] : memref<256x64xf32, #tpu.memory_space<vmem>>[vector<16xi32>, vector<16xi32>], vector<16xf32>,
      %mul3A_501 = arith.mulf %gather3A_499, %gather3A_500 : vector<16xf32>
      %add3A_502 = arith.addf %add3A_492, %mul3A_501 : vector<16xf32>
      %add3A_503 = arith.constant 37 : i32
      %add3A_504 = vector.broadcast %add3A_503 : i32 to vector<16xi32>
      %add3A_505 = arith.addi %iota3A, %add3A_504 : vector<16xi32>
      %and3A_506 = arith.constant 63 : i32
      %and3A_507 = vector.broadcast %and3A_506 : i32 to vector<16xi32>
      %and3A_508 = arith.andi %add3A_505, %and3A_507 : vector<16xi32>
      %gather3A_509 = tpu.vector_load_idx %arg12[%add3A_137, %and3A_508] : memref<256x64xf32, #tpu.memory_space<vmem>>[vector<16xi32>, vector<16xi32>], vector<16xf32>,
      %gather3A_510 = tpu.vector_load_idx %arg13[%add3A_137, %and3A_508] : memref<256x64xf32, #tpu.memory_space<vmem>>[vector<16xi32>, vector<16xi32>], vector<16xf32>,
      %mul3A_511 = arith.mulf %gather3A_509, %gather3A_510 : vector<16xf32>
      %add3A_512 = arith.addf %add3A_502, %mul3A_511 : vector<16xf32>
      %add3A_513 = arith.constant 38 : i32
      %add3A_514 = vector.broadcast %add3A_513 : i32 to vector<16xi32>
      %add3A_515 = arith.addi %iota3A, %add3A_514 : vector<16xi32>
      %and3A_516 = arith.constant 63 : i32
      %and3A_517 = vector.broadcast %and3A_516 : i32 to vector<16xi32>
      %and3A_518 = arith.andi %add3A_515, %and3A_517 : vector<16xi32>
      %gather3A_519 = tpu.vector_load_idx %arg12[%add3A_137, %and3A_518] : memref<256x64xf32, #tpu.memory_space<vmem>>[vector<16xi32>, vector<16xi32>], vector<16xf32>,
      %gather3A_520 = tpu.vector_load_idx %arg13[%add3A_137, %and3A_518] : memref<256x64xf32, #tpu.memory_space<vmem>>[vector<16xi32>, vector<16xi32>], vector<16xf32>,
      %mul3A_521 = arith.mulf %gather3A_519, %gather3A_520 : vector<16xf32>
      %add3A_522 = arith.addf %add3A_512, %mul3A_521 : vector<16xf32>
      %add3A_523 = arith.constant 39 : i32
      %add3A_524 = vector.broadcast %add3A_523 : i32 to vector<16xi32>
      %add3A_525 = arith.addi %iota3A, %add3A_524 : vector<16xi32>
      %and3A_526 = arith.constant 63 : i32
      %and3A_527 = vector.broadcast %and3A_526 : i32 to vector<16xi32>
      %and3A_528 = arith.andi %add3A_525, %and3A_527 : vector<16xi32>
      %gather3A_529 = tpu.vector_load_idx %arg12[%add3A_137, %and3A_528] : memref<256x64xf32, #tpu.memory_space<vmem>>[vector<16xi32>, vector<16xi32>], vector<16xf32>,
      %gather3A_530 = tpu.vector_load_idx %arg13[%add3A_137, %and3A_528] : memref<256x64xf32, #tpu.memory_space<vmem>>[vector<16xi32>, vector<16xi32>], vector<16xf32>,
      %mul3A_531 = arith.mulf %gather3A_529, %gather3A_530 : vector<16xf32>
      %add3A_532 = arith.addf %add3A_522, %mul3A_531 : vector<16xf32>
      %add3A_533 = arith.constant 40 : i32
      %add3A_534 = vector.broadcast %add3A_533 : i32 to vector<16xi32>
      %add3A_535 = arith.addi %iota3A, %add3A_534 : vector<16xi32>
      %and3A_536 = arith.constant 63 : i32
      %and3A_537 = vector.broadcast %and3A_536 : i32 to vector<16xi32>
      %and3A_538 = arith.andi %add3A_535, %and3A_537 : vector<16xi32>
      %gather3A_539 = tpu.vector_load_idx %arg12[%add3A_137, %and3A_538] : memref<256x64xf32, #tpu.memory_space<vmem>>[vector<16xi32>, vector<16xi32>], vector<16xf32>,
      %gather3A_540 = tpu.vector_load_idx %arg13[%add3A_137, %and3A_538] : memref<256x64xf32, #tpu.memory_space<vmem>>[vector<16xi32>, vector<16xi32>], vector<16xf32>,
      %mul3A_541 = arith.mulf %gather3A_539, %gather3A_540 : vector<16xf32>
      %add3A_542 = arith.addf %add3A_532, %mul3A_541 : vector<16xf32>
      %add3A_543 = arith.constant 41 : i32
      %add3A_544 = vector.broadcast %add3A_543 : i32 to vector<16xi32>
      %add3A_545 = arith.addi %iota3A, %add3A_544 : vector<16xi32>
      %and3A_546 = arith.constant 63 : i32
      %and3A_547 = vector.broadcast %and3A_546 : i32 to vector<16xi32>
      %and3A_548 = arith.andi %add3A_545, %and3A_547 : vector<16xi32>
      %gather3A_549 = tpu.vector_load_idx %arg12[%add3A_137, %and3A_548] : memref<256x64xf32, #tpu.memory_space<vmem>>[vector<16xi32>, vector<16xi32>], vector<16xf32>,
      %gather3A_550 = tpu.vector_load_idx %arg13[%add3A_137, %and3A_548] : memref<256x64xf32, #tpu.memory_space<vmem>>[vector<16xi32>, vector<16xi32>], vector<16xf32>,
      %mul3A_551 = arith.mulf %gather3A_549, %gather3A_550 : vector<16xf32>
      %add3A_552 = arith.addf %add3A_542, %mul3A_551 : vector<16xf32>
      %add3A_553 = arith.constant 42 : i32
      %add3A_554 = vector.broadcast %add3A_553 : i32 to vector<16xi32>
      %add3A_555 = arith.addi %iota3A, %add3A_554 : vector<16xi32>
      %and3A_556 = arith.constant 63 : i32
      %and3A_557 = vector.broadcast %and3A_556 : i32 to vector<16xi32>
      %and3A_558 = arith.andi %add3A_555, %and3A_557 : vector<16xi32>
      %gather3A_559 = tpu.vector_load_idx %arg12[%add3A_137, %and3A_558] : memref<256x64xf32, #tpu.memory_space<vmem>>[vector<16xi32>, vector<16xi32>], vector<16xf32>,
      %gather3A_560 = tpu.vector_load_idx %arg13[%add3A_137, %and3A_558] : memref<256x64xf32, #tpu.memory_space<vmem>>[vector<16xi32>, vector<16xi32>], vector<16xf32>,
      %mul3A_561 = arith.mulf %gather3A_559, %gather3A_560 : vector<16xf32>
      %add3A_562 = arith.addf %add3A_552, %mul3A_561 : vector<16xf32>
      %add3A_563 = arith.constant 43 : i32
      %add3A_564 = vector.broadcast %add3A_563 : i32 to vector<16xi32>
      %add3A_565 = arith.addi %iota3A, %add3A_564 : vector<16xi32>
      %and3A_566 = arith.constant 63 : i32
      %and3A_567 = vector.broadcast %and3A_566 : i32 to vector<16xi32>
      %and3A_568 = arith.andi %add3A_565, %and3A_567 : vector<16xi32>
      %gather3A_569 = tpu.vector_load_idx %arg12[%add3A_137, %and3A_568] : memref<256x64xf32, #tpu.memory_space<vmem>>[vector<16xi32>, vector<16xi32>], vector<16xf32>,
      %gather3A_570 = tpu.vector_load_idx %arg13[%add3A_137, %and3A_568] : memref<256x64xf32, #tpu.memory_space<vmem>>[vector<16xi32>, vector<16xi32>], vector<16xf32>,
      %mul3A_571 = arith.mulf %gather3A_569, %gather3A_570 : vector<16xf32>
      %add3A_572 = arith.addf %add3A_562, %mul3A_571 : vector<16xf32>
      %add3A_573 = arith.constant 44 : i32
      %add3A_574 = vector.broadcast %add3A_573 : i32 to vector<16xi32>
      %add3A_575 = arith.addi %iota3A, %add3A_574 : vector<16xi32>
      %and3A_576 = arith.constant 63 : i32
      %and3A_577 = vector.broadcast %and3A_576 : i32 to vector<16xi32>
      %and3A_578 = arith.andi %add3A_575, %and3A_577 : vector<16xi32>
      %gather3A_579 = tpu.vector_load_idx %arg12[%add3A_137, %and3A_578] : memref<256x64xf32, #tpu.memory_space<vmem>>[vector<16xi32>, vector<16xi32>], vector<16xf32>,
      %gather3A_580 = tpu.vector_load_idx %arg13[%add3A_137, %and3A_578] : memref<256x64xf32, #tpu.memory_space<vmem>>[vector<16xi32>, vector<16xi32>], vector<16xf32>,
      %mul3A_581 = arith.mulf %gather3A_579, %gather3A_580 : vector<16xf32>
      %add3A_582 = arith.addf %add3A_572, %mul3A_581 : vector<16xf32>
      %add3A_583 = arith.constant 45 : i32
      %add3A_584 = vector.broadcast %add3A_583 : i32 to vector<16xi32>
      %add3A_585 = arith.addi %iota3A, %add3A_584 : vector<16xi32>
      %and3A_586 = arith.constant 63 : i32
      %and3A_587 = vector.broadcast %and3A_586 : i32 to vector<16xi32>
      %and3A_588 = arith.andi %add3A_585, %and3A_587 : vector<16xi32>
      %gather3A_589 = tpu.vector_load_idx %arg12[%add3A_137, %and3A_588] : memref<256x64xf32, #tpu.memory_space<vmem>>[vector<16xi32>, vector<16xi32>], vector<16xf32>,
      %gather3A_590 = tpu.vector_load_idx %arg13[%add3A_137, %and3A_588] : memref<256x64xf32, #tpu.memory_space<vmem>>[vector<16xi32>, vector<16xi32>], vector<16xf32>,
      %mul3A_591 = arith.mulf %gather3A_589, %gather3A_590 : vector<16xf32>
      %add3A_592 = arith.addf %add3A_582, %mul3A_591 : vector<16xf32>
      %add3A_593 = arith.constant 46 : i32
      %add3A_594 = vector.broadcast %add3A_593 : i32 to vector<16xi32>
      %add3A_595 = arith.addi %iota3A, %add3A_594 : vector<16xi32>
      %and3A_596 = arith.constant 63 : i32
      %and3A_597 = vector.broadcast %and3A_596 : i32 to vector<16xi32>
      %and3A_598 = arith.andi %add3A_595, %and3A_597 : vector<16xi32>
      %gather3A_599 = tpu.vector_load_idx %arg12[%add3A_137, %and3A_598] : memref<256x64xf32, #tpu.memory_space<vmem>>[vector<16xi32>, vector<16xi32>], vector<16xf32>,
      %gather3A_600 = tpu.vector_load_idx %arg13[%add3A_137, %and3A_598] : memref<256x64xf32, #tpu.memory_space<vmem>>[vector<16xi32>, vector<16xi32>], vector<16xf32>,
      %mul3A_601 = arith.mulf %gather3A_599, %gather3A_600 : vector<16xf32>
      %add3A_602 = arith.addf %add3A_592, %mul3A_601 : vector<16xf32>
      %add3A_603 = arith.constant 47 : i32
      %add3A_604 = vector.broadcast %add3A_603 : i32 to vector<16xi32>
      %add3A_605 = arith.addi %iota3A, %add3A_604 : vector<16xi32>
      %and3A_606 = arith.constant 63 : i32
      %and3A_607 = vector.broadcast %and3A_606 : i32 to vector<16xi32>
      %and3A_608 = arith.andi %add3A_605, %and3A_607 : vector<16xi32>
      %gather3A_609 = tpu.vector_load_idx %arg12[%add3A_137, %and3A_608] : memref<256x64xf32, #tpu.memory_space<vmem>>[vector<16xi32>, vector<16xi32>], vector<16xf32>,
      %gather3A_610 = tpu.vector_load_idx %arg13[%add3A_137, %and3A_608] : memref<256x64xf32, #tpu.memory_space<vmem>>[vector<16xi32>, vector<16xi32>], vector<16xf32>,
      %mul3A_611 = arith.mulf %gather3A_609, %gather3A_610 : vector<16xf32>
      %add3A_612 = arith.addf %add3A_602, %mul3A_611 : vector<16xf32>
      %add3A_613 = arith.constant 48 : i32
      %add3A_614 = vector.broadcast %add3A_613 : i32 to vector<16xi32>
      %add3A_615 = arith.addi %iota3A, %add3A_614 : vector<16xi32>
      %and3A_616 = arith.constant 63 : i32
      %and3A_617 = vector.broadcast %and3A_616 : i32 to vector<16xi32>
      %and3A_618 = arith.andi %add3A_615, %and3A_617 : vector<16xi32>
      %gather3A_619 = tpu.vector_load_idx %arg12[%add3A_137, %and3A_618] : memref<256x64xf32, #tpu.memory_space<vmem>>[vector<16xi32>, vector<16xi32>], vector<16xf32>,
      %gather3A_620 = tpu.vector_load_idx %arg13[%add3A_137, %and3A_618] : memref<256x64xf32, #tpu.memory_space<vmem>>[vector<16xi32>, vector<16xi32>], vector<16xf32>,
      %mul3A_621 = arith.mulf %gather3A_619, %gather3A_620 : vector<16xf32>
      %add3A_622 = arith.addf %add3A_612, %mul3A_621 : vector<16xf32>
      %add3A_623 = arith.constant 49 : i32
      %add3A_624 = vector.broadcast %add3A_623 : i32 to vector<16xi32>
      %add3A_625 = arith.addi %iota3A, %add3A_624 : vector<16xi32>
      %and3A_626 = arith.constant 63 : i32
      %and3A_627 = vector.broadcast %and3A_626 : i32 to vector<16xi32>
      %and3A_628 = arith.andi %add3A_625, %and3A_627 : vector<16xi32>
      %gather3A_629 = tpu.vector_load_idx %arg12[%add3A_137, %and3A_628] : memref<256x64xf32, #tpu.memory_space<vmem>>[vector<16xi32>, vector<16xi32>], vector<16xf32>,
      %gather3A_630 = tpu.vector_load_idx %arg13[%add3A_137, %and3A_628] : memref<256x64xf32, #tpu.memory_space<vmem>>[vector<16xi32>, vector<16xi32>], vector<16xf32>,
      %mul3A_631 = arith.mulf %gather3A_629, %gather3A_630 : vector<16xf32>
      %add3A_632 = arith.addf %add3A_622, %mul3A_631 : vector<16xf32>
      %add3A_633 = arith.constant 50 : i32
      %add3A_634 = vector.broadcast %add3A_633 : i32 to vector<16xi32>
      %add3A_635 = arith.addi %iota3A, %add3A_634 : vector<16xi32>
      %and3A_636 = arith.constant 63 : i32
      %and3A_637 = vector.broadcast %and3A_636 : i32 to vector<16xi32>
      %and3A_638 = arith.andi %add3A_635, %and3A_637 : vector<16xi32>
      %gather3A_639 = tpu.vector_load_idx %arg12[%add3A_137, %and3A_638] : memref<256x64xf32, #tpu.memory_space<vmem>>[vector<16xi32>, vector<16xi32>], vector<16xf32>,
      %gather3A_640 = tpu.vector_load_idx %arg13[%add3A_137, %and3A_638] : memref<256x64xf32, #tpu.memory_space<vmem>>[vector<16xi32>, vector<16xi32>], vector<16xf32>,
      %mul3A_641 = arith.mulf %gather3A_639, %gather3A_640 : vector<16xf32>
      %add3A_642 = arith.addf %add3A_632, %mul3A_641 : vector<16xf32>
      %add3A_643 = arith.constant 51 : i32
      %add3A_644 = vector.broadcast %add3A_643 : i32 to vector<16xi32>
      %add3A_645 = arith.addi %iota3A, %add3A_644 : vector<16xi32>
      %and3A_646 = arith.constant 63 : i32
      %and3A_647 = vector.broadcast %and3A_646 : i32 to vector<16xi32>
      %and3A_648 = arith.andi %add3A_645, %and3A_647 : vector<16xi32>
      %gather3A_649 = tpu.vector_load_idx %arg12[%add3A_137, %and3A_648] : memref<256x64xf32, #tpu.memory_space<vmem>>[vector<16xi32>, vector<16xi32>], vector<16xf32>,
      %gather3A_650 = tpu.vector_load_idx %arg13[%add3A_137, %and3A_648] : memref<256x64xf32, #tpu.memory_space<vmem>>[vector<16xi32>, vector<16xi32>], vector<16xf32>,
      %mul3A_651 = arith.mulf %gather3A_649, %gather3A_650 : vector<16xf32>
      %add3A_652 = arith.addf %add3A_642, %mul3A_651 : vector<16xf32>
      %add3A_653 = arith.constant 52 : i32
      %add3A_654 = vector.broadcast %add3A_653 : i32 to vector<16xi32>
      %add3A_655 = arith.addi %iota3A, %add3A_654 : vector<16xi32>
      %and3A_656 = arith.constant 63 : i32
      %and3A_657 = vector.broadcast %and3A_656 : i32 to vector<16xi32>
      %and3A_658 = arith.andi %add3A_655, %and3A_657 : vector<16xi32>
      %gather3A_659 = tpu.vector_load_idx %arg12[%add3A_137, %and3A_658] : memref<256x64xf32, #tpu.memory_space<vmem>>[vector<16xi32>, vector<16xi32>], vector<16xf32>,
      %gather3A_660 = tpu.vector_load_idx %arg13[%add3A_137, %and3A_658] : memref<256x64xf32, #tpu.memory_space<vmem>>[vector<16xi32>, vector<16xi32>], vector<16xf32>,
      %mul3A_661 = arith.mulf %gather3A_659, %gather3A_660 : vector<16xf32>
      %add3A_662 = arith.addf %add3A_652, %mul3A_661 : vector<16xf32>
      %add3A_663 = arith.constant 53 : i32
      %add3A_664 = vector.broadcast %add3A_663 : i32 to vector<16xi32>
      %add3A_665 = arith.addi %iota3A, %add3A_664 : vector<16xi32>
      %and3A_666 = arith.constant 63 : i32
      %and3A_667 = vector.broadcast %and3A_666 : i32 to vector<16xi32>
      %and3A_668 = arith.andi %add3A_665, %and3A_667 : vector<16xi32>
      %gather3A_669 = tpu.vector_load_idx %arg12[%add3A_137, %and3A_668] : memref<256x64xf32, #tpu.memory_space<vmem>>[vector<16xi32>, vector<16xi32>], vector<16xf32>,
      %gather3A_670 = tpu.vector_load_idx %arg13[%add3A_137, %and3A_668] : memref<256x64xf32, #tpu.memory_space<vmem>>[vector<16xi32>, vector<16xi32>], vector<16xf32>,
      %mul3A_671 = arith.mulf %gather3A_669, %gather3A_670 : vector<16xf32>
      %add3A_672 = arith.addf %add3A_662, %mul3A_671 : vector<16xf32>
      %add3A_673 = arith.constant 54 : i32
      %add3A_674 = vector.broadcast %add3A_673 : i32 to vector<16xi32>
      %add3A_675 = arith.addi %iota3A, %add3A_674 : vector<16xi32>
      %and3A_676 = arith.constant 63 : i32
      %and3A_677 = vector.broadcast %and3A_676 : i32 to vector<16xi32>
      %and3A_678 = arith.andi %add3A_675, %and3A_677 : vector<16xi32>
      %gather3A_679 = tpu.vector_load_idx %arg12[%add3A_137, %and3A_678] : memref<256x64xf32, #tpu.memory_space<vmem>>[vector<16xi32>, vector<16xi32>], vector<16xf32>,
      %gather3A_680 = tpu.vector_load_idx %arg13[%add3A_137, %and3A_678] : memref<256x64xf32, #tpu.memory_space<vmem>>[vector<16xi32>, vector<16xi32>], vector<16xf32>,
      %mul3A_681 = arith.mulf %gather3A_679, %gather3A_680 : vector<16xf32>
      %add3A_682 = arith.addf %add3A_672, %mul3A_681 : vector<16xf32>
      %add3A_683 = arith.constant 55 : i32
      %add3A_684 = vector.broadcast %add3A_683 : i32 to vector<16xi32>
      %add3A_685 = arith.addi %iota3A, %add3A_684 : vector<16xi32>
      %and3A_686 = arith.constant 63 : i32
      %and3A_687 = vector.broadcast %and3A_686 : i32 to vector<16xi32>
      %and3A_688 = arith.andi %add3A_685, %and3A_687 : vector<16xi32>
      %gather3A_689 = tpu.vector_load_idx %arg12[%add3A_137, %and3A_688] : memref<256x64xf32, #tpu.memory_space<vmem>>[vector<16xi32>, vector<16xi32>], vector<16xf32>,
      %gather3A_690 = tpu.vector_load_idx %arg13[%add3A_137, %and3A_688] : memref<256x64xf32, #tpu.memory_space<vmem>>[vector<16xi32>, vector<16xi32>], vector<16xf32>,
      %mul3A_691 = arith.mulf %gather3A_689, %gather3A_690 : vector<16xf32>
      %add3A_692 = arith.addf %add3A_682, %mul3A_691 : vector<16xf32>
      %add3A_693 = arith.constant 56 : i32
      %add3A_694 = vector.broadcast %add3A_693 : i32 to vector<16xi32>
      %add3A_695 = arith.addi %iota3A, %add3A_694 : vector<16xi32>
      %and3A_696 = arith.constant 63 : i32
      %and3A_697 = vector.broadcast %and3A_696 : i32 to vector<16xi32>
      %and3A_698 = arith.andi %add3A_695, %and3A_697 : vector<16xi32>
      %gather3A_699 = tpu.vector_load_idx %arg12[%add3A_137, %and3A_698] : memref<256x64xf32, #tpu.memory_space<vmem>>[vector<16xi32>, vector<16xi32>], vector<16xf32>,
      %gather3A_700 = tpu.vector_load_idx %arg13[%add3A_137, %and3A_698] : memref<256x64xf32, #tpu.memory_space<vmem>>[vector<16xi32>, vector<16xi32>], vector<16xf32>,
      %mul3A_701 = arith.mulf %gather3A_699, %gather3A_700 : vector<16xf32>
      %add3A_702 = arith.addf %add3A_692, %mul3A_701 : vector<16xf32>
      %add3A_703 = arith.constant 57 : i32
      %add3A_704 = vector.broadcast %add3A_703 : i32 to vector<16xi32>
      %add3A_705 = arith.addi %iota3A, %add3A_704 : vector<16xi32>
      %and3A_706 = arith.constant 63 : i32
      %and3A_707 = vector.broadcast %and3A_706 : i32 to vector<16xi32>
      %and3A_708 = arith.andi %add3A_705, %and3A_707 : vector<16xi32>
      %gather3A_709 = tpu.vector_load_idx %arg12[%add3A_137, %and3A_708] : memref<256x64xf32, #tpu.memory_space<vmem>>[vector<16xi32>, vector<16xi32>], vector<16xf32>,
      %gather3A_710 = tpu.vector_load_idx %arg13[%add3A_137, %and3A_708] : memref<256x64xf32, #tpu.memory_space<vmem>>[vector<16xi32>, vector<16xi32>], vector<16xf32>,
      %mul3A_711 = arith.mulf %gather3A_709, %gather3A_710 : vector<16xf32>
      %add3A_712 = arith.addf %add3A_702, %mul3A_711 : vector<16xf32>
      %add3A_713 = arith.constant 58 : i32
      %add3A_714 = vector.broadcast %add3A_713 : i32 to vector<16xi32>
      %add3A_715 = arith.addi %iota3A, %add3A_714 : vector<16xi32>
      %and3A_716 = arith.constant 63 : i32
      %and3A_717 = vector.broadcast %and3A_716 : i32 to vector<16xi32>
      %and3A_718 = arith.andi %add3A_715, %and3A_717 : vector<16xi32>
      %gather3A_719 = tpu.vector_load_idx %arg12[%add3A_137, %and3A_718] : memref<256x64xf32, #tpu.memory_space<vmem>>[vector<16xi32>, vector<16xi32>], vector<16xf32>,
      %gather3A_720 = tpu.vector_load_idx %arg13[%add3A_137, %and3A_718] : memref<256x64xf32, #tpu.memory_space<vmem>>[vector<16xi32>, vector<16xi32>], vector<16xf32>,
      %mul3A_721 = arith.mulf %gather3A_719, %gather3A_720 : vector<16xf32>
      %add3A_722 = arith.addf %add3A_712, %mul3A_721 : vector<16xf32>
      %add3A_723 = arith.constant 59 : i32
      %add3A_724 = vector.broadcast %add3A_723 : i32 to vector<16xi32>
      %add3A_725 = arith.addi %iota3A, %add3A_724 : vector<16xi32>
      %and3A_726 = arith.constant 63 : i32
      %and3A_727 = vector.broadcast %and3A_726 : i32 to vector<16xi32>
      %and3A_728 = arith.andi %add3A_725, %and3A_727 : vector<16xi32>
      %gather3A_729 = tpu.vector_load_idx %arg12[%add3A_137, %and3A_728] : memref<256x64xf32, #tpu.memory_space<vmem>>[vector<16xi32>, vector<16xi32>], vector<16xf32>,
      %gather3A_730 = tpu.vector_load_idx %arg13[%add3A_137, %and3A_728] : memref<256x64xf32, #tpu.memory_space<vmem>>[vector<16xi32>, vector<16xi32>], vector<16xf32>,
      %mul3A_731 = arith.mulf %gather3A_729, %gather3A_730 : vector<16xf32>
      %add3A_732 = arith.addf %add3A_722, %mul3A_731 : vector<16xf32>
      %add3A_733 = arith.constant 60 : i32
      %add3A_734 = vector.broadcast %add3A_733 : i32 to vector<16xi32>
      %add3A_735 = arith.addi %iota3A, %add3A_734 : vector<16xi32>
      %and3A_736 = arith.constant 63 : i32
      %and3A_737 = vector.broadcast %and3A_736 : i32 to vector<16xi32>
      %and3A_738 = arith.andi %add3A_735, %and3A_737 : vector<16xi32>
      %gather3A_739 = tpu.vector_load_idx %arg12[%add3A_137, %and3A_738] : memref<256x64xf32, #tpu.memory_space<vmem>>[vector<16xi32>, vector<16xi32>], vector<16xf32>,
      %gather3A_740 = tpu.vector_load_idx %arg13[%add3A_137, %and3A_738] : memref<256x64xf32, #tpu.memory_space<vmem>>[vector<16xi32>, vector<16xi32>], vector<16xf32>,
      %mul3A_741 = arith.mulf %gather3A_739, %gather3A_740 : vector<16xf32>
      %add3A_742 = arith.addf %add3A_732, %mul3A_741 : vector<16xf32>
      %add3A_743 = arith.constant 61 : i32
      %add3A_744 = vector.broadcast %add3A_743 : i32 to vector<16xi32>
      %add3A_745 = arith.addi %iota3A, %add3A_744 : vector<16xi32>
      %and3A_746 = arith.constant 63 : i32
      %and3A_747 = vector.broadcast %and3A_746 : i32 to vector<16xi32>
      %and3A_748 = arith.andi %add3A_745, %and3A_747 : vector<16xi32>
      %gather3A_749 = tpu.vector_load_idx %arg12[%add3A_137, %and3A_748] : memref<256x64xf32, #tpu.memory_space<vmem>>[vector<16xi32>, vector<16xi32>], vector<16xf32>,
      %gather3A_750 = tpu.vector_load_idx %arg13[%add3A_137, %and3A_748] : memref<256x64xf32, #tpu.memory_space<vmem>>[vector<16xi32>, vector<16xi32>], vector<16xf32>,
      %mul3A_751 = arith.mulf %gather3A_749, %gather3A_750 : vector<16xf32>
      %add3A_752 = arith.addf %add3A_742, %mul3A_751 : vector<16xf32>
      %add3A_753 = arith.constant 62 : i32
      %add3A_754 = vector.broadcast %add3A_753 : i32 to vector<16xi32>
      %add3A_755 = arith.addi %iota3A, %add3A_754 : vector<16xi32>
      %and3A_756 = arith.constant 63 : i32
      %and3A_757 = vector.broadcast %and3A_756 : i32 to vector<16xi32>
      %and3A_758 = arith.andi %add3A_755, %and3A_757 : vector<16xi32>
      %gather3A_759 = tpu.vector_load_idx %arg12[%add3A_137, %and3A_758] : memref<256x64xf32, #tpu.memory_space<vmem>>[vector<16xi32>, vector<16xi32>], vector<16xf32>,
      %gather3A_760 = tpu.vector_load_idx %arg13[%add3A_137, %and3A_758] : memref<256x64xf32, #tpu.memory_space<vmem>>[vector<16xi32>, vector<16xi32>], vector<16xf32>,
      %mul3A_761 = arith.mulf %gather3A_759, %gather3A_760 : vector<16xf32>
      %add3A_762 = arith.addf %add3A_752, %mul3A_761 : vector<16xf32>
      %add3A_763 = arith.constant 63 : i32
      %add3A_764 = vector.broadcast %add3A_763 : i32 to vector<16xi32>
      %add3A_765 = arith.addi %iota3A, %add3A_764 : vector<16xi32>
      %and3A_766 = arith.constant 63 : i32
      %and3A_767 = vector.broadcast %and3A_766 : i32 to vector<16xi32>
      %and3A_768 = arith.andi %add3A_765, %and3A_767 : vector<16xi32>
      %gather3A_769 = tpu.vector_load_idx %arg12[%add3A_137, %and3A_768] : memref<256x64xf32, #tpu.memory_space<vmem>>[vector<16xi32>, vector<16xi32>], vector<16xf32>,
      %gather3A_770 = tpu.vector_load_idx %arg13[%add3A_137, %and3A_768] : memref<256x64xf32, #tpu.memory_space<vmem>>[vector<16xi32>, vector<16xi32>], vector<16xf32>,
      %mul3A_771 = arith.mulf %gather3A_769, %gather3A_770 : vector<16xf32>
      %add3A_772 = arith.addf %add3A_762, %mul3A_771 : vector<16xf32>
      %get3A_773 = arith.index_cast %multiple_of3A : i32 to index
      %get3A_774 = tpu.vector_load %arg16[%get3A_773] {strides = array<i32>} : memref<512xf32, #tpu.memory_space<vmem>>, vector<16xf32>,
      %add3A_775 = arith.addf %add3A_772, %get3A_774 : vector<16xf32>
      %get3A_776 = arith.index_cast %multiple_of3A : i32 to index
      %get3A_777 = tpu.vector_load %arg17[%get3A_776] {strides = array<i32>} : memref<512xf32, #tpu.memory_space<vmem>>, vector<16xf32>,
      %add3A_778 = arith.addf %add3A_775, %get3A_777 : vector<16xf32>
      %add3A_779 = arith.addf %add3A_778, %get3A_6 : vector<16xf32>
      %swap3A = arith.index_cast %multiple_of3A : i32 to index
      %swap3A_780 = tpu.vector_load %arg19[%swap3A] {strides = array<i32>} : memref<512xf32, #tpu.memory_space<vmem>>, vector<16xf32>,
      tpu.vector_store %arg19[%swap3A], %add3A_779 {strides = array<i32>} : memref<512xf32, #tpu.memory_space<vmem>>, vector<16xf32>,
      %scan3A_781 = arith.constant 0 : i32
      scf.yield %scan3A_781 : i32
    }
    %scan3A_131 = arith.constant 16 : i32
    "tpu.region"() ({
      %run_scoped3A_132 = tpu.sem_alloc : memref<!tpu.dma_semaphore, #tpu.memory_space<semaphore_mem>>
      %dma_start3A = tpu.memref_slice %arg9[%mul3A_2] : memref<16384xf32, #tpu.memory_space<hbm>> -> memref<512xf32, #tpu.memory_space<hbm>>
      %dma_start3A_133 = tpu.memref_slice %arg9[%mul3A_2] : memref<16384xf32, #tpu.memory_space<hbm>> -> memref<512xf32, #tpu.memory_space<hbm>>
      tpu.enqueue_dma source(%arg19 : memref<512xf32, #tpu.memory_space<vmem>>) target(%dma_start3A_133 : memref<512xf32, #tpu.memory_space<hbm>>) target_semaphore(%run_scoped3A_132 : memref<!tpu.dma_semaphore, #tpu.memory_space<semaphore_mem>>)
      %dma_wait3A = tpu.memref_slice %arg9[%mul3A_2] : memref<16384xf32, #tpu.memory_space<hbm>> -> memref<512xf32, #tpu.memory_space<hbm>>
      %dma_wait3A_134 = tpu.memref_slice %arg9[%mul3A_2] : memref<16384xf32, #tpu.memory_space<hbm>> -> memref<512xf32, #tpu.memory_space<hbm>>
      tpu.wait_dma2 semaphore(%run_scoped3A_132 : memref<!tpu.dma_semaphore, #tpu.memory_space<semaphore_mem>>) src(%arg19 : memref<512xf32, #tpu.memory_space<vmem>>) dst(%dma_wait3A_134 : memref<512xf32, #tpu.memory_space<hbm>>)
      tpu.yield
    }) : () -> ()
    return
  }
}

</mosaic_0001>

<sc_bundles>
// kernel: _mf.3.cloned.1.call-start
scs
__scs_entry_jumppad:
0x0: {  	(pc) =	sbr.rel $0x88, $3  }
0x1: {  	(tag) =	ssettag $0x0;
	lr =	simm.s32 $0x1  }
0x2: {  	[smem:$0x3F9A] =	sst lr;
	_ =	strace $0xD0000000  }
0x3: {  	_ = 	snop  }
0x4: {  	_ = 	snop  }
0x5: {  	_ = 	snop  }
0x6: {  	_ = 	snop  }
0x7: {  	_ = 	snop  }
__scs_overlays_trampoline_lowered:
0x8: {  	[smem:$0x3FA9] =	sst s0  }
0x9: {  	[smem:$0x3FAA] =	sst s1  }
0xa: {  	[smem:$0x3FAB] =	sst s2  }
0xb: {  	[smem:$0x3FAC] =	sst s3  }
0xc: {  	[smem:$0x3FAD] =	sst s4  }
0xd: {  	[smem:$0x3FAE] =	sst s5  }
0xe: {  	[smem:$0x3FAF] =	sst s6  }
0xf: {  	[smem:$0x3FB0] =	sst s7  }
0x10: {  	[smem:$0x3FB1] =	sst s8  }
0x11: {  	[smem:$0x3FB2] =	sst s9;
	s0 =	simm.s32 @!p0 $0x0  }
0x12: {  	s1 =	sld [smem:$0x3F98];
	s0 =	simm.s32 @p0 $0x1  }
0x13: {  	[smem:$0x3FB3] =	sst s0;
	s0 =	simm.s32 @!p1 $0x0  }
0x14: {  	s2 =	sld [smem:$0x3F97];
	s0 =	simm.s32 @p1 $0x1  }
0x15: {  	[smem:$0x3FB4] =	sst s0;
	s0 =	simm.s32 @!p2 $0x0  }
0x16: {  	s3 =	sld [smem:$0x3FDB];
	s0 =	simm.s32 @p2 $0x1  }
0x17: {  	s4 =	simm.s32 $0x1BF5;
	[smem:$0x3FB6] =	sst s0  }
0x18: {  	s0 =	sld [smem:$0x3F99];
	_ =	swait.ge [sflag:s4], $0x0  }
0x19: {  	s7 =	sld [smem:$0x3F9A]  }
0x1a: {  	s8 =	sadd.s32 $0xFFFFE003, lr  }
0x1b: {  	s9 =	sadd.s32 $0xFFFFFEF7, lr;
	s5 =	simm.s32 $0xFFFFFFFF;
	p2 =	slt.u32 s8, $0xFFFFF086  }
0x1c: {  	p1 =	slt.u32 s9, $0xF7A;
	s5 =	simm.s32 @!p2 $0x0  }
0x1d: {  	s5 =	simm.s32 @p1 $0x1;
	p0 =	seq.s32 s7, s2  }
0x1e: {  	s7 =	smul.u32 @!p0 $0xF7A, s2;
	p2 =	seq.s32 @!p0 s5, $0x0  }
0x1f: {  	s9 =	smul.u32 $0xF7A, s1;
	s8 =	simm.s32 @!p0 $0x1BF5;
	p2 =	por !p2, p0  }
0x20: {  	[sflag:s8] =	ssyncset.s32 @!p0 $0xFFFFF086;
	s6 =	sadd.s32 @!p0 s3, s7;
	s7 =	simm.s32 @!p0 $0x108  }
0x21: {  	s3 =	sadd.s32 s3, s9;
	s6 =	sadd.s32 @!p0 $0x88, s6;
	s7 =	simm.s32 @p2 $0x1082  }
0x22: {  	[simem:s7], [sflag:s8] =	dma.local @!p0 [hbm:s6], $0xF7A  }
0x23: {  	s9 =	sor.u32 $0xD0000000, s2;
	s6 =	simm.s32 $0x108;
	_ =	swait.ge @!p0 [sflag:s8], $0x0  }
0x24: {  	s3 =	sadd.s32 $0x88, s3;
	s6 =	simm.s32 @!p1 $0x1082;
	[sflag:s4] =	ssyncset.s32 $0xFFFFF086  }
0x25: {  	[simem:s6], [sflag:s4] =	dma.local [hbm:s3], $0xF7A  }
0x26: {  	[smem:$0x3F9A] =	sst s1;
	(tag) =	ssettag s2;
	_ =	strace s9  }
0x27: {  	s1 =	sld [smem:$0x3FAA]  }
0x28: {  	s2 =	sld [smem:$0x3FAB]  }
0x29: {  	s4 =	sld [smem:$0x3FAD]  }
0x2a: {  	p0 =	seq.s32 s5, $0x0;
	s5 =	sld [smem:$0x3FAE]  }
0x2b: {  	s6 =	sld [smem:$0x3FAF]  }
0x2c: {  	s7 =	sld [smem:$0x3FB0]  }
0x2d: {  	s3 =	simm.s32 $0x108;
	s8 =	sld [smem:$0x3FB1]  }
0x2e: {  	s3 =	simm.s32 @!p0 $0x1082;
	s9 =	sld [smem:$0x3FB2]  }
0x2f: {  	lr =	sadd.s32 s0, s3;
	s0 =	sld [smem:$0x3FA9]  }
0x30: {  	s3 =	sld [smem:$0x3FAC]  }
0x31: {  	[smem:$0x3FB5] =	sst s10  }
0x32: {  	s10 =	sld [smem:$0x3FB3];
	_ =	sdelay $0x3  }
0x33: {  	p0 =	seq.s32 s10, $0x1;
	s10 =	sld [smem:$0x3FB5];
	_ =	sdelay $0x3  }
0x34: {  	[smem:$0x3FB5] =	sst s10  }
0x35: {  	s10 =	sld [smem:$0x3FB4];
	_ =	sdelay $0x3  }
0x36: {  	p1 =	seq.s32 s10, $0x1;
	s10 =	sld [smem:$0x3FB5];
	_ =	sdelay $0x3  }
0x37: {  	[smem:$0x3FB5] =	sst s10  }
0x38: {  	s10 =	sld [smem:$0x3FB6]  }
0x39: {  	_ = 	snop;
	(pc) =	sbr.ind lr, $3  }
0x3a: {  	_ = 	snop  }
0x3b: {  	_ = 	snop  }
0x3c: {  	p2 =	seq.s32 s10, $0x1;
	s10 =	sld [smem:$0x3FB5]  }
0x3d: {  	_ =	shalt  }
0x3e: {  	_ =	shalt  }
0x3f: {  	_ =	shalt  }
0x40: {  	_ =	shalt  }
0x41: {  	_ =	shalt  }
0x42: {  	_ =	shalt  }
0x43: {  	_ =	shalt  }
0x44: {  	_ =	shalt  }
0x45: {  	_ =	shalt  }
0x46: {  	_ =	shalt  }
0x47: {  	_ =	shalt  }
0x48: {  	_ =	shalt  }
0x49: {  	_ =	shalt  }
0x4a: {  	_ =	shalt  }
0x4b: {  	_ =	shalt  }
0x4c: {  	_ =	shalt  }
0x4d: {  	_ =	shalt  }
0x4e: {  	_ =	shalt  }
0x4f: {  	_ =	shalt  }
0x50: {  	_ =	shalt  }
0x51: {  	_ =	shalt  }
0x52: {  	_ =	shalt  }
0x53: {  	_ =	shalt  }
0x54: {  	_ =	shalt  }
0x55: {  	_ =	shalt  }
0x56: {  	_ =	shalt  }
0x57: {  	_ =	shalt  }
0x58: {  	_ =	shalt  }
0x59: {  	_ =	shalt  }
0x5a: {  	_ =	shalt  }
0x5b: {  	_ =	shalt  }
0x5c: {  	_ =	shalt  }
0x5d: {  	_ =	shalt  }
0x5e: {  	_ =	shalt  }
0x5f: {  	_ =	shalt  }
0x60: {  	_ =	shalt  }
0x61: {  	_ =	shalt  }
0x62: {  	_ =	shalt  }
0x63: {  	_ =	shalt  }
0x64: {  	_ =	shalt  }
0x65: {  	_ =	shalt  }
0x66: {  	_ =	shalt  }
0x67: {  	_ =	shalt  }
0x68: {  	_ =	shalt  }
0x69: {  	_ =	shalt  }
0x6a: {  	_ =	shalt  }
0x6b: {  	_ =	shalt  }
0x6c: {  	_ =	shalt  }
0x6d: {  	_ =	shalt  }
0x6e: {  	_ =	shalt  }
0x6f: {  	_ =	shalt  }
0x70: {  	_ =	shalt  }
0x71: {  	_ =	shalt  }
0x72: {  	_ =	shalt  }
0x73: {  	_ =	shalt  }
0x74: {  	_ =	shalt  }
0x75: {  	_ =	shalt  }
0x76: {  	_ =	shalt  }
0x77: {  	_ =	shalt  }
0x78: {  	_ =	shalt  }
0x79: {  	_ =	shalt  }
0x7a: {  	_ =	shalt  }
0x7b: {  	_ =	shalt  }
0x7c: {  	_ =	shalt  }
0x7d: {  	_ =	shalt  }
0x7e: {  	_ =	shalt  }
0x7f: {  	_ =	shalt  }
0x80: {  	_ =	shalt  }
0x81: {  	_ =	shalt  }
0x82: {  	_ =	shalt  }
0x83: {  	_ =	shalt  }
0x84: {  	_ =	shalt  }
0x85: {  	_ =	shalt  }
0x86: {  	_ =	shalt  }
0x87: {  	_ =	shalt  }
.Lfunc_end0:
.L_simem_size_0:
called_computation_lowered:
.L_overlay_start_0:
0x88: {  	s2 =	sld [smem:$0x3FD9]  }
0x89: {  	s3 =	sld [smem:$0x3FFE];
	_ =	sdelay $0x1  }
0x8a: {  	s1 =	srdreg.scid  }
0x8b: {  	s0 =	sand.u32 $0x1, s1  }
0x8c: {  	s17 =	sshll.u32 s0, $0xA;
	s2 =	sadd.s32 s3, s2  }
0x8d: {  	s2 =	sadd.s32 s2, s17  }
0x8e: {  	[smem:$0x3FC1] =	sst s2  }
0x8f: {  	_ = 	snop  }
0x90: {  	s2 =	sld [smem:$0x3FC9]  }
0x91: {  	s18 =	sld [smem:$0x3FC8]  }
0x92: {  	s4 =	sld [smem:$0x3FD0];
	(tm) =	ssettm $0x1  }
0x93: {  	s5 =	sld [smem:$0x3FFB];
	_ =	sdelay $0x3  }
0x94: {  	_ =	strace s5  }
0x95: {  	s5 =	sld [smem:$0x3FFC];
	_ =	sdelay $0x3  }
0x96: {  	_ =	strace s5  }
0x97: {  	s5 =	sld [smem:$0x3FFD];
	_ =	sdelay $0x3  }
0x98: {  	_ =	strace s5  }
0x99: {  	_ =	strace $0x8FFFFFFF  }
0x9a: {  	s19 =	sld [smem:$0x3FDB];
	_ =	sdelay $0x1  }
0x9b: {  	s6 =	simm.s32 $_scs_section_size  }
0x9c: {  	s7 =	simm.s32 $_size__tile_overlayer_lowered;
	s8 =	simm.s32 $_tile_overlayer_lowered  }
0x9d: {  	s22 =	simm.s32 $0x1BFF;
	s21 =	sshll.u32 s8, $0x1;
	s5 =	sadd.s32 s6, s19  }
0x9e: {  	s9 =	simm.s32 $0x0;
	s20 =	sshll.u32 s7, $0x1;
	s7 =	sadd.s32 s21, s5  }
0x9f: {  	[timem:s9], [sflag:s22] =	dma.local [hbm:s7], s20  }
0xa0: {  	_ =	swait.ge [sflag:s22], s20  }
0xa1: {  	s6 =	ssub.s32 $0x0, s20;
	[sflag:s22] =	ssyncset.done $0x0  }
0xa2: {  	[sflag:s22] =	ssyncadd.s32 s6;
	_ =	sdelay $0x1  }
0xa3: {  	s23 =	simm.s32 $0x1B8B  }
0xa4: {  	_ =	swait.ge [sflag:s23], $0x1  }
0xa5: {  	[sflag:s23] =	ssyncset.done $0x0  }
0xa6: {  	s25 =	simm.s32 $0x1B8E;
	s24 =	sld [smem:$0x3FFE];
	[sflag:s23] =	ssyncadd.s32 $0xFFFFFFFF  }
0xa7: {  	s26 =	simm.s32 $execute0_lowered;
	[smem:$0x3FD2] =	sst s25  }
0xa8: {  	s7 =	sshll.u32 s26, $0x1;
	_ =	strace $0x80000046;
	[dreg:$0x1] =	wrdreg $0xFFFFFFFF  }
0xa9: {  	s28 =	simm.s32 $_size_execute0_lowered;
	s5 =	sadd.s32 s5, s7;
	[dreg:$0x0] =	wrdreg $0x0  }
0xaa: {  	s7 =	sshll.u32 s28, $0x1;
	[dreg:$0x2] =	wrdreg s5  }
0xab: {  	[dreg:$0x3] =	wrdreg s7  }
0xac: {  	[dreg:$0x4] =	wrdreg $0xC0  }
0xad: {  	_ =	task [dreg:s9], $0x5FFFF  }
0xae: {  	[dreg:$0x1] =	wrdreg $0xFFFFFFFF  }
0xaf: {  	[dreg:$0x0] =	wrdreg $0x60  }
0xb0: {  	[dreg:$0x2] =	wrdreg s2  }
0xb1: {  	[dreg:$0x3] =	wrdreg s18  }
0xb2: {  	[dreg:$0x4] =	wrdreg s24  }
0xb3: {  	[dreg:$0x5] =	wrdreg s4  }
0xb4: {  	[dreg:$0x6] =	wrdreg $0x18A800  }
0xb5: {  	[dreg:$0x7] =	wrdreg $0x9  }
0xb6: {  	_ =	task.clear_ibuf [dreg:s9], $0x8FFFF;
	_ =	strace $0x90000046  }
0xb7: {  	s29 =	simm.s32 $0x9;
	_ =	strace $0x80000048  }
0xb8: {  	_ =	swait.ge [sflag:s29], $0x1  }
0xb9: {  	[sflag:s29] =	ssyncadd.s32 $0xFFFFFFFF  }
0xba: {  	_ =	strace $0x90000048  }
0xbb: {  	_ =	sfence  }
0xbc: {  	s30 =	sld [smem:$0x0];
	_ =	sdelay $0x2  }
0xbd: {  	s31 =	sshll.u32 s1, $0xD;
	s1 =	sshrl.u32 s1, $0x2  }
0xbe: {  	s3 =	sand.u32 $0x4000, s31;
	s1 =	sadd.s32 s1, s30  }
0xbf: {  	s0 =	sor.u32 s3, s0;
	s1 =	sshll.u32 s1, $0x11  }
0xc0: {  	s0 =	sor.u32 s1, s0  }
0xc1: {  	s0 =	sadd.s32 $0x8F2B, s0  }
0xc2: {  	[sflag:s0] =	ssyncadd.remote.s32 $0x1  }
0xc3: {  	_ =	sfence.sel $0xFFFF  }
0xc4: {  	[dreg:$0x0] =	wrdreg $0xFFFFFFFF;
	(pc) =	sbr.abs _section_cstart, $3  }
0xc5: {  	[dreg:$0x1] =	wrdreg $0xFFFFFFFF  }
0xc6: {  	_ =	task.clear_ibuf [dreg:s9], $0x2FFFF;
	_ =	strace $0x9FFFFFFF  }
0xc7: {  	(tm) =	ssettm $0x7FFFFFFF  }
tec
execute0_lowered:
.L_overlay_start_1:
0x0: {  	(tag) =	ssettag $0x1  }
0x1: {  	v15 =	vlaneseq.u32  }
0x2: {  	v0 =	vadd.s32 $0x1, v15  }
0x3: {  	v57 =	vadd.s32 $0x3, v15;
	[tilespmem:$0x1FBE0] =	vst v0  }
0x4: {  	v58 =	vadd.s32 $0x5, v15;
	[tilespmem:$0x1FBF0] =	vst v57  }
0x5: {  	v59 =	vadd.s32 $0x7, v15;
	[tilespmem:$0x1FC00] =	vst v58  }
0x6: {  	v60 =	vadd.s32 $0x9, v15;
	[tilespmem:$0x1FC10] =	vst v59  }
0x7: {  	v61 =	vadd.s32 $0xB, v15;
	[tilespmem:$0x1FC20] =	vst v60  }
0x8: {  	v62 =	vadd.s32 $0xD, v15;
	[tilespmem:$0x1FC30] =	vst v61  }
0x9: {  	v40 =	vimm.s32 $0x34333231;
	v41 =	vimm.s32 $0x38373635;
	v63 =	vadd.s32 $0xF, v15;
	[tilespmem:$0x1FC40] =	vst v62  }
0xa: {  	v3 =	vimm.s32 $0x3C3B3A39;
	vm0 =	vcmask $0x1F10;
	v4 =	vadd.s32 $0x11, v15;
	[tilespmem:$0x1FC50] =	vst v63  }
0xb: {  	v42 =	vimm.s32 $0x35343332;
	v43 =	vimm.s32 $0x39383736;
	v5 =	vadd.s32 $0x13, v15;
	[tilespmem:$0x1FC60] =	vst v4  }
0xc: {  	v46 =	vimm.s32 $0x36353433;
	v47 =	vimm.s32 $0x3020100;
	v6 =	vadd.s32 $0x15, v15;
	[tilespmem:$0x1FC70] =	vst v5  }
0xd: {  	v48 =	vimm.s32 $0x3A393837;
	v50 =	vimm.s32 $0x87654321;
	v7 =	vadd.s32 $0x17, v15;
	[tilespmem:$0x1FC80] =	vst v6  }
0xe: {  	v34 =	vadd.s32 $0x19, v15;
	v36 =	vadd.s32 $0x1B, v15;
	v37 =	vadd.s32 $0x1D, v15;
	[tilespmem:$0x1FC90] =	vst v7  }
0xf: {  	v38 =	vadd.s32 $0x1F, v15;
	v39 =	vadd.s32 $0x21, v15;
	v2 =	vadd.s32 $0x23, v15;
	[tilespmem:$0x1FCA0] =	vst v34  }
0x10: {  	v44 =	vunpack.c.0.s8.s32 v43;
	[tilespmem:$0x1FCC0] =	vst v37;
	v0 =	vunpack.c.0.s8.s32 v40;
	v4 =	vimm.s32 $0x3F3E3D  }
0x11: {  	[tilespmem:$0x1FCD0] =	vst v38;
	v5 =	vunpack.c.0.s8.s32 v41;
	v6 =	vunpack.c.0.s8.s32 v3;
	v3 =	vunpack.c.0.s8.s32 v42  }
0x12: {  	[tilespmem:$0x1FCF0] =	vst v2;
	v37 =	vimm.s32 $0x3D3C3B3A;
	v38 =	vimm.s32 $0x1003F3E;
	v2 =	vunpack.c.0.s8.s32 v4  }
0x13: {  	[tilespmem:$0x1FCB0] =	vst v36;
	v7 =	vadd.s32 $0x25, v15;
	v41 =	vimm.s32 $0x3F3E3D3C;
	v60 =	vimm.s32 $0x98765432  }
0x14: {  	[tilespmem:$0x1FCE0] =	vst v39;
	v8 =	vunpack.c.0.s8.s32 v37;
	v0 =	vsel vm0, v5, v0;
	v4 =	vsel vm0, v2, v6  }
0x15: {  	[tilespmem:$0x1FD20] =	vst v7;
	v37 =	vunpack.c.0.s8.s32 v47;
	v47 =	vimm.s32 $0x3B3A3938;
	v0 =	vcombine.low v0, v4  }
0x16: {  	[tilespmem:$0x1FD00] =	vst v5;
	v5 =	vunpack.c.0.s8.s32 v38;
	v45 =	vsel vm0, v44, v3;
	v9 =	vunpack.c.0.s8.s32 v47  }
0x17: {  	v38 =	vunpack.c.l.s4.s8 v50;
	[tilespmem:$0x1FD30] =	vst v0;
	v0 =	vunpack.c.0.s8.s32 v46;
	v46 =	vimm.s32 $0x37363534  }
0x18: {  	[tilespmem:$0x1FD50] =	vst v8;
	v3 =	vsel vm0, v5, v8;
	v8 =	vunpack.c.0.s8.s32 v41;
	v49 =	vunpack.c.0.s8.s32 v46  }
0x19: {  	v53 =	vimm.s32 $0x4030201;
	v57 =	vimm.s32 $0x5040302;
	[tilespmem:$0x1FD40] =	vst v44;
	v46 =	vunpack.c.l.s4.s8 v60  }
0x1a: {  	[tilespmem:$0x1FD10] =	vst v6;
	v38 =	vunpack.c.0.s8.s32 v38;
	v37 =	vsel vm0, v37, v8;
	v51 =	vsel vm0, v9, v49  }
0x1b: {  	s1 =	rddreg [dreg:$0x0];
	[tilespmem:$0x1FD60] =	vst v9;
	v61 =	vunpack.c.0.s8.s32 v46;
	v9 =	vcombine.low v51, v37;
	v37 =	vunpack.c.0.s8.s32 v53  }
0x1c: {  	s3 =	rddreg [dreg:$0x1];
	v6 =	vimm.s32 $0x43218765;
	v41 =	vunpack.c.0.s8.s32 v57;
	v38 =	vand.u32 $0xF, v38;
	[tilespmem:$0x1FDA0] =	vst v8  }
0x1d: {  	s0 =	rddreg [dreg:$0x2];
	v62 =	vcombine.low v4, v38;
	v4 =	vand.u32 $0xF, v61;
	[tilespmem:$0x1FD70] =	vst v9;
	v9 =	vsel vm0, v37, v2  }
0x1e: {  	s7 =	rddreg [dreg:$0x3];
	s2 =	simm.s32 $0x0;
	v59 =	vcombine.low v45, v3;
	v3 =	vcombine.low v3, v4;
	[tilespmem:$0x1FD80] =	vst v9;
	v9 =	vsel vm0, v41, v5  }
0x1f: {  	v10 =	vunpack.c.0.s8.s32 v48;
	[smem:$0x7FF] =	sst s2;
	v40 =	vimm.s32 $0x201003F;
	v38 =	vunpack.c.l.s4.s8 v6;
	[tilespmem:$0x1FD90] =	vst v9  }
0x20: {  	s8 =	rddreg [dreg:$0x4];
	v11 =	vunpack.c.0.s8.s32 v40;
	v50 =	vimm.s32 $0x6050403;
	_ =	strace $0x80000047;
	[tilespmem:$0x1FDB0] =	vst v3  }
0x21: {  	v0 =	vsel vm0, v10, v0;
	v38 =	vunpack.c.0.s8.s32 v38;
	v61 =	vunpack.c.0.s8.s32 v50;
	[tilespmem:$0x1FDD0] =	vst v10  }
0x22: {  	v49 =	vimm.s32 $0x6543A987;
	[tilespmem:$0x1FDE0] =	vst v0  }
0x23: {  	v47 =	vand.u32 $0xF, v38;
	v38 =	vunpack.c.l.s4.s8 v49;
	v49 =	vsel vm0, v61, v11;
	[tilespmem:$0x1FE00] =	vst v11  }
0x24: {  	v61 =	vadd.s32 $0x2B, v15;
	[tilespmem:$0x1FE10] =	vst v49  }
0x25: {  	v17 =	vmul.u32 $0x80, v15;
	v20 =	vadd.s32 $0x2C, v15;
	[tilespmem:$0x1FE80] =	vst v61  }
0x26: {  	[tilespmem:$0x1FEB0] =	vst v20  }
0x27: {  	v54 =	vadd.s32 $0x4, v15;
	[tilespmem:$0x1FF10] =	vst v17  }
0x28: {  	[tilespmem:$0x1FF20] =	vst v54  }
0x29: {  	[tilespmem:$0x1FF40] =	vst v62  }
0x2a: {  	v7 =	vadd.s32 $0x26, v15;
	[tilespmem:$0x1FF50] =	vst v59  }
0x2b: {  	v14 =	vadd.s32 $0x24, v15;
	[tilespmem:$0x1FF60] =	vst v7  }
0x2c: {  	v35 =	vadd.s32 $0x14, v15;
	[tilespmem:$0x1FF70] =	vst v14  }
0x2d: {  	v63 =	vadd.s32 $0x16, v15;
	[tilespmem:$0x1FF80] =	vst v35  }
0x2e: {  	v31 =	vadd.s32 $0x18, v15;
	[tilespmem:$0x1FF90] =	vst v63  }
0x2f: {  	v55 =	vimm.s32 $0x32107654;
	vm1 =	vcmask $0x2F10;
	v34 =	vadd.s32 $0x1A, v15;
	[tilespmem:$0x1FFA0] =	vst v31  }
0x30: {  	vm2 =	vcmask $0x3F30;
	v16 =	vadd.s32 $0x1C, v15;
	v51 =	vimm.s32 $0xA9876543;
	[tilespmem:$0x1FFB0] =	vst v34  }
0x31: {  	v1 =	vadd.s32 $0x2, v15;
	v21 =	vadd.s32 $0x1E, v15;
	v4 =	vunpack.c.l.s4.s8 v51;
	[tilespmem:$0x1FFC0] =	vst v16  }
0x32: {  	v36 =	vor.u32 $0x20, v15;
	v40 =	vunpack.c.l.s4.s8 v55;
	v45 =	vimm.s32 $0x54329876;
	[tilespmem:$0x1FFD0] =	vst v21  }
0x33: {  	v25 =	vadd.s32 $0x22, v15;
	v46 =	vunpack.c.l.s4.s8 v45;
	v4 =	vunpack.c.0.s8.s32 v4;
	[tilespmem:$0x1FFE0] =	vst v36  }
0x34: {  	v44 =	vimm.s32 $0xB0A0908;
	v40 =	vunpack.c.0.s8.s32 v40;
	v49 =	vadd.s32 $0x2F, v15;
	[tilespmem:$0x1FFF0] =	vst v25  }
0x35: {  	v55 =	vunpack.c.0.s8.s32 v38;
	v3 =	vunpack.c.0.s8.s32 v46;
	v51 =	vand.u32 $0xF, v4;
	[tilespmem:$0x1FEE0] =	vst v49  }
0x36: {  	s5 =	srdreg.scid;
	s21 =	simm.s32 $0x200;
	v9 =	vmovc v1;
	v1 =	vand.u32 $0xF, v40;
	v40 =	vunpack.c.0.s8.s32 v44;
	v44 =	vadd.s32 $0x2D, v15;
	[tilespmem:$0x1FE30] =	vst v51  }
0x37: {  	s6 =	stileid.u32;
	s20 =	simm.s32 $0x3;
	s30 =	simm.s32 $0x2;
	v48 =	vimm.s32 $0xC0B0A09;
	v45 =	vimm.s32 $0x3E3D3C3B;
	v37 =	vsel vm1, v1, v8;
	[tilespmem:$0x1FEC0] =	vst v44  }
0x38: {  	s31 =	simm.s32 $0x10400;
	s28 =	simm.s32 $0x0;
	s9 =	sand.u32 $0x1, s5;
	v53 =	vand.u32 $0xF, v3;
	v3 =	vand.u32 $0xF, v55;
	v55 =	vadd.s32 $0x28, v15;
	[tilespmem:$0x1FF00] =	vst v9  }
0x39: {  	s4 =	sadd.s32 $0x3D400, s0;
	s10 =	sshll.u32 s6, $0xA;
	s11 =	sshll.u32 s9, $0x9;
	v1 =	vsel vm2, v40, v37;
	v37 =	vunpack.c.0.s8.s32 v48;
	v48 =	vunpack.c.0.s8.s32 v45;
	[tilespmem:$0x1FE50] =	vst v55  }
0x3a: {  	s5 =	sadd.s32 $0xF7F800, s0;
	s6 =	sadd.s32 $0x1EA00, s0;
	s11 =	sor.u32 s11, s10;
	v2 =	vsel vm1, v47, v2;
	[tilespmem:$0x1FF30] =	vst v1  }
0x3b: {  	s12 =	sadd.s32 $0x1EC1C00, s0;
	s9 =	ssub.s32 $0x2, s9;
	s13 =	sshrl.u32 s11, $0x3;
	v60 =	vimm.s32 $0xE0D0C0B;
	v2 =	vsel vm2, v37, v2;
	[tilespmem:$0x1FDF0] =	vst v48  }
0x3c: {  	s22 =	sshrl.u32 s9, $0x1;
	s1 =	sadd.s32 s1, s13;
	v57 =	vimm.s32 $0xD0C0B0A;
	[dreg:$0x6] =	wrdreg s12;
	v37 =	vunpack.c.0.s8.s32 v60;
	v60 =	vadd.s32 $0x2A, v15;
	[tilespmem:$0x1FDC0] =	vst v2  }
0x3d: {  	s23 =	sadd.s32 s3, s13;
	s24 =	sadd.s32 s7, s13;
	[dreg:$0x7] =	wrdreg s1;
	v48 =	vadd.s32 $0x2E, v15;
	v2 =	vsel vm1, v53, v5;
	v5 =	vunpack.c.0.s8.s32 v57;
	[tilespmem:$0x1FE70] =	vst v60  }
0x3e: {  	s3 =	simm.s32 $0x1;
	s12 =	ssub.s32 s9, s22;
	[dreg:$0x8] =	wrdreg s23;
	v3 =	vsel vm1, v3, v11;
	v40 =	vimm.s32 $0x76543210;
	v53 =	vadd.s32 $0x27, v15;
	[tilespmem:$0x1FED0] =	vst v48  }
0x3f: {  	s9 =	sadd.s32 s10, s8;
	[dreg:$0x9] =	wrdreg s24;
	s22 =	simm.s32 $0x80;
	v57 =	vadd.s32 $0x29, v15;
	[tilespmem:$0x1FE40] =	vst v53;
	v39 =	vsel vm2, v5, v2;
	v2 =	vunpack.c.l.s4.s8 v40  }
0x40: {  	s23 =	simm.s32 $0x100;
	s1 =	simm.s32 $0x14400;
	s24 =	simm.s32 $0x400;
	v41 =	vsel vm2, v37, v3;
	[tilespmem:$0x1FE60] =	vst v57  }
0x41: {  	s11 =	sadd.s32 $0x80, s9;
	s25 =	smax.u32 s12, $0x1;
	s26 =	sadd.s32 $0x100, s9;
	[tilespmem:$0x1FEA0] =	vst v41;
	v50 =	vunpack.c.0.s8.s32 v2  }
0x42: {  	v56 =	vadd.s32 $0x6, v15;
	v52 =	vadd.s32 $0xA, v15;
	s29 =	sadd.s32 $0x200, s9;
	s16 =	sadd.s32 $0x300, s9;
	[dreg:$0xa] =	wrdreg s25;
	[tilespmem:$0x1FE90] =	vst v39  }
0x43: {  	v27 =	vadd.s32 $0xC, v15;
	v29 =	vadd.s32 $0xE, v15;
	s17 =	sadd.s32 $0x180, s9;
	s18 =	sadd.s32 $0x280, s9;
	[dreg:$0xb] =	wrdreg s26;
	[tilespmem:$0x1FE20] =	vst v50;
	v50 =	vor.u32 $0x30, v15  }
0x44: {  	v32 =	vor.u32 $0x10, v15;
	v33 =	vadd.s32 $0x12, v15;
	v58 =	vadd.s32 $0x8, v15;
	s19 =	sadd.s32 $0x380, s9;
	[dreg:$0xc] =	wrdreg s29;
	s25 =	simm.s32 $0x8400;
	[tilespmem:$0x1FEF0] =	vst v50  }
.LBB2_1:
0x45: {  	s7 =	rddreg [dreg:$0x7]  }
0x46: {  	[tilespmem:s2], [sflag:$0x3] =	stream.linear.gather [hbm4b:s7+s2], $0x200, $0x38;
	[tilespmem:$0x18E80] =	vst v63  }
0x47: {  	_ =	swait.ge [sflag:s20], $0x200  }
0x48: {  	[sflag:s20] =	ssyncset.done $0x0  }
0x49: {  	s29 =	rddreg [dreg:$0x8];
	[sflag:s20] =	ssyncadd.s32 $0xFFFFFE00  }
0x4a: {  	[tilespmem:s21], [sflag:$0x3] =	stream.linear.gather [hbm4b:s29+s2], $0x200, $0x38;
	[tilespmem:$0x18E80] =	vst v63  }
0x4b: {  	_ =	swait.ge [sflag:s20], $0x200  }
0x4c: {  	[sflag:s20] =	ssyncset.done $0x0  }
0x4d: {  	[sflag:s20] =	ssyncadd.s32 $0xFFFFFE00  }
0x4e: {  	[spmem:s9] =	stream.strided.scatter [tilespmem:s2], [sflag:$0x3], $0x200, s23, s22, $0x38;
	[tilespmem:$0x18E80] =	vst v63  }
0x4f: {  	_ =	swait.ge [sflag:s20], $0x200  }
0x50: {  	[sflag:s20] =	ssyncset.done $0x0  }
0x51: {  	[sflag:s20] =	ssyncadd.s32 $0xFFFFFE00  }
0x52: {  	[spmem:s11] =	stream.strided.scatter [tilespmem:s21], [sflag:$0x3], $0x200, s23, s22, $0x38;
	[tilespmem:$0x18E80] =	vst v63  }
0x53: {  	_ =	swait.ge [sflag:s20], $0x200  }
0x54: {  	[sflag:s20] =	ssyncset.done $0x0  }
0x55: {  	[sflag:s20] =	ssyncadd.s32 $0xFFFFFE00  }
0x56: {  	[smem:s2], [sflag:$0x3] =	stream.linear.gather [spmem:s9], $0x80, $0x38;
	[tilespmem:$0x18E80] =	vst v63  }
0x57: {  	s8 =	rddreg [dreg:$0xb]  }
0x58: {  	[smem:s22], [sflag:$0x3] =	stream.linear.gather [spmem:s8], $0x80, $0x38;
	[tilespmem:$0x18E80] =	vst v63  }
0x59: {  	s7 =	rddreg [dreg:$0xc]  }
0x5a: {  	[smem:s23], [sflag:$0x3] =	stream.linear.gather [spmem:s7], $0x80, $0x38;
	[tilespmem:$0x18E80] =	vst v63  }
0x5b: {  	s10 =	simm.s32 $0x180  }
0x5c: {  	[smem:s10], [sflag:$0x3] =	stream.linear.gather [spmem:s16], $0x80, $0x38;
	[tilespmem:$0x18E80] =	vst v63  }
0x5d: {  	_ =	swait.ge [sflag:s20], $0x200  }
0x5e: {  	[sflag:s20] =	ssyncset.done $0x0  }
0x5f: {  	[sflag:s20] =	ssyncadd.s32 $0xFFFFFE00  }
0x60: {  	[smem:s21], [sflag:$0x3] =	stream.linear.gather [spmem:s11], $0x80, $0x38;
	[tilespmem:$0x18E80] =	vst v63  }
0x61: {  	s12 =	simm.s32 $0x280  }
0x62: {  	[smem:s12], [sflag:$0x3] =	stream.linear.gather [spmem:s17], $0x80, $0x38;
	[tilespmem:$0x18E80] =	vst v63  }
0x63: {  	s13 =	simm.s32 $0x300  }
0x64: {  	[smem:s13], [sflag:$0x3] =	stream.linear.gather [spmem:s18], $0x80, $0x38;
	[tilespmem:$0x18E80] =	vst v63  }
0x65: {  	s14 =	simm.s32 $0x380  }
0x66: {  	[smem:s14], [sflag:$0x3] =	stream.linear.gather [spmem:s19], $0x80, $0x38;
	[tilespmem:$0x18E80] =	vst v63  }
0x67: {  	_ =	swait.ge [sflag:s20], $0x200  }
0x68: {  	[sflag:s20] =	ssyncset.done $0x0  }
0x69: {  	s8 =	simm.s32 $0x18800;
	s15 =	rddreg [dreg:$0x6];
	[sflag:s20] =	ssyncadd.s32 $0xFFFFFE00  }
0x6a: {  	[tilespmem:s8], [sflag:$0x3] =	stream.linear.gather [hbm4b:s15+s2], $0x80, $0x38;
	[tilespmem:$0x18E80] =	vst v63  }
0x6b: {  	_ =	swait.ge [sflag:s20], $0x80  }
0x6c: {  	[sflag:s20] =	ssyncset.done $0x0  }
0x6d: {  	[sflag:s20] =	ssyncadd.s32 $0xFFFFFF80  }
0x6e: {  	v14 =	vld [tilespmem:$0x18800];
	s26 =	sld [smem:$0x0]  }
0x6f: {  	s29 =	sld [smem:$0x200];
	_ =	sdelay $0x1  }
0x70: {  	s10 =	simm.s32 $0x400;
	s7 =	sshll.u32 s26, $0x4  }
0x71: {  	s12 =	simm.s32 $0x8;
	s7 =	sand.u32 $0x1FFFFFF0, s7;
	s8 =	sshll.u32 s29, $0x4  }
0x72: {  	v42 =	vmov v36;
	v62 =	vmov v21;
	v53 =	vmov v16;
	s13 =	simm.s32 $0x1;
	s7 =	sadd.s32 s4, s7;
	s26 =	sand.u32 $0x1FFFFFF0, s8  }
0x73: {  	v61 =	vmovc v34;
	v43 =	vmovc v31;
	v18 =	vmov v35;
	v34 =	vmov v33;
	v13 =	vmov v32;
	[tilespmem:s24], [sflag:$0x1] =	stream.linear.gather [hbm4b:s7+s2], $0x80, $0x38;
	[tilespmem:$0x18E80] =	vst v63  }
0x74: {  	v11 =	vmovc v29;
	v32 =	vmovc v27;
	v10 =	vmov v52;
	v8 =	vmov v58;
	v1 =	vmov v56;
	s8 =	simm.s32 $0x0;
	s7 =	simm.s32 $0x8400;
	s14 =	sld [smem:$0x1]  }
.LBB2_2:
0x75: {  	p0 =	sne.s32 s12, $0x3FC;
	s29 =	sld [smem:s13+$0x200];
	s13 =	sadd.s32 s5, s26  }
0x76: {  	[tilespmem:s7], [sflag:$0x1] =	stream.linear.gather [hbm4b:s13+s8], $0x80, $0x38;
	[tilespmem:$0x18E80] =	vst v63  }
.Ltmp0:
0x77: {  	s10 =	sadd.s32 $0x80, s10;
	s8 =	sshll.u32 s14, $0x4;
	(pc) =	sbr.rel @p0 .LBB2_2-.Ltmp0, $4  }
0x78: {  	s7 =	sadd.s32 $0x80, s7;
	s14 =	sand.u32 $0x1FFFFFF0, s8;
	s8 =	simm.s32 $0x0  }
0x79: {  	s13 =	sshra.s32 s12, $0x2;
	s26 =	sshll.u32 s29, $0x4;
	s14 =	sadd.s32 s4, s14  }
0x7a: {  	[tilespmem:s10], [sflag:$0x1] =	stream.linear.gather [hbm4b:s14+s8], $0x80, $0x38;
	[tilespmem:$0x18E80] =	vst v63  }
0x7b: {  	s12 =	sadd.s32 $0x4, s12;
	s26 =	sand.u32 $0x1FFFFFF0, s26;
	s14 =	sld [smem:s13+$0x0]  }
0x7c: {  	s12 =	sld [smem:s13+$0x200];
	s29 =	sadd.s32 s5, s26  }
0x7d: {  	[tilespmem:s7], [sflag:$0x1] =	stream.linear.gather [hbm4b:s29+s8], $0x80, $0x38;
	[tilespmem:$0x18E80] =	vst v63  }
0x7e: {  	s15 =	sshll.u32 s14, $0x4  }
0x7f: {  	s13 =	sand.u32 $0x1FFFFFF0, s15;
	s12 =	sshll.u32 s12, $0x4  }
0x80: {  	s10 =	sadd.s32 $0x80, s10;
	s13 =	sadd.s32 s4, s13;
	s26 =	sand.u32 $0x1FFFFFF0, s12  }
0x81: {  	[tilespmem:s10], [sflag:$0x1] =	stream.linear.gather [hbm4b:s13+s8], $0x80, $0x38;
	[tilespmem:$0x18E80] =	vst v63  }
0x82: {  	s29 =	sadd.s32 $0x80, s7;
	s10 =	sadd.s32 s5, s26  }
0x83: {  	[tilespmem:s29], [sflag:$0x1] =	stream.linear.gather [hbm4b:s10+s8], $0x80, $0x38;
	[tilespmem:$0x18E80] =	vst v63  }
0x84: {  	s26 =	sld [smem:$0x0];
	v4 =	vld [tilespmem:$0x1FBE0]  }
0x85: {  	v59 =	vld [tilespmem:$0x1FBF0]  }
0x86: {  	v40 =	vld [tilespmem:$0x1FC00]  }
0x87: {  	v44 =	vld [tilespmem:$0x1FC10]  }
0x88: {  	v57 =	vld [tilespmem:$0x1FC20]  }
0x89: {  	v28 =	vld [tilespmem:$0x1FC30]  }
0x8a: {  	v23 =	vld [tilespmem:$0x1FC40]  }
0x8b: {  	v36 =	vld [tilespmem:$0x1FC50]  }
0x8c: {  	v12 =	vld [tilespmem:$0x1FC60]  }
0x8d: {  	v20 =	vld [tilespmem:$0x1FC70]  }
0x8e: {  	v22 =	vld [tilespmem:$0x1FC80]  }
0x8f: {  	v21 =	vld [tilespmem:$0x1FC90]  }
0x90: {  	v24 =	vld [tilespmem:$0x1FCA0]  }
0x91: {  	v26 =	vld [tilespmem:$0x1FCB0]  }
0x92: {  	p1 =	por $0x1, $0x1;
	v35 =	vld [tilespmem:$0x1FCC0]  }
.Ltmp1:
0x93: {  	v38 =	vld [tilespmem:$0x1FCD0];
	(pc) =	sbr.rel @!p1 .LBB2_4-.Ltmp1, $4  }
0x94: {  	v41 =	vld [tilespmem:$0x1FCE0]  }
0x95: {  	v50 =	vld [tilespmem:$0x1FCF0]  }
0x96: {  	p0 =	por $0x0, $0x0;
	v6 =	vld [tilespmem:$0x1FD20]  }
0x97: {  	s7 =	simm.s32 $0x14400;
	s12 =	simm.s32 $0x0;
	s8 =	simm.s32 $0x10400;
	v37 =	vld [tilespmem:$0x1FD30]  }
0x98: {  	s12 =	sshrl.u32 s26, $0x3;
	p1 =	por $0x1, $0x1  }
.Ltmp2:
0x99: {  	s10 =	sld [smem:$0x200];
	s13 =	sand.u32 $0x1FFFFFF0, s12;
	(pc) =	sbr.rel @!p1 .LBB2_6-.Ltmp2, $4  }
0x9a: {  	p0 =	por $0x1, $0x1;
	s29 =	simm.s32 $0x10400;
	s13 =	sadd.s32 s0, s13  }
0x9b: {  	[tilespmem:s8], [sflag:$0x2] =	stream.linear.gather [hbm4b:s13+s2], $0x80, $0x38;
	[tilespmem:$0x18E80] =	vst v63  }
0x9c: {  	s12 =	simm.s32 $0x1;
	s10 =	sshrl.u32 s10, $0x3;
	s13 =	simm.s32 $0x8  }
0x9d: {  	s26 =	sld [smem:$0x1];
	s14 =	sand.u32 $0x1FFFFFF0, s10;
	s10 =	simm.s32 $0x14400  }
.LBB2_7:
0x9e: {  	p1 =	sne.s32 s13, $0x1FC;
	s15 =	sld [smem:s12+$0x200];
	s12 =	sadd.s32 s6, s14  }
0x9f: {  	[tilespmem:s10], [sflag:$0x2] =	stream.linear.gather [hbm4b:s12+s2], $0x80, $0x38;
	[tilespmem:$0x18E80] =	vst v63  }
.Ltmp3:
0xa0: {  	s12 =	sshrl.u32 s26, $0x3;
	(pc) =	sbr.rel @p1 .LBB2_7-.Ltmp3, $4  }
0xa1: {  	s29 =	sadd.s32 $0x80, s29;
	s10 =	sadd.s32 $0x80, s10;
	s14 =	sand.u32 $0x1FFFFFF0, s12  }
0xa2: {  	s12 =	sshra.s32 s13, $0x2;
	s15 =	sshrl.u32 s15, $0x3;
	s14 =	sadd.s32 s0, s14  }
0xa3: {  	[tilespmem:s29], [sflag:$0x2] =	stream.linear.gather [hbm4b:s14+s2], $0x80, $0x38;
	[tilespmem:$0x18E80] =	vst v63  }
0xa4: {  	s13 =	sadd.s32 $0x4, s13;
	s14 =	sand.u32 $0x1FFFFFF0, s15;
	s26 =	sld [smem:s12+$0x0]  }
.LBB2_8:
0xa5: {  	s12 =	sld [smem:s12+$0x200];
	s13 =	sadd.s32 @p0 s6, s14  }
0xa6: {  	[tilespmem:s10], [sflag:$0x2] =	stream.linear.gather @p0 [hbm4b:s13+s2], $0x80, $0x38;
	[tilespmem:$0x18E80] =	vst v63  }
0xa7: {  	s15 =	sshrl.u32 s26, $0x3  }
0xa8: {  	s14 =	sadd.s32 @p0 $0x80, s29;
	s13 =	sand.u32 $0x1FFFFFF0, s15  }
0xa9: {  	s8 =	smov.u32 @p0 s14;
	s12 =	sshrl.u32 s12, $0x3;
	s13 =	sadd.s32 s0, s13  }
0xaa: {  	[tilespmem:s8], [sflag:$0x2] =	stream.linear.gather [hbm4b:s13+s2], $0x80, $0x38;
	[tilespmem:$0x18E80] =	vst v63  }
0xab: {  	s26 =	sand.u32 $0x1FFFFFF0, s12;
	s8 =	sadd.s32 @p0 $0x80, s10  }
0xac: {  	s29 =	sadd.s32 s6, s26;
	s7 =	smov.u32 @p0 s8  }
0xad: {  	[tilespmem:s7], [sflag:$0x2] =	stream.linear.gather [hbm4b:s29+s2], $0x80, $0x38;
	[tilespmem:$0x18E80] =	vst v63  }
0xae: {  	_ =	swait.ge [sflag:s30], $0x80  }
0xaf: {  	[sflag:s30] =	ssyncset.done $0x0  }
0xb0: {  	[sflag:s30] =	ssyncadd.s32 $0xFFFFFF80  }
0xb1: {  	_ =	swait.ge [sflag:s30], $0x80  }
0xb2: {  	s7 =	simm.s32 $0x7F;
	[sflag:s30] =	ssyncset.done $0x0  }
.LBB2_9:
0xb3: {  	p0 =	sne.s32 s7, $0x1;
	s7 =	sadd.s32 $0xFFFFFFFF, s7;
	[sflag:s30] =	ssyncadd.s32 $0xFFFFFF80  }
.Ltmp4:
0xb4: {  	_ =	swait.ge [sflag:s30], $0x80;
	(pc) =	sbr.rel @p0 .LBB2_9-.Ltmp4, $4  }
0xb5: {  	[sflag:s30] =	ssyncset.done $0x0  }
0xb6: {  	[sflag:s30] =	ssyncadd.s32 $0xFFFFFF80  }
0xb7: {  	_ =	swait.ge [sflag:s30], $0x80  }
0xb8: {  	[sflag:s30] =	ssyncset.done $0x0  }
0xb9: {  	[sflag:s30] =	ssyncadd.s32 $0xFFFFFF80  }
0xba: {  	s10 =	simm.s32 $0x0;
	s12 =	simm.s32 $0x18400;
	s13 =	simm.s32 $0x200  }
0xbb: {  	s26 =	simm.s32 $0x18600;
	s29 =	simm.s32 $0x0;
	s14 =	simm.s32 $0x0  }
.LBB2_11:
0xbc: {  	v0 =	vld [tilespmem:s29+$0x0];
	_ =	sdelay $0x2  }
0xbd: {  	v2 =	vmov s14  }
0xbe: {  	v2 =	vshll.u32 v2, $0x7  }
0xbf: {  	v2 =	vor.u32 v17, v2;
	v0 =	vand.u32 $0x7F, v0  }
0xc0: {  	v0 =	vor.u32 v2, v0;
	_ =	sdelay $0x3  }
0xc1: {  	s7 =	simm.s32 $0x10400  }
0xc2: {  	v0 =	vld.idx.msk [tilespmem:v0+s7+$0x0], $0xffff;
	_ =	sdelay $0x4  }
0xc3: {  	[tilespmem:s12+$0x0] =	vst v0  }
0xc4: {  	v0 =	vld [tilespmem:s13+$0x0];
	_ =	sdelay $0x4  }
0xc5: {  	v0 =	vand.u32 $0x7F, v0  }
0xc6: {  	v0 =	vor.u32 v2, v0;
	_ =	sdelay $0x3  }
0xc7: {  	s8 =	simm.s32 $0x14400  }
0xc8: {  	p0 =	sne.s32 s14, $0x70;
	v0 =	vld.idx.msk [tilespmem:v0+s8+$0x0], $0xffff  }
.Ltmp5:
0xc9: {  	_ = 	snop;
	(pc) =	sbr.rel @p0 .LBB2_11-.Ltmp5, $3  }
0xca: {  	_ =	sdelay $0x1  }
0xcb: {  	s29 =	sadd.s32 $0x10, s29;
	s14 =	sadd.s32 $0x10, s14  }
0xcc: {  	s12 =	sadd.s32 $0x10, s12;
	s13 =	sadd.s32 $0x10, s13;
	[tilespmem:s26+$0x0] =	vst v0;
	s26 =	sadd.s32 $0x10, s26  }
0xcd: {  	s12 =	sshra.s32 s10, $0x2  }
0xce: {  	s13 =	sld [smem:s12+$0x80];
	_ =	sdelay $0x2  }
0xcf: {  	s13 =	sshrl.u32 s13, $0x3  }
0xd0: {  	s14 =	sld [smem:s12+$0x280];
	s26 =	sand.u32 $0x1FFFFFF0, s13  }
0xd1: {  	s29 =	sadd.s32 $0x4, s10;
	s12 =	sadd.s32 s0, s26  }
0xd2: {  	[tilespmem:s7], [sflag:$0x2] =	stream.linear.gather [hbm4b:s12+s2], $0x80, $0x38;
	[tilespmem:$0x18E80] =	vst v63  }
0xd3: {  	s14 =	sshrl.u32 s14, $0x3;
	s12 =	sshra.s32 s29, $0x2  }
0xd4: {  	s10 =	sadd.s32 $0x4, s29;
	s14 =	sand.u32 $0x1FFFFFF0, s14;
	s13 =	sld [smem:s12+$0x80]  }
.LBB2_13:
0xd5: {  	p0 =	sne.s32 s10, $0x1FC;
	s15 =	sld [smem:s12+$0x280];
	s12 =	sadd.s32 s6, s14  }
0xd6: {  	[tilespmem:s8], [sflag:$0x2] =	stream.linear.gather [hbm4b:s12+s2], $0x80, $0x38;
	[tilespmem:$0x18E80] =	vst v63  }
.Ltmp6:
0xd7: {  	s12 =	sshrl.u32 s13, $0x3;
	(pc) =	sbr.rel @p0 .LBB2_13-.Ltmp6, $4  }
0xd8: {  	s7 =	sadd.s32 $0x80, s7;
	s8 =	sadd.s32 $0x80, s8;
	s13 =	sand.u32 $0x1FFFFFF0, s12  }
0xd9: {  	s12 =	sshra.s32 s10, $0x2;
	s14 =	sshrl.u32 s15, $0x3;
	s13 =	sadd.s32 s0, s13  }
0xda: {  	[tilespmem:s7], [sflag:$0x2] =	stream.linear.gather [hbm4b:s13+s2], $0x80, $0x38;
	[tilespmem:$0x18E80] =	vst v63  }
0xdb: {  	s10 =	sadd.s32 $0x4, s10;
	s14 =	sand.u32 $0x1FFFFFF0, s14;
	s13 =	sld [smem:s12+$0x80]  }
0xdc: {  	s10 =	sld [smem:s12+$0x280];
	s14 =	sadd.s32 s6, s14  }
0xdd: {  	[tilespmem:s8], [sflag:$0x2] =	stream.linear.gather [hbm4b:s14+s2], $0x80, $0x38;
	[tilespmem:$0x18E80] =	vst v63  }
0xde: {  	s15 =	sshrl.u32 s13, $0x3  }
0xdf: {  	s12 =	sand.u32 $0x1FFFFFF0, s15;
	s10 =	sshrl.u32 s10, $0x3  }
0xe0: {  	s7 =	sadd.s32 $0x80, s7;
	s12 =	sadd.s32 s0, s12;
	s26 =	sand.u32 $0x1FFFFFF0, s10  }
0xe1: {  	[tilespmem:s7], [sflag:$0x2] =	stream.linear.gather [hbm4b:s12+s2], $0x80, $0x38;
	[tilespmem:$0x18E80] =	vst v63  }
0xe2: {  	s29 =	sadd.s32 $0x80, s8;
	p0 =	por $0x1, $0x1;
	s7 =	sadd.s32 s6, s26  }
0xe3: {  	[tilespmem:s29], [sflag:$0x2] =	stream.linear.gather [hbm4b:s7+s2], $0x80, $0x38;
	[tilespmem:$0x18E80] =	vst v63  }
.Ltmp7:
0xe4: {  	_ =	swait.ge [sflag:s30], $0x80;
	(pc) =	sbr.rel @!p0 .LBB2_16-.Ltmp7, $4  }
0xe5: {  	[sflag:s30] =	ssyncset.done $0x0  }
0xe6: {  	[sflag:s30] =	ssyncadd.s32 $0xFFFFFF80  }
0xe7: {  	_ =	swait.ge [sflag:s30], $0x80  }
0xe8: {  	s8 =	simm.s32 $0x7F;
	s7 =	simm.s32 $0x80;
	[sflag:s30] =	ssyncset.done $0x0  }
.LBB2_15:
0xe9: {  	p0 =	sne.s32 s8, $0x1;
	s8 =	sadd.s32 $0xFFFFFFFF, s8;
	[sflag:s30] =	ssyncadd.s32 $0xFFFFFF80  }
.Ltmp8:
0xea: {  	_ =	swait.ge [sflag:s30], $0x80;
	(pc) =	sbr.rel @p0 .LBB2_15-.Ltmp8, $4  }
0xeb: {  	[sflag:s30] =	ssyncset.done $0x0  }
0xec: {  	[sflag:s30] =	ssyncadd.s32 $0xFFFFFF80  }
0xed: {  	_ =	swait.ge [sflag:s30], $0x80  }
0xee: {  	[sflag:s30] =	ssyncset.done $0x0  }
.LBB2_16:
0xef: {  	[sflag:s30] =	ssyncadd.s32 $0xFFFFFF80;
	s8 =	simm.s32 $0x0  }
0xf0: {  	s10 =	simm.s32 $0x18480;
	s12 =	simm.s32 $0x280;
	s13 =	simm.s32 $0x18680  }
.LBB2_17:
0xf1: {  	v0 =	vld [tilespmem:s7+$0x0];
	_ =	sdelay $0x2  }
0xf2: {  	v2 =	vmov s8  }
0xf3: {  	v2 =	vshll.u32 v2, $0x7  }
0xf4: {  	v2 =	vor.u32 v17, v2;
	v0 =	vand.u32 $0x7F, v0  }
0xf5: {  	v0 =	vor.u32 v2, v0;
	_ =	sdelay $0x4  }
0xf6: {  	v0 =	vld.idx.msk [tilespmem:v0+s31+$0x0], $0xffff;
	_ =	sdelay $0x4  }
0xf7: {  	[tilespmem:s10+$0x0] =	vst v0  }
0xf8: {  	v0 =	vld [tilespmem:s12+$0x0];
	_ =	sdelay $0x4  }
0xf9: {  	v0 =	vand.u32 $0x7F, v0  }
0xfa: {  	v0 =	vor.u32 v2, v0;
	_ =	sdelay $0x4  }
0xfb: {  	p0 =	sne.s32 s8, $0x70;
	v0 =	vld.idx.msk [tilespmem:v0+s1+$0x0], $0xffff  }
.Ltmp9:
0xfc: {  	_ = 	snop;
	(pc) =	sbr.rel @p0 .LBB2_17-.Ltmp9, $3  }
0xfd: {  	_ =	sdelay $0x1  }
0xfe: {  	s7 =	sadd.s32 $0x10, s7;
	s8 =	sadd.s32 $0x10, s8  }
0xff: {  	s10 =	sadd.s32 $0x10, s10;
	s12 =	sadd.s32 $0x10, s12;
	[tilespmem:s13+$0x0] =	vst v0;
	s13 =	sadd.s32 $0x10, s13  }
0x100: {  	_ =	swait.ge [sflag:s3], $0x80  }
0x101: {  	[sflag:s3] =	ssyncset.done $0x0  }
0x102: {  	[sflag:s3] =	ssyncadd.s32 $0xFFFFFF80  }
0x103: {  	_ =	swait.ge [sflag:s3], $0x80  }
0x104: {  	s7 =	simm.s32 $0xFF;
	[sflag:s3] =	ssyncset.done $0x0  }
.LBB2_19:
0x105: {  	p0 =	sne.s32 s7, $0x1;
	s7 =	sadd.s32 $0xFFFFFFFF, s7;
	[sflag:s3] =	ssyncadd.s32 $0xFFFFFF80  }
.Ltmp10:
0x106: {  	_ =	swait.ge [sflag:s3], $0x80;
	(pc) =	sbr.rel @p0 .LBB2_19-.Ltmp10, $4  }
0x107: {  	[sflag:s3] =	ssyncset.done $0x0  }
0x108: {  	[sflag:s3] =	ssyncadd.s32 $0xFFFFFF80  }
0x109: {  	_ =	swait.ge [sflag:s3], $0x80  }
0x10a: {  	[sflag:s3] =	ssyncset.done $0x0  }
0x10b: {  	s7 =	simm.s32 $0x0  }
0x10c: {  	v0 =	vmov s7  }
0x10d: {  	v0 =	vshll.u32 v0, $0x7  }
0x10e: {  	v3 =	vor.u32 v17, v0  }
0x10f: {  	v0 =	vor.u32 v15, v3;
	_ =	sdelay $0x1  }
0x110: {  	v2 =	vor.u32 v4, v3;
	_ =	sdelay $0x1  }
0x111: {  	[sflag:s3] =	ssyncadd.s32 $0xFFFFFF80;
	s29 =	simm.s32 $0x8400;
	v4 =	vor.u32 v9, v3  }
0x112: {  	s26 =	simm.s32 $0x400;
	v19 =	vld.idx.msk [tilespmem:v0+s29+$0x0], $0xffff  }
0x113: {  	v46 =	vor.u32 v59, v3;
	v60 =	vld.idx.msk [tilespmem:v0+s26+$0x0], $0xffff  }
0x114: {  	v48 =	vld.idx.msk [tilespmem:v2+s26+$0x0], $0xffff  }
0x115: {  	v49 =	vor.u32 v54, v3;
	v5 =	vld.idx.msk [tilespmem:v2+s29+$0x0], $0xffff  }
0x116: {  	v27 =	vld.idx.msk [tilespmem:v4+s26+$0x0], $0xffff  }
0x117: {  	v56 =	vor.u32 v44, v3;
	v4 =	vld.idx.msk [tilespmem:v4+s29+$0x0], $0xffff  }
0x118: {  	v29 =	vld.idx.msk [tilespmem:v46+s26+$0x0], $0xffff  }
0x119: {  	v0 =	vor.u32 v40, v3;
	v46 =	vld.idx.msk [tilespmem:v46+s29+$0x0], $0xffff  }
0x11a: {  	v31 =	vmov v1;
	v2 =	vor.u32 v1, v3;
	v1 =	vld.idx.msk [tilespmem:v49+s26+$0x0], $0xffff  }
0x11b: {  	v55 =	vld.idx.msk [tilespmem:v49+s29+$0x0], $0xffff  }
0x11c: {  	v33 =	vld.idx.msk [tilespmem:v56+s26+$0x0], $0xffff;
	v60 =	vmul.f32 v19, v60;
	v5 =	vmul.f32 v5, v48  }
0x11d: {  	v52 =	vor.u32 v57, v3;
	v54 =	vld.idx.msk [tilespmem:v56+s29+$0x0], $0xffff  }
0x11e: {  	v30 =	vld.idx.msk [tilespmem:v0+s26+$0x0], $0xffff;
	v4 =	vmul.f32 v4, v27;
	v5 =	vadd.f32 v5, v60  }
0x11f: {  	v58 =	vor.u32 v8, v3;
	v0 =	vld.idx.msk [tilespmem:v0+s29+$0x0], $0xffff  }
0x120: {  	v19 =	vmov v8;
	v8 =	vld.idx.msk [tilespmem:v2+s26+$0x0], $0xffff;
	v4 =	vadd.f32 v4, v5;
	v5 =	vmul.f32 v46, v29  }
0x121: {  	v56 =	vor.u32 v28, v3;
	v2 =	vld.idx.msk [tilespmem:v2+s29+$0x0], $0xffff  }
0x122: {  	v27 =	vmov v57;
	v57 =	vld.idx.msk [tilespmem:v52+s26+$0x0], $0xffff;
	v4 =	vadd.f32 v5, v4;
	v5 =	vmul.f32 v55, v1  }
0x123: {  	v48 =	vld [tilespmem:$0x1FED0];
	v55 =	vor.u32 v10, v3  }
0x124: {  	v0 =	vmul.f32 v0, v30;
	v1 =	vld.idx.msk [tilespmem:v58+s26+$0x0], $0xffff;
	v4 =	vadd.f32 v5, v4  }
0x125: {  	v5 =	vld.idx.msk [tilespmem:v58+s29+$0x0], $0xffff  }
0x126: {  	v2 =	vmul.f32 v2, v8;
	v8 =	vld.idx.msk [tilespmem:v56+s26+$0x0], $0xffff;
	v0 =	vadd.f32 v0, v4  }
0x127: {  	v58 =	vor.u32 v32, v3;
	v4 =	vld.idx.msk [tilespmem:v52+s29+$0x0], $0xffff  }
0x128: {  	v7 =	vld.idx.msk [tilespmem:v55+s26+$0x0], $0xffff;
	v0 =	vadd.f32 v2, v0;
	v2 =	vmul.f32 v54, v33  }
0x129: {  	v39 =	vor.u32 v23, v3;
	v33 =	vld.idx.msk [tilespmem:v55+s29+$0x0], $0xffff  }
0x12a: {  	v29 =	vmovc v40;
	v40 =	vmov v10;
	v10 =	vld [tilespmem:$0x1FE50];
	v0 =	vadd.f32 v2, v0;
	v2 =	vmul.f32 v5, v1  }
0x12b: {  	v52 =	vor.u32 v11, v3;
	v5 =	vld.idx.msk [tilespmem:v56+s29+$0x0], $0xffff  }
0x12c: {  	v1 =	vld.idx.msk [tilespmem:v58+s26+$0x0], $0xffff;
	v0 =	vadd.f32 v2, v0;
	v2 =	vmul.f32 v4, v57  }
0x12d: {  	v54 =	vor.u32 v36, v3;
	v4 =	vld.idx.msk [tilespmem:v58+s29+$0x0], $0xffff  }
0x12e: {  	v55 =	vld.idx.msk [tilespmem:v39+s26+$0x0], $0xffff;
	v0 =	vadd.f32 v2, v0;
	v2 =	vmul.f32 v33, v7  }
0x12f: {  	v56 =	vld.idx.msk [tilespmem:v39+s29+$0x0], $0xffff;
	v57 =	vor.u32 v13, v3  }
0x130: {  	v7 =	vld.idx.msk [tilespmem:v52+s26+$0x0], $0xffff;
	v0 =	vadd.f32 v2, v0;
	v2 =	vmul.f32 v5, v8  }
0x131: {  	v58 =	vor.u32 v12, v3;
	v5 =	vld.idx.msk [tilespmem:v52+s29+$0x0], $0xffff  }
0x132: {  	v8 =	vld.idx.msk [tilespmem:v54+s26+$0x0], $0xffff;
	v0 =	vadd.f32 v2, v0;
	v2 =	vmul.f32 v4, v1  }
0x133: {  	v33 =	vor.u32 v34, v3;
	v4 =	vld.idx.msk [tilespmem:v54+s29+$0x0], $0xffff  }
0x134: {  	v39 =	vld.idx.msk [tilespmem:v57+s29+$0x0], $0xffff;
	v0 =	vadd.f32 v2, v0;
	v2 =	vmul.f32 v56, v55  }
0x135: {  	v1 =	vld.idx.msk [tilespmem:v57+s26+$0x0], $0xffff;
	v54 =	vor.u32 v20, v3  }
0x136: {  	v55 =	vld.idx.msk [tilespmem:v58+s26+$0x0], $0xffff;
	v0 =	vadd.f32 v2, v0;
	v2 =	vmul.f32 v5, v7  }
0x137: {  	v56 =	vor.u32 v18, v3;
	v5 =	vld.idx.msk [tilespmem:v58+s29+$0x0], $0xffff  }
0x138: {  	v7 =	vld.idx.msk [tilespmem:v33+s26+$0x0], $0xffff;
	v0 =	vadd.f32 v2, v0;
	v2 =	vmul.f32 v4, v8  }
0x139: {  	v57 =	vor.u32 v22, v3;
	v4 =	vld.idx.msk [tilespmem:v33+s29+$0x0], $0xffff  }
0x13a: {  	v58 =	vld.idx.msk [tilespmem:v54+s29+$0x0], $0xffff;
	v0 =	vadd.f32 v2, v0;
	v2 =	vmul.f32 v39, v1  }
0x13b: {  	v8 =	vld.idx.msk [tilespmem:v54+s26+$0x0], $0xffff;
	v33 =	vor.u32 v63, v3  }
0x13c: {  	v1 =	vld.idx.msk [tilespmem:v56+s26+$0x0], $0xffff;
	v0 =	vadd.f32 v2, v0;
	v2 =	vmul.f32 v5, v55  }
0x13d: {  	v39 =	vor.u32 v21, v3;
	v5 =	vld.idx.msk [tilespmem:v56+s29+$0x0], $0xffff  }
0x13e: {  	v56 =	vld.idx.msk [tilespmem:v57+s26+$0x0], $0xffff;
	v0 =	vadd.f32 v2, v0;
	v2 =	vmul.f32 v4, v7  }
0x13f: {  	v4 =	vld.idx.msk [tilespmem:v57+s29+$0x0], $0xffff;
	v57 =	vor.u32 v43, v3  }
0x140: {  	v7 =	vld.idx.msk [tilespmem:v33+s26+$0x0], $0xffff;
	v0 =	vadd.f32 v2, v0;
	v2 =	vmul.f32 v58, v8  }
0x141: {  	v58 =	vld.idx.msk [tilespmem:v33+s29+$0x0], $0xffff;
	v33 =	vor.u32 v24, v3  }
0x142: {  	v8 =	vld.idx.msk [tilespmem:v39+s26+$0x0], $0xffff;
	v0 =	vadd.f32 v2, v0;
	v2 =	vmul.f32 v5, v1  }
0x143: {  	v5 =	vld.idx.msk [tilespmem:v39+s29+$0x0], $0xffff;
	v39 =	vor.u32 v61, v3  }
0x144: {  	v1 =	vld.idx.msk [tilespmem:v57+s26+$0x0], $0xffff;
	v0 =	vadd.f32 v2, v0;
	v2 =	vmul.f32 v4, v56  }
0x145: {  	v52 =	vmov v43;
	v43 =	vor.u32 v26, v3;
	v4 =	vld.idx.msk [tilespmem:v57+s29+$0x0], $0xffff  }
0x146: {  	v54 =	vld.idx.msk [tilespmem:v33+s26+$0x0], $0xffff;
	v0 =	vadd.f32 v2, v0;
	v2 =	vmul.f32 v58, v7  }
0x147: {  	v55 =	vld.idx.msk [tilespmem:v33+s29+$0x0], $0xffff;
	v33 =	vor.u32 v53, v3  }
0x148: {  	v7 =	vld.idx.msk [tilespmem:v39+s26+$0x0], $0xffff;
	v0 =	vadd.f32 v2, v0;
	v2 =	vmul.f32 v5, v8  }
0x149: {  	v5 =	vld.idx.msk [tilespmem:v39+s29+$0x0], $0xffff;
	v39 =	vor.u32 v35, v3  }
0x14a: {  	v8 =	vld.idx.msk [tilespmem:v43+s26+$0x0], $0xffff;
	v0 =	vadd.f32 v2, v0;
	v2 =	vmul.f32 v4, v1  }
0x14b: {  	v4 =	vld.idx.msk [tilespmem:v43+s29+$0x0], $0xffff;
	v43 =	vor.u32 v62, v3  }
0x14c: {  	v1 =	vld.idx.msk [tilespmem:v33+s26+$0x0], $0xffff;
	v0 =	vadd.f32 v2, v0;
	v2 =	vmul.f32 v55, v54  }
0x14d: {  	v58 =	vmov v53;
	v53 =	vld.idx.msk [tilespmem:v33+s29+$0x0], $0xffff;
	v33 =	vor.u32 v38, v3  }
0x14e: {  	v38 =	vld.idx.msk [tilespmem:v39+s26+$0x0], $0xffff;
	v0 =	vadd.f32 v2, v0;
	v2 =	vmul.f32 v5, v7  }
0x14f: {  	v55 =	vor.u32 v42, v3;
	v5 =	vld.idx.msk [tilespmem:v39+s29+$0x0], $0xffff  }
0x150: {  	v7 =	vld.idx.msk [tilespmem:v43+s26+$0x0], $0xffff;
	v0 =	vadd.f32 v2, v0;
	v2 =	vmul.f32 v4, v8  }
0x151: {  	v47 =	vmov v11;
	v11 =	vor.u32 v6, v3;
	v4 =	vld.idx.msk [tilespmem:v43+s29+$0x0], $0xffff  }
0x152: {  	v8 =	vld.idx.msk [tilespmem:v33+s26+$0x0], $0xffff;
	v0 =	vadd.f32 v2, v0;
	v2 =	vmul.f32 v53, v1  }
0x153: {  	v54 =	vor.u32 v50, v3;
	v33 =	vld.idx.msk [tilespmem:v33+s29+$0x0], $0xffff  }
0x154: {  	v1 =	vld.idx.msk [tilespmem:v55+s26+$0x0], $0xffff;
	v0 =	vadd.f32 v2, v0;
	v2 =	vmul.f32 v5, v38  }
0x155: {  	v51 =	vmov v18;
	v5 =	vld.idx.msk [tilespmem:v55+s29+$0x0], $0xffff  }
0x156: {  	v18 =	vld.idx.msk [tilespmem:v11+s26+$0x0], $0xffff;
	v57 =	vor.u32 v41, v3;
	v0 =	vadd.f32 v2, v0;
	v2 =	vmul.f32 v4, v7  }
0x157: {  	v38 =	vld [tilespmem:$0x1FF70]  }
0x158: {  	v6 =	vld.idx.msk [tilespmem:v54+s26+$0x0], $0xffff;
	v53 =	vor.u32 v25, v3;
	v0 =	vadd.f32 v2, v0;
	v2 =	vmul.f32 v33, v8  }
0x159: {  	v41 =	vmov v25;
	v25 =	vmov v12;
	v12 =	vld [tilespmem:$0x1FE70]  }
0x15a: {  	v0 =	vadd.f32 v2, v0;
	v2 =	vmul.f32 v5, v1;
	v1 =	vld [tilespmem:$0x1FF60]  }
0x15b: {  	v55 =	vld.idx.msk [tilespmem:v57+s26+$0x0], $0xffff  }
0x15c: {  	v4 =	vld.idx.msk [tilespmem:v57+s29+$0x0], $0xffff;
	v57 =	vor.u32 v38, v3  }
0x15d: {  	v7 =	vld.idx.msk [tilespmem:v53+s26+$0x0], $0xffff  }
0x15e: {  	v9 =	vld.idx.msk [tilespmem:v53+s29+$0x0], $0xffff  }
0x15f: {  	v33 =	vor.u32 v1, v3;
	v1 =	vld [tilespmem:$0x1FE40]  }
0x160: {  	v30 =	vmov v13;
	v5 =	vld.idx.msk [tilespmem:v54+s29+$0x0], $0xffff  }
0x161: {  	v8 =	vor.u32 v10, v3;
	v0 =	vadd.f32 v2, v0;
	v2 =	vmul.f32 v4, v55;
	v13 =	vld.idx.msk [tilespmem:v57+s26+$0x0], $0xffff  }
0x162: {  	v4 =	vld.idx.msk [tilespmem:v57+s29+$0x0], $0xffff  }
0x163: {  	v54 =	vld [tilespmem:$0x1FEB0];
	v0 =	vadd.f32 v2, v0;
	v2 =	vmul.f32 v9, v7  }
0x164: {  	v39 =	vor.u32 v1, v3;
	v1 =	vld.idx.msk [tilespmem:v11+s29+$0x0], $0xffff  }
0x165: {  	v0 =	vadd.f32 v2, v0;
	v2 =	vmul.f32 v5, v6;
	v11 =	vld [tilespmem:$0x1FE60]  }
0x166: {  	v57 =	vld.idx.msk [tilespmem:v8+s26+$0x0], $0xffff  }
0x167: {  	v0 =	vadd.f32 v2, v0;
	v2 =	vmul.f32 v4, v13;
	v13 =	vld [tilespmem:$0x1FE80]  }
0x168: {  	v7 =	vld.idx.msk [tilespmem:v33+s26+$0x0], $0xffff  }
0x169: {  	v50 =	vor.u32 v12, v3;
	v5 =	vld.idx.msk [tilespmem:v33+s29+$0x0], $0xffff  }
0x16a: {  	v56 =	vmov v42;
	v42 =	vmov v21;
	v21 =	vor.u32 v11, v3;
	v6 =	vld.idx.msk [tilespmem:v39+s26+$0x0], $0xffff  }
0x16b: {  	v4 =	vld.idx.msk [tilespmem:v39+s29+$0x0], $0xffff  }
0x16c: {  	v0 =	vadd.f32 v2, v0;
	v2 =	vmul.f32 v1, v18;
	v18 =	vld [tilespmem:$0x1FEC0]  }
0x16d: {  	v1 =	vld.idx.msk [tilespmem:v8+s29+$0x0], $0xffff;
	v8 =	vor.u32 v13, v3  }
0x16e: {  	v0 =	vadd.f32 v2, v0;
	v2 =	vmul.f32 v5, v7;
	v7 =	vld.idx.msk [tilespmem:v50+s26+$0x0], $0xffff  }
0x16f: {  	v43 =	vmov v17;
	v17 =	vor.u32 v54, v3;
	v39 =	vld.idx.msk [tilespmem:v21+s26+$0x0], $0xffff  }
0x170: {  	v5 =	vld.idx.msk [tilespmem:v21+s29+$0x0], $0xffff  }
0x171: {  	v0 =	vadd.f32 v2, v0;
	v2 =	vmul.f32 v4, v6;
	v4 =	vld.idx.msk [tilespmem:v50+s29+$0x0], $0xffff;
	v60 =	vor.u32 v18, v3  }
0x172: {  	v6 =	vld.idx.msk [tilespmem:v8+s26+$0x0], $0xffff  }
0x173: {  	v21 =	vmul.f32 v1, v57;
	v1 =	vld.idx.msk [tilespmem:v8+s29+$0x0], $0xffff;
	v0 =	vadd.f32 v2, v0  }
0x174: {  	v2 =	vld.idx.msk [tilespmem:v17+s26+$0x0], $0xffff  }
0x175: {  	v0 =	vadd.f32 v21, v0;
	v21 =	vmul.f32 v5, v39;
	v5 =	vld.idx.msk [tilespmem:v17+s29+$0x0], $0xffff  }
0x176: {  	v33 =	vld.idx.msk [tilespmem:v60+s26+$0x0], $0xffff  }
0x177: {  	v39 =	vld.idx.msk [tilespmem:v60+s29+$0x0], $0xffff  }
0x178: {  	v60 =	vld [tilespmem:$0x1FEF0]  }
0x179: {  	v4 =	vmul.f32 v4, v7;
	v0 =	vadd.f32 v21, v0  }
0x17a: {  	v8 =	vor.u32 v48, v3  }
0x17b: {  	v9 =	vld [tilespmem:$0x1FDF0];
	v1 =	vmul.f32 v1, v6;
	v4 =	vadd.f32 v4, v0;
	v0 =	vor.u32 v37, v3  }
0x17c: {  	v7 =	vld [tilespmem:$0x1FE00]  }
0x17d: {  	v46 =	vor.u32 v60, v3;
	v1 =	vadd.f32 v1, v4;
	v4 =	vmul.f32 v5, v2;
	v5 =	vld [tilespmem:$0x1FDE0]  }
0x17e: {  	v50 =	vld [tilespmem:$0x1FEE0]  }
0x17f: {  	v45 =	vld.idx.msk [tilespmem:v8+s26+$0x0], $0xffff  }
0x180: {  	v16 =	vld.idx.msk [tilespmem:v0+s26+$0x0], $0xffff  }
0x181: {  	v37 =	vsel vm0, v7, v9;
	v0 =	vld.idx.msk [tilespmem:v0+s29+$0x0], $0xffff  }
0x182: {  	v6 =	vcombine.low v5, v37;
	v5 =	vadd.f32 v4, v1;
	v1 =	vld.idx.msk [tilespmem:v46+s29+$0x0], $0xffff  }
0x183: {  	v49 =	vld.idx.msk [tilespmem:v8+s29+$0x0], $0xffff  }
0x184: {  	v8 =	vld [tilespmem:$0x1FD10]  }
0x185: {  	v7 =	vld [tilespmem:$0x1FD00];
	v4 =	vmul.f32 v39, v33  }
0x186: {  	[tilespmem:$0x1FA30] =	vst v0;
	v0 =	vld [tilespmem:$0x1FD70]  }
0x187: {  	[tilespmem:$0x1FA20] =	vst v1;
	v1 =	vadd.f32 v4, v5;
	v5 =	vld [tilespmem:$0x1FD80];
	_ =	sdelay $0x3  }
0x188: {  	v17 =	vor.u32 v50, v3;
	v33 =	vsel vm0, v8, v7;
	v39 =	vor.u32 v6, v3  }
0x189: {  	[tilespmem:$0x1FB00] =	vst v6;
	v4 =	vmul.f32 v49, v45;
	v6 =	vcombine.low v33, v5;
	v33 =	vor.u32 v0, v3;
	v0 =	vld [tilespmem:$0x1FD40]  }
0x18a: {  	v5 =	vld [tilespmem:$0x1FD50]  }
0x18b: {  	v53 =	vadd.f32 v4, v1;
	v4 =	vld [tilespmem:$0x1FD90];
	_ =	sdelay $0x2  }
0x18c: {  	v2 =	vld.idx.msk [tilespmem:v17+s29+$0x0], $0xffff  }
0x18d: {  	v21 =	vld.idx.msk [tilespmem:v46+s26+$0x0], $0xffff;
	v0 =	vsel vm0, v5, v0  }
0x18e: {  	v46 =	vcombine.low v0, v4;
	v0 =	vld [tilespmem:$0x1FDD0]  }
0x18f: {  	v4 =	vld [tilespmem:$0x1FE10];
	_ =	sdelay $0x1  }
0x190: {  	v55 =	vld.idx.msk [tilespmem:v17+s26+$0x0], $0xffff  }
0x191: {  	[tilespmem:$0x1FA10] =	vst v2;
	v2 =	vld [tilespmem:$0x1FF50]  }
0x192: {  	v1 =	vld [tilespmem:$0x1FA10];
	v0 =	vsel vm0, v9, v0  }
0x193: {  	v57 =	vmov v11;
	v11 =	vcombine.low v0, v4;
	v0 =	vld [tilespmem:$0x1FDA0]  }
0x194: {  	v4 =	vld [tilespmem:$0x1FD60];
	_ =	sdelay $0x3  }
0x195: {  	v17 =	vor.u32 v2, v3  }
0x196: {  	v1 =	vmul.f32 v1, v55;
	v0 =	vsel vm0, v0, v4;
	v4 =	vld [tilespmem:$0x1FA30];
	_ =	sdelay $0x1  }
0x197: {  	[tilespmem:$0x1FB10] =	vst v6;
	v49 =	vor.u32 v6, v3;
	v6 =	vadd.f32 v1, v53;
	v1 =	vld [tilespmem:$0x1FA20];
	_ =	sdelay $0x1  }
0x198: {  	v5 =	vld.idx.msk [tilespmem:v17+s26+$0x0], $0xffff  }
0x199: {  	v16 =	vmul.f32 v4, v16;
	v4 =	vld [tilespmem:$0x1FE20]  }
0x19a: {  	v17 =	vld.idx.msk [tilespmem:v17+s29+$0x0], $0xffff  }
0x19b: {  	v53 =	vmul.f32 v1, v21;
	v9 =	vld.idx.msk [tilespmem:v39+s26+$0x0], $0xffff  }
0x19c: {  	v39 =	vld.idx.msk [tilespmem:v39+s29+$0x0], $0xffff  }
0x19d: {  	v21 =	vld.idx.msk [tilespmem:v33+s26+$0x0], $0xffff;
	v53 =	vadd.f32 v53, v6  }
0x19e: {  	v45 =	vmov v10;
	v10 =	vcombine.low v0, v4;
	v0 =	vld.idx.msk [tilespmem:v33+s29+$0x0], $0xffff  }
0x19f: {  	v17 =	vmul.f32 v17, v5;
	v16 =	vadd.f32 v16, v53  }
0x1a0: {  	v6 =	vld.idx.msk [tilespmem:v49+s26+$0x0], $0xffff  }
0x1a1: {  	v9 =	vmul.f32 v39, v9;
	v33 =	vld.idx.msk [tilespmem:v49+s29+$0x0], $0xffff;
	v49 =	vadd.f32 v17, v16;
	_ =	sdelay $0x1  }
0x1a2: {  	v9 =	vadd.f32 v9, v49;
	v49 =	vmul.f32 v0, v21;
	v0 =	vld [tilespmem:$0x1FE30]  }
0x1a3: {  	v1 =	vor.u32 v46, v3;
	_ =	sdelay $0x1  }
0x1a4: {  	v4 =	vor.u32 v11, v3  }
0x1a5: {  	v16 =	vmov v20;
	v20 =	vld [tilespmem:$0x1FF40]  }
0x1a6: {  	v5 =	vor.u32 v10, v3;
	v21 =	vmov v22;
	v22 =	vcombine.low v37, v0;
	v0 =	vld [tilespmem:$0x1FDB0]  }
0x1a7: {  	v39 =	vld.idx.msk [tilespmem:v1+s29+$0x0], $0xffff  }
0x1a8: {  	v17 =	vld.idx.msk [tilespmem:v1+s26+$0x0], $0xffff  }
0x1a9: {  	v1 =	vld.idx.msk [tilespmem:v4+s26+$0x0], $0xffff  }
0x1aa: {  	v53 =	vmov v28;
	v28 =	vor.u32 v20, v3;
	v37 =	vld.idx.msk [tilespmem:v4+s29+$0x0], $0xffff  }
0x1ab: {  	v4 =	vor.u32 v0, v3;
	v0 =	vld.idx.msk [tilespmem:v5+s29+$0x0], $0xffff;
	_ =	sdelay $0x1  }
0x1ac: {  	v6 =	vmul.f32 v33, v6;
	v49 =	vadd.f32 v49, v9;
	_ =	sdelay $0x1  }
0x1ad: {  	v33 =	vadd.f32 v6, v49;
	v6 =	vld.idx.msk [tilespmem:v28+s26+$0x0], $0xffff  }
0x1ae: {  	[tilespmem:$0x1FA40] =	vst v0;
	v0 =	vld [tilespmem:$0x1FDC0];
	_ =	sdelay $0x2  }
0x1af: {  	v17 =	vmul.f32 v39, v17;
	v9 =	vld.idx.msk [tilespmem:v5+s26+$0x0], $0xffff  }
0x1b0: {  	[tilespmem:$0x1FA50] =	vst v6;
	v6 =	vld [tilespmem:$0x1FF30]  }
0x1b1: {  	v49 =	vadd.f32 v17, v33;
	v33 =	vor.u32 v0, v3;
	v0 =	vld [tilespmem:$0x1FA40]  }
0x1b2: {  	v5 =	vor.u32 v22, v3;
	_ =	sdelay $0x1  }
0x1b3: {  	v1 =	vmul.f32 v37, v1  }
0x1b4: {  	v39 =	vor.u32 v6, v3  }
0x1b5: {  	v49 =	vadd.f32 v1, v49;
	v9 =	vmul.f32 v0, v9  }
0x1b6: {  	v1 =	vld.idx.msk [tilespmem:v5+s26+$0x0], $0xffff  }
0x1b7: {  	v0 =	vld.idx.msk [tilespmem:v5+s29+$0x0], $0xffff;
	v5 =	vadd.f32 v9, v49;
	_ =	sdelay $0x1  }
0x1b8: {  	[tilespmem:$0x1FA60] =	vst v5;
	v5 =	vld.idx.msk [tilespmem:v39+s26+$0x0], $0xffff;
	_ =	sdelay $0x2  }
0x1b9: {  	v28 =	vld.idx.msk [tilespmem:v28+s29+$0x0], $0xffff  }
0x1ba: {  	v17 =	vld.idx.msk [tilespmem:v4+s26+$0x0], $0xffff  }
0x1bb: {  	[tilespmem:$0x1FA80] =	vst v5;
	v5 =	vld [tilespmem:$0x1FA50]  }
0x1bc: {  	v37 =	vld.idx.msk [tilespmem:v4+s29+$0x0], $0xffff  }
0x1bd: {  	v49 =	vld [tilespmem:$0x1FA60];
	_ =	sdelay $0x1  }
0x1be: {  	[tilespmem:$0x1FA70] =	vst v0;
	v0 =	vmov v26;
	v26 =	vld [tilespmem:$0x1FE90]  }
0x1bf: {  	v5 =	vmul.f32 v28, v5;
	_ =	sdelay $0x1  }
0x1c0: {  	v49 =	vadd.f32 v5, v49;
	v5 =	vmul.f32 v37, v17;
	_ =	sdelay $0x1  }
0x1c1: {  	v4 =	vor.u32 v26, v3;
	v49 =	vadd.f32 v5, v49;
	v5 =	vld [tilespmem:$0x1FA70];
	_ =	sdelay $0x4  }
0x1c2: {  	v5 =	vmul.f32 v5, v1;
	v1 =	vld.idx.msk [tilespmem:v4+s29+$0x0], $0xffff  }
0x1c3: {  	v9 =	vld [tilespmem:$0x1FEA0];
	_ =	sdelay $0x2  }
0x1c4: {  	v39 =	vld.idx.msk [tilespmem:v39+s29+$0x0], $0xffff  }
0x1c5: {  	[tilespmem:$0x1FA90] =	vst v1;
	v1 =	vld [tilespmem:$0x1FA80]  }
0x1c6: {  	v3 =	vor.u32 v9, v3  }
0x1c7: {  	v28 =	vmov v35;
	v35 =	vld.idx.msk [tilespmem:v33+s26+$0x0], $0xffff  }
0x1c8: {  	v37 =	vld.idx.msk [tilespmem:v33+s29+$0x0], $0xffff  }
0x1c9: {  	v17 =	vld.idx.msk [tilespmem:v4+s26+$0x0], $0xffff  }
0x1ca: {  	v4 =	vmul.f32 v39, v1;
	v1 =	vld [tilespmem:$0x1FA90]  }
0x1cb: {  	v33 =	vld.idx.msk [tilespmem:v3+s26+$0x0], $0xffff;
	v5 =	vadd.f32 v5, v49  }
0x1cc: {  	v3 =	vld.idx.msk [tilespmem:v3+s29+$0x0], $0xffff  }
0x1cd: {  	v4 =	vadd.f32 v4, v5;
	v5 =	vmul.f32 v37, v35;
	_ =	sdelay $0x1  }
0x1ce: {  	s13 =	simm.s32 $0x18400;
	v4 =	vadd.f32 v5, v4;
	v5 =	vmul.f32 v1, v17  }
0x1cf: {  	v1 =	vld [tilespmem:s13+$0x0]  }
0x1d0: {  	v3 =	vmul.f32 v3, v33;
	v4 =	vadd.f32 v5, v4  }
0x1d1: {  	s14 =	simm.s32 $0x18600  }
0x1d2: {  	v17 =	vld [tilespmem:s14+$0x0];
	v3 =	vadd.f32 v3, v4  }
0x1d3: {  	s15 =	simm.s32 $0x10  }
0x1d4: {  	v4 =	vmov s15;
	v5 =	vadd.f32 v3, v1;
	v1 =	vld [tilespmem:$0x1FBE0]  }
0x1d5: {  	v4 =	vshll.u32 v4, $0x7  }
0x1d6: {  	v3 =	vor.u32 v43, v4  }
0x1d7: {  	v4 =	vor.u32 v15, v3;
	v17 =	vadd.f32 v5, v17;
	_ =	sdelay $0x1  }
0x1d8: {  	v5 =	vor.u32 v1, v3;
	v1 =	vadd.f32 v17, v14  }
0x1d9: {  	s10 =	simm.s32 $0x18880  }
0x1da: {  	v7 =	vld [tilespmem:$0x1FF00];
	[tilespmem:s10+$0x0] =	vst v1  }
0x1db: {  	v1 =	vld.idx.msk [tilespmem:v4+s26+$0x0], $0xffff;
	_ =	sdelay $0x3  }
0x1dc: {  	v43 =	vor.u32 v7, v3  }
0x1dd: {  	[tilespmem:$0x1FAA0] =	vst v1;
	v1 =	vld.idx.msk [tilespmem:v5+s26+$0x0], $0xffff;
	_ =	sdelay $0x1  }
0x1de: {  	v49 =	vld.idx.msk [tilespmem:v4+s29+$0x0], $0xffff;
	v4 =	vor.u32 v59, v3  }
0x1df: {  	v55 =	vmov v13;
	v13 =	vmov v12;
	v12 =	vld [tilespmem:$0x1FF20]  }
0x1e0: {  	v17 =	vld.idx.msk [tilespmem:v43+s26+$0x0], $0xffff  }
0x1e1: {  	[tilespmem:$0x1FAB0] =	vst v1;
	v1 =	vld.idx.msk [tilespmem:v5+s29+$0x0], $0xffff  }
0x1e2: {  	v39 =	vld.idx.msk [tilespmem:v43+s29+$0x0], $0xffff  }
0x1e3: {  	v33 =	vld.idx.msk [tilespmem:v4+s26+$0x0], $0xffff  }
0x1e4: {  	v35 =	vld.idx.msk [tilespmem:v4+s29+$0x0], $0xffff  }
0x1e5: {  	v8 =	vld [tilespmem:$0x1FAA0]  }
0x1e6: {  	v43 =	vor.u32 v29, v3;
	v29 =	vld [tilespmem:$0x1FAB0];
	[tilespmem:$0x1FAC0] =	vst v1  }
0x1e7: {  	v4 =	vor.u32 v31, v3;
	v5 =	vor.u32 v12, v3;
	v1 =	vmov v31;
	v31 =	vld [tilespmem:$0x1FAC0];
	_ =	sdelay $0x4  }
0x1e8: {  	v49 =	vmul.f32 v49, v8;
	v8 =	vld.idx.msk [tilespmem:v5+s26+$0x0], $0xffff;
	v29 =	vmul.f32 v31, v29  }
0x1e9: {  	v37 =	vld.idx.msk [tilespmem:v5+s29+$0x0], $0xffff;
	v5 =	vor.u32 v44, v3  }
0x1ea: {  	v31 =	vadd.f32 v29, v49;
	v29 =	vld.idx.msk [tilespmem:v43+s26+$0x0], $0xffff;
	v49 =	vmul.f32 v39, v17  }
0x1eb: {  	v39 =	vld.idx.msk [tilespmem:v43+s29+$0x0], $0xffff;
	v43 =	vor.u32 v19, v3  }
0x1ec: {  	v33 =	vmul.f32 v35, v33;
	v17 =	vmov v19;
	v19 =	vld.idx.msk [tilespmem:v4+s26+$0x0], $0xffff;
	v31 =	vadd.f32 v49, v31  }
0x1ed: {  	v49 =	vld.idx.msk [tilespmem:v4+s29+$0x0], $0xffff;
	v4 =	vor.u32 v27, v3  }
0x1ee: {  	v8 =	vmul.f32 v37, v8;
	v27 =	vld.idx.msk [tilespmem:v5+s29+$0x0], $0xffff;
	v44 =	vadd.f32 v33, v31  }
0x1ef: {  	v31 =	vld.idx.msk [tilespmem:v5+s26+$0x0], $0xffff;
	v5 =	vor.u32 v40, v3  }
0x1f0: {  	v29 =	vmul.f32 v39, v29;
	v37 =	vld.idx.msk [tilespmem:v43+s29+$0x0], $0xffff;
	v44 =	vadd.f32 v8, v44  }
0x1f1: {  	v39 =	vor.u32 v53, v3;
	v8 =	vld.idx.msk [tilespmem:v43+s26+$0x0], $0xffff  }
0x1f2: {  	v19 =	vmul.f32 v49, v19;
	v49 =	vld.idx.msk [tilespmem:v4+s29+$0x0], $0xffff;
	v43 =	vadd.f32 v29, v44  }
0x1f3: {  	v29 =	vld.idx.msk [tilespmem:v4+s26+$0x0], $0xffff;
	v4 =	vor.u32 v32, v3  }
0x1f4: {  	v31 =	vmul.f32 v27, v31;
	v27 =	vld.idx.msk [tilespmem:v5+s29+$0x0], $0xffff;
	v44 =	vadd.f32 v19, v43  }
0x1f5: {  	v19 =	vld.idx.msk [tilespmem:v5+s26+$0x0], $0xffff;
	v5 =	vor.u32 v23, v3  }
0x1f6: {  	v23 =	vld.idx.msk [tilespmem:v39+s26+$0x0], $0xffff;
	v8 =	vmul.f32 v37, v8;
	v43 =	vadd.f32 v31, v44  }
0x1f7: {  	v35 =	vmov v32;
	v32 =	vor.u32 v47, v3;
	v31 =	vld.idx.msk [tilespmem:v39+s29+$0x0], $0xffff  }
0x1f8: {  	v39 =	vmov v47;
	v29 =	vmul.f32 v49, v29;
	v47 =	vld.idx.msk [tilespmem:v4+s29+$0x0], $0xffff;
	v43 =	vadd.f32 v8, v43  }
0x1f9: {  	v8 =	vld.idx.msk [tilespmem:v4+s26+$0x0], $0xffff;
	v4 =	vor.u32 v36, v3  }
0x1fa: {  	v19 =	vmul.f32 v27, v19;
	v27 =	vld.idx.msk [tilespmem:v5+s29+$0x0], $0xffff;
	v49 =	vadd.f32 v29, v43  }
0x1fb: {  	v29 =	vld.idx.msk [tilespmem:v5+s26+$0x0], $0xffff;
	v5 =	vor.u32 v30, v3  }
0x1fc: {  	v36 =	vadd.f32 v19, v49;
	v19 =	vld.idx.msk [tilespmem:v32+s26+$0x0], $0xffff  }
0x1fd: {  	v23 =	vmul.f32 v31, v23;
	v31 =	vor.u32 v25, v3;
	v43 =	vmov v30;
	v30 =	vld.idx.msk [tilespmem:v32+s29+$0x0], $0xffff  }
0x1fe: {  	v25 =	vld.idx.msk [tilespmem:v4+s26+$0x0], $0xffff  }
0x1ff: {  	v8 =	vmul.f32 v47, v8;
	v47 =	vld.idx.msk [tilespmem:v4+s29+$0x0], $0xffff;
	v4 =	vor.u32 v34, v3;
	v36 =	vadd.f32 v23, v36  }
0x200: {  	v29 =	vmul.f32 v27, v29;
	v27 =	vld.idx.msk [tilespmem:v5+s29+$0x0], $0xffff  }
0x201: {  	v49 =	vadd.f32 v8, v36;
	v8 =	vld.idx.msk [tilespmem:v5+s26+$0x0], $0xffff;
	v5 =	vor.u32 v16, v3  }
0x202: {  	v23 =	vmov v34;
	v16 =	vld.idx.msk [tilespmem:v31+s26+$0x0], $0xffff  }
0x203: {  	v19 =	vmul.f32 v30, v19;
	v30 =	vor.u32 v51, v3;
	v34 =	vadd.f32 v29, v49;
	v29 =	vld.idx.msk [tilespmem:v31+s29+$0x0], $0xffff  }
0x204: {  	v31 =	vld.idx.msk [tilespmem:v4+s29+$0x0], $0xffff  }
0x205: {  	v25 =	vmul.f32 v47, v25;
	v34 =	vadd.f32 v19, v34;
	v19 =	vld.idx.msk [tilespmem:v4+s26+$0x0], $0xffff;
	v4 =	vor.u32 v21, v3  }
0x206: {  	v32 =	vmov v21;
	v21 =	vld.idx.msk [tilespmem:v5+s26+$0x0], $0xffff  }
0x207: {  	v8 =	vmul.f32 v27, v8;
	v27 =	vld.idx.msk [tilespmem:v5+s29+$0x0], $0xffff;
	v5 =	vor.u32 v63, v3;
	v25 =	vadd.f32 v25, v34  }
0x208: {  	v16 =	vmul.f32 v29, v16;
	v29 =	vld.idx.msk [tilespmem:v30+s29+$0x0], $0xffff  }
0x209: {  	v33 =	vmovc v40;
	v40 =	vmov v63;
	v63 =	vor.u32 v42, v3;
	v25 =	vadd.f32 v8, v25;
	v8 =	vld.idx.msk [tilespmem:v30+s26+$0x0], $0xffff  }
0x20a: {  	v49 =	vld.idx.msk [tilespmem:v4+s29+$0x0], $0xffff  }
0x20b: {  	v19 =	vmul.f32 v31, v19;
	v47 =	vadd.f32 v16, v25;
	v25 =	vld.idx.msk [tilespmem:v4+s26+$0x0], $0xffff;
	v4 =	vor.u32 v52, v3  }
0x20c: {  	v21 =	vmul.f32 v27, v21;
	v27 =	vld.idx.msk [tilespmem:v5+s29+$0x0], $0xffff  }
0x20d: {  	v30 =	vmov v42;
	v42 =	vadd.f32 v19, v47;
	v19 =	vld.idx.msk [tilespmem:v5+s26+$0x0], $0xffff;
	v5 =	vor.u32 v24, v3  }
0x20e: {  	v29 =	vmul.f32 v29, v8;
	v8 =	vld.idx.msk [tilespmem:v63+s29+$0x0], $0xffff  }
0x20f: {  	v31 =	vmov v24;
	v24 =	vadd.f32 v21, v42;
	v21 =	vld.idx.msk [tilespmem:v63+s26+$0x0], $0xffff;
	v63 =	vor.u32 v61, v3  }
0x210: {  	v16 =	vmov v52;
	v52 =	vld.idx.msk [tilespmem:v4+s29+$0x0], $0xffff  }
0x211: {  	v37 =	vmov v51;
	v25 =	vmul.f32 v49, v25;
	v51 =	vadd.f32 v29, v24;
	v29 =	vld.idx.msk [tilespmem:v4+s26+$0x0], $0xffff  }
0x212: {  	v4 =	vor.u32 v0, v3;
	v19 =	vmul.f32 v27, v19;
	v27 =	vld.idx.msk [tilespmem:v5+s29+$0x0], $0xffff  }
0x213: {  	v24 =	vmov v0;
	v25 =	vadd.f32 v25, v51;
	v0 =	vld.idx.msk [tilespmem:v5+s26+$0x0], $0xffff  }
0x214: {  	v36 =	vmov v58;
	v5 =	vor.u32 v58, v3;
	v58 =	vmul.f32 v8, v21;
	v21 =	vld.idx.msk [tilespmem:v63+s29+$0x0], $0xffff  }
0x215: {  	v25 =	vadd.f32 v19, v25;
	v19 =	vld.idx.msk [tilespmem:v63+s26+$0x0], $0xffff  }
0x216: {  	v34 =	vmov v61;
	v61 =	vor.u32 v28, v3;
	v44 =	vmul.f32 v52, v29;
	v52 =	vld [tilespmem:$0x1FCD0]  }
0x217: {  	v8 =	vmov v28;
	v29 =	vld.idx.msk [tilespmem:v4+s29+$0x0], $0xffff;
	v28 =	vadd.f32 v58, v25  }
0x218: {  	v25 =	vld.idx.msk [tilespmem:v4+s26+$0x0], $0xffff  }
0x219: {  	v4 =	vor.u32 v62, v3;
	v0 =	vmul.f32 v27, v0;
	v27 =	vld.idx.msk [tilespmem:v5+s29+$0x0], $0xffff;
	v44 =	vadd.f32 v44, v28  }
0x21a: {  	v28 =	vld.idx.msk [tilespmem:v5+s26+$0x0], $0xffff  }
0x21b: {  	v5 =	vor.u32 v52, v3;
	v63 =	vadd.f32 v0, v44;
	v0 =	vld.idx.msk [tilespmem:v61+s26+$0x0], $0xffff  }
0x21c: {  	v58 =	vor.u32 v56, v3;
	v19 =	vmul.f32 v21, v19;
	v44 =	vld.idx.msk [tilespmem:v61+s29+$0x0], $0xffff  }
0x21d: {  	v61 =	vld [tilespmem:$0x1FCE0]  }
0x21e: {  	v25 =	vmul.f32 v29, v25;
	v51 =	vld.idx.msk [tilespmem:v4+s29+$0x0], $0xffff;
	v49 =	vadd.f32 v19, v63  }
0x21f: {  	v19 =	vld.idx.msk [tilespmem:v4+s26+$0x0], $0xffff  }
0x220: {  	v28 =	vmul.f32 v27, v28;
	v49 =	vadd.f32 v25, v49;
	v29 =	vld.idx.msk [tilespmem:v5+s26+$0x0], $0xffff  }
0x221: {  	v44 =	vmul.f32 v44, v0;
	v0 =	vld.idx.msk [tilespmem:v58+s29+$0x0], $0xffff  }
0x222: {  	v42 =	vmov v62;
	v62 =	vadd.f32 v28, v49;
	v28 =	vld.idx.msk [tilespmem:v58+s26+$0x0], $0xffff  }
0x223: {  	v27 =	vld.idx.msk [tilespmem:v5+s29+$0x0], $0xffff;
	_ =	sdelay $0x1  }
0x224: {  	v4 =	vor.u32 v61, v3  }
0x225: {  	v19 =	vmul.f32 v51, v19;
	v63 =	vadd.f32 v44, v62  }
0x226: {  	v28 =	vmul.f32 v0, v28;
	v0 =	vld [tilespmem:$0x1FF60]  }
0x227: {  	v21 =	vmov v56;
	v56 =	vadd.f32 v19, v63;
	v27 =	vmul.f32 v27, v29;
	_ =	sdelay $0x1  }
0x228: {  	v25 =	vmov v41;
	v5 =	vor.u32 v41, v3;
	v41 =	vld.idx.msk [tilespmem:v4+s26+$0x0], $0xffff;
	v29 =	vadd.f32 v27, v56  }
0x229: {  	v49 =	vld.idx.msk [tilespmem:v4+s29+$0x0], $0xffff  }
0x22a: {  	v58 =	vld [tilespmem:$0x1FCF0];
	v4 =	vor.u32 v38, v3;
	v27 =	vmovc v0;
	v56 =	vor.u32 v0, v3;
	v0 =	vadd.f32 v28, v29  }
0x22b: {  	v62 =	vld [tilespmem:$0x1FD20]  }
0x22c: {  	[tilespmem:$0x1FAD0] =	vst v0;
	v0 =	vld [tilespmem:$0x1FE40]  }
0x22d: {  	v19 =	vld.idx.msk [tilespmem:v5+s26+$0x0], $0xffff  }
0x22e: {  	v51 =	vld.idx.msk [tilespmem:v5+s29+$0x0], $0xffff  }
0x22f: {  	v47 =	vor.u32 v58, v3;
	v63 =	vld.idx.msk [tilespmem:v4+s29+$0x0], $0xffff  }
0x230: {  	v28 =	vld.idx.msk [tilespmem:v4+s26+$0x0], $0xffff  }
0x231: {  	v5 =	vor.u32 v62, v3;
	v29 =	vmov v0;
	v4 =	vor.u32 v0, v3;
	v0 =	vld [tilespmem:$0x1FAD0];
	_ =	sdelay $0x2  }
0x232: {  	v44 =	vmov v38;
	v41 =	vmul.f32 v49, v41;
	v38 =	vld.idx.msk [tilespmem:v47+s26+$0x0], $0xffff  }
0x233: {  	v47 =	vld.idx.msk [tilespmem:v47+s29+$0x0], $0xffff  }
0x234: {  	v41 =	vadd.f32 v41, v0;
	v0 =	vld.idx.msk [tilespmem:v5+s26+$0x0], $0xffff  }
0x235: {  	v5 =	vld.idx.msk [tilespmem:v5+s29+$0x0], $0xffff  }
0x236: {  	v19 =	vmul.f32 v51, v19;
	_ =	sdelay $0x1  }
0x237: {  	v38 =	vmul.f32 v47, v38;
	v47 =	vld.idx.msk [tilespmem:v56+s29+$0x0], $0xffff;
	v51 =	vadd.f32 v19, v41  }
0x238: {  	v49 =	vmov v45;
	v28 =	vmul.f32 v63, v28;
	v41 =	vld.idx.msk [tilespmem:v56+s26+$0x0], $0xffff;
	v56 =	vor.u32 v57, v3  }
0x239: {  	v19 =	vmov v57;
	v57 =	vld.idx.msk [tilespmem:v4+s29+$0x0], $0xffff;
	[tilespmem:$0x1FAE0] =	vst v5;
	v5 =	vor.u32 v45, v3;
	v45 =	vadd.f32 v38, v51  }
0x23a: {  	v38 =	vld.idx.msk [tilespmem:v4+s26+$0x0], $0xffff  }
0x23b: {  	v4 =	vor.u32 v13, v3;
	v51 =	vmov v13;
	v13 =	vadd.f32 v28, v45;
	v28 =	vld [tilespmem:$0x1FAE0];
	_ =	sdelay $0x3  }
0x23c: {  	[tilespmem:$0x1FAF0] =	vst v13;
	v13 =	vld.idx.msk [tilespmem:v5+s26+$0x0], $0xffff  }
0x23d: {  	v28 =	vmul.f32 v28, v0;
	v0 =	vld [tilespmem:$0x1FAF0]  }
0x23e: {  	v63 =	vld.idx.msk [tilespmem:v5+s29+$0x0], $0xffff;
	v5 =	vor.u32 v55, v3;
	_ =	sdelay $0x1  }
0x23f: {  	v45 =	vmov v55;
	v55 =	vmul.f32 v47, v41;
	v41 =	vld.idx.msk [tilespmem:v56+s29+$0x0], $0xffff  }
0x240: {  	v47 =	vor.u32 v54, v3;
	v54 =	vld.idx.msk [tilespmem:v4+s29+$0x0], $0xffff  }
0x241: {  	v28 =	vadd.f32 v28, v0;
	v0 =	vld.idx.msk [tilespmem:v56+s26+$0x0], $0xffff  }
0x242: {  	v56 =	vld.idx.msk [tilespmem:v5+s29+$0x0], $0xffff  }
0x243: {  	v38 =	vmul.f32 v57, v38;
	v55 =	vadd.f32 v55, v28;
	v28 =	vld.idx.msk [tilespmem:v4+s26+$0x0], $0xffff;
	v4 =	vor.u32 v18, v3  }
0x244: {  	v18 =	vld.idx.msk [tilespmem:v5+s26+$0x0], $0xffff;
	v5 =	vor.u32 v48, v3  }
0x245: {  	v13 =	vmul.f32 v63, v13;
	v38 =	vadd.f32 v38, v55  }
0x246: {  	v63 =	vmul.f32 v41, v0;
	v0 =	vld.idx.msk [tilespmem:v47+s29+$0x0], $0xffff  }
0x247: {  	v41 =	vor.u32 v50, v3;
	v38 =	vadd.f32 v13, v38;
	v13 =	vld.idx.msk [tilespmem:v47+s26+$0x0], $0xffff  }
0x248: {  	v57 =	vmov v48;
	v48 =	vld.idx.msk [tilespmem:v4+s29+$0x0], $0xffff  }
0x249: {  	v55 =	vmov v50;
	v28 =	vmul.f32 v54, v28;
	v50 =	vld.idx.msk [tilespmem:v5+s29+$0x0], $0xffff;
	v63 =	vadd.f32 v63, v38  }
0x24a: {  	v38 =	vld.idx.msk [tilespmem:v4+s26+$0x0], $0xffff  }
0x24b: {  	v18 =	vmul.f32 v56, v18;
	v47 =	vadd.f32 v28, v63;
	v28 =	vld.idx.msk [tilespmem:v5+s26+$0x0], $0xffff  }
0x24c: {  	v4 =	vor.u32 v60, v3;
	v60 =	vmul.f32 v0, v13;
	v13 =	vld.idx.msk [tilespmem:v41+s29+$0x0], $0xffff  }
0x24d: {  	v47 =	vadd.f32 v18, v47;
	v18 =	vld.idx.msk [tilespmem:v41+s26+$0x0], $0xffff;
	_ =	sdelay $0x2  }
0x24e: {  	v38 =	vmul.f32 v48, v38;
	v63 =	vadd.f32 v60, v47;
	_ =	sdelay $0x1  }
0x24f: {  	v28 =	vmul.f32 v50, v28;
	v60 =	vadd.f32 v38, v63;
	v18 =	vmul.f32 v13, v18;
	v13 =	vld [tilespmem:$0x1FB10]  }
0x250: {  	v56 =	vld [tilespmem:$0x1FD30]  }
0x251: {  	v48 =	vld.idx.msk [tilespmem:v4+s29+$0x0], $0xffff;
	v28 =	vadd.f32 v28, v60  }
0x252: {  	v47 =	vld.idx.msk [tilespmem:v4+s26+$0x0], $0xffff  }
0x253: {  	v4 =	vld [tilespmem:$0x1FB00];
	[tilespmem:$0x1FB20] =	vst v28  }
0x254: {  	v60 =	vmov v13;
	v63 =	vor.u32 v13, v3;
	v13 =	vld [tilespmem:$0x1FB20]  }
0x255: {  	v5 =	vor.u32 v56, v3;
	_ =	sdelay $0x2  }
0x256: {  	v54 =	vor.u32 v2, v3;
	v41 =	vld [tilespmem:$0x1FD70]  }
0x257: {  	v0 =	vmovc v2;
	v2 =	vmov v4;
	v4 =	vor.u32 v4, v3;
	v13 =	vadd.f32 v18, v13  }
0x258: {  	v38 =	vld.idx.msk [tilespmem:v5+s26+$0x0], $0xffff  }
0x259: {  	v50 =	vld.idx.msk [tilespmem:v5+s29+$0x0], $0xffff;
	[tilespmem:$0x1FB30] =	vst v13  }
0x25a: {  	v47 =	vmul.f32 v48, v47;
	v48 =	vld [tilespmem:$0x1FB30]  }
0x25b: {  	v5 =	vor.u32 v41, v3  }
0x25c: {  	v13 =	vld.idx.msk [tilespmem:v4+s26+$0x0], $0xffff  }
0x25d: {  	v4 =	vld.idx.msk [tilespmem:v4+s29+$0x0], $0xffff  }
0x25e: {  	v28 =	vld.idx.msk [tilespmem:v54+s26+$0x0], $0xffff  }
0x25f: {  	v54 =	vld.idx.msk [tilespmem:v54+s29+$0x0], $0xffff;
	v50 =	vmul.f32 v50, v38;
	v47 =	vadd.f32 v47, v48  }
0x260: {  	v38 =	vld.idx.msk [tilespmem:v5+s29+$0x0], $0xffff  }
0x261: {  	v18 =	vmov v46;
	v48 =	vld.idx.msk [tilespmem:v5+s26+$0x0], $0xffff;
	v50 =	vadd.f32 v50, v47  }
0x262: {  	[tilespmem:$0x1FB50] =	vst v4;
	v4 =	vor.u32 v46, v3;
	v46 =	vmov v11;
	v5 =	vor.u32 v11, v3;
	v11 =	vld.idx.msk [tilespmem:v63+s26+$0x0], $0xffff  }
0x263: {  	[tilespmem:$0x1FB40] =	vst v50;
	v50 =	vld.idx.msk [tilespmem:v63+s29+$0x0], $0xffff  }
0x264: {  	v63 =	vld [tilespmem:$0x1FB40];
	_ =	sdelay $0x2  }
0x265: {  	v28 =	vmul.f32 v54, v28;
	_ =	sdelay $0x1  }
0x266: {  	v54 =	vor.u32 v10, v3;
	v47 =	vmov v10;
	v10 =	vadd.f32 v28, v63;
	v28 =	vld [tilespmem:$0x1FB50];
	_ =	sdelay $0x4  }
0x267: {  	[tilespmem:$0x1FB60] =	vst v10;
	v10 =	vld.idx.msk [tilespmem:v4+s26+$0x0], $0xffff;
	v13 =	vmul.f32 v28, v13  }
0x268: {  	v28 =	vld.idx.msk [tilespmem:v4+s29+$0x0], $0xffff  }
0x269: {  	[tilespmem:$0x1FB70] =	vst v13;
	v13 =	vld [tilespmem:$0x1FB60]  }
0x26a: {  	v63 =	vmov v20;
	v4 =	vor.u32 v20, v3;
	v20 =	vld [tilespmem:$0x1FB70];
	_ =	sdelay $0x4  }
0x26b: {  	v48 =	vmul.f32 v38, v48;
	v20 =	vadd.f32 v20, v13;
	_ =	sdelay $0x1  }
0x26c: {  	v11 =	vmul.f32 v50, v11;
	v48 =	vadd.f32 v48, v20;
	_ =	sdelay $0x1  }
0x26d: {  	v11 =	vadd.f32 v11, v48;
	_ =	sdelay $0x1  }
0x26e: {  	[tilespmem:$0x1FB80] =	vst v11;
	v11 =	vld.idx.msk [tilespmem:v4+s26+$0x0], $0xffff  }
0x26f: {  	v4 =	vld.idx.msk [tilespmem:v4+s29+$0x0], $0xffff;
	_ =	sdelay $0x3  }
0x270: {  	v13 =	vld.idx.msk [tilespmem:v5+s26+$0x0], $0xffff  }
0x271: {  	[tilespmem:$0x1FBC0] =	vst v4;
	v4 =	vld [tilespmem:$0x1FB80]  }
0x272: {  	v5 =	vld.idx.msk [tilespmem:v5+s29+$0x0], $0xffff  }
0x273: {  	v38 =	vld [tilespmem:$0x1FDB0]  }
0x274: {  	v10 =	vmul.f32 v28, v10;
	_ =	sdelay $0x1  }
0x275: {  	v4 =	vadd.f32 v10, v4  }
0x276: {  	[tilespmem:$0x1FB90] =	vst v5  }
0x277: {  	v5 =	vor.u32 v38, v3;
	[tilespmem:$0x1FBA0] =	vst v4;
	v4 =	vld [tilespmem:$0x1FB90];
	_ =	sdelay $0x4  }
0x278: {  	v13 =	vmul.f32 v4, v13;
	v4 =	vld.idx.msk [tilespmem:v5+s29+$0x0], $0xffff;
	_ =	sdelay $0x4  }
0x279: {  	[tilespmem:$0x1FBD0] =	vst v4;
	v4 =	vld [tilespmem:$0x1FBA0];
	_ =	sdelay $0x1  }
0x27a: {  	v20 =	vld.idx.msk [tilespmem:v54+s26+$0x0], $0xffff  }
0x27b: {  	v54 =	vld.idx.msk [tilespmem:v54+s29+$0x0], $0xffff;
	_ =	sdelay $0x1  }
0x27c: {  	v4 =	vadd.f32 v13, v4;
	_ =	sdelay $0x1  }
0x27d: {  	[tilespmem:$0x1FBB0] =	vst v4  }
0x27e: {  	v54 =	vmul.f32 v54, v20;
	v20 =	vld [tilespmem:$0x1FBB0];
	_ =	sdelay $0x4  }
0x27f: {  	v4 =	vor.u32 v26, v3;
	v26 =	vadd.f32 v54, v20;
	v20 =	vld [tilespmem:$0x1FBC0];
	_ =	sdelay $0x1  }
0x280: {  	v28 =	vor.u32 v6, v3;
	v48 =	vmov v6;
	v6 =	vld [tilespmem:$0x1FDC0]  }
0x281: {  	v50 =	vmov v22;
	v22 =	vor.u32 v22, v3;
	_ =	sdelay $0x1  }
0x282: {  	v54 =	vmul.f32 v20, v11  }
0x283: {  	v10 =	vld.idx.msk [tilespmem:v5+s26+$0x0], $0xffff  }
0x284: {  	v5 =	vor.u32 v6, v3;
	v26 =	vadd.f32 v54, v26;
	v54 =	vld [tilespmem:$0x1FBD0]  }
0x285: {  	v13 =	vld.idx.msk [tilespmem:v22+s26+$0x0], $0xffff  }
0x286: {  	v22 =	vld.idx.msk [tilespmem:v22+s29+$0x0], $0xffff  }
0x287: {  	v11 =	vld.idx.msk [tilespmem:v28+s26+$0x0], $0xffff  }
0x288: {  	v3 =	vor.u32 v9, v3;
	v20 =	vld.idx.msk [tilespmem:v28+s29+$0x0], $0xffff  }
0x289: {  	v9 =	vld.idx.msk [tilespmem:v5+s26+$0x0], $0xffff;
	v28 =	vmul.f32 v54, v10  }
0x28a: {  	v54 =	vld.idx.msk [tilespmem:v5+s29+$0x0], $0xffff  }
0x28b: {  	v5 =	vmul.f32 v22, v13;
	v13 =	vld.idx.msk [tilespmem:v4+s26+$0x0], $0xffff;
	v26 =	vadd.f32 v28, v26  }
0x28c: {  	v22 =	vld.idx.msk [tilespmem:v4+s29+$0x0], $0xffff  }
0x28d: {  	v4 =	vmul.f32 v20, v11;
	v11 =	vld.idx.msk [tilespmem:v3+s26+$0x0], $0xffff;
	v5 =	vadd.f32 v5, v26  }
0x28e: {  	v3 =	vld.idx.msk [tilespmem:v3+s29+$0x0], $0xffff  }
0x28f: {  	v4 =	vadd.f32 v4, v5;
	v5 =	vmul.f32 v54, v9;
	_ =	sdelay $0x1  }
0x290: {  	s7 =	simm.s32 $0x18410;
	v4 =	vadd.f32 v5, v4;
	v5 =	vmul.f32 v22, v13  }
0x291: {  	v54 =	vld [tilespmem:s7+$0x0]  }
0x292: {  	v3 =	vmul.f32 v3, v11;
	v4 =	vadd.f32 v5, v4;
	_ =	sdelay $0x1  }
0x293: {  	s12 =	simm.s32 $0x20;
	v3 =	vadd.f32 v3, v4  }
0x294: {  	v4 =	vmov s12  }
0x295: {  	s8 =	simm.s32 $0x18610;
	v5 =	vadd.f32 v3, v54;
	v3 =	vshll.u32 v4, $0x7;
	v4 =	vld [tilespmem:$0x1FF10]  }
0x296: {  	v10 =	vld [tilespmem:s8+$0x0];
	_ =	sdelay $0x3  }
0x297: {  	v28 =	vmovc v8;
	v26 =	vmov v24;
	v24 =	vmov v31;
	v3 =	vor.u32 v4, v3  }
0x298: {  	v31 =	vmovc v6;
	v22 =	vmovc v32;
	v32 =	vld [tilespmem:$0x1FC70];
	s12 =	simm.s32 $0x30;
	v5 =	vadd.f32 v5, v10;
	v54 =	vmov v4;
	v4 =	vor.u32 v15, v3  }
.LBB2_21:
0x299: {  	v6 =	vld [tilespmem:$0x1FBE0];
	_ =	sdelay $0x3  }
0x29a: {  	v5 =	vadd.f32 v5, v14  }
0x29b: {  	s10 =	sadd.s32 $0x10, s10;
	v6 =	vor.u32 v6, v3  }
0x29c: {  	[tilespmem:s10+$0x0] =	vst v5  }
0x29d: {  	v7 =	vor.u32 v7, v3;
	v5 =	vld.idx.msk [tilespmem:v4+s29+$0x0], $0xffff  }
0x29e: {  	v4 =	vld.idx.msk [tilespmem:v4+s26+$0x0], $0xffff  }
0x29f: {  	v8 =	vor.u32 v59, v3;
	v10 =	vor.u32 v12, v3;
	v12 =	vld [tilespmem:$0x1FC00]  }
0x2a0: {  	v9 =	vld.idx.msk [tilespmem:v6+s26+$0x0], $0xffff  }
0x2a1: {  	v6 =	vld.idx.msk [tilespmem:v6+s29+$0x0], $0xffff  }
0x2a2: {  	v11 =	vld.idx.msk [tilespmem:v7+s26+$0x0], $0xffff  }
0x2a3: {  	v7 =	vld.idx.msk [tilespmem:v7+s29+$0x0], $0xffff  }
0x2a4: {  	v13 =	vld.idx.msk [tilespmem:v8+s26+$0x0], $0xffff  }
0x2a5: {  	v8 =	vld.idx.msk [tilespmem:v8+s29+$0x0], $0xffff  }
0x2a6: {  	v4 =	vmul.f32 v5, v4;
	v5 =	vmul.f32 v6, v9;
	v9 =	vld [tilespmem:$0x1FC10]  }
0x2a7: {  	v12 =	vor.u32 v12, v3  }
0x2a8: {  	v4 =	vadd.f32 v5, v4;
	v5 =	vmul.f32 v7, v11  }
0x2a9: {  	v20 =	vmov v14;
	v14 =	vor.u32 v1, v3;
	v15 =	vld.idx.msk [tilespmem:v10+s26+$0x0], $0xffff  }
0x2aa: {  	v4 =	vadd.f32 v5, v4;
	v5 =	vmul.f32 v8, v13;
	v13 =	vld [tilespmem:$0x1FC20]  }
0x2ab: {  	v6 =	vld.idx.msk [tilespmem:v10+s29+$0x0], $0xffff;
	v9 =	vor.u32 v9, v3  }
0x2ac: {  	v10 =	vld.idx.msk [tilespmem:v12+s26+$0x0], $0xffff  }
0x2ad: {  	v7 =	vld.idx.msk [tilespmem:v12+s29+$0x0], $0xffff;
	v11 =	vor.u32 v17, v3  }
0x2ae: {  	v12 =	vld.idx.msk [tilespmem:v14+s26+$0x0], $0xffff  }
0x2af: {  	v8 =	vld.idx.msk [tilespmem:v14+s29+$0x0], $0xffff;
	v13 =	vor.u32 v13, v3  }
0x2b0: {  	v14 =	vld.idx.msk [tilespmem:v9+s26+$0x0], $0xffff  }
0x2b1: {  	v4 =	vadd.f32 v5, v4;
	v5 =	vmul.f32 v6, v15;
	v6 =	vld.idx.msk [tilespmem:v9+s29+$0x0], $0xffff;
	v9 =	vor.u32 v33, v3  }
0x2b2: {  	v15 =	vld.idx.msk [tilespmem:v11+s26+$0x0], $0xffff  }
0x2b3: {  	v4 =	vadd.f32 v5, v4;
	v5 =	vmul.f32 v7, v10;
	v7 =	vld.idx.msk [tilespmem:v11+s29+$0x0], $0xffff  }
0x2b4: {  	v10 =	vor.u32 v53, v3;
	v11 =	vld.idx.msk [tilespmem:v13+s26+$0x0], $0xffff  }
0x2b5: {  	v4 =	vadd.f32 v5, v4;
	v5 =	vmul.f32 v8, v12;
	v8 =	vld.idx.msk [tilespmem:v13+s29+$0x0], $0xffff  }
0x2b6: {  	v13 =	vld.idx.msk [tilespmem:v9+s26+$0x0], $0xffff  }
0x2b7: {  	v4 =	vadd.f32 v5, v4;
	v5 =	vmul.f32 v6, v14;
	v6 =	vld.idx.msk [tilespmem:v9+s29+$0x0], $0xffff  }
0x2b8: {  	v9 =	vld [tilespmem:$0x1FC40]  }
0x2b9: {  	v12 =	vor.u32 v35, v3;
	v14 =	vld.idx.msk [tilespmem:v10+s26+$0x0], $0xffff  }
0x2ba: {  	v4 =	vadd.f32 v5, v4;
	v5 =	vmul.f32 v7, v15;
	v7 =	vld.idx.msk [tilespmem:v10+s29+$0x0], $0xffff;
	v10 =	vor.u32 v39, v3;
	_ =	sdelay $0x1  }
0x2bb: {  	v4 =	vadd.f32 v5, v4;
	v5 =	vmul.f32 v8, v11  }
0x2bc: {  	v11 =	vld [tilespmem:$0x1FC50]  }
0x2bd: {  	v15 =	vld.idx.msk [tilespmem:v12+s26+$0x0], $0xffff;
	v9 =	vor.u32 v9, v3;
	v4 =	vadd.f32 v5, v4;
	v5 =	vmul.f32 v6, v13  }
0x2be: {  	v13 =	vld.idx.msk [tilespmem:v10+s26+$0x0], $0xffff  }
0x2bf: {  	v4 =	vadd.f32 v5, v4;
	v5 =	vmul.f32 v7, v14;
	v7 =	vld.idx.msk [tilespmem:v10+s29+$0x0], $0xffff  }
0x2c0: {  	v10 =	vld [tilespmem:$0x1FC60]  }
0x2c1: {  	v8 =	vld.idx.msk [tilespmem:v12+s29+$0x0], $0xffff;
	v11 =	vor.u32 v11, v3  }
0x2c2: {  	v12 =	vld.idx.msk [tilespmem:v9+s26+$0x0], $0xffff  }
0x2c3: {  	v6 =	vld.idx.msk [tilespmem:v9+s29+$0x0], $0xffff;
	v9 =	vor.u32 v43, v3;
	_ =	sdelay $0x1  }
0x2c4: {  	v10 =	vor.u32 v10, v3  }
0x2c5: {  	v14 =	vld.idx.msk [tilespmem:v11+s26+$0x0], $0xffff  }
0x2c6: {  	v4 =	vadd.f32 v5, v4;
	v5 =	vmul.f32 v8, v15;
	v8 =	vld.idx.msk [tilespmem:v11+s29+$0x0], $0xffff;
	v11 =	vor.u32 v23, v3  }
0x2c7: {  	v15 =	vld.idx.msk [tilespmem:v9+s26+$0x0], $0xffff  }
0x2c8: {  	v4 =	vadd.f32 v5, v4;
	v5 =	vmul.f32 v6, v12;
	v6 =	vld.idx.msk [tilespmem:v9+s29+$0x0], $0xffff;
	v9 =	vor.u32 v32, v3  }
0x2c9: {  	v12 =	vld.idx.msk [tilespmem:v10+s26+$0x0], $0xffff  }
0x2ca: {  	v4 =	vadd.f32 v5, v4;
	v5 =	vmul.f32 v7, v13;
	v7 =	vld.idx.msk [tilespmem:v10+s29+$0x0], $0xffff;
	v10 =	vor.u32 v37, v3  }
0x2cb: {  	v13 =	vld.idx.msk [tilespmem:v11+s26+$0x0], $0xffff  }
0x2cc: {  	v4 =	vadd.f32 v5, v4;
	v5 =	vmul.f32 v8, v14;
	v8 =	vld.idx.msk [tilespmem:v11+s29+$0x0], $0xffff;
	v11 =	vor.u32 v22, v3  }
0x2cd: {  	v14 =	vld.idx.msk [tilespmem:v9+s26+$0x0], $0xffff  }
0x2ce: {  	v4 =	vadd.f32 v5, v4;
	v5 =	vmul.f32 v6, v15;
	v6 =	vld.idx.msk [tilespmem:v9+s29+$0x0], $0xffff;
	v9 =	vor.u32 v40, v3  }
0x2cf: {  	v15 =	vld.idx.msk [tilespmem:v10+s26+$0x0], $0xffff  }
0x2d0: {  	v4 =	vadd.f32 v5, v4;
	v5 =	vmul.f32 v7, v12;
	v7 =	vld.idx.msk [tilespmem:v10+s29+$0x0], $0xffff;
	v10 =	vor.u32 v30, v3  }
0x2d1: {  	v12 =	vld.idx.msk [tilespmem:v11+s26+$0x0], $0xffff  }
0x2d2: {  	v4 =	vadd.f32 v5, v4;
	v5 =	vmul.f32 v8, v13;
	v8 =	vld.idx.msk [tilespmem:v11+s29+$0x0], $0xffff;
	v11 =	vor.u32 v16, v3  }
0x2d3: {  	v13 =	vld.idx.msk [tilespmem:v9+s26+$0x0], $0xffff  }
0x2d4: {  	v4 =	vadd.f32 v5, v4;
	v5 =	vmul.f32 v6, v14;
	v6 =	vld.idx.msk [tilespmem:v9+s29+$0x0], $0xffff;
	v9 =	vor.u32 v24, v3  }
0x2d5: {  	v14 =	vld.idx.msk [tilespmem:v10+s26+$0x0], $0xffff  }
0x2d6: {  	v4 =	vadd.f32 v5, v4;
	v5 =	vmul.f32 v7, v15;
	v7 =	vld.idx.msk [tilespmem:v10+s29+$0x0], $0xffff;
	v10 =	vor.u32 v34, v3  }
0x2d7: {  	v15 =	vld.idx.msk [tilespmem:v11+s26+$0x0], $0xffff  }
0x2d8: {  	v4 =	vadd.f32 v5, v4;
	v5 =	vmul.f32 v8, v12;
	v8 =	vld.idx.msk [tilespmem:v11+s29+$0x0], $0xffff;
	v11 =	vor.u32 v26, v3  }
0x2d9: {  	v12 =	vld.idx.msk [tilespmem:v9+s26+$0x0], $0xffff  }
0x2da: {  	v4 =	vadd.f32 v5, v4;
	v5 =	vmul.f32 v6, v13;
	v6 =	vld.idx.msk [tilespmem:v9+s29+$0x0], $0xffff;
	v9 =	vor.u32 v36, v3  }
0x2db: {  	v13 =	vld.idx.msk [tilespmem:v10+s26+$0x0], $0xffff  }
0x2dc: {  	v4 =	vadd.f32 v5, v4;
	v5 =	vmul.f32 v7, v14;
	v7 =	vld.idx.msk [tilespmem:v10+s29+$0x0], $0xffff;
	v10 =	vor.u32 v28, v3  }
0x2dd: {  	v14 =	vld.idx.msk [tilespmem:v11+s26+$0x0], $0xffff  }
0x2de: {  	v4 =	vadd.f32 v5, v4;
	v5 =	vmul.f32 v8, v15;
	v8 =	vld.idx.msk [tilespmem:v11+s29+$0x0], $0xffff;
	v11 =	vor.u32 v42, v3  }
0x2df: {  	v15 =	vld.idx.msk [tilespmem:v9+s26+$0x0], $0xffff  }
0x2e0: {  	v4 =	vadd.f32 v5, v4;
	v5 =	vmul.f32 v6, v12;
	v6 =	vld.idx.msk [tilespmem:v9+s29+$0x0], $0xffff;
	v9 =	vor.u32 v52, v3  }
0x2e1: {  	v12 =	vld.idx.msk [tilespmem:v10+s26+$0x0], $0xffff  }
0x2e2: {  	v4 =	vadd.f32 v5, v4;
	v5 =	vmul.f32 v7, v13;
	v7 =	vld.idx.msk [tilespmem:v10+s29+$0x0], $0xffff;
	v10 =	vor.u32 v21, v3  }
0x2e3: {  	v13 =	vld.idx.msk [tilespmem:v11+s26+$0x0], $0xffff  }
0x2e4: {  	v4 =	vadd.f32 v5, v4;
	v5 =	vmul.f32 v8, v14;
	v8 =	vld.idx.msk [tilespmem:v11+s29+$0x0], $0xffff;
	v11 =	vor.u32 v61, v3  }
0x2e5: {  	v14 =	vld.idx.msk [tilespmem:v9+s26+$0x0], $0xffff  }
0x2e6: {  	v4 =	vadd.f32 v5, v4;
	v5 =	vmul.f32 v6, v15;
	v6 =	vld.idx.msk [tilespmem:v9+s29+$0x0], $0xffff;
	v9 =	vor.u32 v25, v3  }
0x2e7: {  	v15 =	vld.idx.msk [tilespmem:v10+s26+$0x0], $0xffff  }
0x2e8: {  	v4 =	vadd.f32 v5, v4;
	v5 =	vmul.f32 v7, v12;
	v7 =	vld.idx.msk [tilespmem:v10+s29+$0x0], $0xffff;
	v10 =	vor.u32 v58, v3  }
0x2e9: {  	v12 =	vld.idx.msk [tilespmem:v11+s26+$0x0], $0xffff  }
0x2ea: {  	v4 =	vadd.f32 v5, v4;
	v5 =	vmul.f32 v8, v13;
	v8 =	vld.idx.msk [tilespmem:v11+s29+$0x0], $0xffff;
	v11 =	vor.u32 v44, v3  }
0x2eb: {  	v13 =	vld.idx.msk [tilespmem:v9+s26+$0x0], $0xffff  }
0x2ec: {  	v4 =	vadd.f32 v5, v4;
	v5 =	vmul.f32 v6, v14;
	v6 =	vld.idx.msk [tilespmem:v9+s29+$0x0], $0xffff;
	v9 =	vor.u32 v62, v3  }
0x2ed: {  	v14 =	vld.idx.msk [tilespmem:v10+s26+$0x0], $0xffff  }
0x2ee: {  	v4 =	vadd.f32 v5, v4;
	v5 =	vmul.f32 v7, v15;
	v7 =	vld.idx.msk [tilespmem:v10+s29+$0x0], $0xffff;
	v10 =	vor.u32 v27, v3  }
0x2ef: {  	v15 =	vld.idx.msk [tilespmem:v11+s26+$0x0], $0xffff  }
0x2f0: {  	v4 =	vadd.f32 v5, v4;
	v5 =	vmul.f32 v8, v12;
	v8 =	vld.idx.msk [tilespmem:v11+s29+$0x0], $0xffff;
	v11 =	vor.u32 v29, v3  }
0x2f1: {  	v12 =	vld.idx.msk [tilespmem:v9+s26+$0x0], $0xffff  }
0x2f2: {  	v4 =	vadd.f32 v5, v4;
	v5 =	vmul.f32 v6, v13;
	v6 =	vld.idx.msk [tilespmem:v9+s29+$0x0], $0xffff  }
0x2f3: {  	v13 =	vld.idx.msk [tilespmem:v10+s26+$0x0], $0xffff  }
0x2f4: {  	v4 =	vadd.f32 v5, v4;
	v5 =	vmul.f32 v7, v14;
	v7 =	vld.idx.msk [tilespmem:v10+s29+$0x0], $0xffff  }
0x2f5: {  	v9 =	vor.u32 v49, v3;
	v14 =	vld.idx.msk [tilespmem:v11+s26+$0x0], $0xffff  }
0x2f6: {  	v4 =	vadd.f32 v5, v4;
	v5 =	vmul.f32 v8, v15;
	v8 =	vld.idx.msk [tilespmem:v11+s29+$0x0], $0xffff;
	v11 =	vor.u32 v51, v3;
	_ =	sdelay $0x1  }
0x2f7: {  	v4 =	vadd.f32 v5, v4;
	v5 =	vmul.f32 v6, v12;
	_ =	sdelay $0x1  }
0x2f8: {  	v10 =	vor.u32 v19, v3;
	v15 =	vld.idx.msk [tilespmem:v9+s26+$0x0], $0xffff;
	v4 =	vadd.f32 v5, v4;
	v5 =	vmul.f32 v7, v13  }
0x2f9: {  	v13 =	vld.idx.msk [tilespmem:v11+s26+$0x0], $0xffff  }
0x2fa: {  	v4 =	vadd.f32 v5, v4;
	v5 =	vmul.f32 v8, v14;
	v8 =	vld.idx.msk [tilespmem:v11+s29+$0x0], $0xffff  }
0x2fb: {  	v11 =	vld [tilespmem:$0x1FEC0]  }
0x2fc: {  	v6 =	vld.idx.msk [tilespmem:v9+s29+$0x0], $0xffff  }
0x2fd: {  	v12 =	vld.idx.msk [tilespmem:v10+s26+$0x0], $0xffff  }
0x2fe: {  	v7 =	vld.idx.msk [tilespmem:v10+s29+$0x0], $0xffff  }
0x2ff: {  	v9 =	vor.u32 v45, v3;
	v10 =	vld [tilespmem:$0x1FEB0]  }
0x300: {  	v11 =	vor.u32 v11, v3;
	_ =	sdelay $0x1  }
0x301: {  	v4 =	vadd.f32 v5, v4;
	v5 =	vmul.f32 v6, v15;
	_ =	sdelay $0x1  }
0x302: {  	v14 =	vld.idx.msk [tilespmem:v9+s26+$0x0], $0xffff;
	v10 =	vor.u32 v10, v3;
	v4 =	vadd.f32 v5, v4;
	v5 =	vmul.f32 v7, v12  }
0x303: {  	v12 =	vld.idx.msk [tilespmem:v11+s26+$0x0], $0xffff  }
0x304: {  	v4 =	vadd.f32 v5, v4;
	v5 =	vmul.f32 v8, v13;
	v8 =	vld.idx.msk [tilespmem:v11+s29+$0x0], $0xffff  }
0x305: {  	v11 =	vld [tilespmem:$0x1FEF0]  }
0x306: {  	v6 =	vld.idx.msk [tilespmem:v9+s29+$0x0], $0xffff;
	v9 =	vor.u32 v57, v3  }
0x307: {  	v15 =	vld.idx.msk [tilespmem:v10+s26+$0x0], $0xffff  }
0x308: {  	v7 =	vld.idx.msk [tilespmem:v10+s29+$0x0], $0xffff;
	v10 =	vor.u32 v55, v3;
	_ =	sdelay $0x1  }
0x309: {  	v11 =	vor.u32 v11, v3  }
0x30a: {  	v13 =	vld.idx.msk [tilespmem:v9+s26+$0x0], $0xffff  }
0x30b: {  	v4 =	vadd.f32 v5, v4;
	v5 =	vmul.f32 v6, v14;
	v6 =	vld.idx.msk [tilespmem:v9+s29+$0x0], $0xffff;
	v9 =	vor.u32 v56, v3  }
0x30c: {  	v14 =	vld.idx.msk [tilespmem:v10+s26+$0x0], $0xffff  }
0x30d: {  	v4 =	vadd.f32 v5, v4;
	v5 =	vmul.f32 v7, v15;
	v7 =	vld.idx.msk [tilespmem:v10+s29+$0x0], $0xffff;
	v10 =	vor.u32 v0, v3  }
0x30e: {  	v15 =	vld.idx.msk [tilespmem:v11+s26+$0x0], $0xffff  }
0x30f: {  	v4 =	vadd.f32 v5, v4;
	v5 =	vmul.f32 v8, v12;
	v8 =	vld.idx.msk [tilespmem:v11+s29+$0x0], $0xffff;
	v11 =	vor.u32 v2, v3  }
0x310: {  	v12 =	vld.idx.msk [tilespmem:v9+s26+$0x0], $0xffff  }
0x311: {  	v4 =	vadd.f32 v5, v4;
	v5 =	vmul.f32 v6, v13;
	v6 =	vld.idx.msk [tilespmem:v9+s29+$0x0], $0xffff;
	v9 =	vor.u32 v41, v3  }
0x312: {  	v13 =	vld.idx.msk [tilespmem:v10+s26+$0x0], $0xffff  }
0x313: {  	v4 =	vadd.f32 v5, v4;
	v5 =	vmul.f32 v7, v14;
	v7 =	vld.idx.msk [tilespmem:v10+s29+$0x0], $0xffff;
	v10 =	vor.u32 v60, v3  }
0x314: {  	v14 =	vld.idx.msk [tilespmem:v11+s26+$0x0], $0xffff  }
0x315: {  	v4 =	vadd.f32 v5, v4;
	v5 =	vmul.f32 v8, v15;
	v8 =	vld.idx.msk [tilespmem:v11+s29+$0x0], $0xffff;
	v11 =	vor.u32 v18, v3  }
0x316: {  	v15 =	vld.idx.msk [tilespmem:v9+s26+$0x0], $0xffff  }
0x317: {  	v4 =	vadd.f32 v5, v4;
	v5 =	vmul.f32 v6, v12;
	v6 =	vld.idx.msk [tilespmem:v9+s29+$0x0], $0xffff;
	v9 =	vor.u32 v46, v3  }
0x318: {  	v12 =	vld.idx.msk [tilespmem:v10+s26+$0x0], $0xffff  }
0x319: {  	v4 =	vadd.f32 v5, v4;
	v5 =	vmul.f32 v7, v13;
	v7 =	vld.idx.msk [tilespmem:v10+s29+$0x0], $0xffff;
	v10 =	vor.u32 v47, v3  }
0x31a: {  	v13 =	vld.idx.msk [tilespmem:v11+s26+$0x0], $0xffff  }
0x31b: {  	v4 =	vadd.f32 v5, v4;
	v5 =	vmul.f32 v8, v14;
	v8 =	vld.idx.msk [tilespmem:v11+s29+$0x0], $0xffff  }
0x31c: {  	v11 =	vor.u32 v63, v3;
	v14 =	vld.idx.msk [tilespmem:v9+s26+$0x0], $0xffff  }
0x31d: {  	v4 =	vadd.f32 v5, v4;
	v5 =	vmul.f32 v6, v15;
	v6 =	vld.idx.msk [tilespmem:v9+s29+$0x0], $0xffff  }
0x31e: {  	v9 =	vor.u32 v38, v3;
	v15 =	vld.idx.msk [tilespmem:v10+s26+$0x0], $0xffff  }
0x31f: {  	v4 =	vadd.f32 v5, v4;
	v5 =	vmul.f32 v7, v12;
	v7 =	vld.idx.msk [tilespmem:v10+s29+$0x0], $0xffff;
	v10 =	vor.u32 v50, v3;
	_ =	sdelay $0x1  }
0x320: {  	v12 =	vld.idx.msk [tilespmem:v11+s26+$0x0], $0xffff;
	v4 =	vadd.f32 v5, v4;
	v5 =	vmul.f32 v8, v13  }
0x321: {  	v8 =	vld.idx.msk [tilespmem:v11+s29+$0x0], $0xffff;
	v11 =	vor.u32 v48, v3  }
0x322: {  	v13 =	vld.idx.msk [tilespmem:v9+s26+$0x0], $0xffff;
	v4 =	vadd.f32 v5, v4;
	v5 =	vmul.f32 v6, v14  }
0x323: {  	v14 =	vld.idx.msk [tilespmem:v10+s26+$0x0], $0xffff  }
0x324: {  	v4 =	vadd.f32 v5, v4;
	v5 =	vmul.f32 v7, v15;
	v7 =	vld.idx.msk [tilespmem:v10+s29+$0x0], $0xffff  }
0x325: {  	v10 =	vld [tilespmem:$0x1FE90]  }
0x326: {  	v15 =	vld.idx.msk [tilespmem:v11+s26+$0x0], $0xffff  }
0x327: {  	v4 =	vadd.f32 v5, v4;
	v5 =	vmul.f32 v8, v12;
	v8 =	vld.idx.msk [tilespmem:v11+s29+$0x0], $0xffff  }
0x328: {  	v11 =	vld [tilespmem:$0x1FEA0]  }
0x329: {  	v6 =	vld.idx.msk [tilespmem:v9+s29+$0x0], $0xffff;
	v9 =	vor.u32 v31, v3;
	_ =	sdelay $0x1  }
0x32a: {  	v10 =	vor.u32 v10, v3;
	_ =	sdelay $0x1  }
0x32b: {  	v3 =	vor.u32 v11, v3  }
0x32c: {  	v4 =	vadd.f32 v5, v4;
	v5 =	vmul.f32 v6, v13;
	v6 =	vld.idx.msk [tilespmem:v9+s29+$0x0], $0xffff  }
0x32d: {  	v11 =	vld.idx.msk [tilespmem:v9+s26+$0x0], $0xffff  }
0x32e: {  	v4 =	vadd.f32 v5, v4;
	v5 =	vmul.f32 v7, v14;
	v9 =	vld.idx.msk [tilespmem:v10+s26+$0x0], $0xffff  }
0x32f: {  	v7 =	vld.idx.msk [tilespmem:v10+s29+$0x0], $0xffff  }
0x330: {  	v4 =	vadd.f32 v5, v4;
	v5 =	vmul.f32 v8, v15;
	v10 =	vld.idx.msk [tilespmem:v3+s26+$0x0], $0xffff  }
0x331: {  	v3 =	vld.idx.msk [tilespmem:v3+s29+$0x0], $0xffff  }
0x332: {  	v4 =	vadd.f32 v5, v4;
	v5 =	vmul.f32 v6, v11;
	_ =	sdelay $0x1  }
0x333: {  	s7 =	sadd.s32 $0x10, s7;
	v4 =	vadd.f32 v5, v4;
	v5 =	vmul.f32 v7, v9  }
0x334: {  	v6 =	vld [tilespmem:s7+$0x0]  }
0x335: {  	s8 =	sadd.s32 $0x10, s8;
	v4 =	vadd.f32 v5, v4;
	v3 =	vmul.f32 v3, v10  }
0x336: {  	p0 =	sne.s32 s12, $0xF0;
	v5 =	vld [tilespmem:s8+$0x0]  }
.Ltmp11:
0x337: {  	v3 =	vadd.f32 v3, v4;
	(pc) =	sbr.rel @p0 .LBB2_21-.Ltmp11, $4  }
0x338: {  	v4 =	vmov s12  }
0x339: {  	v12 =	vld [tilespmem:$0x1FF20];
	v4 =	vshll.u32 v4, $0x7;
	v6 =	vadd.f32 v3, v6  }
0x33a: {  	v15 =	vlaneseq.u32;
	v7 =	vld [tilespmem:$0x1FF00];
	v3 =	vor.u32 v54, v4  }
0x33b: {  	v14 =	vmov v20;
	s12 =	sadd.s32 $0x10, s12;
	v4 =	vor.u32 v15, v3;
	v5 =	vadd.f32 v6, v5;
	v6 =	vld [tilespmem:$0x1FBE0]  }
0x33c: {  	_ =	sdelay $0x1  }
0x33d: {  	v8 =	vor.u32 v59, v3;
	v5 =	vadd.f32 v5, v14  }
0x33e: {  	s26 =	sadd.s32 $0x10, s10  }
0x33f: {  	s10 =	simm.s32 $0x8400;
	v10 =	vor.u32 v12, v3;
	v12 =	vld [tilespmem:$0x1FC00];
	[tilespmem:s26+$0x0] =	vst v5;
	v6 =	vor.u32 v6, v3  }
0x340: {  	s12 =	simm.s32 $0x400;
	v5 =	vld.idx.msk [tilespmem:v4+s10+$0x0], $0xffff  }
0x341: {  	v7 =	vor.u32 v7, v3;
	v4 =	vld.idx.msk [tilespmem:v4+s12+$0x0], $0xffff  }
0x342: {  	v13 =	vld.idx.msk [tilespmem:v8+s12+$0x0], $0xffff  }
0x343: {  	v8 =	vld.idx.msk [tilespmem:v8+s10+$0x0], $0xffff  }
0x344: {  	v14 =	vor.u32 v1, v3;
	v9 =	vld.idx.msk [tilespmem:v6+s12+$0x0], $0xffff  }
0x345: {  	v6 =	vld.idx.msk [tilespmem:v6+s10+$0x0], $0xffff  }
0x346: {  	v11 =	vld.idx.msk [tilespmem:v7+s12+$0x0], $0xffff  }
0x347: {  	v12 =	vor.u32 v12, v3;
	v7 =	vld.idx.msk [tilespmem:v7+s10+$0x0], $0xffff  }
0x348: {  	v4 =	vmul.f32 v5, v4;
	v5 =	vld.idx.msk [tilespmem:v10+s12+$0x0], $0xffff  }
0x349: {  	v8 =	vmul.f32 v8, v13;
	v13 =	vld.idx.msk [tilespmem:v14+s10+$0x0], $0xffff  }
0x34a: {  	v6 =	vmul.f32 v6, v9;
	v9 =	vld.idx.msk [tilespmem:v10+s10+$0x0], $0xffff  }
0x34b: {  	v10 =	vld [tilespmem:$0x1FC10]  }
0x34c: {  	v7 =	vmul.f32 v7, v11;
	v11 =	vld.idx.msk [tilespmem:v12+s10+$0x0], $0xffff;
	v4 =	vadd.f32 v6, v4  }
0x34d: {  	v6 =	vld.idx.msk [tilespmem:v12+s12+$0x0], $0xffff;
	v12 =	vor.u32 v17, v3  }
0x34e: {  	v4 =	vadd.f32 v7, v4;
	v7 =	vld.idx.msk [tilespmem:v14+s12+$0x0], $0xffff  }
0x34f: {  	v14 =	vld [tilespmem:$0x1FC20]  }
0x350: {  	v10 =	vor.u32 v10, v3  }
0x351: {  	v5 =	vmul.f32 v9, v5;
	v4 =	vadd.f32 v8, v4  }
0x352: {  	v6 =	vmul.f32 v11, v6;
	v11 =	vld.idx.msk [tilespmem:v12+s10+$0x0], $0xffff  }
0x353: {  	v4 =	vadd.f32 v5, v4;
	v5 =	vld.idx.msk [tilespmem:v12+s12+$0x0], $0xffff;
	v12 =	vor.u32 v53, v3  }
0x354: {  	v14 =	vor.u32 v14, v3  }
0x355: {  	v8 =	vld.idx.msk [tilespmem:v10+s12+$0x0], $0xffff  }
0x356: {  	v9 =	vld.idx.msk [tilespmem:v10+s10+$0x0], $0xffff;
	v10 =	vor.u32 v33, v3;
	_ =	sdelay $0x1  }
0x357: {  	v5 =	vmul.f32 v11, v5;
	v11 =	vld.idx.msk [tilespmem:v12+s10+$0x0], $0xffff  }
0x358: {  	v7 =	vmul.f32 v13, v7;
	v4 =	vadd.f32 v6, v4;
	v6 =	vld.idx.msk [tilespmem:v14+s12+$0x0], $0xffff  }
0x359: {  	v13 =	vld.idx.msk [tilespmem:v14+s10+$0x0], $0xffff;
	v14 =	vor.u32 v35, v3  }
0x35a: {  	v4 =	vadd.f32 v7, v4;
	v7 =	vld.idx.msk [tilespmem:v10+s12+$0x0], $0xffff;
	v8 =	vmul.f32 v9, v8  }
0x35b: {  	v9 =	vld.idx.msk [tilespmem:v10+s10+$0x0], $0xffff  }
0x35c: {  	v10 =	vld [tilespmem:$0x1FC40];
	v4 =	vadd.f32 v8, v4  }
0x35d: {  	v8 =	vld.idx.msk [tilespmem:v12+s12+$0x0], $0xffff;
	v12 =	vor.u32 v39, v3  }
0x35e: {  	v4 =	vadd.f32 v5, v4;
	v5 =	vld.idx.msk [tilespmem:v14+s12+$0x0], $0xffff  }
0x35f: {  	v6 =	vmul.f32 v13, v6;
	v13 =	vld.idx.msk [tilespmem:v14+s10+$0x0], $0xffff  }
0x360: {  	v14 =	vld [tilespmem:$0x1FC50]  }
0x361: {  	v10 =	vor.u32 v10, v3;
	v7 =	vmul.f32 v9, v7;
	v4 =	vadd.f32 v6, v4  }
0x362: {  	v8 =	vmul.f32 v11, v8;
	v11 =	vld.idx.msk [tilespmem:v12+s10+$0x0], $0xffff  }
0x363: {  	v4 =	vadd.f32 v7, v4;
	v7 =	vld.idx.msk [tilespmem:v12+s12+$0x0], $0xffff  }
0x364: {  	v12 =	vld [tilespmem:$0x1FC60]  }
0x365: {  	v14 =	vor.u32 v14, v3  }
0x366: {  	v6 =	vld.idx.msk [tilespmem:v10+s12+$0x0], $0xffff  }
0x367: {  	v9 =	vld.idx.msk [tilespmem:v10+s10+$0x0], $0xffff;
	v10 =	vor.u32 v43, v3;
	_ =	sdelay $0x1  }
0x368: {  	v12 =	vor.u32 v12, v3  }
0x369: {  	v5 =	vmul.f32 v13, v5;
	v4 =	vadd.f32 v8, v4;
	v8 =	vld.idx.msk [tilespmem:v14+s12+$0x0], $0xffff  }
0x36a: {  	v13 =	vld.idx.msk [tilespmem:v14+s10+$0x0], $0xffff;
	v14 =	vor.u32 v23, v3  }
0x36b: {  	v4 =	vadd.f32 v5, v4;
	v5 =	vld.idx.msk [tilespmem:v10+s12+$0x0], $0xffff;
	v6 =	vmul.f32 v9, v6  }
0x36c: {  	v9 =	vld.idx.msk [tilespmem:v10+s10+$0x0], $0xffff;
	v10 =	vor.u32 v32, v3  }
0x36d: {  	v7 =	vmul.f32 v11, v7;
	v4 =	vadd.f32 v6, v4;
	v6 =	vld.idx.msk [tilespmem:v12+s12+$0x0], $0xffff  }
0x36e: {  	v11 =	vld.idx.msk [tilespmem:v12+s10+$0x0], $0xffff;
	v12 =	vor.u32 v37, v3  }
0x36f: {  	v4 =	vadd.f32 v7, v4;
	v7 =	vld.idx.msk [tilespmem:v14+s12+$0x0], $0xffff;
	v8 =	vmul.f32 v13, v8  }
0x370: {  	v13 =	vld.idx.msk [tilespmem:v14+s10+$0x0], $0xffff;
	v14 =	vor.u32 v22, v3  }
0x371: {  	v5 =	vmul.f32 v9, v5;
	v9 =	vld.idx.msk [tilespmem:v10+s10+$0x0], $0xffff;
	v4 =	vadd.f32 v8, v4  }
0x372: {  	v8 =	vld.idx.msk [tilespmem:v10+s12+$0x0], $0xffff;
	v10 =	vor.u32 v40, v3  }
0x373: {  	v4 =	vadd.f32 v5, v4;
	v5 =	vld.idx.msk [tilespmem:v12+s12+$0x0], $0xffff  }
0x374: {  	v6 =	vmul.f32 v11, v6;
	v11 =	vld.idx.msk [tilespmem:v12+s10+$0x0], $0xffff;
	v12 =	vor.u32 v30, v3  }
0x375: {  	v7 =	vmul.f32 v13, v7;
	v13 =	vld.idx.msk [tilespmem:v14+s10+$0x0], $0xffff  }
0x376: {  	v4 =	vadd.f32 v6, v4;
	v6 =	vld.idx.msk [tilespmem:v14+s12+$0x0], $0xffff;
	v14 =	vor.u32 v16, v3  }
0x377: {  	v8 =	vmul.f32 v9, v8;
	v9 =	vld.idx.msk [tilespmem:v10+s10+$0x0], $0xffff  }
0x378: {  	v4 =	vadd.f32 v7, v4;
	v7 =	vld.idx.msk [tilespmem:v10+s12+$0x0], $0xffff;
	v10 =	vor.u32 v24, v3  }
0x379: {  	v5 =	vmul.f32 v11, v5;
	v11 =	vld.idx.msk [tilespmem:v12+s10+$0x0], $0xffff  }
0x37a: {  	v4 =	vadd.f32 v8, v4;
	v8 =	vld.idx.msk [tilespmem:v12+s12+$0x0], $0xffff;
	v12 =	vor.u32 v34, v3  }
0x37b: {  	v6 =	vmul.f32 v13, v6;
	v13 =	vld.idx.msk [tilespmem:v14+s10+$0x0], $0xffff  }
0x37c: {  	v4 =	vadd.f32 v5, v4;
	v5 =	vld.idx.msk [tilespmem:v14+s12+$0x0], $0xffff;
	v14 =	vor.u32 v26, v3  }
0x37d: {  	v7 =	vmul.f32 v9, v7;
	v9 =	vld.idx.msk [tilespmem:v10+s10+$0x0], $0xffff  }
0x37e: {  	v4 =	vadd.f32 v6, v4;
	v6 =	vld.idx.msk [tilespmem:v10+s12+$0x0], $0xffff;
	v10 =	vor.u32 v36, v3  }
0x37f: {  	v8 =	vmul.f32 v11, v8;
	v11 =	vld.idx.msk [tilespmem:v12+s10+$0x0], $0xffff  }
0x380: {  	v4 =	vadd.f32 v7, v4;
	v7 =	vld.idx.msk [tilespmem:v12+s12+$0x0], $0xffff;
	v12 =	vor.u32 v28, v3  }
0x381: {  	v5 =	vmul.f32 v13, v5;
	v13 =	vld.idx.msk [tilespmem:v14+s10+$0x0], $0xffff  }
0x382: {  	v4 =	vadd.f32 v8, v4;
	v8 =	vld.idx.msk [tilespmem:v14+s12+$0x0], $0xffff;
	v14 =	vor.u32 v42, v3  }
0x383: {  	v6 =	vmul.f32 v9, v6;
	v9 =	vld.idx.msk [tilespmem:v10+s10+$0x0], $0xffff  }
0x384: {  	v4 =	vadd.f32 v5, v4;
	v5 =	vld.idx.msk [tilespmem:v10+s12+$0x0], $0xffff;
	v10 =	vor.u32 v52, v3  }
0x385: {  	v7 =	vmul.f32 v11, v7;
	v11 =	vld.idx.msk [tilespmem:v12+s10+$0x0], $0xffff  }
0x386: {  	v4 =	vadd.f32 v6, v4;
	v6 =	vld.idx.msk [tilespmem:v12+s12+$0x0], $0xffff;
	v12 =	vor.u32 v21, v3  }
0x387: {  	v8 =	vmul.f32 v13, v8;
	v13 =	vld.idx.msk [tilespmem:v14+s10+$0x0], $0xffff  }
0x388: {  	v4 =	vadd.f32 v7, v4;
	v7 =	vld.idx.msk [tilespmem:v14+s12+$0x0], $0xffff;
	v14 =	vor.u32 v61, v3  }
0x389: {  	v5 =	vmul.f32 v9, v5;
	v9 =	vld.idx.msk [tilespmem:v10+s10+$0x0], $0xffff  }
0x38a: {  	v4 =	vadd.f32 v8, v4;
	v8 =	vld.idx.msk [tilespmem:v10+s12+$0x0], $0xffff;
	v10 =	vor.u32 v25, v3  }
0x38b: {  	v6 =	vmul.f32 v11, v6;
	v11 =	vld.idx.msk [tilespmem:v12+s10+$0x0], $0xffff  }
0x38c: {  	v4 =	vadd.f32 v5, v4;
	v5 =	vld.idx.msk [tilespmem:v12+s12+$0x0], $0xffff;
	v12 =	vor.u32 v58, v3  }
0x38d: {  	v7 =	vmul.f32 v13, v7;
	v13 =	vld.idx.msk [tilespmem:v14+s10+$0x0], $0xffff  }
0x38e: {  	v4 =	vadd.f32 v6, v4;
	v6 =	vld.idx.msk [tilespmem:v14+s12+$0x0], $0xffff;
	v14 =	vor.u32 v44, v3  }
0x38f: {  	v8 =	vmul.f32 v9, v8;
	v9 =	vld.idx.msk [tilespmem:v10+s10+$0x0], $0xffff  }
0x390: {  	v4 =	vadd.f32 v7, v4;
	v7 =	vld.idx.msk [tilespmem:v10+s12+$0x0], $0xffff;
	v10 =	vor.u32 v62, v3  }
0x391: {  	v5 =	vmul.f32 v11, v5;
	v11 =	vld.idx.msk [tilespmem:v12+s10+$0x0], $0xffff  }
0x392: {  	v4 =	vadd.f32 v8, v4;
	v8 =	vld.idx.msk [tilespmem:v12+s12+$0x0], $0xffff;
	v12 =	vor.u32 v27, v3  }
0x393: {  	v6 =	vmul.f32 v13, v6;
	v13 =	vld.idx.msk [tilespmem:v14+s10+$0x0], $0xffff  }
0x394: {  	v4 =	vadd.f32 v5, v4;
	v5 =	vld.idx.msk [tilespmem:v14+s12+$0x0], $0xffff;
	v14 =	vor.u32 v29, v3  }
0x395: {  	v7 =	vmul.f32 v9, v7;
	v9 =	vld.idx.msk [tilespmem:v10+s10+$0x0], $0xffff  }
0x396: {  	v4 =	vadd.f32 v6, v4;
	v6 =	vld.idx.msk [tilespmem:v10+s12+$0x0], $0xffff  }
0x397: {  	v8 =	vmul.f32 v11, v8;
	v11 =	vld.idx.msk [tilespmem:v12+s10+$0x0], $0xffff  }
0x398: {  	v4 =	vadd.f32 v7, v4;
	v7 =	vld.idx.msk [tilespmem:v12+s12+$0x0], $0xffff  }
0x399: {  	v10 =	vor.u32 v49, v3;
	v5 =	vmul.f32 v13, v5;
	v13 =	vld.idx.msk [tilespmem:v14+s10+$0x0], $0xffff  }
0x39a: {  	v4 =	vadd.f32 v8, v4;
	v8 =	vld.idx.msk [tilespmem:v14+s12+$0x0], $0xffff;
	v14 =	vor.u32 v51, v3;
	_ =	sdelay $0x1  }
0x39b: {  	v6 =	vmul.f32 v9, v6;
	v4 =	vadd.f32 v5, v4;
	_ =	sdelay $0x1  }
0x39c: {  	v12 =	vor.u32 v19, v3;
	v9 =	vld.idx.msk [tilespmem:v10+s10+$0x0], $0xffff;
	v7 =	vmul.f32 v11, v7;
	v4 =	vadd.f32 v6, v4  }
0x39d: {  	v8 =	vmul.f32 v13, v8;
	v13 =	vld.idx.msk [tilespmem:v14+s10+$0x0], $0xffff  }
0x39e: {  	v4 =	vadd.f32 v7, v4;
	v7 =	vld.idx.msk [tilespmem:v14+s12+$0x0], $0xffff  }
0x39f: {  	v14 =	vld [tilespmem:$0x1FEC0]  }
0x3a0: {  	v5 =	vld.idx.msk [tilespmem:v10+s12+$0x0], $0xffff  }
0x3a1: {  	v11 =	vld.idx.msk [tilespmem:v12+s10+$0x0], $0xffff  }
0x3a2: {  	v6 =	vld.idx.msk [tilespmem:v12+s12+$0x0], $0xffff  }
0x3a3: {  	v10 =	vor.u32 v45, v3;
	v12 =	vld [tilespmem:$0x1FEB0]  }
0x3a4: {  	v14 =	vor.u32 v14, v3  }
0x3a5: {  	v5 =	vmul.f32 v9, v5;
	v4 =	vadd.f32 v8, v4;
	_ =	sdelay $0x1  }
0x3a6: {  	v6 =	vmul.f32 v11, v6;
	v4 =	vadd.f32 v5, v4  }
0x3a7: {  	v9 =	vld.idx.msk [tilespmem:v10+s10+$0x0], $0xffff;
	v12 =	vor.u32 v12, v3  }
0x3a8: {  	v4 =	vadd.f32 v6, v4;
	v6 =	vld.idx.msk [tilespmem:v14+s12+$0x0], $0xffff  }
0x3a9: {  	v7 =	vmul.f32 v13, v7;
	v13 =	vld.idx.msk [tilespmem:v14+s10+$0x0], $0xffff  }
0x3aa: {  	v14 =	vld [tilespmem:$0x1FEF0]  }
0x3ab: {  	v8 =	vld.idx.msk [tilespmem:v10+s12+$0x0], $0xffff;
	v10 =	vor.u32 v57, v3  }
0x3ac: {  	v5 =	vld.idx.msk [tilespmem:v12+s12+$0x0], $0xffff  }
0x3ad: {  	v11 =	vld.idx.msk [tilespmem:v12+s10+$0x0], $0xffff;
	v12 =	vor.u32 v55, v3;
	_ =	sdelay $0x1  }
0x3ae: {  	v14 =	vor.u32 v14, v3  }
0x3af: {  	v8 =	vmul.f32 v9, v8;
	v9 =	vld.idx.msk [tilespmem:v10+s10+$0x0], $0xffff;
	v4 =	vadd.f32 v7, v4  }
0x3b0: {  	v7 =	vld.idx.msk [tilespmem:v10+s12+$0x0], $0xffff;
	v10 =	vor.u32 v56, v3  }
0x3b1: {  	v4 =	vadd.f32 v8, v4;
	v8 =	vld.idx.msk [tilespmem:v12+s12+$0x0], $0xffff;
	v5 =	vmul.f32 v11, v5  }
0x3b2: {  	v11 =	vld.idx.msk [tilespmem:v12+s10+$0x0], $0xffff;
	v12 =	vor.u32 v0, v3  }
0x3b3: {  	v4 =	vadd.f32 v5, v4;
	v6 =	vmul.f32 v13, v6;
	v5 =	vld.idx.msk [tilespmem:v14+s12+$0x0], $0xffff  }
0x3b4: {  	v13 =	vld.idx.msk [tilespmem:v14+s10+$0x0], $0xffff;
	v14 =	vor.u32 v2, v3  }
0x3b5: {  	v7 =	vmul.f32 v9, v7;
	v9 =	vld.idx.msk [tilespmem:v10+s10+$0x0], $0xffff;
	v4 =	vadd.f32 v6, v4  }
0x3b6: {  	v6 =	vld.idx.msk [tilespmem:v10+s12+$0x0], $0xffff;
	v10 =	vor.u32 v41, v3  }
0x3b7: {  	v8 =	vmul.f32 v11, v8;
	v11 =	vld.idx.msk [tilespmem:v12+s10+$0x0], $0xffff;
	v4 =	vadd.f32 v7, v4  }
0x3b8: {  	v7 =	vld.idx.msk [tilespmem:v12+s12+$0x0], $0xffff;
	v12 =	vor.u32 v60, v3  }
0x3b9: {  	v4 =	vadd.f32 v8, v4;
	v8 =	vld.idx.msk [tilespmem:v14+s12+$0x0], $0xffff  }
0x3ba: {  	v5 =	vmul.f32 v13, v5;
	v13 =	vld.idx.msk [tilespmem:v14+s10+$0x0], $0xffff;
	v14 =	vor.u32 v18, v3  }
0x3bb: {  	v6 =	vmul.f32 v9, v6;
	v9 =	vld.idx.msk [tilespmem:v10+s10+$0x0], $0xffff  }
0x3bc: {  	v4 =	vadd.f32 v5, v4;
	v5 =	vld.idx.msk [tilespmem:v10+s12+$0x0], $0xffff;
	v10 =	vor.u32 v46, v3  }
0x3bd: {  	v7 =	vmul.f32 v11, v7;
	v11 =	vld.idx.msk [tilespmem:v12+s10+$0x0], $0xffff  }
0x3be: {  	v4 =	vadd.f32 v6, v4;
	v6 =	vld.idx.msk [tilespmem:v12+s12+$0x0], $0xffff;
	v12 =	vor.u32 v47, v3  }
0x3bf: {  	v8 =	vmul.f32 v13, v8;
	v13 =	vld.idx.msk [tilespmem:v14+s10+$0x0], $0xffff  }
0x3c0: {  	v4 =	vadd.f32 v7, v4;
	v7 =	vld.idx.msk [tilespmem:v14+s12+$0x0], $0xffff  }
0x3c1: {  	v5 =	vmul.f32 v9, v5;
	v9 =	vld.idx.msk [tilespmem:v10+s10+$0x0], $0xffff  }
0x3c2: {  	v4 =	vadd.f32 v8, v4;
	v8 =	vld.idx.msk [tilespmem:v10+s12+$0x0], $0xffff  }
0x3c3: {  	v14 =	vor.u32 v63, v3;
	v6 =	vmul.f32 v11, v6;
	v11 =	vld.idx.msk [tilespmem:v12+s10+$0x0], $0xffff  }
0x3c4: {  	v4 =	vadd.f32 v5, v4;
	v5 =	vld.idx.msk [tilespmem:v12+s12+$0x0], $0xffff;
	v12 =	vor.u32 v50, v3;
	_ =	sdelay $0x1  }
0x3c5: {  	v7 =	vmul.f32 v13, v7;
	v4 =	vadd.f32 v6, v4  }
0x3c6: {  	v24 =	vld [tilespmem:$0x1FEA0]  }
0x3c7: {  	v10 =	vor.u32 v38, v3;
	v13 =	vld.idx.msk [tilespmem:v14+s10+$0x0], $0xffff;
	v8 =	vmul.f32 v9, v8;
	v4 =	vadd.f32 v7, v4  }
0x3c8: {  	v5 =	vmul.f32 v11, v5;
	v11 =	vld.idx.msk [tilespmem:v12+s10+$0x0], $0xffff  }
0x3c9: {  	v4 =	vadd.f32 v8, v4;
	v8 =	vld.idx.msk [tilespmem:v12+s12+$0x0], $0xffff  }
0x3ca: {  	v12 =	vld [tilespmem:$0x1FE90]  }
0x3cb: {  	v6 =	vld.idx.msk [tilespmem:v14+s12+$0x0], $0xffff;
	v14 =	vor.u32 v48, v3  }
0x3cc: {  	v9 =	vld.idx.msk [tilespmem:v10+s10+$0x0], $0xffff  }
0x3cd: {  	v7 =	vld.idx.msk [tilespmem:v10+s12+$0x0], $0xffff;
	v10 =	vor.u32 v31, v3;
	_ =	sdelay $0x1  }
0x3ce: {  	v12 =	vor.u32 v12, v3  }
0x3cf: {  	v4 =	vadd.f32 v5, v4;
	v5 =	vmul.f32 v13, v6;
	v6 =	vld.idx.msk [tilespmem:v14+s12+$0x0], $0xffff  }
0x3d0: {  	v13 =	vld.idx.msk [tilespmem:v14+s10+$0x0], $0xffff;
	v3 =	vor.u32 v24, v3  }
0x3d1: {  	v4 =	vadd.f32 v5, v4;
	v5 =	vmul.f32 v9, v7;
	v7 =	vld.idx.msk [tilespmem:v10+s12+$0x0], $0xffff  }
0x3d2: {  	v9 =	vld.idx.msk [tilespmem:v10+s10+$0x0], $0xffff  }
0x3d3: {  	v4 =	vadd.f32 v5, v4;
	v5 =	vmul.f32 v11, v8;
	v8 =	vld.idx.msk [tilespmem:v12+s12+$0x0], $0xffff  }
0x3d4: {  	v10 =	vld.idx.msk [tilespmem:v12+s10+$0x0], $0xffff  }
0x3d5: {  	v4 =	vadd.f32 v5, v4;
	v5 =	vmul.f32 v13, v6;
	v6 =	vld.idx.msk [tilespmem:v3+s12+$0x0], $0xffff  }
0x3d6: {  	v3 =	vld.idx.msk [tilespmem:v3+s10+$0x0], $0xffff  }
0x3d7: {  	v4 =	vadd.f32 v5, v4;
	v5 =	vmul.f32 v9, v7;
	_ =	sdelay $0x1  }
0x3d8: {  	s7 =	sadd.s32 $0x10, s7;
	v4 =	vadd.f32 v5, v4;
	v5 =	vmul.f32 v10, v8  }
0x3d9: {  	v7 =	vld [tilespmem:s7+$0x0]  }
0x3da: {  	s15 =	sadd.s32 $0x10, s8;
	v3 =	vmul.f32 v3, v6;
	v4 =	vadd.f32 v5, v4  }
0x3db: {  	v5 =	vld [tilespmem:s15+$0x0]  }
0x3dc: {  	v3 =	vadd.f32 v3, v4;
	_ =	sdelay $0x1  }
0x3dd: {  	v3 =	vadd.f32 v3, v7;
	_ =	sdelay $0x1  }
0x3de: {  	v3 =	vadd.f32 v3, v5;
	_ =	sdelay $0x1  }
0x3df: {  	v3 =	vadd.f32 v3, v20  }
0x3e0: {  	s26 =	sadd.s32 $0x10, s26  }
0x3e1: {  	[tilespmem:s26+$0x0] =	vst v3  }
0x3e2: {  	s7 =	sld [smem:$0x100];
	_ =	sdelay $0x1  }
0x3e3: {  	s29 =	sld [smem:$0x300]  }
0x3e4: {  	s7 =	sshll.u32 s7, $0x4  }
0x3e5: {  	v59 =	vmovc v0;
	s8 =	simm.s32 $0x8;
	v22 =	vmovc v47;
	v30 =	vmov v39;
	v28 =	vmov v35;
	v58 =	vmov v46;
	s13 =	sand.u32 $0x1FFFFFF0, s7  }
0x3e6: {  	v0 =	vmovc v51;
	v46 =	vmovc v2;
	v2 =	vmov v33;
	v33 =	vmov v23;
	v23 =	vmov v25;
	s7 =	simm.s32 $0x0;
	s15 =	sshll.u32 s29, $0x4;
	s13 =	sadd.s32 s4, s13  }
0x3e7: {  	v47 =	vmovc v60;
	v60 =	vmovc v19;
	v48 =	vmov v29;
	v31 =	vmov v43;
	v24 =	vmov v17;
	[tilespmem:s12], [sflag:$0x1] =	stream.linear.gather [hbm4b:s13+s7], $0x80, $0x38;
	[tilespmem:$0x18E80] =	vst v63  }
0x3e8: {  	v9 =	vmovc v22;
	v22 =	vmovc v1;
	v8 =	vmov v42;
	v42 =	vmov v63;
	v7 =	vmov v16;
	s26 =	sand.u32 $0x1FFFFFF0, s15;
	s13 =	simm.s32 $0x1;
	s14 =	sld [smem:$0x101]  }
.LBB2_23:
0x3e9: {  	p0 =	sne.s32 s8, $0x3FC;
	s15 =	sld [smem:s13+$0x300];
	s13 =	sadd.s32 s5, s26  }
0x3ea: {  	[tilespmem:s10], [sflag:$0x1] =	stream.linear.gather [hbm4b:s13+s7], $0x80, $0x38;
	[tilespmem:$0x18E80] =	vst v63  }
.Ltmp12:
0x3eb: {  	s12 =	sadd.s32 $0x80, s12;
	s13 =	sshll.u32 s14, $0x4;
	(pc) =	sbr.rel @p0 .LBB2_23-.Ltmp12, $4  }
0x3ec: {  	s10 =	sadd.s32 $0x80, s10;
	s14 =	sand.u32 $0x1FFFFFF0, s13  }
0x3ed: {  	s13 =	sshra.s32 s8, $0x2;
	s15 =	sshll.u32 s15, $0x4;
	s14 =	sadd.s32 s4, s14  }
0x3ee: {  	[tilespmem:s12], [sflag:$0x1] =	stream.linear.gather [hbm4b:s14+s7], $0x80, $0x38;
	[tilespmem:$0x18E80] =	vst v63  }
0x3ef: {  	s8 =	sadd.s32 $0x4, s8;
	s26 =	sand.u32 $0x1FFFFFF0, s15;
	s14 =	sld [smem:s13+$0x100]  }
0x3f0: {  	s8 =	sld [smem:s13+$0x300];
	s29 =	sadd.s32 s5, s26  }
0x3f1: {  	[tilespmem:s10], [sflag:$0x1] =	stream.linear.gather [hbm4b:s29+s7], $0x80, $0x38;
	[tilespmem:$0x18E80] =	vst v63  }
0x3f2: {  	s12 =	sadd.s32 $0x80, s12;
	s14 =	sshll.u32 s14, $0x4  }
0x3f3: {  	s15 =	simm.s32 $0x0;
	s7 =	sand.u32 $0x1FFFFFF0, s14;
	s8 =	sshll.u32 s8, $0x4  }
0x3f4: {  	p1 =	por $0x1, $0x1;
	s7 =	sadd.s32 s4, s7;
	s26 =	sand.u32 $0x1FFFFFF0, s8  }
0x3f5: {  	[tilespmem:s12], [sflag:$0x1] =	stream.linear.gather [hbm4b:s7+s15], $0x80, $0x38;
	[tilespmem:$0x18E80] =	vst v63  }
.Ltmp13:
0x3f6: {  	s29 =	sadd.s32 $0x80, s10;
	s7 =	sadd.s32 s5, s26;
	(pc) =	sbr.rel @!p1 .LBB2_25-.Ltmp13, $4  }
0x3f7: {  	[tilespmem:s29], [sflag:$0x1] =	stream.linear.gather [hbm4b:s7+s15], $0x80, $0x38;
	[tilespmem:$0x18E80] =	vst v63  }
0x3f8: {  	s26 =	sld [smem:$0x100];
	v17 =	vld [tilespmem:$0x1FBE0]  }
0x3f9: {  	p0 =	por $0x0, $0x0;
	v10 =	vld [tilespmem:$0x1FF20]  }
0x3fa: {  	s8 =	simm.s32 $0x10400;
	s12 =	simm.s32 $0x0;
	s7 =	simm.s32 $0x14400;
	v1 =	vld [tilespmem:$0x1FF10]  }
0x3fb: {  	s12 =	sshrl.u32 s26, $0x3;
	p1 =	por $0x1, $0x1  }
.Ltmp14:
0x3fc: {  	s10 =	sld [smem:$0x300];
	s13 =	sand.u32 $0x1FFFFFF0, s12;
	(pc) =	sbr.rel @!p1 .LBB2_27-.Ltmp14, $4  }
0x3fd: {  	p0 =	por $0x1, $0x1;
	s29 =	simm.s32 $0x10400;
	s13 =	sadd.s32 s0, s13  }
0x3fe: {  	[tilespmem:s8], [sflag:$0x2] =	stream.linear.gather [hbm4b:s13+s2], $0x80, $0x38;
	[tilespmem:$0x18E80] =	vst v63  }
0x3ff: {  	s12 =	simm.s32 $0x1;
	s10 =	sshrl.u32 s10, $0x3;
	s13 =	simm.s32 $0x8  }
0x400: {  	s26 =	sld [smem:$0x101];
	s14 =	sand.u32 $0x1FFFFFF0, s10;
	s10 =	simm.s32 $0x14400  }
.LBB2_28:
0x401: {  	p1 =	sne.s32 s13, $0x1FC;
	s15 =	sld [smem:s12+$0x300];
	s12 =	sadd.s32 s6, s14  }
0x402: {  	[tilespmem:s10], [sflag:$0x2] =	stream.linear.gather [hbm4b:s12+s2], $0x80, $0x38;
	[tilespmem:$0x18E80] =	vst v63  }
.Ltmp15:
0x403: {  	s12 =	sshrl.u32 s26, $0x3;
	(pc) =	sbr.rel @p1 .LBB2_28-.Ltmp15, $4  }
0x404: {  	s29 =	sadd.s32 $0x80, s29;
	s10 =	sadd.s32 $0x80, s10;
	s14 =	sand.u32 $0x1FFFFFF0, s12  }
0x405: {  	s12 =	sshra.s32 s13, $0x2;
	s15 =	sshrl.u32 s15, $0x3;
	s14 =	sadd.s32 s0, s14  }
0x406: {  	[tilespmem:s29], [sflag:$0x2] =	stream.linear.gather [hbm4b:s14+s2], $0x80, $0x38;
	[tilespmem:$0x18E80] =	vst v63  }
0x407: {  	s13 =	sadd.s32 $0x4, s13;
	s14 =	sand.u32 $0x1FFFFFF0, s15;
	s26 =	sld [smem:s12+$0x100]  }
.LBB2_29:
0x408: {  	s12 =	sld [smem:s12+$0x300];
	s13 =	sadd.s32 @p0 s6, s14  }
0x409: {  	[tilespmem:s10], [sflag:$0x2] =	stream.linear.gather @p0 [hbm4b:s13+s2], $0x80, $0x38;
	[tilespmem:$0x18E80] =	vst v63  }
0x40a: {  	s15 =	sshrl.u32 s26, $0x3  }
0x40b: {  	s14 =	sadd.s32 @p0 $0x80, s29;
	s13 =	sand.u32 $0x1FFFFFF0, s15  }
0x40c: {  	s8 =	smov.u32 @p0 s14;
	s12 =	sshrl.u32 s12, $0x3;
	s13 =	sadd.s32 s0, s13  }
0x40d: {  	[tilespmem:s8], [sflag:$0x2] =	stream.linear.gather [hbm4b:s13+s2], $0x80, $0x38;
	[tilespmem:$0x18E80] =	vst v63  }
0x40e: {  	s26 =	sand.u32 $0x1FFFFFF0, s12;
	s8 =	sadd.s32 @p0 $0x80, s10  }
0x40f: {  	s29 =	sadd.s32 s6, s26;
	s7 =	smov.u32 @p0 s8  }
0x410: {  	[tilespmem:s7], [sflag:$0x2] =	stream.linear.gather [hbm4b:s29+s2], $0x80, $0x38;
	[tilespmem:$0x18E80] =	vst v63  }
0x411: {  	_ =	swait.ge [sflag:s30], $0x80  }
0x412: {  	[sflag:s30] =	ssyncset.done $0x0  }
0x413: {  	[sflag:s30] =	ssyncadd.s32 $0xFFFFFF80  }
0x414: {  	_ =	swait.ge [sflag:s30], $0x80  }
0x415: {  	s7 =	simm.s32 $0x7F;
	[sflag:s30] =	ssyncset.done $0x0  }
.LBB2_30:
0x416: {  	p0 =	sne.s32 s7, $0x1;
	s7 =	sadd.s32 $0xFFFFFFFF, s7;
	[sflag:s30] =	ssyncadd.s32 $0xFFFFFF80  }
.Ltmp16:
0x417: {  	_ =	swait.ge [sflag:s30], $0x80;
	(pc) =	sbr.rel @p0 .LBB2_30-.Ltmp16, $4  }
0x418: {  	[sflag:s30] =	ssyncset.done $0x0  }
0x419: {  	[sflag:s30] =	ssyncadd.s32 $0xFFFFFF80  }
0x41a: {  	_ =	swait.ge [sflag:s30], $0x80  }
0x41b: {  	[sflag:s30] =	ssyncset.done $0x0  }
0x41c: {  	[sflag:s30] =	ssyncadd.s32 $0xFFFFFF80  }
0x41d: {  	s10 =	simm.s32 $0x0;
	s12 =	simm.s32 $0x100;
	s13 =	simm.s32 $0x18500  }
0x41e: {  	s26 =	simm.s32 $0x300;
	s29 =	simm.s32 $0x18700;
	s14 =	simm.s32 $0x0  }
.LBB2_32:
0x41f: {  	v3 =	vld [tilespmem:s12+$0x0];
	_ =	sdelay $0x2  }
0x420: {  	v4 =	vmov s14  }
0x421: {  	v4 =	vshll.u32 v4, $0x7  }
0x422: {  	v4 =	vor.u32 v1, v4;
	v3 =	vand.u32 $0x7F, v3  }
0x423: {  	v3 =	vor.u32 v4, v3;
	_ =	sdelay $0x3  }
0x424: {  	s7 =	simm.s32 $0x10400  }
0x425: {  	v3 =	vld.idx.msk [tilespmem:v3+s7+$0x0], $0xffff;
	_ =	sdelay $0x4  }
0x426: {  	[tilespmem:s13+$0x0] =	vst v3  }
0x427: {  	v3 =	vld [tilespmem:s26+$0x0];
	_ =	sdelay $0x4  }
0x428: {  	v3 =	vand.u32 $0x7F, v3  }
0x429: {  	v3 =	vor.u32 v4, v3;
	_ =	sdelay $0x3  }
0x42a: {  	s8 =	simm.s32 $0x14400  }
0x42b: {  	p0 =	sne.s32 s14, $0x70;
	v3 =	vld.idx.msk [tilespmem:v3+s8+$0x0], $0xffff  }
.Ltmp17:
0x42c: {  	_ = 	snop;
	(pc) =	sbr.rel @p0 .LBB2_32-.Ltmp17, $3  }
0x42d: {  	_ =	sdelay $0x1  }
0x42e: {  	s12 =	sadd.s32 $0x10, s12;
	s14 =	sadd.s32 $0x10, s14  }
0x42f: {  	s13 =	sadd.s32 $0x10, s13;
	s26 =	sadd.s32 $0x10, s26;
	[tilespmem:s29+$0x0] =	vst v3;
	s29 =	sadd.s32 $0x10, s29  }
0x430: {  	s12 =	sshra.s32 s10, $0x2  }
0x431: {  	s13 =	sld [smem:s12+$0x180];
	_ =	sdelay $0x2  }
0x432: {  	s13 =	sshrl.u32 s13, $0x3  }
0x433: {  	s14 =	sld [smem:s12+$0x380];
	s26 =	sand.u32 $0x1FFFFFF0, s13  }
0x434: {  	s29 =	sadd.s32 $0x4, s10;
	s12 =	sadd.s32 s0, s26  }
0x435: {  	[tilespmem:s7], [sflag:$0x2] =	stream.linear.gather [hbm4b:s12+s2], $0x80, $0x38;
	[tilespmem:$0x18E80] =	vst v63  }
0x436: {  	s14 =	sshrl.u32 s14, $0x3;
	s12 =	sshra.s32 s29, $0x2  }
0x437: {  	s10 =	sadd.s32 $0x4, s29;
	s14 =	sand.u32 $0x1FFFFFF0, s14;
	s13 =	sld [smem:s12+$0x180]  }
.LBB2_34:
0x438: {  	p0 =	sne.s32 s10, $0x1FC;
	s15 =	sld [smem:s12+$0x380];
	s12 =	sadd.s32 s6, s14  }
0x439: {  	[tilespmem:s8], [sflag:$0x2] =	stream.linear.gather [hbm4b:s12+s2], $0x80, $0x38;
	[tilespmem:$0x18E80] =	vst v63  }
.Ltmp18:
0x43a: {  	s12 =	sshrl.u32 s13, $0x3;
	(pc) =	sbr.rel @p0 .LBB2_34-.Ltmp18, $4  }
0x43b: {  	s7 =	sadd.s32 $0x80, s7;
	s8 =	sadd.s32 $0x80, s8;
	s13 =	sand.u32 $0x1FFFFFF0, s12  }
0x43c: {  	s12 =	sshra.s32 s10, $0x2;
	s14 =	sshrl.u32 s15, $0x3;
	s13 =	sadd.s32 s0, s13  }
0x43d: {  	[tilespmem:s7], [sflag:$0x2] =	stream.linear.gather [hbm4b:s13+s2], $0x80, $0x38;
	[tilespmem:$0x18E80] =	vst v63  }
0x43e: {  	s10 =	sadd.s32 $0x4, s10;
	s14 =	sand.u32 $0x1FFFFFF0, s14;
	s13 =	sld [smem:s12+$0x180]  }
0x43f: {  	s10 =	sld [smem:s12+$0x380];
	s14 =	sadd.s32 s6, s14  }
0x440: {  	[tilespmem:s8], [sflag:$0x2] =	stream.linear.gather [hbm4b:s14+s2], $0x80, $0x38;
	[tilespmem:$0x18E80] =	vst v63  }
0x441: {  	s15 =	sshrl.u32 s13, $0x3  }
0x442: {  	s12 =	sand.u32 $0x1FFFFFF0, s15;
	s10 =	sshrl.u32 s10, $0x3  }
0x443: {  	s7 =	sadd.s32 $0x80, s7;
	s12 =	sadd.s32 s0, s12;
	s26 =	sand.u32 $0x1FFFFFF0, s10  }
0x444: {  	[tilespmem:s7], [sflag:$0x2] =	stream.linear.gather [hbm4b:s12+s2], $0x80, $0x38;
	[tilespmem:$0x18E80] =	vst v63  }
0x445: {  	s29 =	sadd.s32 $0x80, s8;
	s7 =	sadd.s32 s6, s26  }
0x446: {  	[tilespmem:s29], [sflag:$0x2] =	stream.linear.gather [hbm4b:s7+s2], $0x80, $0x38;
	[tilespmem:$0x18E80] =	vst v63  }
0x447: {  	_ =	swait.ge [sflag:s30], $0x80  }
0x448: {  	[sflag:s30] =	ssyncset.done $0x0  }
0x449: {  	[sflag:s30] =	ssyncadd.s32 $0xFFFFFF80  }
0x44a: {  	_ =	swait.ge [sflag:s30], $0x80  }
0x44b: {  	s7 =	simm.s32 $0x7F;
	[sflag:s30] =	ssyncset.done $0x0  }
.LBB2_36:
0x44c: {  	p0 =	sne.s32 s7, $0x1;
	s7 =	sadd.s32 $0xFFFFFFFF, s7;
	[sflag:s30] =	ssyncadd.s32 $0xFFFFFF80  }
.Ltmp19:
0x44d: {  	_ =	swait.ge [sflag:s30], $0x80;
	(pc) =	sbr.rel @p0 .LBB2_36-.Ltmp19, $4  }
0x44e: {  	[sflag:s30] =	ssyncset.done $0x0  }
0x44f: {  	[sflag:s30] =	ssyncadd.s32 $0xFFFFFF80  }
0x450: {  	_ =	swait.ge [sflag:s30], $0x80  }
0x451: {  	[sflag:s30] =	ssyncset.done $0x0  }
0x452: {  	[sflag:s30] =	ssyncadd.s32 $0xFFFFFF80;
	s7 =	simm.s32 $0x0;
	s8 =	simm.s32 $0x180  }
0x453: {  	s10 =	simm.s32 $0x18580;
	s12 =	simm.s32 $0x380;
	s13 =	simm.s32 $0x18780  }
.LBB2_38:
0x454: {  	v3 =	vld [tilespmem:s8+$0x0];
	_ =	sdelay $0x2  }
0x455: {  	v4 =	vmov s7  }
0x456: {  	v4 =	vshll.u32 v4, $0x7  }
0x457: {  	v4 =	vor.u32 v1, v4;
	v3 =	vand.u32 $0x7F, v3  }
0x458: {  	v3 =	vor.u32 v4, v3;
	_ =	sdelay $0x4  }
0x459: {  	v3 =	vld.idx.msk [tilespmem:v3+s31+$0x0], $0xffff;
	_ =	sdelay $0x4  }
0x45a: {  	[tilespmem:s10+$0x0] =	vst v3  }
0x45b: {  	v3 =	vld [tilespmem:s12+$0x0];
	_ =	sdelay $0x4  }
0x45c: {  	v3 =	vand.u32 $0x7F, v3  }
0x45d: {  	v3 =	vor.u32 v4, v3;
	_ =	sdelay $0x4  }
0x45e: {  	p0 =	sne.s32 s7, $0x70;
	v3 =	vld.idx.msk [tilespmem:v3+s1+$0x0], $0xffff  }
.Ltmp20:
0x45f: {  	_ = 	snop;
	(pc) =	sbr.rel @p0 .LBB2_38-.Ltmp20, $3  }
0x460: {  	_ =	sdelay $0x1  }
0x461: {  	s8 =	sadd.s32 $0x10, s8;
	s7 =	sadd.s32 $0x10, s7  }
0x462: {  	s10 =	sadd.s32 $0x10, s10;
	s12 =	sadd.s32 $0x10, s12;
	[tilespmem:s13+$0x0] =	vst v3;
	s13 =	sadd.s32 $0x10, s13  }
0x463: {  	[tilespmem:$0x1F9F0] =	vst v50  }
0x464: {  	[tilespmem:$0x1FA00] =	vst v9  }
0x465: {  	_ =	swait.ge [sflag:s3], $0x80  }
0x466: {  	[sflag:s3] =	ssyncset.done $0x0  }
0x467: {  	v45 =	vmovc v18;
	v16 =	vmov v47;
	v4 =	vmov v1;
	v29 =	vmov v59;
	[sflag:s3] =	ssyncadd.s32 $0xFFFFFF80  }
0x468: {  	v25 =	vmovc v44;
	v19 =	vmovc v8;
	v41 =	vmov v36;
	v38 =	vmov v34;
	v43 =	vmov v7;
	_ =	swait.ge [sflag:s3], $0x80  }
0x469: {  	v39 =	vmovc v40;
	v35 =	vmovc v37;
	v18 =	vmov v33;
	v63 =	vmov v30;
	v34 =	vmov v28;
	s7 =	simm.s32 $0xFF;
	[sflag:s3] =	ssyncset.done $0x0  }
.LBB2_40:
0x46a: {  	p0 =	sne.s32 s7, $0x1;
	s7 =	sadd.s32 $0xFFFFFFFF, s7;
	[sflag:s3] =	ssyncadd.s32 $0xFFFFFF80  }
.Ltmp21:
0x46b: {  	_ =	swait.ge [sflag:s3], $0x80;
	(pc) =	sbr.rel @p0 .LBB2_40-.Ltmp21, $4  }
0x46c: {  	[sflag:s3] =	ssyncset.done $0x0  }
0x46d: {  	[sflag:s3] =	ssyncadd.s32 $0xFFFFFF80  }
0x46e: {  	_ =	swait.ge [sflag:s3], $0x80  }
0x46f: {  	[sflag:s3] =	ssyncset.done $0x0  }
0x470: {  	s7 =	simm.s32 $0x0  }
0x471: {  	v51 =	vld [tilespmem:$0x1FBF0];
	v3 =	vmov s7  }
0x472: {  	v52 =	vld [tilespmem:$0x1FC00];
	v3 =	vshll.u32 v3, $0x7  }
0x473: {  	v37 =	vld [tilespmem:$0x1FC10];
	v3 =	vor.u32 v4, v3  }
0x474: {  	v54 =	vmov v4;
	v1 =	vld [tilespmem:$0x1FC20];
	v4 =	vor.u32 v15, v3  }
0x475: {  	v53 =	vmov v17;
	v5 =	vor.u32 v17, v3;
	v17 =	vld [tilespmem:$0x1FF00]  }
0x476: {  	v26 =	vld [tilespmem:$0x1FC50]  }
0x477: {  	v28 =	vld [tilespmem:$0x1FC60]  }
0x478: {  	[sflag:s3] =	ssyncadd.s32 $0xFFFFFF80;
	v57 =	vmov v22;
	v50 =	vor.u32 v10, v3;
	v14 =	vor.u32 v22, v3;
	v22 =	vld [tilespmem:$0x1FC30]  }
0x479: {  	v7 =	vld.idx.msk [tilespmem:v4+s25+$0x0], $0xffff  }
0x47a: {  	v6 =	vor.u32 v17, v3;
	v4 =	vld.idx.msk [tilespmem:v4+s24+$0x0], $0xffff  }
0x47b: {  	v9 =	vld.idx.msk [tilespmem:v5+s24+$0x0], $0xffff  }
0x47c: {  	v8 =	vor.u32 v51, v3;
	v5 =	vld.idx.msk [tilespmem:v5+s25+$0x0], $0xffff  }
0x47d: {  	v56 =	vld.idx.msk [tilespmem:v50+s25+$0x0], $0xffff  }
0x47e: {  	v12 =	vor.u32 v52, v3;
	v36 =	vld.idx.msk [tilespmem:v14+s25+$0x0], $0xffff  }
0x47f: {  	v11 =	vld.idx.msk [tilespmem:v6+s24+$0x0], $0xffff  }
0x480: {  	v59 =	vor.u32 v37, v3;
	v6 =	vld.idx.msk [tilespmem:v6+s25+$0x0], $0xffff  }
0x481: {  	v13 =	vld.idx.msk [tilespmem:v8+s24+$0x0], $0xffff  }
0x482: {  	v8 =	vld.idx.msk [tilespmem:v8+s25+$0x0], $0xffff  }
0x483: {  	v32 =	vld.idx.msk [tilespmem:v12+s25+$0x0], $0xffff;
	v4 =	vmul.f32 v7, v4;
	v5 =	vmul.f32 v5, v9  }
0x484: {  	v7 =	vld.idx.msk [tilespmem:v50+s24+$0x0], $0xffff  }
0x485: {  	v40 =	vor.u32 v1, v3;
	v44 =	vld.idx.msk [tilespmem:v59+s24+$0x0], $0xffff;
	v4 =	vadd.f32 v5, v4;
	v6 =	vmul.f32 v6, v11  }
0x486: {  	v33 =	vor.u32 v24, v3;
	v5 =	vld.idx.msk [tilespmem:v12+s24+$0x0], $0xffff  }
0x487: {  	v47 =	vld.idx.msk [tilespmem:v59+s25+$0x0], $0xffff;
	v8 =	vmul.f32 v8, v13;
	v4 =	vadd.f32 v6, v4  }
0x488: {  	v59 =	vor.u32 v22, v3;
	v6 =	vld.idx.msk [tilespmem:v14+s24+$0x0], $0xffff  }
0x489: {  	v61 =	vmov v24;
	v24 =	vld [tilespmem:$0x1FC40];
	v7 =	vmul.f32 v56, v7;
	v4 =	vadd.f32 v8, v4  }
0x48a: {  	v62 =	vld.idx.msk [tilespmem:v40+s25+$0x0], $0xffff;
	v50 =	vor.u32 v2, v3  }
0x48b: {  	v56 =	vld.idx.msk [tilespmem:v33+s25+$0x0], $0xffff;
	v5 =	vmul.f32 v32, v5;
	v4 =	vadd.f32 v7, v4  }
0x48c: {  	v32 =	vor.u32 v34, v3;
	v7 =	vld.idx.msk [tilespmem:v33+s24+$0x0], $0xffff  }
0x48d: {  	v8 =	vmul.f32 v47, v44;
	v44 =	vld.idx.msk [tilespmem:v59+s25+$0x0], $0xffff;
	v6 =	vmul.f32 v36, v6;
	v4 =	vadd.f32 v5, v4  }
0x48e: {  	v36 =	vor.u32 v24, v3;
	v5 =	vld.idx.msk [tilespmem:v40+s24+$0x0], $0xffff  }
0x48f: {  	v33 =	vld.idx.msk [tilespmem:v50+s25+$0x0], $0xffff;
	v4 =	vadd.f32 v6, v4  }
0x490: {  	v40 =	vld.idx.msk [tilespmem:v59+s24+$0x0], $0xffff  }
0x491: {  	v6 =	vld.idx.msk [tilespmem:v50+s24+$0x0], $0xffff;
	v7 =	vmul.f32 v56, v7;
	v56 =	vor.u32 v26, v3;
	v4 =	vadd.f32 v8, v4  }
0x492: {  	v50 =	vld.idx.msk [tilespmem:v32+s25+$0x0], $0xffff  }
0x493: {  	v59 =	vld.idx.msk [tilespmem:v36+s25+$0x0], $0xffff;
	v5 =	vmul.f32 v62, v5;
	v4 =	vadd.f32 v7, v4  }
0x494: {  	v47 =	vor.u32 v63, v3;
	v7 =	vld.idx.msk [tilespmem:v32+s24+$0x0], $0xffff  }
0x495: {  	v4 =	vadd.f32 v5, v4;
	v5 =	vld.idx.msk [tilespmem:v36+s24+$0x0], $0xffff  }
0x496: {  	v62 =	vor.u32 v31, v3;
	v8 =	vmul.f32 v44, v40;
	v40 =	vld.idx.msk [tilespmem:v56+s24+$0x0], $0xffff  }
0x497: {  	v6 =	vmul.f32 v33, v6;
	v33 =	vor.u32 v28, v3;
	v36 =	vld [tilespmem:$0x1FC70]  }
0x498: {  	v44 =	vld.idx.msk [tilespmem:v56+s25+$0x0], $0xffff  }
0x499: {  	v32 =	vld.idx.msk [tilespmem:v47+s25+$0x0], $0xffff  }
0x49a: {  	v4 =	vadd.f32 v6, v4;
	v6 =	vld.idx.msk [tilespmem:v47+s24+$0x0], $0xffff;
	v47 =	vor.u32 v18, v3  }
0x49b: {  	v7 =	vmul.f32 v50, v7;
	v50 =	vld.idx.msk [tilespmem:v62+s25+$0x0], $0xffff  }
0x49c: {  	v4 =	vadd.f32 v8, v4;
	v5 =	vmul.f32 v59, v5;
	v56 =	vor.u32 v36, v3;
	v59 =	vld.idx.msk [tilespmem:v33+s25+$0x0], $0xffff  }
0x49d: {  	v8 =	vmul.f32 v44, v40;
	v40 =	vld [tilespmem:$0x1FC80]  }
0x49e: {  	v4 =	vadd.f32 v7, v4;
	v7 =	vld.idx.msk [tilespmem:v62+s24+$0x0], $0xffff  }
0x49f: {  	v6 =	vmul.f32 v32, v6;
	v32 =	vld.idx.msk [tilespmem:v47+s25+$0x0], $0xffff  }
0x4a0: {  	v62 =	vor.u32 v35, v3;
	v4 =	vadd.f32 v5, v4;
	v5 =	vld.idx.msk [tilespmem:v33+s24+$0x0], $0xffff  }
0x4a1: {  	v35 =	vld.idx.msk [tilespmem:v56+s24+$0x0], $0xffff  }
0x4a2: {  	v4 =	vadd.f32 v6, v4;
	v33 =	vor.u32 v40, v3;
	v44 =	vld.idx.msk [tilespmem:v56+s25+$0x0], $0xffff  }
0x4a3: {  	v56 =	vld [tilespmem:$0x1FC90]  }
0x4a4: {  	v6 =	vld.idx.msk [tilespmem:v47+s24+$0x0], $0xffff;
	v7 =	vmul.f32 v50, v7;
	v4 =	vadd.f32 v8, v4  }
0x4a5: {  	v47 =	vor.u32 v39, v3;
	v50 =	vld.idx.msk [tilespmem:v62+s25+$0x0], $0xffff  }
0x4a6: {  	v4 =	vadd.f32 v7, v4;
	v7 =	vld.idx.msk [tilespmem:v62+s24+$0x0], $0xffff  }
0x4a7: {  	v5 =	vmul.f32 v59, v5;
	v62 =	vld.idx.msk [tilespmem:v33+s25+$0x0], $0xffff  }
0x4a8: {  	v59 =	vor.u32 v56, v3;
	v8 =	vmul.f32 v44, v35;
	v44 =	vld [tilespmem:$0x1FCA0]  }
0x4a9: {  	v6 =	vmul.f32 v32, v6;
	v4 =	vadd.f32 v5, v4;
	v5 =	vld.idx.msk [tilespmem:v33+s24+$0x0], $0xffff  }
0x4aa: {  	v32 =	vor.u32 v43, v3;
	v33 =	vld.idx.msk [tilespmem:v47+s25+$0x0], $0xffff  }
0x4ab: {  	v4 =	vadd.f32 v6, v4;
	v6 =	vld.idx.msk [tilespmem:v47+s24+$0x0], $0xffff  }
0x4ac: {  	v7 =	vmul.f32 v50, v7;
	v50 =	vor.u32 v38, v3;
	v38 =	vld [tilespmem:$0x1FCB0]  }
0x4ad: {  	v35 =	vor.u32 v44, v3;
	v43 =	vld.idx.msk [tilespmem:v59+s24+$0x0], $0xffff  }
0x4ae: {  	v4 =	vadd.f32 v8, v4;
	v47 =	vld.idx.msk [tilespmem:v59+s25+$0x0], $0xffff  }
0x4af: {  	v59 =	vld.idx.msk [tilespmem:v32+s25+$0x0], $0xffff  }
0x4b0: {  	v5 =	vmul.f32 v62, v5;
	v4 =	vadd.f32 v7, v4;
	v7 =	vld.idx.msk [tilespmem:v32+s24+$0x0], $0xffff  }
0x4b1: {  	v6 =	vmul.f32 v33, v6;
	v33 =	vor.u32 v41, v3;
	v41 =	vld [tilespmem:$0x1FCC0]  }
0x4b2: {  	v62 =	vor.u32 v38, v3;
	v4 =	vadd.f32 v5, v4;
	v5 =	vld.idx.msk [tilespmem:v35+s24+$0x0], $0xffff  }
0x4b3: {  	v32 =	vld.idx.msk [tilespmem:v35+s25+$0x0], $0xffff  }
0x4b4: {  	v35 =	vld.idx.msk [tilespmem:v50+s25+$0x0], $0xffff  }
0x4b5: {  	v8 =	vmul.f32 v47, v43;
	v4 =	vadd.f32 v6, v4;
	v6 =	vld.idx.msk [tilespmem:v50+s24+$0x0], $0xffff  }
0x4b6: {  	v50 =	vld [tilespmem:$0x1FCD0];
	v43 =	vor.u32 v41, v3  }
0x4b7: {  	v7 =	vmul.f32 v59, v7;
	v4 =	vadd.f32 v8, v4;
	v47 =	vld.idx.msk [tilespmem:v62+s24+$0x0], $0xffff  }
0x4b8: {  	v59 =	vld.idx.msk [tilespmem:v62+s25+$0x0], $0xffff;
	v62 =	vor.u32 v19, v3  }
0x4b9: {  	v4 =	vadd.f32 v7, v4;
	v7 =	vld.idx.msk [tilespmem:v33+s24+$0x0], $0xffff;
	v5 =	vmul.f32 v32, v5  }
0x4ba: {  	v32 =	vld.idx.msk [tilespmem:v33+s25+$0x0], $0xffff  }
0x4bb: {  	v33 =	vor.u32 v50, v3;
	v6 =	vmul.f32 v35, v6;
	v4 =	vadd.f32 v5, v4;
	v5 =	vld.idx.msk [tilespmem:v43+s24+$0x0], $0xffff  }
0x4bc: {  	v35 =	vld.idx.msk [tilespmem:v43+s25+$0x0], $0xffff  }
0x4bd: {  	v4 =	vadd.f32 v6, v4;
	v6 =	vld.idx.msk [tilespmem:v62+s24+$0x0], $0xffff  }
0x4be: {  	v8 =	vmul.f32 v59, v47;
	v59 =	vld [tilespmem:$0x1FCE0]  }
0x4bf: {  	v13 =	vld.idx.msk [tilespmem:v62+s25+$0x0], $0xffff  }
0x4c0: {  	v39 =	vor.u32 v21, v3;
	v47 =	vld.idx.msk [tilespmem:v33+s24+$0x0], $0xffff  }
0x4c1: {  	v7 =	vmul.f32 v32, v7;
	v32 =	vld.idx.msk [tilespmem:v33+s25+$0x0], $0xffff  }
0x4c2: {  	v62 =	vld [tilespmem:$0x1FCF0]  }
0x4c3: {  	v4 =	vadd.f32 v8, v4;
	v43 =	vor.u32 v59, v3  }
0x4c4: {  	v19 =	vld [tilespmem:$0x1FE80]  }
0x4c5: {  	v33 =	vor.u32 v23, v3;
	v4 =	vadd.f32 v7, v4;
	v7 =	vld.idx.msk [tilespmem:v39+s24+$0x0], $0xffff  }
0x4c6: {  	v5 =	vmul.f32 v35, v5;
	v8 =	vmul.f32 v32, v47;
	v47 =	vld [tilespmem:$0x1FD20]  }
0x4c7: {  	v35 =	vld.idx.msk [tilespmem:v39+s25+$0x0], $0xffff;
	v39 =	vor.u32 v62, v3  }
0x4c8: {  	v6 =	vmul.f32 v13, v6;
	v4 =	vadd.f32 v5, v4;
	v5 =	vld.idx.msk [tilespmem:v43+s24+$0x0], $0xffff  }
0x4c9: {  	v13 =	vld.idx.msk [tilespmem:v43+s25+$0x0], $0xffff;
	v43 =	vor.u32 v25, v3  }
0x4ca: {  	v32 =	vld.idx.msk [tilespmem:v33+s25+$0x0], $0xffff;
	v4 =	vadd.f32 v6, v4  }
0x4cb: {  	v6 =	vld.idx.msk [tilespmem:v33+s24+$0x0], $0xffff;
	v33 =	vor.u32 v47, v3  }
0x4cc: {  	v7 =	vmul.f32 v35, v7;
	v4 =	vadd.f32 v8, v4;
	v8 =	vld.idx.msk [tilespmem:v39+s24+$0x0], $0xffff  }
0x4cd: {  	v35 =	vld.idx.msk [tilespmem:v39+s25+$0x0], $0xffff;
	v39 =	vor.u32 v27, v3  }
0x4ce: {  	v4 =	vadd.f32 v7, v4;
	v7 =	vld.idx.msk [tilespmem:v43+s24+$0x0], $0xffff;
	v5 =	vmul.f32 v13, v5  }
0x4cf: {  	v13 =	vld.idx.msk [tilespmem:v43+s25+$0x0], $0xffff;
	v43 =	vor.u32 v48, v3  }
0x4d0: {  	v4 =	vadd.f32 v5, v4;
	v5 =	vld.idx.msk [tilespmem:v33+s24+$0x0], $0xffff  }
0x4d1: {  	v6 =	vmul.f32 v32, v6;
	v32 =	vld.idx.msk [tilespmem:v33+s25+$0x0], $0xffff;
	v33 =	vor.u32 v49, v3  }
0x4d2: {  	v8 =	vmul.f32 v35, v8;
	v35 =	vld.idx.msk [tilespmem:v39+s25+$0x0], $0xffff  }
0x4d3: {  	v4 =	vadd.f32 v6, v4;
	v6 =	vld.idx.msk [tilespmem:v39+s24+$0x0], $0xffff;
	v39 =	vor.u32 v60, v3  }
0x4d4: {  	v7 =	vmul.f32 v13, v7;
	v13 =	vld.idx.msk [tilespmem:v43+s25+$0x0], $0xffff  }
0x4d5: {  	v4 =	vadd.f32 v8, v4;
	v8 =	vld.idx.msk [tilespmem:v43+s24+$0x0], $0xffff  }
0x4d6: {  	v43 =	vor.u32 v0, v3;
	v5 =	vmul.f32 v32, v5;
	v32 =	vld.idx.msk [tilespmem:v33+s25+$0x0], $0xffff  }
0x4d7: {  	v4 =	vadd.f32 v7, v4;
	v7 =	vld.idx.msk [tilespmem:v33+s24+$0x0], $0xffff  }
0x4d8: {  	v6 =	vmul.f32 v35, v6;
	v35 =	vld.idx.msk [tilespmem:v39+s25+$0x0], $0xffff  }
0x4d9: {  	v33 =	vor.u32 v19, v3;
	v4 =	vadd.f32 v5, v4;
	v5 =	vld.idx.msk [tilespmem:v39+s24+$0x0], $0xffff  }
0x4da: {  	v39 =	vld [tilespmem:$0x1FEB0]  }
0x4db: {  	v8 =	vmul.f32 v13, v8;
	v13 =	vld.idx.msk [tilespmem:v43+s25+$0x0], $0xffff  }
0x4dc: {  	v4 =	vadd.f32 v6, v4;
	v6 =	vld.idx.msk [tilespmem:v43+s24+$0x0], $0xffff  }
0x4dd: {  	v43 =	vld [tilespmem:$0x1FEC0]  }
0x4de: {  	v7 =	vmul.f32 v32, v7;
	v32 =	vld.idx.msk [tilespmem:v33+s25+$0x0], $0xffff  }
0x4df: {  	v4 =	vadd.f32 v8, v4;
	v8 =	vld.idx.msk [tilespmem:v33+s24+$0x0], $0xffff  }
0x4e0: {  	v33 =	vld [tilespmem:$0x1FED0]  }
0x4e1: {  	v12 =	vor.u32 v39, v3  }
0x4e2: {  	v39 =	vld [tilespmem:$0x1FEE0]  }
0x4e3: {  	v30 =	vld [tilespmem:$0x1FD70];
	v14 =	vor.u32 v43, v3  }
0x4e4: {  	v43 =	vld [tilespmem:$0x1FEF0]  }
0x4e5: {  	v55 =	vmov v10;
	v10 =	vor.u32 v33, v3;
	v8 =	vmul.f32 v32, v8;
	v32 =	vld [tilespmem:$0x1FD30]  }
0x4e6: {  	v5 =	vmul.f32 v35, v5;
	v4 =	vadd.f32 v7, v4;
	v7 =	vld.idx.msk [tilespmem:v12+s24+$0x0], $0xffff  }
0x4e7: {  	v35 =	vld.idx.msk [tilespmem:v12+s25+$0x0], $0xffff;
	v12 =	vor.u32 v39, v3  }
0x4e8: {  	v6 =	vmul.f32 v13, v6;
	v4 =	vadd.f32 v5, v4;
	v5 =	vld.idx.msk [tilespmem:v14+s24+$0x0], $0xffff  }
0x4e9: {  	v13 =	vld.idx.msk [tilespmem:v14+s25+$0x0], $0xffff;
	v14 =	vor.u32 v43, v3  }
0x4ea: {  	v4 =	vadd.f32 v6, v4;
	v6 =	vld.idx.msk [tilespmem:v10+s24+$0x0], $0xffff  }
0x4eb: {  	v9 =	vld.idx.msk [tilespmem:v10+s25+$0x0], $0xffff;
	v10 =	vor.u32 v32, v3  }
0x4ec: {  	v4 =	vadd.f32 v8, v4;
	v33 =	vld.idx.msk [tilespmem:v12+s24+$0x0], $0xffff;
	v7 =	vmul.f32 v35, v7  }
0x4ed: {  	v39 =	vor.u32 v29, v3;
	v35 =	vld.idx.msk [tilespmem:v12+s25+$0x0], $0xffff  }
0x4ee: {  	v4 =	vadd.f32 v7, v4;
	v7 =	vld.idx.msk [tilespmem:v14+s24+$0x0], $0xffff;
	v5 =	vmul.f32 v13, v5  }
0x4ef: {  	v43 =	vor.u32 v46, v3;
	v13 =	vld.idx.msk [tilespmem:v14+s25+$0x0], $0xffff  }
0x4f0: {  	v4 =	vadd.f32 v5, v4;
	v5 =	vld.idx.msk [tilespmem:v10+s24+$0x0], $0xffff  }
0x4f1: {  	v6 =	vmul.f32 v9, v6;
	v46 =	vld.idx.msk [tilespmem:v10+s25+$0x0], $0xffff  }
0x4f2: {  	v32 =	vor.u32 v30, v3;
	v8 =	vmul.f32 v35, v33;
	v33 =	vld.idx.msk [tilespmem:v39+s25+$0x0], $0xffff  }
0x4f3: {  	v4 =	vadd.f32 v6, v4;
	v6 =	vld.idx.msk [tilespmem:v39+s24+$0x0], $0xffff  }
0x4f4: {  	v35 =	vor.u32 v16, v3;
	v39 =	vld.idx.msk [tilespmem:v43+s24+$0x0], $0xffff  }
0x4f5: {  	[tilespmem:$0x1F9D0] =	vst v45;
	v45 =	vor.u32 v45, v3;
	v43 =	vld.idx.msk [tilespmem:v43+s25+$0x0], $0xffff  }
0x4f6: {  	v7 =	vmul.f32 v13, v7;
	v4 =	vadd.f32 v8, v4  }
0x4f7: {  	v5 =	vmul.f32 v46, v5;
	v46 =	vld.idx.msk [tilespmem:v32+s25+$0x0], $0xffff  }
0x4f8: {  	v4 =	vadd.f32 v7, v4;
	v7 =	vld.idx.msk [tilespmem:v32+s24+$0x0], $0xffff  }
0x4f9: {  	v32 =	vor.u32 v58, v3;
	v6 =	vmul.f32 v33, v6;
	v33 =	vld.idx.msk [tilespmem:v35+s25+$0x0], $0xffff  }
0x4fa: {  	v8 =	vmul.f32 v43, v39;
	v39 =	vld.idx.msk [tilespmem:v45+s25+$0x0], $0xffff  }
0x4fb: {  	v4 =	vadd.f32 v5, v4;
	v5 =	vld.idx.msk [tilespmem:v35+s24+$0x0], $0xffff  }
0x4fc: {  	v35 =	vld [tilespmem:$0x1FA00]  }
0x4fd: {  	v42 =	vor.u32 v42, v3;
	v4 =	vadd.f32 v6, v4;
	v6 =	vld.idx.msk [tilespmem:v45+s24+$0x0], $0xffff  }
0x4fe: {  	v43 =	vld.idx.msk [tilespmem:v32+s24+$0x0], $0xffff  }
0x4ff: {  	v45 =	vld.idx.msk [tilespmem:v32+s25+$0x0], $0xffff  }
0x500: {  	v7 =	vmul.f32 v46, v7;
	v46 =	vld [tilespmem:$0x1FDB0];
	v4 =	vadd.f32 v8, v4  }
0x501: {  	v32 =	vld [tilespmem:$0x1F9F0]  }
0x502: {  	v12 =	vor.u32 v35, v3;
	v5 =	vmul.f32 v33, v5;
	v33 =	vld.idx.msk [tilespmem:v42+s25+$0x0], $0xffff;
	v4 =	vadd.f32 v7, v4  }
0x503: {  	v35 =	vld [tilespmem:$0x1FF30]  }
0x504: {  	v4 =	vadd.f32 v5, v4;
	v5 =	vld.idx.msk [tilespmem:v42+s24+$0x0], $0xffff  }
0x505: {  	v10 =	vor.u32 v46, v3;
	v46 =	vld [tilespmem:$0x1FDC0]  }
0x506: {  	v42 =	vmov v0;
	v0 =	vld [tilespmem:$0x1FE90]  }
0x507: {  	v7 =	vld.idx.msk [tilespmem:v12+s24+$0x0], $0xffff  }
0x508: {  	[tilespmem:$0x1F9E0] =	vst v58;
	v6 =	vmul.f32 v39, v6;
	v58 =	vld.idx.msk [tilespmem:v12+s25+$0x0], $0xffff;
	v12 =	vor.u32 v32, v3;
	_ =	sdelay $0x1  }
0x509: {  	v14 =	vor.u32 v35, v3;
	v4 =	vadd.f32 v6, v4;
	v6 =	vld.idx.msk [tilespmem:v10+s24+$0x0], $0xffff  }
0x50a: {  	v8 =	vmul.f32 v45, v43;
	v32 =	vor.u32 v0, v3;
	v0 =	vld [tilespmem:$0x1FEA0]  }
0x50b: {  	v39 =	vld.idx.msk [tilespmem:v10+s25+$0x0], $0xffff;
	v43 =	vor.u32 v46, v3  }
0x50c: {  	v4 =	vadd.f32 v8, v4;
	v45 =	vld.idx.msk [tilespmem:v12+s24+$0x0], $0xffff;
	v7 =	vmul.f32 v58, v7  }
0x50d: {  	v58 =	vld.idx.msk [tilespmem:v12+s25+$0x0], $0xffff  }
0x50e: {  	v5 =	vmul.f32 v33, v5;
	v33 =	vld.idx.msk [tilespmem:v14+s25+$0x0], $0xffff;
	v4 =	vadd.f32 v7, v4  }
0x50f: {  	v7 =	vld.idx.msk [tilespmem:v14+s24+$0x0], $0xffff;
	v3 =	vor.u32 v0, v3  }
0x510: {  	v35 =	vld.idx.msk [tilespmem:v43+s24+$0x0], $0xffff;
	v4 =	vadd.f32 v5, v4;
	v5 =	vmul.f32 v39, v6  }
0x511: {  	v6 =	vld.idx.msk [tilespmem:v43+s25+$0x0], $0xffff  }
0x512: {  	v39 =	vld.idx.msk [tilespmem:v32+s24+$0x0], $0xffff;
	v4 =	vadd.f32 v5, v4;
	v5 =	vmul.f32 v58, v45  }
0x513: {  	v43 =	vld.idx.msk [tilespmem:v32+s25+$0x0], $0xffff  }
0x514: {  	v45 =	vld.idx.msk [tilespmem:v3+s24+$0x0], $0xffff;
	v4 =	vadd.f32 v5, v4;
	v5 =	vmul.f32 v33, v7  }
0x515: {  	v3 =	vld.idx.msk [tilespmem:v3+s25+$0x0], $0xffff  }
0x516: {  	v4 =	vadd.f32 v5, v4;
	v5 =	vmul.f32 v6, v35;
	_ =	sdelay $0x1  }
0x517: {  	s15 =	simm.s32 $0x18500;
	v4 =	vadd.f32 v5, v4;
	v5 =	vmul.f32 v43, v39  }
0x518: {  	v6 =	vld [tilespmem:s15+$0x0]  }
0x519: {  	s26 =	simm.s32 $0x18700;
	v3 =	vmul.f32 v3, v45;
	v4 =	vadd.f32 v5, v4  }
0x51a: {  	v5 =	vld [tilespmem:s26+$0x0]  }
0x51b: {  	s29 =	simm.s32 $0x10;
	v3 =	vadd.f32 v3, v4  }
0x51c: {  	v4 =	vmov s29  }
0x51d: {  	v4 =	vshll.u32 v4, $0x7;
	v6 =	vadd.f32 v3, v6  }
0x51e: {  	v3 =	vor.u32 v54, v4  }
0x51f: {  	v4 =	vor.u32 v15, v3;
	v5 =	vadd.f32 v6, v5;
	_ =	sdelay $0x1  }
0x520: {  	v6 =	vor.u32 v53, v3;
	v5 =	vadd.f32 v5, v20  }
0x521: {  	s7 =	simm.s32 $0x18980  }
0x522: {  	v0 =	vld [tilespmem:$0x1FF80];
	v7 =	vor.u32 v17, v3;
	[tilespmem:s7+$0x0] =	vst v5  }
0x523: {  	v5 =	vld.idx.msk [tilespmem:v4+s25+$0x0], $0xffff  }
0x524: {  	v53 =	vor.u32 v51, v3;
	v4 =	vld.idx.msk [tilespmem:v4+s24+$0x0], $0xffff  }
0x525: {  	v54 =	vld.idx.msk [tilespmem:v6+s24+$0x0], $0xffff  }
0x526: {  	v16 =	vmov v19;
	v19 =	vmov v55;
	v55 =	vor.u32 v55, v3;
	v6 =	vld.idx.msk [tilespmem:v6+s25+$0x0], $0xffff  }
0x527: {  	v39 =	vor.u32 v57, v3;
	v32 =	vld.idx.msk [tilespmem:v7+s24+$0x0], $0xffff  }
0x528: {  	v7 =	vld.idx.msk [tilespmem:v7+s25+$0x0], $0xffff  }
0x529: {  	v33 =	vor.u32 v52, v3;
	v35 =	vld.idx.msk [tilespmem:v53+s24+$0x0], $0xffff  }
0x52a: {  	v8 =	vld.idx.msk [tilespmem:v53+s25+$0x0], $0xffff  }
0x52b: {  	v21 =	vmov v57;
	v57 =	vor.u32 v61, v3;
	v43 =	vld.idx.msk [tilespmem:v55+s25+$0x0], $0xffff  }
0x52c: {  	v23 =	vmov v61;
	v61 =	vld.idx.msk [tilespmem:v39+s25+$0x0], $0xffff;
	v4 =	vmul.f32 v5, v4;
	v6 =	vmul.f32 v6, v54  }
0x52d: {  	v5 =	vld.idx.msk [tilespmem:v55+s24+$0x0], $0xffff;
	v54 =	vor.u32 v37, v3  }
0x52e: {  	v7 =	vmul.f32 v7, v32;
	v55 =	vld.idx.msk [tilespmem:v33+s25+$0x0], $0xffff;
	v4 =	vadd.f32 v6, v4  }
0x52f: {  	v58 =	vmov v52;
	v52 =	vmov v37;
	v37 =	vor.u32 v1, v3;
	v6 =	vld.idx.msk [tilespmem:v33+s24+$0x0], $0xffff  }
0x530: {  	v53 =	vld.idx.msk [tilespmem:v57+s25+$0x0], $0xffff;
	v8 =	vmul.f32 v8, v35;
	v4 =	vadd.f32 v7, v4  }
0x531: {  	v51 =	vor.u32 v2, v3;
	v7 =	vld.idx.msk [tilespmem:v39+s24+$0x0], $0xffff  }
0x532: {  	v39 =	vld.idx.msk [tilespmem:v54+s24+$0x0], $0xffff;
	v5 =	vmul.f32 v43, v5;
	v4 =	vadd.f32 v8, v4  }
0x533: {  	v43 =	vld.idx.msk [tilespmem:v54+s25+$0x0], $0xffff;
	v54 =	vor.u32 v22, v3  }
0x534: {  	v6 =	vmul.f32 v55, v6;
	v55 =	vld.idx.msk [tilespmem:v37+s25+$0x0], $0xffff;
	v4 =	vadd.f32 v5, v4  }
0x535: {  	v5 =	vld.idx.msk [tilespmem:v57+s24+$0x0], $0xffff  }
0x536: {  	v57 =	vor.u32 v34, v3;
	v7 =	vmul.f32 v61, v7;
	v61 =	vld.idx.msk [tilespmem:v51+s25+$0x0], $0xffff;
	v4 =	vadd.f32 v6, v4  }
0x537: {  	v27 =	vmov v34;
	v6 =	vld.idx.msk [tilespmem:v37+s24+$0x0], $0xffff  }
0x538: {  	v34 =	vor.u32 v24, v3;
	v8 =	vmul.f32 v43, v39;
	v43 =	vld.idx.msk [tilespmem:v54+s24+$0x0], $0xffff;
	v4 =	vadd.f32 v7, v4  }
0x539: {  	v7 =	vld.idx.msk [tilespmem:v51+s24+$0x0], $0xffff  }
0x53a: {  	v51 =	vld.idx.msk [tilespmem:v54+s25+$0x0], $0xffff;
	v5 =	vmul.f32 v53, v5;
	v53 =	vor.u32 v63, v3;
	v4 =	vadd.f32 v8, v4  }
0x53b: {  	v54 =	vld.idx.msk [tilespmem:v57+s25+$0x0], $0xffff  }
0x53c: {  	v6 =	vmul.f32 v55, v6;
	v55 =	vor.u32 v26, v3;
	v4 =	vadd.f32 v5, v4;
	v5 =	vld.idx.msk [tilespmem:v57+s24+$0x0], $0xffff  }
0x53d: {  	v57 =	vld.idx.msk [tilespmem:v34+s25+$0x0], $0xffff  }
0x53e: {  	v7 =	vmul.f32 v61, v7;
	v61 =	vor.u32 v31, v3;
	v4 =	vadd.f32 v6, v4;
	v6 =	vld.idx.msk [tilespmem:v34+s24+$0x0], $0xffff  }
0x53f: {  	v29 =	vmov v63;
	v63 =	vld.idx.msk [tilespmem:v53+s25+$0x0], $0xffff  }
0x540: {  	v8 =	vmul.f32 v51, v43;
	v34 =	vor.u32 v28, v3;
	v4 =	vadd.f32 v7, v4;
	v7 =	vld.idx.msk [tilespmem:v53+s24+$0x0], $0xffff  }
0x541: {  	v37 =	vld.idx.msk [tilespmem:v55+s24+$0x0], $0xffff  }
0x542: {  	v5 =	vmul.f32 v54, v5;
	v54 =	vld.idx.msk [tilespmem:v55+s25+$0x0], $0xffff;
	v4 =	vadd.f32 v8, v4  }
0x543: {  	v55 =	vor.u32 v18, v3;
	v6 =	vmul.f32 v57, v6;
	v57 =	vld.idx.msk [tilespmem:v61+s25+$0x0], $0xffff  }
0x544: {  	v4 =	vadd.f32 v5, v4;
	v5 =	vld.idx.msk [tilespmem:v61+s24+$0x0], $0xffff  }
0x545: {  	v61 =	vor.u32 v36, v3;
	v7 =	vmul.f32 v63, v7;
	v63 =	vld.idx.msk [tilespmem:v34+s25+$0x0], $0xffff  }
0x546: {  	v4 =	vadd.f32 v6, v4;
	v6 =	vld.idx.msk [tilespmem:v34+s24+$0x0], $0xffff  }
0x547: {  	v39 =	vmov v26;
	v26 =	vmov v0;
	v34 =	vor.u32 v0, v3;
	v0 =	vld [tilespmem:$0x1FF90]  }
0x548: {  	v51 =	vmov v36;
	v36 =	vor.u32 v40, v3;
	v13 =	vld.idx.msk [tilespmem:v55+s25+$0x0], $0xffff  }
0x549: {  	v4 =	vadd.f32 v7, v4;
	v7 =	vld.idx.msk [tilespmem:v55+s24+$0x0], $0xffff  }
0x54a: {  	v8 =	vmul.f32 v54, v37;
	v37 =	vld.idx.msk [tilespmem:v61+s24+$0x0], $0xffff  }
0x54b: {  	v5 =	vmul.f32 v57, v5;
	v57 =	vld.idx.msk [tilespmem:v61+s25+$0x0], $0xffff  }
0x54c: {  	v43 =	vmovc v28;
	v4 =	vadd.f32 v8, v4;
	v28 =	vmov v0;
	v61 =	vor.u32 v0, v3;
	v0 =	vld [tilespmem:$0x1FFA0]  }
0x54d: {  	v54 =	vmov v40;
	v40 =	vld.idx.msk [tilespmem:v36+s25+$0x0], $0xffff  }
0x54e: {  	v6 =	vmul.f32 v63, v6;
	v63 =	vld.idx.msk [tilespmem:v34+s25+$0x0], $0xffff;
	v4 =	vadd.f32 v5, v4  }
0x54f: {  	v5 =	vld.idx.msk [tilespmem:v34+s24+$0x0], $0xffff;
	v34 =	vor.u32 v56, v3  }
0x550: {  	v7 =	vmul.f32 v13, v7;
	v4 =	vadd.f32 v6, v4;
	v6 =	vld.idx.msk [tilespmem:v36+s24+$0x0], $0xffff  }
0x551: {  	v33 =	vmovc v22;
	v22 =	vmov v31;
	v31 =	vmov v0;
	v53 =	vor.u32 v0, v3;
	v0 =	vld [tilespmem:$0x1FFB0]  }
0x552: {  	v4 =	vadd.f32 v7, v4;
	v7 =	vld.idx.msk [tilespmem:v61+s24+$0x0], $0xffff  }
0x553: {  	v8 =	vmul.f32 v57, v37;
	v36 =	vld.idx.msk [tilespmem:v61+s25+$0x0], $0xffff  }
0x554: {  	v55 =	vmov v56;
	v56 =	vmov v44;
	v37 =	vor.u32 v44, v3;
	v44 =	vld.idx.msk [tilespmem:v34+s24+$0x0], $0xffff  }
0x555: {  	v5 =	vmul.f32 v63, v5;
	v61 =	vld.idx.msk [tilespmem:v34+s25+$0x0], $0xffff;
	v4 =	vadd.f32 v8, v4  }
0x556: {  	v34 =	vmov v0;
	v63 =	vor.u32 v0, v3;
	v0 =	vld [tilespmem:$0x1FFC0]  }
0x557: {  	v4 =	vadd.f32 v5, v4;
	v5 =	vld.idx.msk [tilespmem:v53+s24+$0x0], $0xffff  }
0x558: {  	v6 =	vmul.f32 v40, v6;
	v40 =	vld.idx.msk [tilespmem:v53+s25+$0x0], $0xffff  }
0x559: {  	v53 =	vor.u32 v38, v3;
	v7 =	vmul.f32 v36, v7;
	v36 =	vld.idx.msk [tilespmem:v37+s25+$0x0], $0xffff  }
0x55a: {  	v4 =	vadd.f32 v6, v4;
	v6 =	vld.idx.msk [tilespmem:v37+s24+$0x0], $0xffff  }
0x55b: {  	v32 =	vmov v1;
	v1 =	vmov v0;
	v37 =	vor.u32 v0, v3;
	v0 =	vld [tilespmem:$0x1FFD0]  }
0x55c: {  	v8 =	vmul.f32 v61, v44;
	v44 =	vor.u32 v41, v3;
	v4 =	vadd.f32 v7, v4;
	v7 =	vld.idx.msk [tilespmem:v63+s24+$0x0], $0xffff  }
0x55d: {  	v57 =	vmov v38;
	v38 =	vld.idx.msk [tilespmem:v63+s25+$0x0], $0xffff  }
0x55e: {  	v4 =	vadd.f32 v8, v4;
	v8 =	vld.idx.msk [tilespmem:v53+s24+$0x0], $0xffff;
	v5 =	vmul.f32 v40, v5  }
0x55f: {  	v35 =	vmov v24;
	v24 =	vmov v18;
	v13 =	vld.idx.msk [tilespmem:v53+s25+$0x0], $0xffff  }
0x560: {  	v6 =	vmul.f32 v36, v6;
	v4 =	vadd.f32 v5, v4;
	v18 =	vmovc v0;
	v53 =	vor.u32 v0, v3;
	v0 =	vld [tilespmem:$0x1FFE0]  }
0x561: {  	v61 =	vmov v41;
	v40 =	vor.u32 v50, v3;
	v41 =	vld.idx.msk [tilespmem:v44+s25+$0x0], $0xffff  }
0x562: {  	v4 =	vadd.f32 v6, v4;
	v6 =	vld.idx.msk [tilespmem:v44+s24+$0x0], $0xffff;
	v7 =	vmul.f32 v38, v7  }
0x563: {  	v5 =	vld.idx.msk [tilespmem:v37+s24+$0x0], $0xffff  }
0x564: {  	v9 =	vld.idx.msk [tilespmem:v37+s25+$0x0], $0xffff;
	v8 =	vmul.f32 v13, v8;
	v4 =	vadd.f32 v7, v4  }
0x565: {  	v36 =	vmov v0;
	v44 =	vor.u32 v0, v3;
	v0 =	vld [tilespmem:$0x1FFF0]  }
0x566: {  	v4 =	vadd.f32 v8, v4;
	v8 =	vld.idx.msk [tilespmem:v40+s24+$0x0], $0xffff  }
0x567: {  	v7 =	vld.idx.msk [tilespmem:v53+s24+$0x0], $0xffff  }
0x568: {  	v63 =	vmov v50;
	v50 =	vld.idx.msk [tilespmem:v53+s25+$0x0], $0xffff;
	v53 =	vmov v59;
	v59 =	vor.u32 v59, v3  }
0x569: {  	v5 =	vmul.f32 v9, v5;
	v9 =	vld.idx.msk [tilespmem:v40+s25+$0x0], $0xffff  }
0x56a: {  	v37 =	vmov v0;
	v10 =	vor.u32 v0, v3;
	v0 =	vld [tilespmem:$0x1FF70]  }
0x56b: {  	v6 =	vmul.f32 v41, v6;
	v4 =	vadd.f32 v5, v4;
	v5 =	vld.idx.msk [tilespmem:v44+s24+$0x0], $0xffff  }
0x56c: {  	v38 =	vld.idx.msk [tilespmem:v44+s25+$0x0], $0xffff  }
0x56d: {  	v4 =	vadd.f32 v6, v4;
	v6 =	vld.idx.msk [tilespmem:v59+s24+$0x0], $0xffff  }
0x56e: {  	v44 =	vor.u32 v62, v3;
	v7 =	vmul.f32 v50, v7;
	v50 =	vld.idx.msk [tilespmem:v59+s25+$0x0], $0xffff  }
0x56f: {  	v41 =	vor.u32 v47, v3;
	v40 =	vmovc v0;
	v59 =	vor.u32 v0, v3;
	v0 =	vmov v47;
	v47 =	vld [tilespmem:$0x1FF60];
	_ =	sdelay $0x1  }
0x570: {  	v8 =	vmul.f32 v9, v8;
	v4 =	vadd.f32 v7, v4;
	v7 =	vld.idx.msk [tilespmem:v10+s24+$0x0], $0xffff  }
0x571: {  	v25 =	vmov v2;
	v2 =	vmov v62;
	v62 =	vld.idx.msk [tilespmem:v10+s25+$0x0], $0xffff  }
0x572: {  	v4 =	vadd.f32 v8, v4;
	v8 =	vld.idx.msk [tilespmem:v44+s24+$0x0], $0xffff;
	v5 =	vmul.f32 v38, v5  }
0x573: {  	v44 =	vld.idx.msk [tilespmem:v44+s25+$0x0], $0xffff;
	v12 =	vor.u32 v47, v3  }
0x574: {  	v6 =	vmul.f32 v50, v6;
	v4 =	vadd.f32 v5, v4;
	v5 =	vld.idx.msk [tilespmem:v59+s24+$0x0], $0xffff  }
0x575: {  	v50 =	vld.idx.msk [tilespmem:v59+s25+$0x0], $0xffff;
	v59 =	vor.u32 v48, v3  }
0x576: {  	v4 =	vadd.f32 v6, v4;
	v6 =	vld.idx.msk [tilespmem:v41+s24+$0x0], $0xffff;
	v7 =	vmul.f32 v62, v7  }
0x577: {  	v62 =	vld.idx.msk [tilespmem:v41+s25+$0x0], $0xffff;
	v41 =	vor.u32 v49, v3  }
0x578: {  	v38 =	vmov v47;
	v47 =	vor.u32 v60, v3;
	v4 =	vadd.f32 v7, v4;
	v7 =	vld.idx.msk [tilespmem:v12+s24+$0x0], $0xffff  }
0x579: {  	v8 =	vmul.f32 v44, v8;
	v44 =	vld.idx.msk [tilespmem:v12+s25+$0x0], $0xffff  }
0x57a: {  	v48 =	vld.idx.msk [tilespmem:v59+s24+$0x0], $0xffff  }
0x57b: {  	v49 =	vld.idx.msk [tilespmem:v59+s25+$0x0], $0xffff  }
0x57c: {  	v59 =	vld.idx.msk [tilespmem:v41+s25+$0x0], $0xffff  }
0x57d: {  	v60 =	vor.u32 v16, v3;
	v4 =	vadd.f32 v8, v4;
	v5 =	vmul.f32 v50, v5;
	v11 =	vld.idx.msk [tilespmem:v47+s25+$0x0], $0xffff  }
0x57e: {  	v50 =	vor.u32 v42, v3;
	v6 =	vmul.f32 v62, v6;
	v62 =	vld [tilespmem:$0x1FEB0]  }
0x57f: {  	v4 =	vadd.f32 v5, v4;
	v5 =	vld.idx.msk [tilespmem:v41+s24+$0x0], $0xffff  }
0x580: {  	v41 =	vld [tilespmem:$0x1FEC0]  }
0x581: {  	v4 =	vadd.f32 v6, v4;
	v6 =	vld.idx.msk [tilespmem:v47+s24+$0x0], $0xffff  }
0x582: {  	v47 =	vld.idx.msk [tilespmem:v60+s24+$0x0], $0xffff  }
0x583: {  	v7 =	vmul.f32 v44, v7;
	v13 =	vld.idx.msk [tilespmem:v50+s25+$0x0], $0xffff  }
0x584: {  	v42 =	vmov v62;
	v12 =	vor.u32 v62, v3;
	v62 =	vld [tilespmem:$0x1FEE0]  }
0x585: {  	v4 =	vadd.f32 v7, v4;
	v7 =	vld.idx.msk [tilespmem:v50+s24+$0x0], $0xffff  }
0x586: {  	v8 =	vmul.f32 v49, v48;
	v5 =	vmul.f32 v59, v5;
	v59 =	vld.idx.msk [tilespmem:v60+s25+$0x0], $0xffff  }
0x587: {  	v14 =	vor.u32 v41, v3;
	v60 =	vld [tilespmem:$0x1FED0]  }
0x588: {  	v44 =	vmov v41;
	v41 =	vld [tilespmem:$0x1FEF0];
	v4 =	vadd.f32 v8, v4  }
0x589: {  	v6 =	vmul.f32 v11, v6;
	v11 =	vld.idx.msk [tilespmem:v12+s25+$0x0], $0xffff  }
0x58a: {  	v4 =	vadd.f32 v5, v4;
	v5 =	vld.idx.msk [tilespmem:v12+s24+$0x0], $0xffff  }
0x58b: {  	v49 =	vmov v62;
	v12 =	vor.u32 v62, v3;
	v62 =	vld [tilespmem:$0x1FF50]  }
0x58c: {  	v10 =	vor.u32 v60, v3;
	v7 =	vmul.f32 v13, v7;
	v13 =	vld.idx.msk [tilespmem:v14+s25+$0x0], $0xffff  }
0x58d: {  	v8 =	vmul.f32 v59, v47;
	v59 =	vld [tilespmem:$0x1FD30]  }
0x58e: {  	v4 =	vadd.f32 v6, v4;
	v6 =	vld.idx.msk [tilespmem:v14+s24+$0x0], $0xffff  }
0x58f: {  	v50 =	vmov v41;
	v14 =	vor.u32 v41, v3;
	v41 =	vld [tilespmem:$0x1FB00]  }
0x590: {  	v5 =	vmul.f32 v11, v5;
	v11 =	vld.idx.msk [tilespmem:v12+s25+$0x0], $0xffff  }
0x591: {  	v4 =	vadd.f32 v7, v4;
	v7 =	vld.idx.msk [tilespmem:v10+s24+$0x0], $0xffff  }
0x592: {  	v47 =	vld.idx.msk [tilespmem:v10+s25+$0x0], $0xffff  }
0x593: {  	v10 =	vor.u32 v59, v3;
	v4 =	vadd.f32 v8, v4;
	v8 =	vld.idx.msk [tilespmem:v12+s24+$0x0], $0xffff  }
0x594: {  	v48 =	vmovc v60;
	v60 =	vmov v59;
	v59 =	vmov v62;
	v12 =	vor.u32 v62, v3;
	v62 =	vld [tilespmem:$0x1FB10]  }
0x595: {  	v6 =	vmul.f32 v13, v6;
	v13 =	vld.idx.msk [tilespmem:v14+s25+$0x0], $0xffff  }
0x596: {  	v4 =	vadd.f32 v5, v4;
	v5 =	vld.idx.msk [tilespmem:v14+s24+$0x0], $0xffff  }
0x597: {  	v16 =	vmov v41;
	v14 =	vor.u32 v41, v3;
	v41 =	vld [tilespmem:$0x1F9D0]  }
0x598: {  	v4 =	vadd.f32 v6, v4;
	v6 =	vld.idx.msk [tilespmem:v10+s24+$0x0], $0xffff  }
0x599: {  	v7 =	vmul.f32 v47, v7;
	v9 =	vld.idx.msk [tilespmem:v10+s25+$0x0], $0xffff  }
0x59a: {  	v47 =	vor.u32 v30, v3;
	v8 =	vmul.f32 v11, v8;
	v11 =	vld.idx.msk [tilespmem:v12+s25+$0x0], $0xffff  }
0x59b: {  	v4 =	vadd.f32 v7, v4;
	v7 =	vld.idx.msk [tilespmem:v12+s24+$0x0], $0xffff  }
0x59c: {  	v5 =	vmul.f32 v13, v5;
	v13 =	vld.idx.msk [tilespmem:v14+s25+$0x0], $0xffff  }
0x59d: {  	v12 =	vor.u32 v62, v3;
	v62 =	vld [tilespmem:$0x1FA00]  }
0x59e: {  	v4 =	vadd.f32 v8, v4;
	v8 =	vld.idx.msk [tilespmem:v14+s24+$0x0], $0xffff  }
0x59f: {  	v6 =	vmul.f32 v9, v6;
	v9 =	vld.idx.msk [tilespmem:v47+s25+$0x0], $0xffff  }
0x5a0: {  	v4 =	vadd.f32 v5, v4;
	v5 =	vld.idx.msk [tilespmem:v47+s24+$0x0], $0xffff  }
0x5a1: {  	v14 =	vor.u32 v41, v3;
	v47 =	vld [tilespmem:$0x1F9E0];
	_ =	sdelay $0x1  }
0x5a2: {  	v45 =	vmov v17;
	v17 =	vmov v41;
	v41 =	vld [tilespmem:$0x1FF40]  }
0x5a3: {  	v7 =	vmul.f32 v11, v7;
	v11 =	vld.idx.msk [tilespmem:v12+s25+$0x0], $0xffff  }
0x5a4: {  	v4 =	vadd.f32 v6, v4;
	v6 =	vld.idx.msk [tilespmem:v12+s24+$0x0], $0xffff;
	v12 =	vor.u32 v62, v3  }
0x5a5: {  	v8 =	vmul.f32 v13, v8;
	v13 =	vld.idx.msk [tilespmem:v14+s25+$0x0], $0xffff;
	v10 =	vor.u32 v47, v3  }
0x5a6: {  	v4 =	vadd.f32 v7, v4;
	v7 =	vld.idx.msk [tilespmem:v14+s24+$0x0], $0xffff  }
0x5a7: {  	v47 =	vld [tilespmem:$0x1FDB0]  }
0x5a8: {  	v62 =	vmov v41;
	v14 =	vor.u32 v41, v3;
	v41 =	vld [tilespmem:$0x1F9F0]  }
0x5a9: {  	v6 =	vmul.f32 v11, v6;
	v11 =	vld.idx.msk [tilespmem:v12+s25+$0x0], $0xffff  }
0x5aa: {  	v4 =	vadd.f32 v8, v4;
	v8 =	vld.idx.msk [tilespmem:v10+s24+$0x0], $0xffff  }
0x5ab: {  	v5 =	vmul.f32 v9, v5;
	v9 =	vld.idx.msk [tilespmem:v10+s25+$0x0], $0xffff  }
0x5ac: {  	v30 =	vmov v47;
	v10 =	vor.u32 v47, v3;
	v47 =	vld [tilespmem:$0x1FF30]  }
0x5ad: {  	v4 =	vadd.f32 v5, v4;
	v5 =	vld.idx.msk [tilespmem:v12+s24+$0x0], $0xffff;
	v12 =	vor.u32 v41, v3;
	_ =	sdelay $0x2  }
0x5ae: {  	v7 =	vmul.f32 v13, v7;
	v13 =	vld.idx.msk [tilespmem:v14+s25+$0x0], $0xffff;
	v4 =	vadd.f32 v6, v4  }
0x5af: {  	v6 =	vld.idx.msk [tilespmem:v14+s24+$0x0], $0xffff;
	v14 =	vor.u32 v47, v3  }
0x5b0: {  	v4 =	vadd.f32 v7, v4;
	v5 =	vmul.f32 v11, v5;
	v11 =	vld.idx.msk [tilespmem:v12+s25+$0x0], $0xffff;
	v8 =	vmul.f32 v9, v8  }
0x5b1: {  	v7 =	vld.idx.msk [tilespmem:v10+s24+$0x0], $0xffff  }
0x5b2: {  	v4 =	vadd.f32 v8, v4;
	v8 =	vld.idx.msk [tilespmem:v12+s24+$0x0], $0xffff  }
0x5b3: {  	v12 =	vld [tilespmem:$0x1FE90]  }
0x5b4: {  	v4 =	vadd.f32 v5, v4;
	v5 =	vmul.f32 v13, v6;
	v6 =	vld.idx.msk [tilespmem:v14+s24+$0x0], $0xffff  }
0x5b5: {  	v13 =	vld.idx.msk [tilespmem:v14+s25+$0x0], $0xffff  }
0x5b6: {  	v14 =	vld [tilespmem:$0x1FEA0]  }
0x5b7: {  	v9 =	vld.idx.msk [tilespmem:v10+s25+$0x0], $0xffff;
	v10 =	vor.u32 v46, v3;
	_ =	sdelay $0x1  }
0x5b8: {  	v41 =	vmov v47;
	v47 =	vmov v12;
	v12 =	vor.u32 v12, v3;
	_ =	sdelay $0x1  }
0x5b9: {  	v3 =	vor.u32 v14, v3  }
0x5ba: {  	v4 =	vadd.f32 v5, v4;
	v5 =	vmul.f32 v9, v7;
	v7 =	vld.idx.msk [tilespmem:v10+s24+$0x0], $0xffff  }
0x5bb: {  	v9 =	vld.idx.msk [tilespmem:v10+s25+$0x0], $0xffff  }
0x5bc: {  	v4 =	vadd.f32 v5, v4;
	v5 =	vmul.f32 v11, v8;
	v8 =	vld.idx.msk [tilespmem:v12+s24+$0x0], $0xffff  }
0x5bd: {  	v46 =	vmov v14;
	v14 =	vld.idx.msk [tilespmem:v12+s25+$0x0], $0xffff  }
0x5be: {  	v4 =	vadd.f32 v5, v4;
	v5 =	vmul.f32 v13, v6;
	v6 =	vld.idx.msk [tilespmem:v3+s24+$0x0], $0xffff  }
0x5bf: {  	v3 =	vld.idx.msk [tilespmem:v3+s25+$0x0], $0xffff  }
0x5c0: {  	v4 =	vadd.f32 v5, v4;
	v5 =	vmul.f32 v9, v7;
	_ =	sdelay $0x1  }
0x5c1: {  	s8 =	simm.s32 $0x18510;
	v4 =	vadd.f32 v5, v4;
	v5 =	vmul.f32 v14, v8  }
0x5c2: {  	v7 =	vld [tilespmem:s8+$0x0]  }
0x5c3: {  	v4 =	vadd.f32 v5, v4;
	v3 =	vmul.f32 v3, v6;
	_ =	sdelay $0x1  }
0x5c4: {  	s12 =	simm.s32 $0x20;
	v3 =	vadd.f32 v3, v4  }
0x5c5: {  	v4 =	vmov s12  }
0x5c6: {  	s10 =	simm.s32 $0x18710;
	v6 =	vadd.f32 v3, v7;
	v3 =	vshll.u32 v4, $0x7;
	v4 =	vld [tilespmem:$0x1FF10]  }
0x5c7: {  	v5 =	vld [tilespmem:s10+$0x0];
	_ =	sdelay $0x3  }
0x5c8: {  	v3 =	vor.u32 v4, v3  }
0x5c9: {  	s12 =	simm.s32 $0x30;
	v5 =	vadd.f32 v6, v5;
	v4 =	vor.u32 v15, v3  }
.LBB2_42:
0x5ca: {  	v6 =	vld [tilespmem:$0x1FBE0];
	_ =	sdelay $0x3  }
0x5cb: {  	v7 =	vor.u32 v45, v3;
	v8 =	vld [tilespmem:$0x1FBF0];
	v5 =	vadd.f32 v5, v20  }
0x5cc: {  	s7 =	sadd.s32 $0x10, s7;
	v6 =	vor.u32 v6, v3  }
0x5cd: {  	[tilespmem:s7+$0x0] =	vst v5  }
0x5ce: {  	v5 =	vld.idx.msk [tilespmem:v4+s25+$0x0], $0xffff  }
0x5cf: {  	v10 =	vor.u32 v19, v3;
	v4 =	vld.idx.msk [tilespmem:v4+s24+$0x0], $0xffff  }
0x5d0: {  	v8 =	vor.u32 v8, v3;
	v11 =	vld.idx.msk [tilespmem:v7+s24+$0x0], $0xffff  }
0x5d1: {  	v9 =	vld.idx.msk [tilespmem:v6+s24+$0x0], $0xffff  }
0x5d2: {  	v6 =	vld.idx.msk [tilespmem:v6+s25+$0x0], $0xffff  }
0x5d3: {  	v12 =	vor.u32 v58, v3;
	v7 =	vld.idx.msk [tilespmem:v7+s25+$0x0], $0xffff  }
0x5d4: {  	v15 =	vld.idx.msk [tilespmem:v10+s24+$0x0], $0xffff  }
0x5d5: {  	v14 =	vor.u32 v21, v3;
	v13 =	vld.idx.msk [tilespmem:v8+s24+$0x0], $0xffff  }
0x5d6: {  	v8 =	vld.idx.msk [tilespmem:v8+s25+$0x0], $0xffff  }
0x5d7: {  	v4 =	vmul.f32 v5, v4;
	v5 =	vmul.f32 v6, v9;
	v6 =	vld.idx.msk [tilespmem:v10+s25+$0x0], $0xffff;
	v9 =	vor.u32 v52, v3  }
0x5d8: {  	v10 =	vld.idx.msk [tilespmem:v12+s24+$0x0], $0xffff  }
0x5d9: {  	v4 =	vadd.f32 v5, v4;
	v5 =	vmul.f32 v7, v11;
	v7 =	vld.idx.msk [tilespmem:v12+s25+$0x0], $0xffff;
	v11 =	vor.u32 v23, v3  }
0x5da: {  	v12 =	vld.idx.msk [tilespmem:v14+s24+$0x0], $0xffff  }
0x5db: {  	v4 =	vadd.f32 v5, v4;
	v5 =	vmul.f32 v8, v13;
	v8 =	vld.idx.msk [tilespmem:v14+s25+$0x0], $0xffff;
	v13 =	vor.u32 v32, v3  }
0x5dc: {  	v14 =	vld.idx.msk [tilespmem:v9+s24+$0x0], $0xffff  }
0x5dd: {  	v4 =	vadd.f32 v5, v4;
	v5 =	vmul.f32 v6, v15;
	v6 =	vld.idx.msk [tilespmem:v9+s25+$0x0], $0xffff;
	v9 =	vor.u32 v25, v3  }
0x5de: {  	v15 =	vld.idx.msk [tilespmem:v11+s24+$0x0], $0xffff  }
0x5df: {  	v4 =	vadd.f32 v5, v4;
	v5 =	vmul.f32 v7, v10;
	v7 =	vld.idx.msk [tilespmem:v11+s25+$0x0], $0xffff;
	v10 =	vor.u32 v33, v3  }
0x5e0: {  	v11 =	vld.idx.msk [tilespmem:v13+s24+$0x0], $0xffff  }
0x5e1: {  	v4 =	vadd.f32 v5, v4;
	v5 =	vmul.f32 v8, v12;
	v8 =	vld.idx.msk [tilespmem:v13+s25+$0x0], $0xffff;
	v12 =	vor.u32 v27, v3  }
0x5e2: {  	v13 =	vld.idx.msk [tilespmem:v9+s24+$0x0], $0xffff  }
0x5e3: {  	v4 =	vadd.f32 v5, v4;
	v5 =	vmul.f32 v6, v14;
	v6 =	vld.idx.msk [tilespmem:v9+s25+$0x0], $0xffff;
	v9 =	vor.u32 v35, v3  }
0x5e4: {  	v14 =	vld.idx.msk [tilespmem:v10+s24+$0x0], $0xffff  }
0x5e5: {  	v4 =	vadd.f32 v5, v4;
	v5 =	vmul.f32 v7, v15;
	v7 =	vld.idx.msk [tilespmem:v10+s25+$0x0], $0xffff;
	v10 =	vor.u32 v29, v3  }
0x5e6: {  	v15 =	vld.idx.msk [tilespmem:v12+s24+$0x0], $0xffff  }
0x5e7: {  	v4 =	vadd.f32 v5, v4;
	v5 =	vmul.f32 v8, v11;
	v8 =	vld.idx.msk [tilespmem:v12+s25+$0x0], $0xffff;
	v11 =	vor.u32 v39, v3  }
0x5e8: {  	v12 =	vld.idx.msk [tilespmem:v9+s24+$0x0], $0xffff  }
0x5e9: {  	v4 =	vadd.f32 v5, v4;
	v5 =	vmul.f32 v6, v13;
	v6 =	vld.idx.msk [tilespmem:v9+s25+$0x0], $0xffff;
	v9 =	vor.u32 v22, v3  }
0x5ea: {  	v13 =	vld.idx.msk [tilespmem:v10+s24+$0x0], $0xffff  }
0x5eb: {  	v4 =	vadd.f32 v5, v4;
	v5 =	vmul.f32 v7, v14;
	v7 =	vld.idx.msk [tilespmem:v10+s25+$0x0], $0xffff;
	v10 =	vor.u32 v43, v3  }
0x5ec: {  	v14 =	vld.idx.msk [tilespmem:v11+s24+$0x0], $0xffff  }
0x5ed: {  	v4 =	vadd.f32 v5, v4;
	v5 =	vmul.f32 v8, v15;
	v8 =	vld.idx.msk [tilespmem:v11+s25+$0x0], $0xffff;
	v11 =	vor.u32 v24, v3  }
0x5ee: {  	v15 =	vld.idx.msk [tilespmem:v9+s24+$0x0], $0xffff  }
0x5ef: {  	v4 =	vadd.f32 v5, v4;
	v5 =	vmul.f32 v6, v12;
	v6 =	vld.idx.msk [tilespmem:v9+s25+$0x0], $0xffff;
	v9 =	vor.u32 v51, v3  }
0x5f0: {  	v12 =	vld.idx.msk [tilespmem:v10+s24+$0x0], $0xffff  }
0x5f1: {  	v4 =	vadd.f32 v5, v4;
	v5 =	vmul.f32 v7, v13;
	v7 =	vld.idx.msk [tilespmem:v10+s25+$0x0], $0xffff;
	v10 =	vor.u32 v26, v3  }
0x5f2: {  	v13 =	vld.idx.msk [tilespmem:v11+s24+$0x0], $0xffff  }
0x5f3: {  	v4 =	vadd.f32 v5, v4;
	v5 =	vmul.f32 v8, v14;
	v8 =	vld.idx.msk [tilespmem:v11+s25+$0x0], $0xffff;
	v11 =	vor.u32 v54, v3  }
0x5f4: {  	v14 =	vld.idx.msk [tilespmem:v9+s24+$0x0], $0xffff  }
0x5f5: {  	v4 =	vadd.f32 v5, v4;
	v5 =	vmul.f32 v6, v15;
	v6 =	vld.idx.msk [tilespmem:v9+s25+$0x0], $0xffff;
	v9 =	vor.u32 v28, v3  }
0x5f6: {  	v15 =	vld.idx.msk [tilespmem:v10+s24+$0x0], $0xffff  }
0x5f7: {  	v4 =	vadd.f32 v5, v4;
	v5 =	vmul.f32 v7, v12;
	v7 =	vld.idx.msk [tilespmem:v10+s25+$0x0], $0xffff;
	v10 =	vor.u32 v55, v3  }
0x5f8: {  	v12 =	vld.idx.msk [tilespmem:v11+s24+$0x0], $0xffff  }
0x5f9: {  	v4 =	vadd.f32 v5, v4;
	v5 =	vmul.f32 v8, v13;
	v8 =	vld.idx.msk [tilespmem:v11+s25+$0x0], $0xffff;
	v11 =	vor.u32 v31, v3  }
0x5fa: {  	v13 =	vld.idx.msk [tilespmem:v9+s24+$0x0], $0xffff  }
0x5fb: {  	v4 =	vadd.f32 v5, v4;
	v5 =	vmul.f32 v6, v14;
	v6 =	vld.idx.msk [tilespmem:v9+s25+$0x0], $0xffff;
	v9 =	vor.u32 v56, v3  }
0x5fc: {  	v14 =	vld.idx.msk [tilespmem:v10+s24+$0x0], $0xffff  }
0x5fd: {  	v4 =	vadd.f32 v5, v4;
	v5 =	vmul.f32 v7, v15;
	v7 =	vld.idx.msk [tilespmem:v10+s25+$0x0], $0xffff;
	v10 =	vor.u32 v34, v3  }
0x5fe: {  	v15 =	vld.idx.msk [tilespmem:v11+s24+$0x0], $0xffff  }
0x5ff: {  	v4 =	vadd.f32 v5, v4;
	v5 =	vmul.f32 v8, v12;
	v8 =	vld.idx.msk [tilespmem:v11+s25+$0x0], $0xffff;
	v11 =	vor.u32 v57, v3  }
0x600: {  	v12 =	vld.idx.msk [tilespmem:v9+s24+$0x0], $0xffff  }
0x601: {  	v4 =	vadd.f32 v5, v4;
	v5 =	vmul.f32 v6, v13;
	v6 =	vld.idx.msk [tilespmem:v9+s25+$0x0], $0xffff;
	v9 =	vor.u32 v1, v3  }
0x602: {  	v13 =	vld.idx.msk [tilespmem:v10+s24+$0x0], $0xffff  }
0x603: {  	v4 =	vadd.f32 v5, v4;
	v5 =	vmul.f32 v7, v14;
	v7 =	vld.idx.msk [tilespmem:v10+s25+$0x0], $0xffff;
	v10 =	vor.u32 v61, v3  }
0x604: {  	v14 =	vld.idx.msk [tilespmem:v11+s24+$0x0], $0xffff  }
0x605: {  	v4 =	vadd.f32 v5, v4;
	v5 =	vmul.f32 v8, v15;
	v8 =	vld.idx.msk [tilespmem:v11+s25+$0x0], $0xffff;
	v11 =	vor.u32 v18, v3  }
0x606: {  	v15 =	vld.idx.msk [tilespmem:v9+s24+$0x0], $0xffff  }
0x607: {  	v4 =	vadd.f32 v5, v4;
	v5 =	vmul.f32 v6, v12;
	v6 =	vld.idx.msk [tilespmem:v9+s25+$0x0], $0xffff;
	v9 =	vor.u32 v63, v3  }
0x608: {  	v12 =	vld.idx.msk [tilespmem:v10+s24+$0x0], $0xffff  }
0x609: {  	v4 =	vadd.f32 v5, v4;
	v5 =	vmul.f32 v7, v13;
	v7 =	vld.idx.msk [tilespmem:v10+s25+$0x0], $0xffff;
	v10 =	vor.u32 v36, v3  }
0x60a: {  	v13 =	vld.idx.msk [tilespmem:v11+s24+$0x0], $0xffff  }
0x60b: {  	v4 =	vadd.f32 v5, v4;
	v5 =	vmul.f32 v8, v14;
	v8 =	vld.idx.msk [tilespmem:v11+s25+$0x0], $0xffff;
	v11 =	vor.u32 v53, v3  }
0x60c: {  	v14 =	vld.idx.msk [tilespmem:v9+s24+$0x0], $0xffff  }
0x60d: {  	v4 =	vadd.f32 v5, v4;
	v5 =	vmul.f32 v6, v15;
	v6 =	vld.idx.msk [tilespmem:v9+s25+$0x0], $0xffff;
	v9 =	vor.u32 v37, v3  }
0x60e: {  	v15 =	vld.idx.msk [tilespmem:v10+s24+$0x0], $0xffff  }
0x60f: {  	v4 =	vadd.f32 v5, v4;
	v5 =	vmul.f32 v7, v12;
	v7 =	vld.idx.msk [tilespmem:v10+s25+$0x0], $0xffff;
	v10 =	vor.u32 v2, v3  }
0x610: {  	v12 =	vld.idx.msk [tilespmem:v11+s24+$0x0], $0xffff  }
0x611: {  	v4 =	vadd.f32 v5, v4;
	v5 =	vmul.f32 v8, v13;
	v8 =	vld.idx.msk [tilespmem:v11+s25+$0x0], $0xffff;
	v11 =	vor.u32 v40, v3  }
0x612: {  	v13 =	vld.idx.msk [tilespmem:v9+s24+$0x0], $0xffff  }
0x613: {  	v4 =	vadd.f32 v5, v4;
	v5 =	vmul.f32 v6, v14;
	v6 =	vld.idx.msk [tilespmem:v9+s25+$0x0], $0xffff  }
0x614: {  	v9 =	vor.u32 v0, v3;
	v14 =	vld.idx.msk [tilespmem:v10+s24+$0x0], $0xffff  }
0x615: {  	v4 =	vadd.f32 v5, v4;
	v5 =	vmul.f32 v7, v15;
	v7 =	vld.idx.msk [tilespmem:v10+s25+$0x0], $0xffff  }
0x616: {  	v15 =	vld.idx.msk [tilespmem:v11+s24+$0x0], $0xffff  }
0x617: {  	v4 =	vadd.f32 v5, v4;
	v5 =	vmul.f32 v8, v12;
	v8 =	vld.idx.msk [tilespmem:v11+s25+$0x0], $0xffff  }
0x618: {  	v11 =	vld [tilespmem:$0x1FE40]  }
0x619: {  	v12 =	vld.idx.msk [tilespmem:v9+s24+$0x0], $0xffff  }
0x61a: {  	v10 =	vor.u32 v38, v3;
	v4 =	vadd.f32 v5, v4;
	v5 =	vmul.f32 v6, v13;
	v6 =	vld.idx.msk [tilespmem:v9+s25+$0x0], $0xffff  }
0x61b: {  	v9 =	vld [tilespmem:$0x1FE50];
	_ =	sdelay $0x1  }
0x61c: {  	v11 =	vor.u32 v11, v3;
	_ =	sdelay $0x1  }
0x61d: {  	v13 =	vld.idx.msk [tilespmem:v10+s24+$0x0], $0xffff  }
0x61e: {  	v4 =	vadd.f32 v5, v4;
	v5 =	vmul.f32 v7, v14;
	v7 =	vld.idx.msk [tilespmem:v10+s25+$0x0], $0xffff;
	v9 =	vor.u32 v9, v3  }
0x61f: {  	v10 =	vld [tilespmem:$0x1FE60]  }
0x620: {  	v14 =	vld.idx.msk [tilespmem:v11+s24+$0x0], $0xffff  }
0x621: {  	v4 =	vadd.f32 v5, v4;
	v5 =	vmul.f32 v8, v15;
	v8 =	vld.idx.msk [tilespmem:v11+s25+$0x0], $0xffff  }
0x622: {  	v11 =	vld [tilespmem:$0x1FE70]  }
0x623: {  	v15 =	vld.idx.msk [tilespmem:v9+s24+$0x0], $0xffff  }
0x624: {  	v4 =	vadd.f32 v5, v4;
	v5 =	vmul.f32 v6, v12;
	v6 =	vld.idx.msk [tilespmem:v9+s25+$0x0], $0xffff  }
0x625: {  	v9 =	vld [tilespmem:$0x1FE80]  }
0x626: {  	v10 =	vor.u32 v10, v3;
	_ =	sdelay $0x1  }
0x627: {  	v11 =	vor.u32 v11, v3;
	_ =	sdelay $0x1  }
0x628: {  	v9 =	vor.u32 v9, v3  }
0x629: {  	v12 =	vld.idx.msk [tilespmem:v10+s24+$0x0], $0xffff  }
0x62a: {  	v4 =	vadd.f32 v5, v4;
	v5 =	vmul.f32 v7, v13;
	v7 =	vld.idx.msk [tilespmem:v10+s25+$0x0], $0xffff;
	v10 =	vor.u32 v42, v3  }
0x62b: {  	v13 =	vld.idx.msk [tilespmem:v11+s24+$0x0], $0xffff  }
0x62c: {  	v4 =	vadd.f32 v5, v4;
	v5 =	vmul.f32 v8, v14;
	v8 =	vld.idx.msk [tilespmem:v11+s25+$0x0], $0xffff;
	v11 =	vor.u32 v44, v3  }
0x62d: {  	v14 =	vld.idx.msk [tilespmem:v9+s24+$0x0], $0xffff  }
0x62e: {  	v4 =	vadd.f32 v5, v4;
	v5 =	vmul.f32 v6, v15;
	v6 =	vld.idx.msk [tilespmem:v9+s25+$0x0], $0xffff;
	v9 =	vor.u32 v48, v3  }
0x62f: {  	v15 =	vld.idx.msk [tilespmem:v10+s24+$0x0], $0xffff  }
0x630: {  	v4 =	vadd.f32 v5, v4;
	v5 =	vmul.f32 v7, v12;
	v7 =	vld.idx.msk [tilespmem:v10+s25+$0x0], $0xffff  }
0x631: {  	v10 =	vor.u32 v49, v3;
	v12 =	vld.idx.msk [tilespmem:v11+s24+$0x0], $0xffff  }
0x632: {  	v4 =	vadd.f32 v5, v4;
	v5 =	vmul.f32 v8, v13;
	v8 =	vld.idx.msk [tilespmem:v11+s25+$0x0], $0xffff  }
0x633: {  	v11 =	vor.u32 v50, v3;
	v13 =	vld.idx.msk [tilespmem:v9+s24+$0x0], $0xffff  }
0x634: {  	v4 =	vadd.f32 v5, v4;
	v5 =	vmul.f32 v6, v14;
	v6 =	vld.idx.msk [tilespmem:v9+s25+$0x0], $0xffff;
	v9 =	vor.u32 v60, v3;
	_ =	sdelay $0x1  }
0x635: {  	v14 =	vld.idx.msk [tilespmem:v10+s24+$0x0], $0xffff;
	v4 =	vadd.f32 v5, v4;
	v5 =	vmul.f32 v7, v15  }
0x636: {  	v7 =	vld.idx.msk [tilespmem:v10+s25+$0x0], $0xffff;
	v10 =	vor.u32 v59, v3  }
0x637: {  	v15 =	vld.idx.msk [tilespmem:v11+s24+$0x0], $0xffff;
	v4 =	vadd.f32 v5, v4;
	v5 =	vmul.f32 v8, v12  }
0x638: {  	v12 =	vld.idx.msk [tilespmem:v9+s24+$0x0], $0xffff  }
0x639: {  	v4 =	vadd.f32 v5, v4;
	v5 =	vmul.f32 v6, v13;
	v6 =	vld.idx.msk [tilespmem:v9+s25+$0x0], $0xffff  }
0x63a: {  	v9 =	vld [tilespmem:$0x1FD70]  }
0x63b: {  	v13 =	vld.idx.msk [tilespmem:v10+s24+$0x0], $0xffff  }
0x63c: {  	v4 =	vadd.f32 v5, v4;
	v5 =	vmul.f32 v7, v14;
	v7 =	vld.idx.msk [tilespmem:v10+s25+$0x0], $0xffff  }
0x63d: {  	v10 =	vld [tilespmem:$0x1FB10]  }
0x63e: {  	v8 =	vld.idx.msk [tilespmem:v11+s25+$0x0], $0xffff;
	v11 =	vor.u32 v16, v3  }
0x63f: {  	v9 =	vor.u32 v9, v3;
	_ =	sdelay $0x2  }
0x640: {  	v10 =	vor.u32 v10, v3  }
0x641: {  	v14 =	vld.idx.msk [tilespmem:v11+s24+$0x0], $0xffff;
	v4 =	vadd.f32 v5, v4;
	v5 =	vmul.f32 v8, v15  }
0x642: {  	v15 =	vld.idx.msk [tilespmem:v9+s24+$0x0], $0xffff  }
0x643: {  	v4 =	vadd.f32 v5, v4;
	v5 =	vmul.f32 v6, v12;
	v6 =	vld.idx.msk [tilespmem:v9+s25+$0x0], $0xffff  }
0x644: {  	v9 =	vld [tilespmem:$0x1F9E0]  }
0x645: {  	v12 =	vld.idx.msk [tilespmem:v10+s24+$0x0], $0xffff  }
0x646: {  	v4 =	vadd.f32 v5, v4;
	v5 =	vmul.f32 v7, v13;
	v7 =	vld.idx.msk [tilespmem:v10+s25+$0x0], $0xffff  }
0x647: {  	v10 =	vld [tilespmem:$0x1FA00]  }
0x648: {  	v8 =	vld.idx.msk [tilespmem:v11+s25+$0x0], $0xffff;
	v11 =	vor.u32 v17, v3;
	_ =	sdelay $0x1  }
0x649: {  	v9 =	vor.u32 v9, v3;
	_ =	sdelay $0x1  }
0x64a: {  	v10 =	vor.u32 v10, v3  }
0x64b: {  	v13 =	vld.idx.msk [tilespmem:v11+s24+$0x0], $0xffff  }
0x64c: {  	v4 =	vadd.f32 v5, v4;
	v5 =	vmul.f32 v8, v14;
	v8 =	vld.idx.msk [tilespmem:v11+s25+$0x0], $0xffff  }
0x64d: {  	v14 =	vld.idx.msk [tilespmem:v9+s24+$0x0], $0xffff  }
0x64e: {  	v4 =	vadd.f32 v5, v4;
	v5 =	vmul.f32 v6, v15;
	v6 =	vld.idx.msk [tilespmem:v9+s25+$0x0], $0xffff;
	v9 =	vor.u32 v30, v3  }
0x64f: {  	v15 =	vld.idx.msk [tilespmem:v10+s24+$0x0], $0xffff  }
0x650: {  	v4 =	vadd.f32 v5, v4;
	v5 =	vmul.f32 v7, v12;
	v7 =	vld.idx.msk [tilespmem:v10+s25+$0x0], $0xffff  }
0x651: {  	v10 =	vld [tilespmem:$0x1F9F0]  }
0x652: {  	v11 =	vor.u32 v62, v3;
	v4 =	vadd.f32 v5, v4;
	v5 =	vmul.f32 v8, v13  }
0x653: {  	v13 =	vld.idx.msk [tilespmem:v9+s24+$0x0], $0xffff  }
0x654: {  	v4 =	vadd.f32 v5, v4;
	v5 =	vmul.f32 v6, v14;
	v6 =	vld.idx.msk [tilespmem:v9+s25+$0x0], $0xffff  }
0x655: {  	v9 =	vld [tilespmem:$0x1FDC0]  }
0x656: {  	v10 =	vor.u32 v10, v3  }
0x657: {  	v12 =	vld.idx.msk [tilespmem:v11+s24+$0x0], $0xffff  }
0x658: {  	v8 =	vld.idx.msk [tilespmem:v11+s25+$0x0], $0xffff;
	v11 =	vor.u32 v41, v3;
	_ =	sdelay $0x1  }
0x659: {  	v9 =	vor.u32 v9, v3  }
0x65a: {  	v4 =	vadd.f32 v5, v4;
	v5 =	vmul.f32 v7, v15;
	v14 =	vld.idx.msk [tilespmem:v10+s24+$0x0], $0xffff  }
0x65b: {  	v7 =	vld.idx.msk [tilespmem:v10+s25+$0x0], $0xffff;
	v10 =	vor.u32 v47, v3  }
0x65c: {  	v15 =	vld.idx.msk [tilespmem:v11+s24+$0x0], $0xffff;
	v4 =	vadd.f32 v5, v4;
	v5 =	vmul.f32 v8, v12  }
0x65d: {  	v8 =	vld.idx.msk [tilespmem:v11+s25+$0x0], $0xffff;
	v3 =	vor.u32 v46, v3  }
0x65e: {  	v4 =	vadd.f32 v5, v4;
	v5 =	vmul.f32 v6, v13;
	v11 =	vld.idx.msk [tilespmem:v9+s24+$0x0], $0xffff  }
0x65f: {  	v6 =	vld.idx.msk [tilespmem:v9+s25+$0x0], $0xffff  }
0x660: {  	v4 =	vadd.f32 v5, v4;
	v9 =	vld.idx.msk [tilespmem:v10+s24+$0x0], $0xffff;
	v5 =	vmul.f32 v7, v14  }
0x661: {  	v7 =	vld.idx.msk [tilespmem:v10+s25+$0x0], $0xffff  }
0x662: {  	v10 =	vld.idx.msk [tilespmem:v3+s24+$0x0], $0xffff;
	v4 =	vadd.f32 v5, v4;
	v5 =	vmul.f32 v8, v15  }
0x663: {  	v3 =	vld.idx.msk [tilespmem:v3+s25+$0x0], $0xffff  }
0x664: {  	v4 =	vadd.f32 v5, v4;
	v5 =	vmul.f32 v6, v11;
	_ =	sdelay $0x1  }
0x665: {  	s8 =	sadd.s32 $0x10, s8;
	v4 =	vadd.f32 v5, v4;
	v5 =	vmul.f32 v7, v9  }
0x666: {  	v6 =	vld [tilespmem:s8+$0x0]  }
0x667: {  	v3 =	vmul.f32 v3, v10;
	v4 =	vadd.f32 v5, v4;
	_ =	sdelay $0x1  }
0x668: {  	v3 =	vadd.f32 v3, v4;
	_ =	sdelay $0x1  }
0x669: {  	s10 =	sadd.s32 $0x10, s10;
	v6 =	vadd.f32 v3, v6;
	v3 =	vld [tilespmem:$0x1FF10]  }
0x66a: {  	p0 =	sne.s32 s12, $0xF0;
	v5 =	vld [tilespmem:s10+$0x0]  }
.Ltmp22:
0x66b: {  	_ = 	snop;
	(pc) =	sbr.rel @p0 .LBB2_42-.Ltmp22, $4  }
0x66c: {  	v4 =	vmov s12  }
0x66d: {  	v4 =	vshll.u32 v4, $0x7  }
0x66e: {  	v15 =	vlaneseq.u32;
	v3 =	vor.u32 v3, v4  }
0x66f: {  	s12 =	sadd.s32 $0x10, s12;
	v5 =	vadd.f32 v6, v5;
	v4 =	vor.u32 v15, v3  }
0x670: {  	v6 =	vld [tilespmem:$0x1FBE0];
	_ =	sdelay $0x2  }
0x671: {  	v8 =	vld [tilespmem:$0x1FBF0]  }
0x672: {  	v7 =	vor.u32 v45, v3;
	v5 =	vadd.f32 v5, v20  }
0x673: {  	s7 =	sadd.s32 $0x10, s7;
	v6 =	vor.u32 v6, v3  }
0x674: {  	[tilespmem:s7+$0x0] =	vst v5  }
0x675: {  	v5 =	vld.idx.msk [tilespmem:v4+s25+$0x0], $0xffff  }
0x676: {  	v4 =	vld.idx.msk [tilespmem:v4+s24+$0x0], $0xffff;
	v8 =	vor.u32 v8, v3  }
0x677: {  	v11 =	vld.idx.msk [tilespmem:v7+s24+$0x0], $0xffff  }
0x678: {  	v10 =	vor.u32 v19, v3;
	v9 =	vld.idx.msk [tilespmem:v6+s24+$0x0], $0xffff  }
0x679: {  	v6 =	vld.idx.msk [tilespmem:v6+s25+$0x0], $0xffff  }
0x67a: {  	v12 =	vor.u32 v58, v3;
	v7 =	vld.idx.msk [tilespmem:v7+s25+$0x0], $0xffff  }
0x67b: {  	v13 =	vld.idx.msk [tilespmem:v8+s24+$0x0], $0xffff  }
0x67c: {  	v14 =	vor.u32 v21, v3;
	v8 =	vld.idx.msk [tilespmem:v8+s25+$0x0], $0xffff  }
0x67d: {  	v4 =	vmul.f32 v5, v4;
	v5 =	vld.idx.msk [tilespmem:v10+s24+$0x0], $0xffff  }
0x67e: {  	v6 =	vmul.f32 v6, v9;
	v9 =	vld.idx.msk [tilespmem:v10+s25+$0x0], $0xffff;
	v10 =	vor.u32 v52, v3  }
0x67f: {  	v58 =	vld.idx.msk [tilespmem:v12+s24+$0x0], $0xffff  }
0x680: {  	v7 =	vmul.f32 v7, v11;
	v11 =	vld.idx.msk [tilespmem:v12+s25+$0x0], $0xffff;
	v12 =	vor.u32 v23, v3;
	v4 =	vadd.f32 v6, v4  }
0x681: {  	v8 =	vmul.f32 v8, v13;
	v13 =	vld.idx.msk [tilespmem:v14+s25+$0x0], $0xffff  }
0x682: {  	v4 =	vadd.f32 v7, v4;
	v7 =	vld.idx.msk [tilespmem:v14+s24+$0x0], $0xffff;
	v14 =	vor.u32 v32, v3  }
0x683: {  	v5 =	vmul.f32 v9, v5;
	v9 =	vld.idx.msk [tilespmem:v10+s25+$0x0], $0xffff  }
0x684: {  	v4 =	vadd.f32 v8, v4;
	v8 =	vld.idx.msk [tilespmem:v10+s24+$0x0], $0xffff;
	v10 =	vor.u32 v25, v3  }
0x685: {  	v52 =	vld.idx.msk [tilespmem:v12+s24+$0x0], $0xffff  }
0x686: {  	v6 =	vmul.f32 v11, v58;
	v11 =	vld.idx.msk [tilespmem:v12+s25+$0x0], $0xffff;
	v12 =	vor.u32 v33, v3;
	v4 =	vadd.f32 v5, v4  }
0x687: {  	v58 =	vld.idx.msk [tilespmem:v14+s24+$0x0], $0xffff  }
0x688: {  	v7 =	vmul.f32 v13, v7;
	v13 =	vld.idx.msk [tilespmem:v14+s25+$0x0], $0xffff;
	v14 =	vor.u32 v27, v3;
	v4 =	vadd.f32 v6, v4  }
0x689: {  	v32 =	vld.idx.msk [tilespmem:v10+s24+$0x0], $0xffff  }
0x68a: {  	v8 =	vmul.f32 v9, v8;
	v9 =	vld.idx.msk [tilespmem:v10+s25+$0x0], $0xffff;
	v10 =	vor.u32 v35, v3;
	v4 =	vadd.f32 v7, v4  }
0x68b: {  	v5 =	vmul.f32 v11, v52;
	v11 =	vld.idx.msk [tilespmem:v12+s25+$0x0], $0xffff  }
0x68c: {  	v4 =	vadd.f32 v8, v4;
	v8 =	vld.idx.msk [tilespmem:v12+s24+$0x0], $0xffff  }
0x68d: {  	v12 =	vor.u32 v29, v3;
	v33 =	vld.idx.msk [tilespmem:v14+s24+$0x0], $0xffff  }
0x68e: {  	v6 =	vmul.f32 v13, v58;
	v13 =	vld.idx.msk [tilespmem:v14+s25+$0x0], $0xffff  }
0x68f: {  	v14 =	vor.u32 v39, v3;
	v35 =	vld.idx.msk [tilespmem:v10+s24+$0x0], $0xffff  }
0x690: {  	v4 =	vadd.f32 v5, v4;
	v7 =	vmul.f32 v9, v32;
	v9 =	vld.idx.msk [tilespmem:v10+s25+$0x0], $0xffff;
	v10 =	vor.u32 v22, v3;
	_ =	sdelay $0x1  }
0x691: {  	v4 =	vadd.f32 v6, v4;
	v39 =	vld.idx.msk [tilespmem:v12+s24+$0x0], $0xffff  }
0x692: {  	v8 =	vmul.f32 v11, v8;
	v11 =	vld.idx.msk [tilespmem:v12+s25+$0x0], $0xffff;
	v12 =	vor.u32 v43, v3  }
0x693: {  	v5 =	vmul.f32 v13, v33;
	v13 =	vld.idx.msk [tilespmem:v14+s25+$0x0], $0xffff;
	v4 =	vadd.f32 v7, v4  }
0x694: {  	v43 =	vld.idx.msk [tilespmem:v10+s24+$0x0], $0xffff  }
0x695: {  	v4 =	vadd.f32 v8, v4;
	v8 =	vld.idx.msk [tilespmem:v14+s24+$0x0], $0xffff;
	v14 =	vor.u32 v24, v3  }
0x696: {  	v6 =	vmul.f32 v9, v35;
	v9 =	vld.idx.msk [tilespmem:v10+s25+$0x0], $0xffff  }
0x697: {  	v10 =	vor.u32 v51, v3;
	v51 =	vld.idx.msk [tilespmem:v12+s24+$0x0], $0xffff  }
0x698: {  	v7 =	vmul.f32 v11, v39;
	v11 =	vld.idx.msk [tilespmem:v12+s25+$0x0], $0xffff;
	v12 =	vor.u32 v26, v3  }
0x699: {  	v4 =	vadd.f32 v5, v4  }
0x69a: {  	v52 =	vld.idx.msk [tilespmem:v14+s24+$0x0], $0xffff  }
0x69b: {  	v4 =	vadd.f32 v6, v4;
	v8 =	vmul.f32 v13, v8;
	v13 =	vld.idx.msk [tilespmem:v14+s25+$0x0], $0xffff;
	v14 =	vor.u32 v54, v3  }
0x69c: {  	v5 =	vmul.f32 v9, v43;
	v9 =	vld.idx.msk [tilespmem:v10+s25+$0x0], $0xffff  }
0x69d: {  	v4 =	vadd.f32 v7, v4;
	v54 =	vld.idx.msk [tilespmem:v12+s24+$0x0], $0xffff  }
0x69e: {  	v6 =	vmul.f32 v11, v51;
	v11 =	vld.idx.msk [tilespmem:v12+s25+$0x0], $0xffff;
	v12 =	vor.u32 v55, v3  }
0x69f: {  	v4 =	vadd.f32 v8, v4;
	v8 =	vld.idx.msk [tilespmem:v10+s24+$0x0], $0xffff;
	v10 =	vor.u32 v28, v3  }
0x6a0: {  	v58 =	vld.idx.msk [tilespmem:v14+s24+$0x0], $0xffff  }
0x6a1: {  	v7 =	vmul.f32 v13, v52;
	v13 =	vld.idx.msk [tilespmem:v14+s25+$0x0], $0xffff;
	v14 =	vor.u32 v31, v3;
	_ =	sdelay $0x1  }
0x6a2: {  	v4 =	vadd.f32 v5, v4;
	v5 =	vmul.f32 v11, v54;
	v11 =	vld.idx.msk [tilespmem:v12+s25+$0x0], $0xffff  }
0x6a3: {  	v32 =	vld.idx.msk [tilespmem:v10+s24+$0x0], $0xffff  }
0x6a4: {  	v4 =	vadd.f32 v6, v4;
	v8 =	vmul.f32 v9, v8;
	v9 =	vld.idx.msk [tilespmem:v10+s25+$0x0], $0xffff;
	v10 =	vor.u32 v56, v3  }
0x6a5: {  	v33 =	vld.idx.msk [tilespmem:v14+s24+$0x0], $0xffff  }
0x6a6: {  	v4 =	vadd.f32 v7, v4;
	v6 =	vmul.f32 v13, v58;
	v13 =	vld.idx.msk [tilespmem:v14+s25+$0x0], $0xffff;
	v14 =	vor.u32 v57, v3  }
0x6a7: {  	v58 =	vld [tilespmem:$0x1FE40]  }
0x6a8: {  	v4 =	vadd.f32 v8, v4;
	v8 =	vld.idx.msk [tilespmem:v12+s24+$0x0], $0xffff;
	v12 =	vor.u32 v34, v3  }
0x6a9: {  	v35 =	vld.idx.msk [tilespmem:v10+s24+$0x0], $0xffff  }
0x6aa: {  	v7 =	vmul.f32 v9, v32;
	v9 =	vld.idx.msk [tilespmem:v10+s25+$0x0], $0xffff;
	v10 =	vor.u32 v1, v3  }
0x6ab: {  	v4 =	vadd.f32 v5, v4;
	v5 =	vmul.f32 v13, v33;
	v13 =	vld.idx.msk [tilespmem:v14+s25+$0x0], $0xffff  }
0x6ac: {  	v33 =	vld [tilespmem:$0x1FE60]  }
0x6ad: {  	v4 =	vadd.f32 v6, v4;
	v39 =	vld.idx.msk [tilespmem:v12+s24+$0x0], $0xffff  }
0x6ae: {  	v8 =	vmul.f32 v11, v8;
	v11 =	vld.idx.msk [tilespmem:v12+s25+$0x0], $0xffff;
	v12 =	vor.u32 v61, v3  }
0x6af: {  	v4 =	vadd.f32 v7, v4;
	v43 =	vld.idx.msk [tilespmem:v10+s24+$0x0], $0xffff  }
0x6b0: {  	v6 =	vmul.f32 v9, v35;
	v9 =	vld.idx.msk [tilespmem:v10+s25+$0x0], $0xffff  }
0x6b1: {  	v4 =	vadd.f32 v8, v4;
	v8 =	vld.idx.msk [tilespmem:v14+s24+$0x0], $0xffff;
	v14 =	vor.u32 v18, v3  }
0x6b2: {  	v10 =	vor.u32 v63, v3;
	v63 =	vld [tilespmem:$0x1FE50]  }
0x6b3: {  	v51 =	vld.idx.msk [tilespmem:v12+s24+$0x0], $0xffff  }
0x6b4: {  	v7 =	vmul.f32 v11, v39;
	v11 =	vld.idx.msk [tilespmem:v12+s25+$0x0], $0xffff;
	v12 =	vor.u32 v36, v3  }
0x6b5: {  	v35 =	vld [tilespmem:$0x1FE70];
	v4 =	vadd.f32 v5, v4  }
0x6b6: {  	v52 =	vld.idx.msk [tilespmem:v14+s24+$0x0], $0xffff  }
0x6b7: {  	v4 =	vadd.f32 v6, v4;
	v8 =	vmul.f32 v13, v8;
	v13 =	vld.idx.msk [tilespmem:v14+s25+$0x0], $0xffff;
	v14 =	vor.u32 v53, v3  }
0x6b8: {  	v5 =	vmul.f32 v9, v43;
	v9 =	vld.idx.msk [tilespmem:v10+s25+$0x0], $0xffff  }
0x6b9: {  	v4 =	vadd.f32 v7, v4;
	v54 =	vld.idx.msk [tilespmem:v12+s24+$0x0], $0xffff  }
0x6ba: {  	v6 =	vmul.f32 v11, v51;
	v11 =	vld.idx.msk [tilespmem:v12+s25+$0x0], $0xffff;
	v12 =	vor.u32 v2, v3  }
0x6bb: {  	v4 =	vadd.f32 v8, v4;
	v8 =	vld.idx.msk [tilespmem:v10+s24+$0x0], $0xffff;
	v10 =	vor.u32 v37, v3  }
0x6bc: {  	v55 =	vld.idx.msk [tilespmem:v14+s24+$0x0], $0xffff  }
0x6bd: {  	v7 =	vmul.f32 v13, v52;
	v13 =	vld.idx.msk [tilespmem:v14+s25+$0x0], $0xffff;
	v14 =	vor.u32 v40, v3  }
0x6be: {  	v39 =	vld [tilespmem:$0x1FE80]  }
0x6bf: {  	v4 =	vadd.f32 v5, v4;
	v5 =	vmul.f32 v11, v54;
	v11 =	vld.idx.msk [tilespmem:v12+s25+$0x0], $0xffff  }
0x6c0: {  	v56 =	vld.idx.msk [tilespmem:v10+s24+$0x0], $0xffff  }
0x6c1: {  	v4 =	vadd.f32 v6, v4;
	v8 =	vmul.f32 v9, v8;
	v9 =	vld.idx.msk [tilespmem:v10+s25+$0x0], $0xffff;
	v10 =	vor.u32 v0, v3  }
0x6c2: {  	v57 =	vld.idx.msk [tilespmem:v14+s24+$0x0], $0xffff  }
0x6c3: {  	v4 =	vadd.f32 v7, v4;
	v6 =	vmul.f32 v13, v55;
	v13 =	vld.idx.msk [tilespmem:v14+s25+$0x0], $0xffff  }
0x6c4: {  	v14 =	vor.u32 v58, v3;
	v58 =	vld [tilespmem:$0x1FB10]  }
0x6c5: {  	v4 =	vadd.f32 v8, v4;
	v8 =	vld.idx.msk [tilespmem:v12+s24+$0x0], $0xffff;
	v12 =	vor.u32 v38, v3  }
0x6c6: {  	v61 =	vld.idx.msk [tilespmem:v10+s24+$0x0], $0xffff  }
0x6c7: {  	v7 =	vmul.f32 v9, v56;
	v9 =	vld.idx.msk [tilespmem:v10+s25+$0x0], $0xffff;
	v10 =	vor.u32 v63, v3  }
0x6c8: {  	v56 =	vld [tilespmem:$0x1FD70]  }
0x6c9: {  	v4 =	vadd.f32 v5, v4;
	v5 =	vmul.f32 v13, v57;
	v13 =	vld.idx.msk [tilespmem:v14+s25+$0x0], $0xffff  }
0x6ca: {  	v32 =	vld.idx.msk [tilespmem:v12+s24+$0x0], $0xffff  }
0x6cb: {  	v4 =	vadd.f32 v6, v4;
	v8 =	vmul.f32 v11, v8;
	v11 =	vld.idx.msk [tilespmem:v12+s25+$0x0], $0xffff  }
0x6cc: {  	v12 =	vor.u32 v33, v3;
	v38 =	vld.idx.msk [tilespmem:v10+s24+$0x0], $0xffff  }
0x6cd: {  	v4 =	vadd.f32 v7, v4;
	v6 =	vmul.f32 v9, v61;
	v9 =	vld.idx.msk [tilespmem:v10+s25+$0x0], $0xffff  }
0x6ce: {  	v61 =	vld [tilespmem:$0x1F9E0]  }
0x6cf: {  	v4 =	vadd.f32 v8, v4;
	v8 =	vld.idx.msk [tilespmem:v14+s24+$0x0], $0xffff;
	v14 =	vor.u32 v35, v3  }
0x6d0: {  	v10 =	vor.u32 v39, v3;
	v39 =	vld [tilespmem:$0x1F9F0]  }
0x6d1: {  	v4 =	vadd.f32 v5, v4;
	v40 =	vld.idx.msk [tilespmem:v12+s24+$0x0], $0xffff  }
0x6d2: {  	v7 =	vmul.f32 v11, v32;
	v11 =	vld.idx.msk [tilespmem:v12+s25+$0x0], $0xffff;
	v12 =	vor.u32 v42, v3  }
0x6d3: {  	v32 =	vld [tilespmem:$0x1FA00];
	v4 =	vadd.f32 v6, v4  }
0x6d4: {  	v43 =	vld.idx.msk [tilespmem:v14+s24+$0x0], $0xffff  }
0x6d5: {  	v8 =	vmul.f32 v13, v8;
	v13 =	vld.idx.msk [tilespmem:v14+s25+$0x0], $0xffff;
	v14 =	vor.u32 v44, v3;
	v4 =	vadd.f32 v7, v4  }
0x6d6: {  	v5 =	vmul.f32 v9, v38;
	v9 =	vld.idx.msk [tilespmem:v10+s25+$0x0], $0xffff  }
0x6d7: {  	v6 =	vmul.f32 v11, v40;
	v11 =	vld.idx.msk [tilespmem:v12+s25+$0x0], $0xffff;
	v4 =	vadd.f32 v8, v4  }
0x6d8: {  	v8 =	vld.idx.msk [tilespmem:v10+s24+$0x0], $0xffff;
	v10 =	vor.u32 v48, v3  }
0x6d9: {  	v48 =	vld.idx.msk [tilespmem:v12+s24+$0x0], $0xffff;
	v4 =	vadd.f32 v5, v4  }
0x6da: {  	v12 =	vor.u32 v49, v3;
	v51 =	vld.idx.msk [tilespmem:v14+s24+$0x0], $0xffff  }
0x6db: {  	v7 =	vmul.f32 v13, v43;
	v13 =	vld.idx.msk [tilespmem:v14+s25+$0x0], $0xffff;
	v4 =	vadd.f32 v6, v4  }
0x6dc: {  	v14 =	vor.u32 v50, v3;
	v43 =	vld [tilespmem:$0x1FDC0]  }
0x6dd: {  	v52 =	vld.idx.msk [tilespmem:v10+s24+$0x0], $0xffff;
	v8 =	vmul.f32 v9, v8;
	v4 =	vadd.f32 v7, v4  }
0x6de: {  	v9 =	vld.idx.msk [tilespmem:v10+s25+$0x0], $0xffff;
	v10 =	vor.u32 v60, v3  }
0x6df: {  	v5 =	vmul.f32 v11, v48;
	v11 =	vld.idx.msk [tilespmem:v12+s25+$0x0], $0xffff;
	v4 =	vadd.f32 v8, v4  }
0x6e0: {  	v8 =	vld.idx.msk [tilespmem:v12+s24+$0x0], $0xffff;
	v12 =	vor.u32 v59, v3  }
0x6e1: {  	v53 =	vmul.f32 v13, v51;
	v54 =	vld.idx.msk [tilespmem:v14+s24+$0x0], $0xffff;
	v4 =	vadd.f32 v5, v4  }
0x6e2: {  	v13 =	vld.idx.msk [tilespmem:v14+s25+$0x0], $0xffff;
	v14 =	vor.u32 v16, v3  }
0x6e3: {  	v55 =	vld.idx.msk [tilespmem:v10+s24+$0x0], $0xffff;
	v7 =	vmul.f32 v9, v52;
	v4 =	vadd.f32 v53, v4  }
0x6e4: {  	v9 =	vld.idx.msk [tilespmem:v10+s25+$0x0], $0xffff;
	v10 =	vor.u32 v56, v3  }
0x6e5: {  	v57 =	vmul.f32 v11, v8;
	v8 =	vld.idx.msk [tilespmem:v12+s24+$0x0], $0xffff;
	v4 =	vadd.f32 v7, v4  }
0x6e6: {  	v11 =	vld.idx.msk [tilespmem:v12+s25+$0x0], $0xffff;
	v12 =	vor.u32 v58, v3  }
0x6e7: {  	v6 =	vmul.f32 v13, v54;
	v59 =	vld.idx.msk [tilespmem:v14+s24+$0x0], $0xffff;
	v4 =	vadd.f32 v57, v4  }
0x6e8: {  	v13 =	vld.idx.msk [tilespmem:v14+s25+$0x0], $0xffff;
	v14 =	vor.u32 v17, v3  }
0x6e9: {  	v5 =	vmul.f32 v9, v55;
	v60 =	vld.idx.msk [tilespmem:v10+s24+$0x0], $0xffff;
	v4 =	vadd.f32 v6, v4  }
0x6ea: {  	v9 =	vld.idx.msk [tilespmem:v10+s25+$0x0], $0xffff;
	v10 =	vor.u32 v61, v3  }
0x6eb: {  	v63 =	vmul.f32 v11, v8;
	v8 =	vld.idx.msk [tilespmem:v12+s24+$0x0], $0xffff;
	v4 =	vadd.f32 v5, v4  }
0x6ec: {  	v16 =	vor.u32 v32, v3;
	v11 =	vld.idx.msk [tilespmem:v12+s25+$0x0], $0xffff  }
0x6ed: {  	v33 =	vld.idx.msk [tilespmem:v14+s24+$0x0], $0xffff;
	v7 =	vmul.f32 v13, v59;
	v4 =	vadd.f32 v63, v4  }
0x6ee: {  	v13 =	vor.u32 v62, v3;
	v12 =	vld.idx.msk [tilespmem:v14+s25+$0x0], $0xffff  }
0x6ef: {  	v35 =	vld.idx.msk [tilespmem:v10+s24+$0x0], $0xffff;
	v6 =	vmul.f32 v9, v60;
	v4 =	vadd.f32 v7, v4  }
0x6f0: {  	v9 =	vld.idx.msk [tilespmem:v10+s25+$0x0], $0xffff;
	v10 =	vor.u32 v30, v3  }
0x6f1: {  	v14 =	vld.idx.msk [tilespmem:v16+s25+$0x0], $0xffff;
	v38 =	vmul.f32 v11, v8;
	v4 =	vadd.f32 v6, v4  }
0x6f2: {  	v8 =	vld.idx.msk [tilespmem:v16+s24+$0x0], $0xffff;
	v16 =	vor.u32 v39, v3  }
0x6f3: {  	v40 =	vld.idx.msk [tilespmem:v13+s24+$0x0], $0xffff;
	v5 =	vmul.f32 v12, v33;
	v4 =	vadd.f32 v38, v4  }
0x6f4: {  	v11 =	vld.idx.msk [tilespmem:v13+s25+$0x0], $0xffff;
	v12 =	vor.u32 v41, v3  }
0x6f5: {  	v42 =	vld.idx.msk [tilespmem:v10+s24+$0x0], $0xffff;
	v7 =	vmul.f32 v9, v35;
	v4 =	vadd.f32 v5, v4  }
0x6f6: {  	v9 =	vld.idx.msk [tilespmem:v10+s25+$0x0], $0xffff;
	v10 =	vor.u32 v43, v3  }
0x6f7: {  	v44 =	vld.idx.msk [tilespmem:v16+s24+$0x0], $0xffff;
	v48 =	vmul.f32 v14, v8;
	v4 =	vadd.f32 v7, v4  }
0x6f8: {  	v49 =	vld.idx.msk [tilespmem:v16+s25+$0x0], $0xffff;
	v8 =	vor.u32 v47, v3  }
0x6f9: {  	v50 =	vmul.f32 v11, v40;
	v51 =	vld.idx.msk [tilespmem:v12+s24+$0x0], $0xffff;
	v0 =	vadd.f32 v48, v4  }
0x6fa: {  	v52 =	vor.u32 v46, v3;
	v11 =	vld.idx.msk [tilespmem:v12+s25+$0x0], $0xffff  }
0x6fb: {  	v53 =	vmul.f32 v9, v42;
	v54 =	vld.idx.msk [tilespmem:v10+s24+$0x0], $0xffff;
	v0 =	vadd.f32 v50, v0  }
0x6fc: {  	v9 =	vld.idx.msk [tilespmem:v10+s25+$0x0], $0xffff  }
0x6fd: {  	v2 =	vmul.f32 v49, v44;
	v55 =	vld.idx.msk [tilespmem:v8+s24+$0x0], $0xffff;
	v0 =	vadd.f32 v53, v0  }
0x6fe: {  	v56 =	vld.idx.msk [tilespmem:v8+s25+$0x0], $0xffff  }
0x6ff: {  	v58 =	vld.idx.msk [tilespmem:v52+s24+$0x0], $0xffff;
	v57 =	vmul.f32 v11, v51;
	v0 =	vadd.f32 v2, v0  }
0x700: {  	v3 =	vld.idx.msk [tilespmem:v52+s25+$0x0], $0xffff  }
0x701: {  	v59 =	vmul.f32 v9, v54;
	v0 =	vadd.f32 v57, v0;
	_ =	sdelay $0x1  }
0x702: {  	s8 =	sadd.s32 $0x10, s8;
	v60 =	vmul.f32 v56, v55;
	v0 =	vadd.f32 v59, v0  }
0x703: {  	v61 =	vld [tilespmem:s8+$0x0]  }
0x704: {  	s14 =	sadd.s32 $0x10, s10;
	v62 =	vmul.f32 v3, v58;
	v0 =	vadd.f32 v60, v0  }
0x705: {  	v63 =	vld [tilespmem:s14+$0x0]  }
0x706: {  	v0 =	vadd.f32 v62, v0;
	_ =	sdelay $0x1  }
0x707: {  	v0 =	vadd.f32 v0, v61;
	_ =	sdelay $0x1  }
0x708: {  	v0 =	vadd.f32 v0, v63;
	_ =	sdelay $0x1  }
0x709: {  	v0 =	vadd.f32 v0, v20  }
0x70a: {  	s7 =	sadd.s32 $0x10, s7  }
0x70b: {  	s15 =	rddreg [dreg:$0x9];
	s26 =	simm.s32 $0x18880;
	[tilespmem:s7+$0x0] =	vst v0  }
0x70c: {  	[hbm4b:s15+s2] =	stream.linear.scatter [tilespmem:s26], [sflag:$0x3], $0x200, $0x38;
	[tilespmem:$0x18E80] =	vst v63  }
0x70d: {  	_ =	swait.ge [sflag:s20], $0x200  }
0x70e: {  	s28 =	sadd.s32 $0x1, s28;
	s29 =	rddreg [dreg:$0xa]  }
0x70f: {  	p0 =	sne.s32 s28, s29  }
.Ltmp23:
0x710: {  	_ = 	snop;
	(pc) =	sbr.rel @p0 .LBB2_1-.Ltmp23, $4  }
.Ltmp24:
0x711: {  	_ = 	snop;
	(pc) =	sbr.rel @!p0 .LBB2_44-.Ltmp24, $4  }
0x712: {  	v32 =	vmov v22;
	v33 =	vmov v24  }
0x713: {  	v35 =	vmovc v26;
	v52 =	vmovc v25;
	v16 =	vmov v1;
	v25 =	vmov v37;
	v58 =	vmov v23;
	[sflag:s20] =	ssyncset.done $0x0  }
0x714: {  	v9 =	vmovc v45;
	v54 =	vmovc v19;
	v56 =	vmov v21;
	v21 =	vmov v18;
	v63 =	vmov v28;
	v17 =	vld [tilespmem:$0x1FF10];
	[sflag:s20] =	ssyncadd.s32 $0xFFFFFE00  }
0x715: {  	_ = 	snop  }
.LBB2_4:
.Ltmp25:
0x716: {  	(pc) =	sbr.rel .LBB2_8-.Ltmp25, $2  }
0x717: {  	_ =	sdelay $0x2  }
0x718: {  	s10 =	simm.s32 $0x14400;
	s29 =	simm.s32 $0x10400  }
.LBB2_25:
.Ltmp26:
0x719: {  	(pc) =	sbr.rel .LBB2_29-.Ltmp26, $2  }
0x71a: {  	_ =	sdelay $0x2  }
0x71b: {  	s10 =	simm.s32 $0x14400;
	s29 =	simm.s32 $0x10400  }
.LBB2_6:
.Ltmp27:
0x71c: {  	(pc) =	sbr.rel .LBB2_8-.Ltmp27, $2  }
0x71d: {  	_ =	sdelay $0x2  }
0x71e: {  	s10 =	simm.s32 $0x14400;
	s29 =	simm.s32 $0x10400  }
.LBB2_27:
.Ltmp28:
0x71f: {  	(pc) =	sbr.rel .LBB2_29-.Ltmp28, $2  }
0x720: {  	_ =	sdelay $0x2  }
0x721: {  	s10 =	simm.s32 $0x14400;
	s29 =	simm.s32 $0x10400  }
.LBB2_44:
0x722: {  	_ =	sfence.sel $0x180000  }
0x723: {  	[bflag:$0x0] =	sbarrier.arrive $0xFFFF  }
0x724: {  	_ =	strace $0x90000047  }
0x725: {  	s0 =	stileid.u32;
	[bflag:$0x2] =	sbarrier.arrive $0xFFFF  }
0x726: {  	p0 =	sne.s32 s0, $0x0;
	s0 =	rddreg [dreg:$0x5]  }
0x727: {  	s0 =	sadd.s32 @!p0 $0x100000, s0  }
0x728: {  	[sflag:s0] =	ssyncadd.tile.s32 @!p0 $0x1;
	_ =	shalt  }
.Lfunc_end2:
_tile_overlayer_lowered:
.L_overlay_start_2:
0x729: {  	(tag) =	ssettag $0x2  }
0x72a: {  	s0 =	rddreg [dreg:$0x0];
	s2 =	stileid.u32  }
0x72b: {  	s1 =	rddreg [dreg:$0x1];
	p0 =	sne.s32 s2, $0x0  }
0x72c: {  	s3 =	rddreg [dreg:$0x2];
	[bflag:$0x3] =	sbarrier.arrive $0xFFFF;
	s2 =	simm.s32 @!p0 $0x1C03  }
0x72d: {  	[timem:s3], [sflag:s2] =	dma.local @!p0 [hbm:s0], s1  }
0x72e: {  	s0 =	simm.s32 @!p0 $0x3  }
0x72f: {  	_ =	swait.ge @!p0 [sflag:s0], s1  }
0x730: {  	s1 =	ssub.s32 @!p0 $0x0, s1;
	[sflag:s0] =	ssyncset.done @!p0 $0x0  }
0x731: {  	[sflag:s0] =	ssyncadd.s32 @!p0 s1  }
0x732: {  	[bflag:$0x3] =	sbarrier.arrive $0xFFFF  }
0x733: {  	_ =	shalt  }

</sc_bundles>
